<compile_context>
chip_gen: v7x
topology: tpu7x:2x2x1
jax: 0.10.2.dev20260603
libtpu: 0.0.44.dev20260713+nightly
codegen_flags: <defaults>
</compile_context>

<pallas_src>
import functools

import jax
import jax.numpy as jnp
from jax import lax
from jax.experimental import pallas as pl
from jax.experimental.pallas import tpu as pltpu
from jax.experimental.pallas import tpu_sc as plsc

_B, _SD, _P, _K = 16384, 128, 50, 16
_NC, _NS, _L = 2, 16, 16
_NW = _NC * _NS
_RPW = _B // _NW
_NCH = _SD // _L
_HALF = _RPW // 2


def _bf16_rne(x):
    u = lax.bitcast_convert_type(x, jnp.uint32)
    lsb = (u >> jnp.uint32(16)) & jnp.uint32(1)
    r = (u + jnp.uint32(0x7FFF) + lsb) & jnp.uint32(0xFFFF0000)
    return lax.bitcast_convert_type(r, jnp.float32)


def _sc_body(s_hbm, prog_hbm, emb_hbm, gain_hbm, bias_hbm, out_hbm,
             prog_v, emb_v, gain_v, bias_v, my_coef_v, all_coef_v,
             rows_v, shared_coef, sem, sem_b, sem_t, sem_o):
    cid = lax.axis_index("c")
    sid = lax.axis_index("s")
    wid = sid * _NC + cid
    base = wid * _RPW
    chunk = sid % _NCH
    cbase = chunk * _L

    in0 = pltpu.async_copy(s_hbm.at[pl.ds(base, _HALF)],
                           rows_v.at[pl.ds(0, _HALF)], sem)
    in1 = pltpu.async_copy(s_hbm.at[pl.ds(base + _HALF, _HALF)],
                           rows_v.at[pl.ds(_HALF, _HALF)], sem_b)
    t1 = pltpu.async_copy(prog_hbm, prog_v, sem_t)
    t2 = pltpu.async_copy(emb_hbm, emb_v, sem_t)
    t3 = pltpu.async_copy(gain_hbm, gain_v, sem_t)
    t4 = pltpu.async_copy(bias_hbm, bias_v, sem_t)
    t1.wait()
    t2.wait()
    t3.wait()
    t4.wait()

    for k in range(_K):
        gain_v[k, pl.ds(cbase, _L)] = _bf16_rne(gain_v[k, pl.ds(cbase, _L)])
        bias_v[k, pl.ds(cbase, _L)] = _bf16_rne(bias_v[k, pl.ds(cbase, _L)])

    grows = [gain_v[k, pl.ds(cbase, _L)] for k in range(_K)]
    brows = [bias_v[k, pl.ds(cbase, _L)] for k in range(_K)]

    def _tree(terms):
        while len(terms) > 1:
            terms = [terms[j] + terms[j + 1] for j in range(0, len(terms), 2)]
        return terms[0]

    def step(i, carry):
        G, C = carry
        p = prog_v[i, :]
        ev = jnp.exp(p)
        ek = [ev[k] for k in range(_K)]
        w = _bf16_rne(ev / functools.reduce(lax.add, ek))
        wk = [w[k] for k in range(_K)]
        g = _tree([wk[k] * grows[k] for k in range(_K)])
        b = _tree([wk[k] * brows[k] for k in range(_K)])
        e_row = emb_v[i, pl.ds(cbase, _L)]
        return g * G, g * C + (g * e_row + b)

    G, C = lax.fori_loop(
        0, _P, step,
        (jnp.ones((_L,), jnp.float32), jnp.zeros((_L,), jnp.float32)))

    my_coef_v[pl.ds(0, _L)] = G
    my_coef_v[pl.ds(_L, _L)] = C

    for _d in range(_NCH):
        @pl.when(sid == _d)
        def _publish(_d=_d):
            pltpu.sync_copy(my_coef_v, shared_coef.at[pl.ds(_d * 128, 32)])

    plsc.subcore_barrier()
    pltpu.sync_copy(shared_coef, all_coef_v)

    Gs = [all_coef_v[pl.ds(d * 128, _L)] for d in range(_NCH)]
    Cs = [all_coef_v[pl.ds(d * 128 + _L, _L)] for d in range(_NCH)]

    def apply_rows(lo, n_iters):
        def row4(it, carry):
            r0 = lo + it * 4
            for u in range(4):
                for d in range(_NCH):
                    v = rows_v[r0 + u, pl.ds(d * _L, _L)]
                    rows_v[r0 + u, pl.ds(d * _L, _L)] = v * Gs[d] + Cs[d]
            return carry
        lax.fori_loop(0, n_iters, row4, 0)

    _Q = _RPW // 4
    outs = []
    in0.wait()
    for q in range(4):
        if q == 2:
            in1.wait()
        apply_rows(q * _Q, _Q // 4)
        outs.append(pltpu.async_copy(rows_v.at[pl.ds(q * _Q, _Q)],
                                     out_hbm.at[pl.ds(base + q * _Q, _Q)],
                                     sem_o))
    for o in outs:
        o.wait()


@jax.jit
def kernel(s, prog, emb, lib_gain, lib_bias):
    emb_p = emb[:_P]
    mesh = plsc.VectorSubcoreMesh(core_axis_name="c", subcore_axis_name="s",
                                  num_cores=_NC, num_subcores=_NS)
    run = pl.kernel(
        _sc_body,
        out_type=jax.ShapeDtypeStruct((_B, _SD), jnp.float32),
        mesh=mesh,
        scratch_types=[
            pltpu.VMEM((_P, _K), jnp.float32),
            pltpu.VMEM((_P, _SD), jnp.float32),
            pltpu.VMEM((_K, _SD), jnp.float32),
            pltpu.VMEM((_K, _SD), jnp.float32),
            pltpu.VMEM((32,), jnp.float32),
            pltpu.VMEM((_NCH * 128,), jnp.float32),
            pltpu.VMEM((_RPW, _SD), jnp.float32),
            pltpu.VMEM_SHARED((_NCH * 128,), jnp.float32),
            pltpu.SemaphoreType.DMA,
            pltpu.SemaphoreType.DMA,
            pltpu.SemaphoreType.DMA,
            pltpu.SemaphoreType.DMA,
        ],
    )
    return run(s, prog, emb_p, lib_gain, lib_bias)

# --- scband reference (transcript-rebuilt; emitter-appended) ---
"""Pipeline reference for scband-executor-33878702031239 (READ-ONLY COPY).

The authoritative reference and input builder live on the scoring server;
editing this copy changes nothing except your own understanding.
"""

import jax, jax.numpy as jnp
import numpy as np

B, SD, MS, P, K = 16384, 128, 200, 50, 16

def setup_inputs(seed: int = 0) -> dict:
    key = jax.random.key(seed)
    k1, k2, k3, k4, k5 = jax.random.split(key, 5)
    s = jax.random.normal(k1, (B, SD), dtype=jnp.float32)
    prog = jax.random.normal(k2, (P, K), dtype=jnp.float32)
    emb = jax.random.normal(k3, (MS, SD), dtype=jnp.float32)  # nn.Embedding(ms, sd) weight, N(0,1) init
    lib_gain = jax.random.normal(k4, (K, SD), dtype=jnp.float32) * 0.1 + 1.0
    lib_bias = jax.random.normal(k5, (K, SD), dtype=jnp.float32) * 0.1
    return {"s": s, "prog": prog, "emb": emb, "lib_gain": lib_gain, "lib_bias": lib_bias}

def reference(s, prog, emb, lib_gain, lib_bias):
    # Executor.forward: for i, sel in enumerate(prog): s = lib.apply_soft(sel, s + emb(i))
    # emb(i): embedding lookup of the step index i into the [MS, SD] table.
    # lib.apply_soft(sel, x): softmax-weighted mixture of K per-dimension affine primitives.
    P_ = prog.shape[0]
    for i in range(P_):
        x = s + jnp.take(emb, i, axis=0)  # embedding gather of step index, broadcast over batch
        w = jax.nn.softmax(prog[i])        # [K] soft selector over library primitives
        gain = w @ lib_gain                # [SD]
        bias = w @ lib_bias                # [SD]
        s = x * gain + bias
    return s

if __name__ == "__main__":
    import jax
    _d = setup_inputs()
    print(jax.jit(kernel)(*tuple(_d.values())))

</pallas_src>

<mosaic_0001>
#map = affine_map<(d0, d1) -> (0, 0)>
module attributes {stable_mosaic.version = 14 : i64} {
  func.func @_sc_body(%arg0: i32, %arg1: i32, %arg2: memref<16384x128xf32, #tpu.memory_space<hbm>>, %arg3: memref<50x16xf32, #tpu.memory_space<hbm>>, %arg4: memref<50x128xf32, #tpu.memory_space<hbm>>, %arg5: memref<16x128xf32, #tpu.memory_space<hbm>>, %arg6: memref<16x128xf32, #tpu.memory_space<hbm>>, %arg7: memref<16384x128xf32, #tpu.memory_space<hbm>>, %arg8: memref<50x16xf32, #tpu.memory_space<vmem>>, %arg9: memref<50x128xf32, #tpu.memory_space<vmem>>, %arg10: memref<16x128xf32, #tpu.memory_space<vmem>>, %arg11: memref<16x128xf32, #tpu.memory_space<vmem>>, %arg12: memref<32xf32, #tpu.memory_space<vmem>>, %arg13: memref<1024xf32, #tpu.memory_space<vmem>>, %arg14: memref<512x128xf32, #tpu.memory_space<vmem>>, %arg15: memref<1024xf32, #tpu.memory_space<vmem_shared>>, %arg16: memref<!tpu.dma_semaphore, #tpu.memory_space<semaphore_mem>>, %arg17: memref<!tpu.dma_semaphore, #tpu.memory_space<semaphore_mem>>, %arg18: memref<!tpu.dma_semaphore, #tpu.memory_space<semaphore_mem>>, %arg19: memref<!tpu.dma_semaphore, #tpu.memory_space<semaphore_mem>>) attributes {dimension_semantics = [#tpu.dimension_semantics<core_parallel>, #tpu.dimension_semantics<subcore_parallel>], iteration_bounds = array<i64: 2, 16>, scalar_prefetch = 0 : i64, scratch_operands = 12 : i64, tpu.core_type = #tpu.core_type<sc_vector_subcore>, window_params = [{transform_indices = #map}, {transform_indices = #map}, {transform_indices = #map}, {transform_indices = #map}, {transform_indices = #map}, {transform_indices = #map}]} {
    %mul3A = arith.constant 2 : i32
    %mul3A_0 = arith.muli %arg1, %mul3A : i32
    %add3A = arith.addi %mul3A_0, %arg0 : i32
    %mul3A_1 = arith.constant 512 : i32
    %mul3A_2 = arith.muli %add3A, %mul3A_1 : i32
    %jit3A = arith.constant 8 : i32
    %eq3A = arith.constant 0 : i32
    %eq3A_3 = arith.cmpi eq, %jit3A, %eq3A : i32
    %jit3A_4 = arith.constant 1 : i32
    %select_n3A = arith.select %eq3A_3, %jit3A_4, %jit3A : i32
    %rem3A = arith.remsi %arg1, %select_n3A : i32
    %ne3A = arith.constant 0 : i32
    %ne3A_5 = arith.cmpi ne, %rem3A, %ne3A : i32
    %lt3A = arith.constant 0 : i32
    %lt3A_6 = arith.cmpi slt, %rem3A, %lt3A : i32
    %lt3A_7 = arith.constant 0 : i32
    %lt3A_8 = arith.cmpi slt, %select_n3A, %lt3A_7 : i32
    %ne3A_9 = arith.xori %lt3A_6, %lt3A_8 : i1
    %and3A = arith.andi %ne3A_9, %ne3A_5 : i1
    %add3A_10 = arith.addi %rem3A, %select_n3A : i32
    %select_n3A_11 = arith.select %and3A, %add3A_10, %rem3A : i32
    %mul3A_12 = arith.constant 16 : i32
    %mul3A_13 = arith.muli %select_n3A_11, %mul3A_12 : i32
    %dma_start3A = arith.constant 0 : i32
    %dma_start3A_14 = arith.constant 0 : i32
    %dma_start3A_15 = tpu.memref_slice %arg14[%dma_start3A, %dma_start3A_14] : memref<512x128xf32, #tpu.memory_space<vmem>> -> memref<256x128xf32, #tpu.memory_space<vmem>>
    %dma_start3A_16 = arith.constant 0 : i32
    %dma_start3A_17 = tpu.memref_slice %arg2[%mul3A_2, %dma_start3A_16] : memref<16384x128xf32, #tpu.memory_space<hbm>> -> memref<256x128xf32, #tpu.memory_space<hbm>>
    %dma_start3A_18 = arith.constant 0 : i32
    %dma_start3A_19 = arith.constant 0 : i32
    %dma_start3A_20 = tpu.memref_slice %arg14[%dma_start3A_18, %dma_start3A_19] : memref<512x128xf32, #tpu.memory_space<vmem>> -> memref<256x128xf32, #tpu.memory_space<vmem>>
    %dma_start3A_21 = arith.constant 0 : i32
    %dma_start3A_22 = tpu.memref_slice %arg2[%mul3A_2, %dma_start3A_21] : memref<16384x128xf32, #tpu.memory_space<hbm>> -> memref<256x128xf32, #tpu.memory_space<hbm>>
    tpu.enqueue_dma source(%dma_start3A_22 : memref<256x128xf32, #tpu.memory_space<hbm>>) target(%dma_start3A_20 : memref<256x128xf32, #tpu.memory_space<vmem>>) target_semaphore(%arg16 : memref<!tpu.dma_semaphore, #tpu.memory_space<semaphore_mem>>)
    %add3A_23 = arith.constant 256 : i32
    %add3A_24 = arith.addi %mul3A_2, %add3A_23 : i32
    %dma_start3A_25 = arith.constant 256 : i32
    %dma_start3A_26 = arith.constant 0 : i32
    %dma_start3A_27 = tpu.memref_slice %arg14[%dma_start3A_25, %dma_start3A_26] : memref<512x128xf32, #tpu.memory_space<vmem>> -> memref<256x128xf32, #tpu.memory_space<vmem>>
    %dma_start3A_28 = arith.constant 0 : i32
    %dma_start3A_29 = tpu.memref_slice %arg2[%add3A_24, %dma_start3A_28] : memref<16384x128xf32, #tpu.memory_space<hbm>> -> memref<256x128xf32, #tpu.memory_space<hbm>>
    %dma_start3A_30 = arith.constant 256 : i32
    %dma_start3A_31 = arith.constant 0 : i32
    %dma_start3A_32 = tpu.memref_slice %arg14[%dma_start3A_30, %dma_start3A_31] : memref<512x128xf32, #tpu.memory_space<vmem>> -> memref<256x128xf32, #tpu.memory_space<vmem>>
    %dma_start3A_33 = arith.constant 0 : i32
    %dma_start3A_34 = tpu.memref_slice %arg2[%add3A_24, %dma_start3A_33] : memref<16384x128xf32, #tpu.memory_space<hbm>> -> memref<256x128xf32, #tpu.memory_space<hbm>>
    tpu.enqueue_dma source(%dma_start3A_34 : memref<256x128xf32, #tpu.memory_space<hbm>>) target(%dma_start3A_32 : memref<256x128xf32, #tpu.memory_space<vmem>>) target_semaphore(%arg17 : memref<!tpu.dma_semaphore, #tpu.memory_space<semaphore_mem>>)
    tpu.enqueue_dma source(%arg3 : memref<50x16xf32, #tpu.memory_space<hbm>>) target(%arg8 : memref<50x16xf32, #tpu.memory_space<vmem>>) target_semaphore(%arg18 : memref<!tpu.dma_semaphore, #tpu.memory_space<semaphore_mem>>)
    tpu.enqueue_dma source(%arg4 : memref<50x128xf32, #tpu.memory_space<hbm>>) target(%arg9 : memref<50x128xf32, #tpu.memory_space<vmem>>) target_semaphore(%arg18 : memref<!tpu.dma_semaphore, #tpu.memory_space<semaphore_mem>>)
    tpu.enqueue_dma source(%arg5 : memref<16x128xf32, #tpu.memory_space<hbm>>) target(%arg10 : memref<16x128xf32, #tpu.memory_space<vmem>>) target_semaphore(%arg18 : memref<!tpu.dma_semaphore, #tpu.memory_space<semaphore_mem>>)
    tpu.enqueue_dma source(%arg6 : memref<16x128xf32, #tpu.memory_space<hbm>>) target(%arg11 : memref<16x128xf32, #tpu.memory_space<vmem>>) target_semaphore(%arg18 : memref<!tpu.dma_semaphore, #tpu.memory_space<semaphore_mem>>)
    tpu.wait_dma2 semaphore(%arg18 : memref<!tpu.dma_semaphore, #tpu.memory_space<semaphore_mem>>) src(%arg3 : memref<50x16xf32, #tpu.memory_space<hbm>>) dst(%arg8 : memref<50x16xf32, #tpu.memory_space<vmem>>)
    tpu.wait_dma2 semaphore(%arg18 : memref<!tpu.dma_semaphore, #tpu.memory_space<semaphore_mem>>) src(%arg4 : memref<50x128xf32, #tpu.memory_space<hbm>>) dst(%arg9 : memref<50x128xf32, #tpu.memory_space<vmem>>)
    tpu.wait_dma2 semaphore(%arg18 : memref<!tpu.dma_semaphore, #tpu.memory_space<semaphore_mem>>) src(%arg5 : memref<16x128xf32, #tpu.memory_space<hbm>>) dst(%arg10 : memref<16x128xf32, #tpu.memory_space<vmem>>)
    tpu.wait_dma2 semaphore(%arg18 : memref<!tpu.dma_semaphore, #tpu.memory_space<semaphore_mem>>) src(%arg6 : memref<16x128xf32, #tpu.memory_space<hbm>>) dst(%arg11 : memref<16x128xf32, #tpu.memory_space<vmem>>)
    %get3A = arith.constant 0 : i32
    %get3A_35 = arith.index_cast %get3A : i32 to index
    %get3A_36 = arith.index_cast %mul3A_13 : i32 to index
    %get3A_37 = tpu.vector_load %arg10[%get3A_35, %get3A_36] {strides = array<i32>} : memref<16x128xf32, #tpu.memory_space<vmem>>, vector<1x16xf32>,
    %get3A_38 = vector.shape_cast %get3A_37 : vector<1x16xf32> to vector<16xf32>
    %bitcast_convert_type3A = tpu.bitcast %get3A_38 : vector<16xf32> -> vector<16xi32>
    %shift_right_logical3A = arith.constant 16 : i32
    %shift_right_logical3A_39 = vector.broadcast %shift_right_logical3A : i32 to vector<16xi32>
    %shift_right_logical3A_40 = arith.shrui %bitcast_convert_type3A, %shift_right_logical3A_39 : vector<16xi32>
    %and3A_41 = arith.constant 1 : i32
    %and3A_42 = vector.broadcast %and3A_41 : i32 to vector<16xi32>
    %and3A_43 = arith.andi %shift_right_logical3A_40, %and3A_42 : vector<16xi32>
    %add3A_44 = arith.constant 32767 : i32
    %add3A_45 = vector.broadcast %add3A_44 : i32 to vector<16xi32>
    %add3A_46 = arith.addi %bitcast_convert_type3A, %add3A_45 : vector<16xi32>
    %add3A_47 = arith.addi %add3A_46, %and3A_43 : vector<16xi32>
    %and3A_48 = arith.constant -65536 : i32
    %and3A_49 = vector.broadcast %and3A_48 : i32 to vector<16xi32>
    %and3A_50 = arith.andi %add3A_47, %and3A_49 : vector<16xi32>
    %bitcast_convert_type3A_51 = tpu.bitcast %and3A_50 : vector<16xi32> -> vector<16xf32>
    %swap3A = arith.constant 0 : i32
    %swap3A_52 = arith.index_cast %swap3A : i32 to index
    %swap3A_53 = arith.index_cast %mul3A_13 : i32 to index
    %swap3A_54 = tpu.vector_load %arg10[%swap3A_52, %swap3A_53] {strides = array<i32>} : memref<16x128xf32, #tpu.memory_space<vmem>>, vector<1x16xf32>,
    %swap3A_55 = vector.shape_cast %swap3A_54 : vector<1x16xf32> to vector<16xf32>
    %swap3A_56 = vector.shape_cast %bitcast_convert_type3A_51 : vector<16xf32> to vector<1x16xf32>
    tpu.vector_store %arg10[%swap3A_52, %swap3A_53], %swap3A_56 {strides = array<i32>} : memref<16x128xf32, #tpu.memory_space<vmem>>, vector<1x16xf32>,
    %get3A_57 = arith.constant 0 : i32
    %get3A_58 = arith.index_cast %get3A_57 : i32 to index
    %get3A_59 = arith.index_cast %mul3A_13 : i32 to index
    %get3A_60 = tpu.vector_load %arg11[%get3A_58, %get3A_59] {strides = array<i32>} : memref<16x128xf32, #tpu.memory_space<vmem>>, vector<1x16xf32>,
    %get3A_61 = vector.shape_cast %get3A_60 : vector<1x16xf32> to vector<16xf32>
    %bitcast_convert_type3A_62 = tpu.bitcast %get3A_61 : vector<16xf32> -> vector<16xi32>
    %shift_right_logical3A_63 = arith.constant 16 : i32
    %shift_right_logical3A_64 = vector.broadcast %shift_right_logical3A_63 : i32 to vector<16xi32>
    %shift_right_logical3A_65 = arith.shrui %bitcast_convert_type3A_62, %shift_right_logical3A_64 : vector<16xi32>
    %and3A_66 = arith.constant 1 : i32
    %and3A_67 = vector.broadcast %and3A_66 : i32 to vector<16xi32>
    %and3A_68 = arith.andi %shift_right_logical3A_65, %and3A_67 : vector<16xi32>
    %add3A_69 = arith.constant 32767 : i32
    %add3A_70 = vector.broadcast %add3A_69 : i32 to vector<16xi32>
    %add3A_71 = arith.addi %bitcast_convert_type3A_62, %add3A_70 : vector<16xi32>
    %add3A_72 = arith.addi %add3A_71, %and3A_68 : vector<16xi32>
    %and3A_73 = arith.constant -65536 : i32
    %and3A_74 = vector.broadcast %and3A_73 : i32 to vector<16xi32>
    %and3A_75 = arith.andi %add3A_72, %and3A_74 : vector<16xi32>
    %bitcast_convert_type3A_76 = tpu.bitcast %and3A_75 : vector<16xi32> -> vector<16xf32>
    %swap3A_77 = arith.constant 0 : i32
    %swap3A_78 = arith.index_cast %swap3A_77 : i32 to index
    %swap3A_79 = arith.index_cast %mul3A_13 : i32 to index
    %swap3A_80 = tpu.vector_load %arg11[%swap3A_78, %swap3A_79] {strides = array<i32>} : memref<16x128xf32, #tpu.memory_space<vmem>>, vector<1x16xf32>,
    %swap3A_81 = vector.shape_cast %swap3A_80 : vector<1x16xf32> to vector<16xf32>
    %swap3A_82 = vector.shape_cast %bitcast_convert_type3A_76 : vector<16xf32> to vector<1x16xf32>
    tpu.vector_store %arg11[%swap3A_78, %swap3A_79], %swap3A_82 {strides = array<i32>} : memref<16x128xf32, #tpu.memory_space<vmem>>, vector<1x16xf32>,
    %get3A_83 = arith.constant 1 : i32
    %get3A_84 = arith.index_cast %get3A_83 : i32 to index
    %get3A_85 = arith.index_cast %mul3A_13 : i32 to index
    %get3A_86 = tpu.vector_load %arg10[%get3A_84, %get3A_85] {strides = array<i32>} : memref<16x128xf32, #tpu.memory_space<vmem>>, vector<1x16xf32>,
    %get3A_87 = vector.shape_cast %get3A_86 : vector<1x16xf32> to vector<16xf32>
    %bitcast_convert_type3A_88 = tpu.bitcast %get3A_87 : vector<16xf32> -> vector<16xi32>
    %shift_right_logical3A_89 = arith.constant 16 : i32
    %shift_right_logical3A_90 = vector.broadcast %shift_right_logical3A_89 : i32 to vector<16xi32>
    %shift_right_logical3A_91 = arith.shrui %bitcast_convert_type3A_88, %shift_right_logical3A_90 : vector<16xi32>
    %and3A_92 = arith.constant 1 : i32
    %and3A_93 = vector.broadcast %and3A_92 : i32 to vector<16xi32>
    %and3A_94 = arith.andi %shift_right_logical3A_91, %and3A_93 : vector<16xi32>
    %add3A_95 = arith.constant 32767 : i32
    %add3A_96 = vector.broadcast %add3A_95 : i32 to vector<16xi32>
    %add3A_97 = arith.addi %bitcast_convert_type3A_88, %add3A_96 : vector<16xi32>
    %add3A_98 = arith.addi %add3A_97, %and3A_94 : vector<16xi32>
    %and3A_99 = arith.constant -65536 : i32
    %and3A_100 = vector.broadcast %and3A_99 : i32 to vector<16xi32>
    %and3A_101 = arith.andi %add3A_98, %and3A_100 : vector<16xi32>
    %bitcast_convert_type3A_102 = tpu.bitcast %and3A_101 : vector<16xi32> -> vector<16xf32>
    %swap3A_103 = arith.constant 1 : i32
    %swap3A_104 = arith.index_cast %swap3A_103 : i32 to index
    %swap3A_105 = arith.index_cast %mul3A_13 : i32 to index
    %swap3A_106 = tpu.vector_load %arg10[%swap3A_104, %swap3A_105] {strides = array<i32>} : memref<16x128xf32, #tpu.memory_space<vmem>>, vector<1x16xf32>,
    %swap3A_107 = vector.shape_cast %swap3A_106 : vector<1x16xf32> to vector<16xf32>
    %swap3A_108 = vector.shape_cast %bitcast_convert_type3A_102 : vector<16xf32> to vector<1x16xf32>
    tpu.vector_store %arg10[%swap3A_104, %swap3A_105], %swap3A_108 {strides = array<i32>} : memref<16x128xf32, #tpu.memory_space<vmem>>, vector<1x16xf32>,
    %get3A_109 = arith.constant 1 : i32
    %get3A_110 = arith.index_cast %get3A_109 : i32 to index
    %get3A_111 = arith.index_cast %mul3A_13 : i32 to index
    %get3A_112 = tpu.vector_load %arg11[%get3A_110, %get3A_111] {strides = array<i32>} : memref<16x128xf32, #tpu.memory_space<vmem>>, vector<1x16xf32>,
    %get3A_113 = vector.shape_cast %get3A_112 : vector<1x16xf32> to vector<16xf32>
    %bitcast_convert_type3A_114 = tpu.bitcast %get3A_113 : vector<16xf32> -> vector<16xi32>
    %shift_right_logical3A_115 = arith.constant 16 : i32
    %shift_right_logical3A_116 = vector.broadcast %shift_right_logical3A_115 : i32 to vector<16xi32>
    %shift_right_logical3A_117 = arith.shrui %bitcast_convert_type3A_114, %shift_right_logical3A_116 : vector<16xi32>
    %and3A_118 = arith.constant 1 : i32
    %and3A_119 = vector.broadcast %and3A_118 : i32 to vector<16xi32>
    %and3A_120 = arith.andi %shift_right_logical3A_117, %and3A_119 : vector<16xi32>
    %add3A_121 = arith.constant 32767 : i32
    %add3A_122 = vector.broadcast %add3A_121 : i32 to vector<16xi32>
    %add3A_123 = arith.addi %bitcast_convert_type3A_114, %add3A_122 : vector<16xi32>
    %add3A_124 = arith.addi %add3A_123, %and3A_120 : vector<16xi32>
    %and3A_125 = arith.constant -65536 : i32
    %and3A_126 = vector.broadcast %and3A_125 : i32 to vector<16xi32>
    %and3A_127 = arith.andi %add3A_124, %and3A_126 : vector<16xi32>
    %bitcast_convert_type3A_128 = tpu.bitcast %and3A_127 : vector<16xi32> -> vector<16xf32>
    %swap3A_129 = arith.constant 1 : i32
    %swap3A_130 = arith.index_cast %swap3A_129 : i32 to index
    %swap3A_131 = arith.index_cast %mul3A_13 : i32 to index
    %swap3A_132 = tpu.vector_load %arg11[%swap3A_130, %swap3A_131] {strides = array<i32>} : memref<16x128xf32, #tpu.memory_space<vmem>>, vector<1x16xf32>,
    %swap3A_133 = vector.shape_cast %swap3A_132 : vector<1x16xf32> to vector<16xf32>
    %swap3A_134 = vector.shape_cast %bitcast_convert_type3A_128 : vector<16xf32> to vector<1x16xf32>
    tpu.vector_store %arg11[%swap3A_130, %swap3A_131], %swap3A_134 {strides = array<i32>} : memref<16x128xf32, #tpu.memory_space<vmem>>, vector<1x16xf32>,
    %get3A_135 = arith.constant 2 : i32
    %get3A_136 = arith.index_cast %get3A_135 : i32 to index
    %get3A_137 = arith.index_cast %mul3A_13 : i32 to index
    %get3A_138 = tpu.vector_load %arg10[%get3A_136, %get3A_137] {strides = array<i32>} : memref<16x128xf32, #tpu.memory_space<vmem>>, vector<1x16xf32>,
    %get3A_139 = vector.shape_cast %get3A_138 : vector<1x16xf32> to vector<16xf32>
    %bitcast_convert_type3A_140 = tpu.bitcast %get3A_139 : vector<16xf32> -> vector<16xi32>
    %shift_right_logical3A_141 = arith.constant 16 : i32
    %shift_right_logical3A_142 = vector.broadcast %shift_right_logical3A_141 : i32 to vector<16xi32>
    %shift_right_logical3A_143 = arith.shrui %bitcast_convert_type3A_140, %shift_right_logical3A_142 : vector<16xi32>
    %and3A_144 = arith.constant 1 : i32
    %and3A_145 = vector.broadcast %and3A_144 : i32 to vector<16xi32>
    %and3A_146 = arith.andi %shift_right_logical3A_143, %and3A_145 : vector<16xi32>
    %add3A_147 = arith.constant 32767 : i32
    %add3A_148 = vector.broadcast %add3A_147 : i32 to vector<16xi32>
    %add3A_149 = arith.addi %bitcast_convert_type3A_140, %add3A_148 : vector<16xi32>
    %add3A_150 = arith.addi %add3A_149, %and3A_146 : vector<16xi32>
    %and3A_151 = arith.constant -65536 : i32
    %and3A_152 = vector.broadcast %and3A_151 : i32 to vector<16xi32>
    %and3A_153 = arith.andi %add3A_150, %and3A_152 : vector<16xi32>
    %bitcast_convert_type3A_154 = tpu.bitcast %and3A_153 : vector<16xi32> -> vector<16xf32>
    %swap3A_155 = arith.constant 2 : i32
    %swap3A_156 = arith.index_cast %swap3A_155 : i32 to index
    %swap3A_157 = arith.index_cast %mul3A_13 : i32 to index
    %swap3A_158 = tpu.vector_load %arg10[%swap3A_156, %swap3A_157] {strides = array<i32>} : memref<16x128xf32, #tpu.memory_space<vmem>>, vector<1x16xf32>,
    %swap3A_159 = vector.shape_cast %swap3A_158 : vector<1x16xf32> to vector<16xf32>
    %swap3A_160 = vector.shape_cast %bitcast_convert_type3A_154 : vector<16xf32> to vector<1x16xf32>
    tpu.vector_store %arg10[%swap3A_156, %swap3A_157], %swap3A_160 {strides = array<i32>} : memref<16x128xf32, #tpu.memory_space<vmem>>, vector<1x16xf32>,
    %get3A_161 = arith.constant 2 : i32
    %get3A_162 = arith.index_cast %get3A_161 : i32 to index
    %get3A_163 = arith.index_cast %mul3A_13 : i32 to index
    %get3A_164 = tpu.vector_load %arg11[%get3A_162, %get3A_163] {strides = array<i32>} : memref<16x128xf32, #tpu.memory_space<vmem>>, vector<1x16xf32>,
    %get3A_165 = vector.shape_cast %get3A_164 : vector<1x16xf32> to vector<16xf32>
    %bitcast_convert_type3A_166 = tpu.bitcast %get3A_165 : vector<16xf32> -> vector<16xi32>
    %shift_right_logical3A_167 = arith.constant 16 : i32
    %shift_right_logical3A_168 = vector.broadcast %shift_right_logical3A_167 : i32 to vector<16xi32>
    %shift_right_logical3A_169 = arith.shrui %bitcast_convert_type3A_166, %shift_right_logical3A_168 : vector<16xi32>
    %and3A_170 = arith.constant 1 : i32
    %and3A_171 = vector.broadcast %and3A_170 : i32 to vector<16xi32>
    %and3A_172 = arith.andi %shift_right_logical3A_169, %and3A_171 : vector<16xi32>
    %add3A_173 = arith.constant 32767 : i32
    %add3A_174 = vector.broadcast %add3A_173 : i32 to vector<16xi32>
    %add3A_175 = arith.addi %bitcast_convert_type3A_166, %add3A_174 : vector<16xi32>
    %add3A_176 = arith.addi %add3A_175, %and3A_172 : vector<16xi32>
    %and3A_177 = arith.constant -65536 : i32
    %and3A_178 = vector.broadcast %and3A_177 : i32 to vector<16xi32>
    %and3A_179 = arith.andi %add3A_176, %and3A_178 : vector<16xi32>
    %bitcast_convert_type3A_180 = tpu.bitcast %and3A_179 : vector<16xi32> -> vector<16xf32>
    %swap3A_181 = arith.constant 2 : i32
    %swap3A_182 = arith.index_cast %swap3A_181 : i32 to index
    %swap3A_183 = arith.index_cast %mul3A_13 : i32 to index
    %swap3A_184 = tpu.vector_load %arg11[%swap3A_182, %swap3A_183] {strides = array<i32>} : memref<16x128xf32, #tpu.memory_space<vmem>>, vector<1x16xf32>,
    %swap3A_185 = vector.shape_cast %swap3A_184 : vector<1x16xf32> to vector<16xf32>
    %swap3A_186 = vector.shape_cast %bitcast_convert_type3A_180 : vector<16xf32> to vector<1x16xf32>
    tpu.vector_store %arg11[%swap3A_182, %swap3A_183], %swap3A_186 {strides = array<i32>} : memref<16x128xf32, #tpu.memory_space<vmem>>, vector<1x16xf32>,
    %get3A_187 = arith.constant 3 : i32
    %get3A_188 = arith.index_cast %get3A_187 : i32 to index
    %get3A_189 = arith.index_cast %mul3A_13 : i32 to index
    %get3A_190 = tpu.vector_load %arg10[%get3A_188, %get3A_189] {strides = array<i32>} : memref<16x128xf32, #tpu.memory_space<vmem>>, vector<1x16xf32>,
    %get3A_191 = vector.shape_cast %get3A_190 : vector<1x16xf32> to vector<16xf32>
    %bitcast_convert_type3A_192 = tpu.bitcast %get3A_191 : vector<16xf32> -> vector<16xi32>
    %shift_right_logical3A_193 = arith.constant 16 : i32
    %shift_right_logical3A_194 = vector.broadcast %shift_right_logical3A_193 : i32 to vector<16xi32>
    %shift_right_logical3A_195 = arith.shrui %bitcast_convert_type3A_192, %shift_right_logical3A_194 : vector<16xi32>
    %and3A_196 = arith.constant 1 : i32
    %and3A_197 = vector.broadcast %and3A_196 : i32 to vector<16xi32>
    %and3A_198 = arith.andi %shift_right_logical3A_195, %and3A_197 : vector<16xi32>
    %add3A_199 = arith.constant 32767 : i32
    %add3A_200 = vector.broadcast %add3A_199 : i32 to vector<16xi32>
    %add3A_201 = arith.addi %bitcast_convert_type3A_192, %add3A_200 : vector<16xi32>
    %add3A_202 = arith.addi %add3A_201, %and3A_198 : vector<16xi32>
    %and3A_203 = arith.constant -65536 : i32
    %and3A_204 = vector.broadcast %and3A_203 : i32 to vector<16xi32>
    %and3A_205 = arith.andi %add3A_202, %and3A_204 : vector<16xi32>
    %bitcast_convert_type3A_206 = tpu.bitcast %and3A_205 : vector<16xi32> -> vector<16xf32>
    %swap3A_207 = arith.constant 3 : i32
    %swap3A_208 = arith.index_cast %swap3A_207 : i32 to index
    %swap3A_209 = arith.index_cast %mul3A_13 : i32 to index
    %swap3A_210 = tpu.vector_load %arg10[%swap3A_208, %swap3A_209] {strides = array<i32>} : memref<16x128xf32, #tpu.memory_space<vmem>>, vector<1x16xf32>,
    %swap3A_211 = vector.shape_cast %swap3A_210 : vector<1x16xf32> to vector<16xf32>
    %swap3A_212 = vector.shape_cast %bitcast_convert_type3A_206 : vector<16xf32> to vector<1x16xf32>
    tpu.vector_store %arg10[%swap3A_208, %swap3A_209], %swap3A_212 {strides = array<i32>} : memref<16x128xf32, #tpu.memory_space<vmem>>, vector<1x16xf32>,
    %get3A_213 = arith.constant 3 : i32
    %get3A_214 = arith.index_cast %get3A_213 : i32 to index
    %get3A_215 = arith.index_cast %mul3A_13 : i32 to index
    %get3A_216 = tpu.vector_load %arg11[%get3A_214, %get3A_215] {strides = array<i32>} : memref<16x128xf32, #tpu.memory_space<vmem>>, vector<1x16xf32>,
    %get3A_217 = vector.shape_cast %get3A_216 : vector<1x16xf32> to vector<16xf32>
    %bitcast_convert_type3A_218 = tpu.bitcast %get3A_217 : vector<16xf32> -> vector<16xi32>
    %shift_right_logical3A_219 = arith.constant 16 : i32
    %shift_right_logical3A_220 = vector.broadcast %shift_right_logical3A_219 : i32 to vector<16xi32>
    %shift_right_logical3A_221 = arith.shrui %bitcast_convert_type3A_218, %shift_right_logical3A_220 : vector<16xi32>
    %and3A_222 = arith.constant 1 : i32
    %and3A_223 = vector.broadcast %and3A_222 : i32 to vector<16xi32>
    %and3A_224 = arith.andi %shift_right_logical3A_221, %and3A_223 : vector<16xi32>
    %add3A_225 = arith.constant 32767 : i32
    %add3A_226 = vector.broadcast %add3A_225 : i32 to vector<16xi32>
    %add3A_227 = arith.addi %bitcast_convert_type3A_218, %add3A_226 : vector<16xi32>
    %add3A_228 = arith.addi %add3A_227, %and3A_224 : vector<16xi32>
    %and3A_229 = arith.constant -65536 : i32
    %and3A_230 = vector.broadcast %and3A_229 : i32 to vector<16xi32>
    %and3A_231 = arith.andi %add3A_228, %and3A_230 : vector<16xi32>
    %bitcast_convert_type3A_232 = tpu.bitcast %and3A_231 : vector<16xi32> -> vector<16xf32>
    %swap3A_233 = arith.constant 3 : i32
    %swap3A_234 = arith.index_cast %swap3A_233 : i32 to index
    %swap3A_235 = arith.index_cast %mul3A_13 : i32 to index
    %swap3A_236 = tpu.vector_load %arg11[%swap3A_234, %swap3A_235] {strides = array<i32>} : memref<16x128xf32, #tpu.memory_space<vmem>>, vector<1x16xf32>,
    %swap3A_237 = vector.shape_cast %swap3A_236 : vector<1x16xf32> to vector<16xf32>
    %swap3A_238 = vector.shape_cast %bitcast_convert_type3A_232 : vector<16xf32> to vector<1x16xf32>
    tpu.vector_store %arg11[%swap3A_234, %swap3A_235], %swap3A_238 {strides = array<i32>} : memref<16x128xf32, #tpu.memory_space<vmem>>, vector<1x16xf32>,
    %get3A_239 = arith.constant 4 : i32
    %get3A_240 = arith.index_cast %get3A_239 : i32 to index
    %get3A_241 = arith.index_cast %mul3A_13 : i32 to index
    %get3A_242 = tpu.vector_load %arg10[%get3A_240, %get3A_241] {strides = array<i32>} : memref<16x128xf32, #tpu.memory_space<vmem>>, vector<1x16xf32>,
    %get3A_243 = vector.shape_cast %get3A_242 : vector<1x16xf32> to vector<16xf32>
    %bitcast_convert_type3A_244 = tpu.bitcast %get3A_243 : vector<16xf32> -> vector<16xi32>
    %shift_right_logical3A_245 = arith.constant 16 : i32
    %shift_right_logical3A_246 = vector.broadcast %shift_right_logical3A_245 : i32 to vector<16xi32>
    %shift_right_logical3A_247 = arith.shrui %bitcast_convert_type3A_244, %shift_right_logical3A_246 : vector<16xi32>
    %and3A_248 = arith.constant 1 : i32
    %and3A_249 = vector.broadcast %and3A_248 : i32 to vector<16xi32>
    %and3A_250 = arith.andi %shift_right_logical3A_247, %and3A_249 : vector<16xi32>
    %add3A_251 = arith.constant 32767 : i32
    %add3A_252 = vector.broadcast %add3A_251 : i32 to vector<16xi32>
    %add3A_253 = arith.addi %bitcast_convert_type3A_244, %add3A_252 : vector<16xi32>
    %add3A_254 = arith.addi %add3A_253, %and3A_250 : vector<16xi32>
    %and3A_255 = arith.constant -65536 : i32
    %and3A_256 = vector.broadcast %and3A_255 : i32 to vector<16xi32>
    %and3A_257 = arith.andi %add3A_254, %and3A_256 : vector<16xi32>
    %bitcast_convert_type3A_258 = tpu.bitcast %and3A_257 : vector<16xi32> -> vector<16xf32>
    %swap3A_259 = arith.constant 4 : i32
    %swap3A_260 = arith.index_cast %swap3A_259 : i32 to index
    %swap3A_261 = arith.index_cast %mul3A_13 : i32 to index
    %swap3A_262 = tpu.vector_load %arg10[%swap3A_260, %swap3A_261] {strides = array<i32>} : memref<16x128xf32, #tpu.memory_space<vmem>>, vector<1x16xf32>,
    %swap3A_263 = vector.shape_cast %swap3A_262 : vector<1x16xf32> to vector<16xf32>
    %swap3A_264 = vector.shape_cast %bitcast_convert_type3A_258 : vector<16xf32> to vector<1x16xf32>
    tpu.vector_store %arg10[%swap3A_260, %swap3A_261], %swap3A_264 {strides = array<i32>} : memref<16x128xf32, #tpu.memory_space<vmem>>, vector<1x16xf32>,
    %get3A_265 = arith.constant 4 : i32
    %get3A_266 = arith.index_cast %get3A_265 : i32 to index
    %get3A_267 = arith.index_cast %mul3A_13 : i32 to index
    %get3A_268 = tpu.vector_load %arg11[%get3A_266, %get3A_267] {strides = array<i32>} : memref<16x128xf32, #tpu.memory_space<vmem>>, vector<1x16xf32>,
    %get3A_269 = vector.shape_cast %get3A_268 : vector<1x16xf32> to vector<16xf32>
    %bitcast_convert_type3A_270 = tpu.bitcast %get3A_269 : vector<16xf32> -> vector<16xi32>
    %shift_right_logical3A_271 = arith.constant 16 : i32
    %shift_right_logical3A_272 = vector.broadcast %shift_right_logical3A_271 : i32 to vector<16xi32>
    %shift_right_logical3A_273 = arith.shrui %bitcast_convert_type3A_270, %shift_right_logical3A_272 : vector<16xi32>
    %and3A_274 = arith.constant 1 : i32
    %and3A_275 = vector.broadcast %and3A_274 : i32 to vector<16xi32>
    %and3A_276 = arith.andi %shift_right_logical3A_273, %and3A_275 : vector<16xi32>
    %add3A_277 = arith.constant 32767 : i32
    %add3A_278 = vector.broadcast %add3A_277 : i32 to vector<16xi32>
    %add3A_279 = arith.addi %bitcast_convert_type3A_270, %add3A_278 : vector<16xi32>
    %add3A_280 = arith.addi %add3A_279, %and3A_276 : vector<16xi32>
    %and3A_281 = arith.constant -65536 : i32
    %and3A_282 = vector.broadcast %and3A_281 : i32 to vector<16xi32>
    %and3A_283 = arith.andi %add3A_280, %and3A_282 : vector<16xi32>
    %bitcast_convert_type3A_284 = tpu.bitcast %and3A_283 : vector<16xi32> -> vector<16xf32>
    %swap3A_285 = arith.constant 4 : i32
    %swap3A_286 = arith.index_cast %swap3A_285 : i32 to index
    %swap3A_287 = arith.index_cast %mul3A_13 : i32 to index
    %swap3A_288 = tpu.vector_load %arg11[%swap3A_286, %swap3A_287] {strides = array<i32>} : memref<16x128xf32, #tpu.memory_space<vmem>>, vector<1x16xf32>,
    %swap3A_289 = vector.shape_cast %swap3A_288 : vector<1x16xf32> to vector<16xf32>
    %swap3A_290 = vector.shape_cast %bitcast_convert_type3A_284 : vector<16xf32> to vector<1x16xf32>
    tpu.vector_store %arg11[%swap3A_286, %swap3A_287], %swap3A_290 {strides = array<i32>} : memref<16x128xf32, #tpu.memory_space<vmem>>, vector<1x16xf32>,
    %get3A_291 = arith.constant 5 : i32
    %get3A_292 = arith.index_cast %get3A_291 : i32 to index
    %get3A_293 = arith.index_cast %mul3A_13 : i32 to index
    %get3A_294 = tpu.vector_load %arg10[%get3A_292, %get3A_293] {strides = array<i32>} : memref<16x128xf32, #tpu.memory_space<vmem>>, vector<1x16xf32>,
    %get3A_295 = vector.shape_cast %get3A_294 : vector<1x16xf32> to vector<16xf32>
    %bitcast_convert_type3A_296 = tpu.bitcast %get3A_295 : vector<16xf32> -> vector<16xi32>
    %shift_right_logical3A_297 = arith.constant 16 : i32
    %shift_right_logical3A_298 = vector.broadcast %shift_right_logical3A_297 : i32 to vector<16xi32>
    %shift_right_logical3A_299 = arith.shrui %bitcast_convert_type3A_296, %shift_right_logical3A_298 : vector<16xi32>
    %and3A_300 = arith.constant 1 : i32
    %and3A_301 = vector.broadcast %and3A_300 : i32 to vector<16xi32>
    %and3A_302 = arith.andi %shift_right_logical3A_299, %and3A_301 : vector<16xi32>
    %add3A_303 = arith.constant 32767 : i32
    %add3A_304 = vector.broadcast %add3A_303 : i32 to vector<16xi32>
    %add3A_305 = arith.addi %bitcast_convert_type3A_296, %add3A_304 : vector<16xi32>
    %add3A_306 = arith.addi %add3A_305, %and3A_302 : vector<16xi32>
    %and3A_307 = arith.constant -65536 : i32
    %and3A_308 = vector.broadcast %and3A_307 : i32 to vector<16xi32>
    %and3A_309 = arith.andi %add3A_306, %and3A_308 : vector<16xi32>
    %bitcast_convert_type3A_310 = tpu.bitcast %and3A_309 : vector<16xi32> -> vector<16xf32>
    %swap3A_311 = arith.constant 5 : i32
    %swap3A_312 = arith.index_cast %swap3A_311 : i32 to index
    %swap3A_313 = arith.index_cast %mul3A_13 : i32 to index
    %swap3A_314 = tpu.vector_load %arg10[%swap3A_312, %swap3A_313] {strides = array<i32>} : memref<16x128xf32, #tpu.memory_space<vmem>>, vector<1x16xf32>,
    %swap3A_315 = vector.shape_cast %swap3A_314 : vector<1x16xf32> to vector<16xf32>
    %swap3A_316 = vector.shape_cast %bitcast_convert_type3A_310 : vector<16xf32> to vector<1x16xf32>
    tpu.vector_store %arg10[%swap3A_312, %swap3A_313], %swap3A_316 {strides = array<i32>} : memref<16x128xf32, #tpu.memory_space<vmem>>, vector<1x16xf32>,
    %get3A_317 = arith.constant 5 : i32
    %get3A_318 = arith.index_cast %get3A_317 : i32 to index
    %get3A_319 = arith.index_cast %mul3A_13 : i32 to index
    %get3A_320 = tpu.vector_load %arg11[%get3A_318, %get3A_319] {strides = array<i32>} : memref<16x128xf32, #tpu.memory_space<vmem>>, vector<1x16xf32>,
    %get3A_321 = vector.shape_cast %get3A_320 : vector<1x16xf32> to vector<16xf32>
    %bitcast_convert_type3A_322 = tpu.bitcast %get3A_321 : vector<16xf32> -> vector<16xi32>
    %shift_right_logical3A_323 = arith.constant 16 : i32
    %shift_right_logical3A_324 = vector.broadcast %shift_right_logical3A_323 : i32 to vector<16xi32>
    %shift_right_logical3A_325 = arith.shrui %bitcast_convert_type3A_322, %shift_right_logical3A_324 : vector<16xi32>
    %and3A_326 = arith.constant 1 : i32
    %and3A_327 = vector.broadcast %and3A_326 : i32 to vector<16xi32>
    %and3A_328 = arith.andi %shift_right_logical3A_325, %and3A_327 : vector<16xi32>
    %add3A_329 = arith.constant 32767 : i32
    %add3A_330 = vector.broadcast %add3A_329 : i32 to vector<16xi32>
    %add3A_331 = arith.addi %bitcast_convert_type3A_322, %add3A_330 : vector<16xi32>
    %add3A_332 = arith.addi %add3A_331, %and3A_328 : vector<16xi32>
    %and3A_333 = arith.constant -65536 : i32
    %and3A_334 = vector.broadcast %and3A_333 : i32 to vector<16xi32>
    %and3A_335 = arith.andi %add3A_332, %and3A_334 : vector<16xi32>
    %bitcast_convert_type3A_336 = tpu.bitcast %and3A_335 : vector<16xi32> -> vector<16xf32>
    %swap3A_337 = arith.constant 5 : i32
    %swap3A_338 = arith.index_cast %swap3A_337 : i32 to index
    %swap3A_339 = arith.index_cast %mul3A_13 : i32 to index
    %swap3A_340 = tpu.vector_load %arg11[%swap3A_338, %swap3A_339] {strides = array<i32>} : memref<16x128xf32, #tpu.memory_space<vmem>>, vector<1x16xf32>,
    %swap3A_341 = vector.shape_cast %swap3A_340 : vector<1x16xf32> to vector<16xf32>
    %swap3A_342 = vector.shape_cast %bitcast_convert_type3A_336 : vector<16xf32> to vector<1x16xf32>
    tpu.vector_store %arg11[%swap3A_338, %swap3A_339], %swap3A_342 {strides = array<i32>} : memref<16x128xf32, #tpu.memory_space<vmem>>, vector<1x16xf32>,
    %get3A_343 = arith.constant 6 : i32
    %get3A_344 = arith.index_cast %get3A_343 : i32 to index
    %get3A_345 = arith.index_cast %mul3A_13 : i32 to index
    %get3A_346 = tpu.vector_load %arg10[%get3A_344, %get3A_345] {strides = array<i32>} : memref<16x128xf32, #tpu.memory_space<vmem>>, vector<1x16xf32>,
    %get3A_347 = vector.shape_cast %get3A_346 : vector<1x16xf32> to vector<16xf32>
    %bitcast_convert_type3A_348 = tpu.bitcast %get3A_347 : vector<16xf32> -> vector<16xi32>
    %shift_right_logical3A_349 = arith.constant 16 : i32
    %shift_right_logical3A_350 = vector.broadcast %shift_right_logical3A_349 : i32 to vector<16xi32>
    %shift_right_logical3A_351 = arith.shrui %bitcast_convert_type3A_348, %shift_right_logical3A_350 : vector<16xi32>
    %and3A_352 = arith.constant 1 : i32
    %and3A_353 = vector.broadcast %and3A_352 : i32 to vector<16xi32>
    %and3A_354 = arith.andi %shift_right_logical3A_351, %and3A_353 : vector<16xi32>
    %add3A_355 = arith.constant 32767 : i32
    %add3A_356 = vector.broadcast %add3A_355 : i32 to vector<16xi32>
    %add3A_357 = arith.addi %bitcast_convert_type3A_348, %add3A_356 : vector<16xi32>
    %add3A_358 = arith.addi %add3A_357, %and3A_354 : vector<16xi32>
    %and3A_359 = arith.constant -65536 : i32
    %and3A_360 = vector.broadcast %and3A_359 : i32 to vector<16xi32>
    %and3A_361 = arith.andi %add3A_358, %and3A_360 : vector<16xi32>
    %bitcast_convert_type3A_362 = tpu.bitcast %and3A_361 : vector<16xi32> -> vector<16xf32>
    %swap3A_363 = arith.constant 6 : i32
    %swap3A_364 = arith.index_cast %swap3A_363 : i32 to index
    %swap3A_365 = arith.index_cast %mul3A_13 : i32 to index
    %swap3A_366 = tpu.vector_load %arg10[%swap3A_364, %swap3A_365] {strides = array<i32>} : memref<16x128xf32, #tpu.memory_space<vmem>>, vector<1x16xf32>,
    %swap3A_367 = vector.shape_cast %swap3A_366 : vector<1x16xf32> to vector<16xf32>
    %swap3A_368 = vector.shape_cast %bitcast_convert_type3A_362 : vector<16xf32> to vector<1x16xf32>
    tpu.vector_store %arg10[%swap3A_364, %swap3A_365], %swap3A_368 {strides = array<i32>} : memref<16x128xf32, #tpu.memory_space<vmem>>, vector<1x16xf32>,
    %get3A_369 = arith.constant 6 : i32
    %get3A_370 = arith.index_cast %get3A_369 : i32 to index
    %get3A_371 = arith.index_cast %mul3A_13 : i32 to index
    %get3A_372 = tpu.vector_load %arg11[%get3A_370, %get3A_371] {strides = array<i32>} : memref<16x128xf32, #tpu.memory_space<vmem>>, vector<1x16xf32>,
    %get3A_373 = vector.shape_cast %get3A_372 : vector<1x16xf32> to vector<16xf32>
    %bitcast_convert_type3A_374 = tpu.bitcast %get3A_373 : vector<16xf32> -> vector<16xi32>
    %shift_right_logical3A_375 = arith.constant 16 : i32
    %shift_right_logical3A_376 = vector.broadcast %shift_right_logical3A_375 : i32 to vector<16xi32>
    %shift_right_logical3A_377 = arith.shrui %bitcast_convert_type3A_374, %shift_right_logical3A_376 : vector<16xi32>
    %and3A_378 = arith.constant 1 : i32
    %and3A_379 = vector.broadcast %and3A_378 : i32 to vector<16xi32>
    %and3A_380 = arith.andi %shift_right_logical3A_377, %and3A_379 : vector<16xi32>
    %add3A_381 = arith.constant 32767 : i32
    %add3A_382 = vector.broadcast %add3A_381 : i32 to vector<16xi32>
    %add3A_383 = arith.addi %bitcast_convert_type3A_374, %add3A_382 : vector<16xi32>
    %add3A_384 = arith.addi %add3A_383, %and3A_380 : vector<16xi32>
    %and3A_385 = arith.constant -65536 : i32
    %and3A_386 = vector.broadcast %and3A_385 : i32 to vector<16xi32>
    %and3A_387 = arith.andi %add3A_384, %and3A_386 : vector<16xi32>
    %bitcast_convert_type3A_388 = tpu.bitcast %and3A_387 : vector<16xi32> -> vector<16xf32>
    %swap3A_389 = arith.constant 6 : i32
    %swap3A_390 = arith.index_cast %swap3A_389 : i32 to index
    %swap3A_391 = arith.index_cast %mul3A_13 : i32 to index
    %swap3A_392 = tpu.vector_load %arg11[%swap3A_390, %swap3A_391] {strides = array<i32>} : memref<16x128xf32, #tpu.memory_space<vmem>>, vector<1x16xf32>,
    %swap3A_393 = vector.shape_cast %swap3A_392 : vector<1x16xf32> to vector<16xf32>
    %swap3A_394 = vector.shape_cast %bitcast_convert_type3A_388 : vector<16xf32> to vector<1x16xf32>
    tpu.vector_store %arg11[%swap3A_390, %swap3A_391], %swap3A_394 {strides = array<i32>} : memref<16x128xf32, #tpu.memory_space<vmem>>, vector<1x16xf32>,
    %get3A_395 = arith.constant 7 : i32
    %get3A_396 = arith.index_cast %get3A_395 : i32 to index
    %get3A_397 = arith.index_cast %mul3A_13 : i32 to index
    %get3A_398 = tpu.vector_load %arg10[%get3A_396, %get3A_397] {strides = array<i32>} : memref<16x128xf32, #tpu.memory_space<vmem>>, vector<1x16xf32>,
    %get3A_399 = vector.shape_cast %get3A_398 : vector<1x16xf32> to vector<16xf32>
    %bitcast_convert_type3A_400 = tpu.bitcast %get3A_399 : vector<16xf32> -> vector<16xi32>
    %shift_right_logical3A_401 = arith.constant 16 : i32
    %shift_right_logical3A_402 = vector.broadcast %shift_right_logical3A_401 : i32 to vector<16xi32>
    %shift_right_logical3A_403 = arith.shrui %bitcast_convert_type3A_400, %shift_right_logical3A_402 : vector<16xi32>
    %and3A_404 = arith.constant 1 : i32
    %and3A_405 = vector.broadcast %and3A_404 : i32 to vector<16xi32>
    %and3A_406 = arith.andi %shift_right_logical3A_403, %and3A_405 : vector<16xi32>
    %add3A_407 = arith.constant 32767 : i32
    %add3A_408 = vector.broadcast %add3A_407 : i32 to vector<16xi32>
    %add3A_409 = arith.addi %bitcast_convert_type3A_400, %add3A_408 : vector<16xi32>
    %add3A_410 = arith.addi %add3A_409, %and3A_406 : vector<16xi32>
    %and3A_411 = arith.constant -65536 : i32
    %and3A_412 = vector.broadcast %and3A_411 : i32 to vector<16xi32>
    %and3A_413 = arith.andi %add3A_410, %and3A_412 : vector<16xi32>
    %bitcast_convert_type3A_414 = tpu.bitcast %and3A_413 : vector<16xi32> -> vector<16xf32>
    %swap3A_415 = arith.constant 7 : i32
    %swap3A_416 = arith.index_cast %swap3A_415 : i32 to index
    %swap3A_417 = arith.index_cast %mul3A_13 : i32 to index
    %swap3A_418 = tpu.vector_load %arg10[%swap3A_416, %swap3A_417] {strides = array<i32>} : memref<16x128xf32, #tpu.memory_space<vmem>>, vector<1x16xf32>,
    %swap3A_419 = vector.shape_cast %swap3A_418 : vector<1x16xf32> to vector<16xf32>
    %swap3A_420 = vector.shape_cast %bitcast_convert_type3A_414 : vector<16xf32> to vector<1x16xf32>
    tpu.vector_store %arg10[%swap3A_416, %swap3A_417], %swap3A_420 {strides = array<i32>} : memref<16x128xf32, #tpu.memory_space<vmem>>, vector<1x16xf32>,
    %get3A_421 = arith.constant 7 : i32
    %get3A_422 = arith.index_cast %get3A_421 : i32 to index
    %get3A_423 = arith.index_cast %mul3A_13 : i32 to index
    %get3A_424 = tpu.vector_load %arg11[%get3A_422, %get3A_423] {strides = array<i32>} : memref<16x128xf32, #tpu.memory_space<vmem>>, vector<1x16xf32>,
    %get3A_425 = vector.shape_cast %get3A_424 : vector<1x16xf32> to vector<16xf32>
    %bitcast_convert_type3A_426 = tpu.bitcast %get3A_425 : vector<16xf32> -> vector<16xi32>
    %shift_right_logical3A_427 = arith.constant 16 : i32
    %shift_right_logical3A_428 = vector.broadcast %shift_right_logical3A_427 : i32 to vector<16xi32>
    %shift_right_logical3A_429 = arith.shrui %bitcast_convert_type3A_426, %shift_right_logical3A_428 : vector<16xi32>
    %and3A_430 = arith.constant 1 : i32
    %and3A_431 = vector.broadcast %and3A_430 : i32 to vector<16xi32>
    %and3A_432 = arith.andi %shift_right_logical3A_429, %and3A_431 : vector<16xi32>
    %add3A_433 = arith.constant 32767 : i32
    %add3A_434 = vector.broadcast %add3A_433 : i32 to vector<16xi32>
    %add3A_435 = arith.addi %bitcast_convert_type3A_426, %add3A_434 : vector<16xi32>
    %add3A_436 = arith.addi %add3A_435, %and3A_432 : vector<16xi32>
    %and3A_437 = arith.constant -65536 : i32
    %and3A_438 = vector.broadcast %and3A_437 : i32 to vector<16xi32>
    %and3A_439 = arith.andi %add3A_436, %and3A_438 : vector<16xi32>
    %bitcast_convert_type3A_440 = tpu.bitcast %and3A_439 : vector<16xi32> -> vector<16xf32>
    %swap3A_441 = arith.constant 7 : i32
    %swap3A_442 = arith.index_cast %swap3A_441 : i32 to index
    %swap3A_443 = arith.index_cast %mul3A_13 : i32 to index
    %swap3A_444 = tpu.vector_load %arg11[%swap3A_442, %swap3A_443] {strides = array<i32>} : memref<16x128xf32, #tpu.memory_space<vmem>>, vector<1x16xf32>,
    %swap3A_445 = vector.shape_cast %swap3A_444 : vector<1x16xf32> to vector<16xf32>
    %swap3A_446 = vector.shape_cast %bitcast_convert_type3A_440 : vector<16xf32> to vector<1x16xf32>
    tpu.vector_store %arg11[%swap3A_442, %swap3A_443], %swap3A_446 {strides = array<i32>} : memref<16x128xf32, #tpu.memory_space<vmem>>, vector<1x16xf32>,
    %get3A_447 = arith.constant 8 : i32
    %get3A_448 = arith.index_cast %get3A_447 : i32 to index
    %get3A_449 = arith.index_cast %mul3A_13 : i32 to index
    %get3A_450 = tpu.vector_load %arg10[%get3A_448, %get3A_449] {strides = array<i32>} : memref<16x128xf32, #tpu.memory_space<vmem>>, vector<1x16xf32>,
    %get3A_451 = vector.shape_cast %get3A_450 : vector<1x16xf32> to vector<16xf32>
    %bitcast_convert_type3A_452 = tpu.bitcast %get3A_451 : vector<16xf32> -> vector<16xi32>
    %shift_right_logical3A_453 = arith.constant 16 : i32
    %shift_right_logical3A_454 = vector.broadcast %shift_right_logical3A_453 : i32 to vector<16xi32>
    %shift_right_logical3A_455 = arith.shrui %bitcast_convert_type3A_452, %shift_right_logical3A_454 : vector<16xi32>
    %and3A_456 = arith.constant 1 : i32
    %and3A_457 = vector.broadcast %and3A_456 : i32 to vector<16xi32>
    %and3A_458 = arith.andi %shift_right_logical3A_455, %and3A_457 : vector<16xi32>
    %add3A_459 = arith.constant 32767 : i32
    %add3A_460 = vector.broadcast %add3A_459 : i32 to vector<16xi32>
    %add3A_461 = arith.addi %bitcast_convert_type3A_452, %add3A_460 : vector<16xi32>
    %add3A_462 = arith.addi %add3A_461, %and3A_458 : vector<16xi32>
    %and3A_463 = arith.constant -65536 : i32
    %and3A_464 = vector.broadcast %and3A_463 : i32 to vector<16xi32>
    %and3A_465 = arith.andi %add3A_462, %and3A_464 : vector<16xi32>
    %bitcast_convert_type3A_466 = tpu.bitcast %and3A_465 : vector<16xi32> -> vector<16xf32>
    %swap3A_467 = arith.constant 8 : i32
    %swap3A_468 = arith.index_cast %swap3A_467 : i32 to index
    %swap3A_469 = arith.index_cast %mul3A_13 : i32 to index
    %swap3A_470 = tpu.vector_load %arg10[%swap3A_468, %swap3A_469] {strides = array<i32>} : memref<16x128xf32, #tpu.memory_space<vmem>>, vector<1x16xf32>,
    %swap3A_471 = vector.shape_cast %swap3A_470 : vector<1x16xf32> to vector<16xf32>
    %swap3A_472 = vector.shape_cast %bitcast_convert_type3A_466 : vector<16xf32> to vector<1x16xf32>
    tpu.vector_store %arg10[%swap3A_468, %swap3A_469], %swap3A_472 {strides = array<i32>} : memref<16x128xf32, #tpu.memory_space<vmem>>, vector<1x16xf32>,
    %get3A_473 = arith.constant 8 : i32
    %get3A_474 = arith.index_cast %get3A_473 : i32 to index
    %get3A_475 = arith.index_cast %mul3A_13 : i32 to index
    %get3A_476 = tpu.vector_load %arg11[%get3A_474, %get3A_475] {strides = array<i32>} : memref<16x128xf32, #tpu.memory_space<vmem>>, vector<1x16xf32>,
    %get3A_477 = vector.shape_cast %get3A_476 : vector<1x16xf32> to vector<16xf32>
    %bitcast_convert_type3A_478 = tpu.bitcast %get3A_477 : vector<16xf32> -> vector<16xi32>
    %shift_right_logical3A_479 = arith.constant 16 : i32
    %shift_right_logical3A_480 = vector.broadcast %shift_right_logical3A_479 : i32 to vector<16xi32>
    %shift_right_logical3A_481 = arith.shrui %bitcast_convert_type3A_478, %shift_right_logical3A_480 : vector<16xi32>
    %and3A_482 = arith.constant 1 : i32
    %and3A_483 = vector.broadcast %and3A_482 : i32 to vector<16xi32>
    %and3A_484 = arith.andi %shift_right_logical3A_481, %and3A_483 : vector<16xi32>
    %add3A_485 = arith.constant 32767 : i32
    %add3A_486 = vector.broadcast %add3A_485 : i32 to vector<16xi32>
    %add3A_487 = arith.addi %bitcast_convert_type3A_478, %add3A_486 : vector<16xi32>
    %add3A_488 = arith.addi %add3A_487, %and3A_484 : vector<16xi32>
    %and3A_489 = arith.constant -65536 : i32
    %and3A_490 = vector.broadcast %and3A_489 : i32 to vector<16xi32>
    %and3A_491 = arith.andi %add3A_488, %and3A_490 : vector<16xi32>
    %bitcast_convert_type3A_492 = tpu.bitcast %and3A_491 : vector<16xi32> -> vector<16xf32>
    %swap3A_493 = arith.constant 8 : i32
    %swap3A_494 = arith.index_cast %swap3A_493 : i32 to index
    %swap3A_495 = arith.index_cast %mul3A_13 : i32 to index
    %swap3A_496 = tpu.vector_load %arg11[%swap3A_494, %swap3A_495] {strides = array<i32>} : memref<16x128xf32, #tpu.memory_space<vmem>>, vector<1x16xf32>,
    %swap3A_497 = vector.shape_cast %swap3A_496 : vector<1x16xf32> to vector<16xf32>
    %swap3A_498 = vector.shape_cast %bitcast_convert_type3A_492 : vector<16xf32> to vector<1x16xf32>
    tpu.vector_store %arg11[%swap3A_494, %swap3A_495], %swap3A_498 {strides = array<i32>} : memref<16x128xf32, #tpu.memory_space<vmem>>, vector<1x16xf32>,
    %get3A_499 = arith.constant 9 : i32
    %get3A_500 = arith.index_cast %get3A_499 : i32 to index
    %get3A_501 = arith.index_cast %mul3A_13 : i32 to index
    %get3A_502 = tpu.vector_load %arg10[%get3A_500, %get3A_501] {strides = array<i32>} : memref<16x128xf32, #tpu.memory_space<vmem>>, vector<1x16xf32>,
    %get3A_503 = vector.shape_cast %get3A_502 : vector<1x16xf32> to vector<16xf32>
    %bitcast_convert_type3A_504 = tpu.bitcast %get3A_503 : vector<16xf32> -> vector<16xi32>
    %shift_right_logical3A_505 = arith.constant 16 : i32
    %shift_right_logical3A_506 = vector.broadcast %shift_right_logical3A_505 : i32 to vector<16xi32>
    %shift_right_logical3A_507 = arith.shrui %bitcast_convert_type3A_504, %shift_right_logical3A_506 : vector<16xi32>
    %and3A_508 = arith.constant 1 : i32
    %and3A_509 = vector.broadcast %and3A_508 : i32 to vector<16xi32>
    %and3A_510 = arith.andi %shift_right_logical3A_507, %and3A_509 : vector<16xi32>
    %add3A_511 = arith.constant 32767 : i32
    %add3A_512 = vector.broadcast %add3A_511 : i32 to vector<16xi32>
    %add3A_513 = arith.addi %bitcast_convert_type3A_504, %add3A_512 : vector<16xi32>
    %add3A_514 = arith.addi %add3A_513, %and3A_510 : vector<16xi32>
    %and3A_515 = arith.constant -65536 : i32
    %and3A_516 = vector.broadcast %and3A_515 : i32 to vector<16xi32>
    %and3A_517 = arith.andi %add3A_514, %and3A_516 : vector<16xi32>
    %bitcast_convert_type3A_518 = tpu.bitcast %and3A_517 : vector<16xi32> -> vector<16xf32>
    %swap3A_519 = arith.constant 9 : i32
    %swap3A_520 = arith.index_cast %swap3A_519 : i32 to index
    %swap3A_521 = arith.index_cast %mul3A_13 : i32 to index
    %swap3A_522 = tpu.vector_load %arg10[%swap3A_520, %swap3A_521] {strides = array<i32>} : memref<16x128xf32, #tpu.memory_space<vmem>>, vector<1x16xf32>,
    %swap3A_523 = vector.shape_cast %swap3A_522 : vector<1x16xf32> to vector<16xf32>
    %swap3A_524 = vector.shape_cast %bitcast_convert_type3A_518 : vector<16xf32> to vector<1x16xf32>
    tpu.vector_store %arg10[%swap3A_520, %swap3A_521], %swap3A_524 {strides = array<i32>} : memref<16x128xf32, #tpu.memory_space<vmem>>, vector<1x16xf32>,
    %get3A_525 = arith.constant 9 : i32
    %get3A_526 = arith.index_cast %get3A_525 : i32 to index
    %get3A_527 = arith.index_cast %mul3A_13 : i32 to index
    %get3A_528 = tpu.vector_load %arg11[%get3A_526, %get3A_527] {strides = array<i32>} : memref<16x128xf32, #tpu.memory_space<vmem>>, vector<1x16xf32>,
    %get3A_529 = vector.shape_cast %get3A_528 : vector<1x16xf32> to vector<16xf32>
    %bitcast_convert_type3A_530 = tpu.bitcast %get3A_529 : vector<16xf32> -> vector<16xi32>
    %shift_right_logical3A_531 = arith.constant 16 : i32
    %shift_right_logical3A_532 = vector.broadcast %shift_right_logical3A_531 : i32 to vector<16xi32>
    %shift_right_logical3A_533 = arith.shrui %bitcast_convert_type3A_530, %shift_right_logical3A_532 : vector<16xi32>
    %and3A_534 = arith.constant 1 : i32
    %and3A_535 = vector.broadcast %and3A_534 : i32 to vector<16xi32>
    %and3A_536 = arith.andi %shift_right_logical3A_533, %and3A_535 : vector<16xi32>
    %add3A_537 = arith.constant 32767 : i32
    %add3A_538 = vector.broadcast %add3A_537 : i32 to vector<16xi32>
    %add3A_539 = arith.addi %bitcast_convert_type3A_530, %add3A_538 : vector<16xi32>
    %add3A_540 = arith.addi %add3A_539, %and3A_536 : vector<16xi32>
    %and3A_541 = arith.constant -65536 : i32
    %and3A_542 = vector.broadcast %and3A_541 : i32 to vector<16xi32>
    %and3A_543 = arith.andi %add3A_540, %and3A_542 : vector<16xi32>
    %bitcast_convert_type3A_544 = tpu.bitcast %and3A_543 : vector<16xi32> -> vector<16xf32>
    %swap3A_545 = arith.constant 9 : i32
    %swap3A_546 = arith.index_cast %swap3A_545 : i32 to index
    %swap3A_547 = arith.index_cast %mul3A_13 : i32 to index
    %swap3A_548 = tpu.vector_load %arg11[%swap3A_546, %swap3A_547] {strides = array<i32>} : memref<16x128xf32, #tpu.memory_space<vmem>>, vector<1x16xf32>,
    %swap3A_549 = vector.shape_cast %swap3A_548 : vector<1x16xf32> to vector<16xf32>
    %swap3A_550 = vector.shape_cast %bitcast_convert_type3A_544 : vector<16xf32> to vector<1x16xf32>
    tpu.vector_store %arg11[%swap3A_546, %swap3A_547], %swap3A_550 {strides = array<i32>} : memref<16x128xf32, #tpu.memory_space<vmem>>, vector<1x16xf32>,
    %get3A_551 = arith.constant 10 : i32
    %get3A_552 = arith.index_cast %get3A_551 : i32 to index
    %get3A_553 = arith.index_cast %mul3A_13 : i32 to index
    %get3A_554 = tpu.vector_load %arg10[%get3A_552, %get3A_553] {strides = array<i32>} : memref<16x128xf32, #tpu.memory_space<vmem>>, vector<1x16xf32>,
    %get3A_555 = vector.shape_cast %get3A_554 : vector<1x16xf32> to vector<16xf32>
    %bitcast_convert_type3A_556 = tpu.bitcast %get3A_555 : vector<16xf32> -> vector<16xi32>
    %shift_right_logical3A_557 = arith.constant 16 : i32
    %shift_right_logical3A_558 = vector.broadcast %shift_right_logical3A_557 : i32 to vector<16xi32>
    %shift_right_logical3A_559 = arith.shrui %bitcast_convert_type3A_556, %shift_right_logical3A_558 : vector<16xi32>
    %and3A_560 = arith.constant 1 : i32
    %and3A_561 = vector.broadcast %and3A_560 : i32 to vector<16xi32>
    %and3A_562 = arith.andi %shift_right_logical3A_559, %and3A_561 : vector<16xi32>
    %add3A_563 = arith.constant 32767 : i32
    %add3A_564 = vector.broadcast %add3A_563 : i32 to vector<16xi32>
    %add3A_565 = arith.addi %bitcast_convert_type3A_556, %add3A_564 : vector<16xi32>
    %add3A_566 = arith.addi %add3A_565, %and3A_562 : vector<16xi32>
    %and3A_567 = arith.constant -65536 : i32
    %and3A_568 = vector.broadcast %and3A_567 : i32 to vector<16xi32>
    %and3A_569 = arith.andi %add3A_566, %and3A_568 : vector<16xi32>
    %bitcast_convert_type3A_570 = tpu.bitcast %and3A_569 : vector<16xi32> -> vector<16xf32>
    %swap3A_571 = arith.constant 10 : i32
    %swap3A_572 = arith.index_cast %swap3A_571 : i32 to index
    %swap3A_573 = arith.index_cast %mul3A_13 : i32 to index
    %swap3A_574 = tpu.vector_load %arg10[%swap3A_572, %swap3A_573] {strides = array<i32>} : memref<16x128xf32, #tpu.memory_space<vmem>>, vector<1x16xf32>,
    %swap3A_575 = vector.shape_cast %swap3A_574 : vector<1x16xf32> to vector<16xf32>
    %swap3A_576 = vector.shape_cast %bitcast_convert_type3A_570 : vector<16xf32> to vector<1x16xf32>
    tpu.vector_store %arg10[%swap3A_572, %swap3A_573], %swap3A_576 {strides = array<i32>} : memref<16x128xf32, #tpu.memory_space<vmem>>, vector<1x16xf32>,
    %get3A_577 = arith.constant 10 : i32
    %get3A_578 = arith.index_cast %get3A_577 : i32 to index
    %get3A_579 = arith.index_cast %mul3A_13 : i32 to index
    %get3A_580 = tpu.vector_load %arg11[%get3A_578, %get3A_579] {strides = array<i32>} : memref<16x128xf32, #tpu.memory_space<vmem>>, vector<1x16xf32>,
    %get3A_581 = vector.shape_cast %get3A_580 : vector<1x16xf32> to vector<16xf32>
    %bitcast_convert_type3A_582 = tpu.bitcast %get3A_581 : vector<16xf32> -> vector<16xi32>
    %shift_right_logical3A_583 = arith.constant 16 : i32
    %shift_right_logical3A_584 = vector.broadcast %shift_right_logical3A_583 : i32 to vector<16xi32>
    %shift_right_logical3A_585 = arith.shrui %bitcast_convert_type3A_582, %shift_right_logical3A_584 : vector<16xi32>
    %and3A_586 = arith.constant 1 : i32
    %and3A_587 = vector.broadcast %and3A_586 : i32 to vector<16xi32>
    %and3A_588 = arith.andi %shift_right_logical3A_585, %and3A_587 : vector<16xi32>
    %add3A_589 = arith.constant 32767 : i32
    %add3A_590 = vector.broadcast %add3A_589 : i32 to vector<16xi32>
    %add3A_591 = arith.addi %bitcast_convert_type3A_582, %add3A_590 : vector<16xi32>
    %add3A_592 = arith.addi %add3A_591, %and3A_588 : vector<16xi32>
    %and3A_593 = arith.constant -65536 : i32
    %and3A_594 = vector.broadcast %and3A_593 : i32 to vector<16xi32>
    %and3A_595 = arith.andi %add3A_592, %and3A_594 : vector<16xi32>
    %bitcast_convert_type3A_596 = tpu.bitcast %and3A_595 : vector<16xi32> -> vector<16xf32>
    %swap3A_597 = arith.constant 10 : i32
    %swap3A_598 = arith.index_cast %swap3A_597 : i32 to index
    %swap3A_599 = arith.index_cast %mul3A_13 : i32 to index
    %swap3A_600 = tpu.vector_load %arg11[%swap3A_598, %swap3A_599] {strides = array<i32>} : memref<16x128xf32, #tpu.memory_space<vmem>>, vector<1x16xf32>,
    %swap3A_601 = vector.shape_cast %swap3A_600 : vector<1x16xf32> to vector<16xf32>
    %swap3A_602 = vector.shape_cast %bitcast_convert_type3A_596 : vector<16xf32> to vector<1x16xf32>
    tpu.vector_store %arg11[%swap3A_598, %swap3A_599], %swap3A_602 {strides = array<i32>} : memref<16x128xf32, #tpu.memory_space<vmem>>, vector<1x16xf32>,
    %get3A_603 = arith.constant 11 : i32
    %get3A_604 = arith.index_cast %get3A_603 : i32 to index
    %get3A_605 = arith.index_cast %mul3A_13 : i32 to index
    %get3A_606 = tpu.vector_load %arg10[%get3A_604, %get3A_605] {strides = array<i32>} : memref<16x128xf32, #tpu.memory_space<vmem>>, vector<1x16xf32>,
    %get3A_607 = vector.shape_cast %get3A_606 : vector<1x16xf32> to vector<16xf32>
    %bitcast_convert_type3A_608 = tpu.bitcast %get3A_607 : vector<16xf32> -> vector<16xi32>
    %shift_right_logical3A_609 = arith.constant 16 : i32
    %shift_right_logical3A_610 = vector.broadcast %shift_right_logical3A_609 : i32 to vector<16xi32>
    %shift_right_logical3A_611 = arith.shrui %bitcast_convert_type3A_608, %shift_right_logical3A_610 : vector<16xi32>
    %and3A_612 = arith.constant 1 : i32
    %and3A_613 = vector.broadcast %and3A_612 : i32 to vector<16xi32>
    %and3A_614 = arith.andi %shift_right_logical3A_611, %and3A_613 : vector<16xi32>
    %add3A_615 = arith.constant 32767 : i32
    %add3A_616 = vector.broadcast %add3A_615 : i32 to vector<16xi32>
    %add3A_617 = arith.addi %bitcast_convert_type3A_608, %add3A_616 : vector<16xi32>
    %add3A_618 = arith.addi %add3A_617, %and3A_614 : vector<16xi32>
    %and3A_619 = arith.constant -65536 : i32
    %and3A_620 = vector.broadcast %and3A_619 : i32 to vector<16xi32>
    %and3A_621 = arith.andi %add3A_618, %and3A_620 : vector<16xi32>
    %bitcast_convert_type3A_622 = tpu.bitcast %and3A_621 : vector<16xi32> -> vector<16xf32>
    %swap3A_623 = arith.constant 11 : i32
    %swap3A_624 = arith.index_cast %swap3A_623 : i32 to index
    %swap3A_625 = arith.index_cast %mul3A_13 : i32 to index
    %swap3A_626 = tpu.vector_load %arg10[%swap3A_624, %swap3A_625] {strides = array<i32>} : memref<16x128xf32, #tpu.memory_space<vmem>>, vector<1x16xf32>,
    %swap3A_627 = vector.shape_cast %swap3A_626 : vector<1x16xf32> to vector<16xf32>
    %swap3A_628 = vector.shape_cast %bitcast_convert_type3A_622 : vector<16xf32> to vector<1x16xf32>
    tpu.vector_store %arg10[%swap3A_624, %swap3A_625], %swap3A_628 {strides = array<i32>} : memref<16x128xf32, #tpu.memory_space<vmem>>, vector<1x16xf32>,
    %get3A_629 = arith.constant 11 : i32
    %get3A_630 = arith.index_cast %get3A_629 : i32 to index
    %get3A_631 = arith.index_cast %mul3A_13 : i32 to index
    %get3A_632 = tpu.vector_load %arg11[%get3A_630, %get3A_631] {strides = array<i32>} : memref<16x128xf32, #tpu.memory_space<vmem>>, vector<1x16xf32>,
    %get3A_633 = vector.shape_cast %get3A_632 : vector<1x16xf32> to vector<16xf32>
    %bitcast_convert_type3A_634 = tpu.bitcast %get3A_633 : vector<16xf32> -> vector<16xi32>
    %shift_right_logical3A_635 = arith.constant 16 : i32
    %shift_right_logical3A_636 = vector.broadcast %shift_right_logical3A_635 : i32 to vector<16xi32>
    %shift_right_logical3A_637 = arith.shrui %bitcast_convert_type3A_634, %shift_right_logical3A_636 : vector<16xi32>
    %and3A_638 = arith.constant 1 : i32
    %and3A_639 = vector.broadcast %and3A_638 : i32 to vector<16xi32>
    %and3A_640 = arith.andi %shift_right_logical3A_637, %and3A_639 : vector<16xi32>
    %add3A_641 = arith.constant 32767 : i32
    %add3A_642 = vector.broadcast %add3A_641 : i32 to vector<16xi32>
    %add3A_643 = arith.addi %bitcast_convert_type3A_634, %add3A_642 : vector<16xi32>
    %add3A_644 = arith.addi %add3A_643, %and3A_640 : vector<16xi32>
    %and3A_645 = arith.constant -65536 : i32
    %and3A_646 = vector.broadcast %and3A_645 : i32 to vector<16xi32>
    %and3A_647 = arith.andi %add3A_644, %and3A_646 : vector<16xi32>
    %bitcast_convert_type3A_648 = tpu.bitcast %and3A_647 : vector<16xi32> -> vector<16xf32>
    %swap3A_649 = arith.constant 11 : i32
    %swap3A_650 = arith.index_cast %swap3A_649 : i32 to index
    %swap3A_651 = arith.index_cast %mul3A_13 : i32 to index
    %swap3A_652 = tpu.vector_load %arg11[%swap3A_650, %swap3A_651] {strides = array<i32>} : memref<16x128xf32, #tpu.memory_space<vmem>>, vector<1x16xf32>,
    %swap3A_653 = vector.shape_cast %swap3A_652 : vector<1x16xf32> to vector<16xf32>
    %swap3A_654 = vector.shape_cast %bitcast_convert_type3A_648 : vector<16xf32> to vector<1x16xf32>
    tpu.vector_store %arg11[%swap3A_650, %swap3A_651], %swap3A_654 {strides = array<i32>} : memref<16x128xf32, #tpu.memory_space<vmem>>, vector<1x16xf32>,
    %get3A_655 = arith.constant 12 : i32
    %get3A_656 = arith.index_cast %get3A_655 : i32 to index
    %get3A_657 = arith.index_cast %mul3A_13 : i32 to index
    %get3A_658 = tpu.vector_load %arg10[%get3A_656, %get3A_657] {strides = array<i32>} : memref<16x128xf32, #tpu.memory_space<vmem>>, vector<1x16xf32>,
    %get3A_659 = vector.shape_cast %get3A_658 : vector<1x16xf32> to vector<16xf32>
    %bitcast_convert_type3A_660 = tpu.bitcast %get3A_659 : vector<16xf32> -> vector<16xi32>
    %shift_right_logical3A_661 = arith.constant 16 : i32
    %shift_right_logical3A_662 = vector.broadcast %shift_right_logical3A_661 : i32 to vector<16xi32>
    %shift_right_logical3A_663 = arith.shrui %bitcast_convert_type3A_660, %shift_right_logical3A_662 : vector<16xi32>
    %and3A_664 = arith.constant 1 : i32
    %and3A_665 = vector.broadcast %and3A_664 : i32 to vector<16xi32>
    %and3A_666 = arith.andi %shift_right_logical3A_663, %and3A_665 : vector<16xi32>
    %add3A_667 = arith.constant 32767 : i32
    %add3A_668 = vector.broadcast %add3A_667 : i32 to vector<16xi32>
    %add3A_669 = arith.addi %bitcast_convert_type3A_660, %add3A_668 : vector<16xi32>
    %add3A_670 = arith.addi %add3A_669, %and3A_666 : vector<16xi32>
    %and3A_671 = arith.constant -65536 : i32
    %and3A_672 = vector.broadcast %and3A_671 : i32 to vector<16xi32>
    %and3A_673 = arith.andi %add3A_670, %and3A_672 : vector<16xi32>
    %bitcast_convert_type3A_674 = tpu.bitcast %and3A_673 : vector<16xi32> -> vector<16xf32>
    %swap3A_675 = arith.constant 12 : i32
    %swap3A_676 = arith.index_cast %swap3A_675 : i32 to index
    %swap3A_677 = arith.index_cast %mul3A_13 : i32 to index
    %swap3A_678 = tpu.vector_load %arg10[%swap3A_676, %swap3A_677] {strides = array<i32>} : memref<16x128xf32, #tpu.memory_space<vmem>>, vector<1x16xf32>,
    %swap3A_679 = vector.shape_cast %swap3A_678 : vector<1x16xf32> to vector<16xf32>
    %swap3A_680 = vector.shape_cast %bitcast_convert_type3A_674 : vector<16xf32> to vector<1x16xf32>
    tpu.vector_store %arg10[%swap3A_676, %swap3A_677], %swap3A_680 {strides = array<i32>} : memref<16x128xf32, #tpu.memory_space<vmem>>, vector<1x16xf32>,
    %get3A_681 = arith.constant 12 : i32
    %get3A_682 = arith.index_cast %get3A_681 : i32 to index
    %get3A_683 = arith.index_cast %mul3A_13 : i32 to index
    %get3A_684 = tpu.vector_load %arg11[%get3A_682, %get3A_683] {strides = array<i32>} : memref<16x128xf32, #tpu.memory_space<vmem>>, vector<1x16xf32>,
    %get3A_685 = vector.shape_cast %get3A_684 : vector<1x16xf32> to vector<16xf32>
    %bitcast_convert_type3A_686 = tpu.bitcast %get3A_685 : vector<16xf32> -> vector<16xi32>
    %shift_right_logical3A_687 = arith.constant 16 : i32
    %shift_right_logical3A_688 = vector.broadcast %shift_right_logical3A_687 : i32 to vector<16xi32>
    %shift_right_logical3A_689 = arith.shrui %bitcast_convert_type3A_686, %shift_right_logical3A_688 : vector<16xi32>
    %and3A_690 = arith.constant 1 : i32
    %and3A_691 = vector.broadcast %and3A_690 : i32 to vector<16xi32>
    %and3A_692 = arith.andi %shift_right_logical3A_689, %and3A_691 : vector<16xi32>
    %add3A_693 = arith.constant 32767 : i32
    %add3A_694 = vector.broadcast %add3A_693 : i32 to vector<16xi32>
    %add3A_695 = arith.addi %bitcast_convert_type3A_686, %add3A_694 : vector<16xi32>
    %add3A_696 = arith.addi %add3A_695, %and3A_692 : vector<16xi32>
    %and3A_697 = arith.constant -65536 : i32
    %and3A_698 = vector.broadcast %and3A_697 : i32 to vector<16xi32>
    %and3A_699 = arith.andi %add3A_696, %and3A_698 : vector<16xi32>
    %bitcast_convert_type3A_700 = tpu.bitcast %and3A_699 : vector<16xi32> -> vector<16xf32>
    %swap3A_701 = arith.constant 12 : i32
    %swap3A_702 = arith.index_cast %swap3A_701 : i32 to index
    %swap3A_703 = arith.index_cast %mul3A_13 : i32 to index
    %swap3A_704 = tpu.vector_load %arg11[%swap3A_702, %swap3A_703] {strides = array<i32>} : memref<16x128xf32, #tpu.memory_space<vmem>>, vector<1x16xf32>,
    %swap3A_705 = vector.shape_cast %swap3A_704 : vector<1x16xf32> to vector<16xf32>
    %swap3A_706 = vector.shape_cast %bitcast_convert_type3A_700 : vector<16xf32> to vector<1x16xf32>
    tpu.vector_store %arg11[%swap3A_702, %swap3A_703], %swap3A_706 {strides = array<i32>} : memref<16x128xf32, #tpu.memory_space<vmem>>, vector<1x16xf32>,
    %get3A_707 = arith.constant 13 : i32
    %get3A_708 = arith.index_cast %get3A_707 : i32 to index
    %get3A_709 = arith.index_cast %mul3A_13 : i32 to index
    %get3A_710 = tpu.vector_load %arg10[%get3A_708, %get3A_709] {strides = array<i32>} : memref<16x128xf32, #tpu.memory_space<vmem>>, vector<1x16xf32>,
    %get3A_711 = vector.shape_cast %get3A_710 : vector<1x16xf32> to vector<16xf32>
    %bitcast_convert_type3A_712 = tpu.bitcast %get3A_711 : vector<16xf32> -> vector<16xi32>
    %shift_right_logical3A_713 = arith.constant 16 : i32
    %shift_right_logical3A_714 = vector.broadcast %shift_right_logical3A_713 : i32 to vector<16xi32>
    %shift_right_logical3A_715 = arith.shrui %bitcast_convert_type3A_712, %shift_right_logical3A_714 : vector<16xi32>
    %and3A_716 = arith.constant 1 : i32
    %and3A_717 = vector.broadcast %and3A_716 : i32 to vector<16xi32>
    %and3A_718 = arith.andi %shift_right_logical3A_715, %and3A_717 : vector<16xi32>
    %add3A_719 = arith.constant 32767 : i32
    %add3A_720 = vector.broadcast %add3A_719 : i32 to vector<16xi32>
    %add3A_721 = arith.addi %bitcast_convert_type3A_712, %add3A_720 : vector<16xi32>
    %add3A_722 = arith.addi %add3A_721, %and3A_718 : vector<16xi32>
    %and3A_723 = arith.constant -65536 : i32
    %and3A_724 = vector.broadcast %and3A_723 : i32 to vector<16xi32>
    %and3A_725 = arith.andi %add3A_722, %and3A_724 : vector<16xi32>
    %bitcast_convert_type3A_726 = tpu.bitcast %and3A_725 : vector<16xi32> -> vector<16xf32>
    %swap3A_727 = arith.constant 13 : i32
    %swap3A_728 = arith.index_cast %swap3A_727 : i32 to index
    %swap3A_729 = arith.index_cast %mul3A_13 : i32 to index
    %swap3A_730 = tpu.vector_load %arg10[%swap3A_728, %swap3A_729] {strides = array<i32>} : memref<16x128xf32, #tpu.memory_space<vmem>>, vector<1x16xf32>,
    %swap3A_731 = vector.shape_cast %swap3A_730 : vector<1x16xf32> to vector<16xf32>
    %swap3A_732 = vector.shape_cast %bitcast_convert_type3A_726 : vector<16xf32> to vector<1x16xf32>
    tpu.vector_store %arg10[%swap3A_728, %swap3A_729], %swap3A_732 {strides = array<i32>} : memref<16x128xf32, #tpu.memory_space<vmem>>, vector<1x16xf32>,
    %get3A_733 = arith.constant 13 : i32
    %get3A_734 = arith.index_cast %get3A_733 : i32 to index
    %get3A_735 = arith.index_cast %mul3A_13 : i32 to index
    %get3A_736 = tpu.vector_load %arg11[%get3A_734, %get3A_735] {strides = array<i32>} : memref<16x128xf32, #tpu.memory_space<vmem>>, vector<1x16xf32>,
    %get3A_737 = vector.shape_cast %get3A_736 : vector<1x16xf32> to vector<16xf32>
    %bitcast_convert_type3A_738 = tpu.bitcast %get3A_737 : vector<16xf32> -> vector<16xi32>
    %shift_right_logical3A_739 = arith.constant 16 : i32
    %shift_right_logical3A_740 = vector.broadcast %shift_right_logical3A_739 : i32 to vector<16xi32>
    %shift_right_logical3A_741 = arith.shrui %bitcast_convert_type3A_738, %shift_right_logical3A_740 : vector<16xi32>
    %and3A_742 = arith.constant 1 : i32
    %and3A_743 = vector.broadcast %and3A_742 : i32 to vector<16xi32>
    %and3A_744 = arith.andi %shift_right_logical3A_741, %and3A_743 : vector<16xi32>
    %add3A_745 = arith.constant 32767 : i32
    %add3A_746 = vector.broadcast %add3A_745 : i32 to vector<16xi32>
    %add3A_747 = arith.addi %bitcast_convert_type3A_738, %add3A_746 : vector<16xi32>
    %add3A_748 = arith.addi %add3A_747, %and3A_744 : vector<16xi32>
    %and3A_749 = arith.constant -65536 : i32
    %and3A_750 = vector.broadcast %and3A_749 : i32 to vector<16xi32>
    %and3A_751 = arith.andi %add3A_748, %and3A_750 : vector<16xi32>
    %bitcast_convert_type3A_752 = tpu.bitcast %and3A_751 : vector<16xi32> -> vector<16xf32>
    %swap3A_753 = arith.constant 13 : i32
    %swap3A_754 = arith.index_cast %swap3A_753 : i32 to index
    %swap3A_755 = arith.index_cast %mul3A_13 : i32 to index
    %swap3A_756 = tpu.vector_load %arg11[%swap3A_754, %swap3A_755] {strides = array<i32>} : memref<16x128xf32, #tpu.memory_space<vmem>>, vector<1x16xf32>,
    %swap3A_757 = vector.shape_cast %swap3A_756 : vector<1x16xf32> to vector<16xf32>
    %swap3A_758 = vector.shape_cast %bitcast_convert_type3A_752 : vector<16xf32> to vector<1x16xf32>
    tpu.vector_store %arg11[%swap3A_754, %swap3A_755], %swap3A_758 {strides = array<i32>} : memref<16x128xf32, #tpu.memory_space<vmem>>, vector<1x16xf32>,
    %get3A_759 = arith.constant 14 : i32
    %get3A_760 = arith.index_cast %get3A_759 : i32 to index
    %get3A_761 = arith.index_cast %mul3A_13 : i32 to index
    %get3A_762 = tpu.vector_load %arg10[%get3A_760, %get3A_761] {strides = array<i32>} : memref<16x128xf32, #tpu.memory_space<vmem>>, vector<1x16xf32>,
    %get3A_763 = vector.shape_cast %get3A_762 : vector<1x16xf32> to vector<16xf32>
    %bitcast_convert_type3A_764 = tpu.bitcast %get3A_763 : vector<16xf32> -> vector<16xi32>
    %shift_right_logical3A_765 = arith.constant 16 : i32
    %shift_right_logical3A_766 = vector.broadcast %shift_right_logical3A_765 : i32 to vector<16xi32>
    %shift_right_logical3A_767 = arith.shrui %bitcast_convert_type3A_764, %shift_right_logical3A_766 : vector<16xi32>
    %and3A_768 = arith.constant 1 : i32
    %and3A_769 = vector.broadcast %and3A_768 : i32 to vector<16xi32>
    %and3A_770 = arith.andi %shift_right_logical3A_767, %and3A_769 : vector<16xi32>
    %add3A_771 = arith.constant 32767 : i32
    %add3A_772 = vector.broadcast %add3A_771 : i32 to vector<16xi32>
    %add3A_773 = arith.addi %bitcast_convert_type3A_764, %add3A_772 : vector<16xi32>
    %add3A_774 = arith.addi %add3A_773, %and3A_770 : vector<16xi32>
    %and3A_775 = arith.constant -65536 : i32
    %and3A_776 = vector.broadcast %and3A_775 : i32 to vector<16xi32>
    %and3A_777 = arith.andi %add3A_774, %and3A_776 : vector<16xi32>
    %bitcast_convert_type3A_778 = tpu.bitcast %and3A_777 : vector<16xi32> -> vector<16xf32>
    %swap3A_779 = arith.constant 14 : i32
    %swap3A_780 = arith.index_cast %swap3A_779 : i32 to index
    %swap3A_781 = arith.index_cast %mul3A_13 : i32 to index
    %swap3A_782 = tpu.vector_load %arg10[%swap3A_780, %swap3A_781] {strides = array<i32>} : memref<16x128xf32, #tpu.memory_space<vmem>>, vector<1x16xf32>,
    %swap3A_783 = vector.shape_cast %swap3A_782 : vector<1x16xf32> to vector<16xf32>
    %swap3A_784 = vector.shape_cast %bitcast_convert_type3A_778 : vector<16xf32> to vector<1x16xf32>
    tpu.vector_store %arg10[%swap3A_780, %swap3A_781], %swap3A_784 {strides = array<i32>} : memref<16x128xf32, #tpu.memory_space<vmem>>, vector<1x16xf32>,
    %get3A_785 = arith.constant 14 : i32
    %get3A_786 = arith.index_cast %get3A_785 : i32 to index
    %get3A_787 = arith.index_cast %mul3A_13 : i32 to index
    %get3A_788 = tpu.vector_load %arg11[%get3A_786, %get3A_787] {strides = array<i32>} : memref<16x128xf32, #tpu.memory_space<vmem>>, vector<1x16xf32>,
    %get3A_789 = vector.shape_cast %get3A_788 : vector<1x16xf32> to vector<16xf32>
    %bitcast_convert_type3A_790 = tpu.bitcast %get3A_789 : vector<16xf32> -> vector<16xi32>
    %shift_right_logical3A_791 = arith.constant 16 : i32
    %shift_right_logical3A_792 = vector.broadcast %shift_right_logical3A_791 : i32 to vector<16xi32>
    %shift_right_logical3A_793 = arith.shrui %bitcast_convert_type3A_790, %shift_right_logical3A_792 : vector<16xi32>
    %and3A_794 = arith.constant 1 : i32
    %and3A_795 = vector.broadcast %and3A_794 : i32 to vector<16xi32>
    %and3A_796 = arith.andi %shift_right_logical3A_793, %and3A_795 : vector<16xi32>
    %add3A_797 = arith.constant 32767 : i32
    %add3A_798 = vector.broadcast %add3A_797 : i32 to vector<16xi32>
    %add3A_799 = arith.addi %bitcast_convert_type3A_790, %add3A_798 : vector<16xi32>
    %add3A_800 = arith.addi %add3A_799, %and3A_796 : vector<16xi32>
    %and3A_801 = arith.constant -65536 : i32
    %and3A_802 = vector.broadcast %and3A_801 : i32 to vector<16xi32>
    %and3A_803 = arith.andi %add3A_800, %and3A_802 : vector<16xi32>
    %bitcast_convert_type3A_804 = tpu.bitcast %and3A_803 : vector<16xi32> -> vector<16xf32>
    %swap3A_805 = arith.constant 14 : i32
    %swap3A_806 = arith.index_cast %swap3A_805 : i32 to index
    %swap3A_807 = arith.index_cast %mul3A_13 : i32 to index
    %swap3A_808 = tpu.vector_load %arg11[%swap3A_806, %swap3A_807] {strides = array<i32>} : memref<16x128xf32, #tpu.memory_space<vmem>>, vector<1x16xf32>,
    %swap3A_809 = vector.shape_cast %swap3A_808 : vector<1x16xf32> to vector<16xf32>
    %swap3A_810 = vector.shape_cast %bitcast_convert_type3A_804 : vector<16xf32> to vector<1x16xf32>
    tpu.vector_store %arg11[%swap3A_806, %swap3A_807], %swap3A_810 {strides = array<i32>} : memref<16x128xf32, #tpu.memory_space<vmem>>, vector<1x16xf32>,
    %get3A_811 = arith.constant 15 : i32
    %get3A_812 = arith.index_cast %get3A_811 : i32 to index
    %get3A_813 = arith.index_cast %mul3A_13 : i32 to index
    %get3A_814 = tpu.vector_load %arg10[%get3A_812, %get3A_813] {strides = array<i32>} : memref<16x128xf32, #tpu.memory_space<vmem>>, vector<1x16xf32>,
    %get3A_815 = vector.shape_cast %get3A_814 : vector<1x16xf32> to vector<16xf32>
    %bitcast_convert_type3A_816 = tpu.bitcast %get3A_815 : vector<16xf32> -> vector<16xi32>
    %shift_right_logical3A_817 = arith.constant 16 : i32
    %shift_right_logical3A_818 = vector.broadcast %shift_right_logical3A_817 : i32 to vector<16xi32>
    %shift_right_logical3A_819 = arith.shrui %bitcast_convert_type3A_816, %shift_right_logical3A_818 : vector<16xi32>
    %and3A_820 = arith.constant 1 : i32
    %and3A_821 = vector.broadcast %and3A_820 : i32 to vector<16xi32>
    %and3A_822 = arith.andi %shift_right_logical3A_819, %and3A_821 : vector<16xi32>
    %add3A_823 = arith.constant 32767 : i32
    %add3A_824 = vector.broadcast %add3A_823 : i32 to vector<16xi32>
    %add3A_825 = arith.addi %bitcast_convert_type3A_816, %add3A_824 : vector<16xi32>
    %add3A_826 = arith.addi %add3A_825, %and3A_822 : vector<16xi32>
    %and3A_827 = arith.constant -65536 : i32
    %and3A_828 = vector.broadcast %and3A_827 : i32 to vector<16xi32>
    %and3A_829 = arith.andi %add3A_826, %and3A_828 : vector<16xi32>
    %bitcast_convert_type3A_830 = tpu.bitcast %and3A_829 : vector<16xi32> -> vector<16xf32>
    %swap3A_831 = arith.constant 15 : i32
    %swap3A_832 = arith.index_cast %swap3A_831 : i32 to index
    %swap3A_833 = arith.index_cast %mul3A_13 : i32 to index
    %swap3A_834 = tpu.vector_load %arg10[%swap3A_832, %swap3A_833] {strides = array<i32>} : memref<16x128xf32, #tpu.memory_space<vmem>>, vector<1x16xf32>,
    %swap3A_835 = vector.shape_cast %swap3A_834 : vector<1x16xf32> to vector<16xf32>
    %swap3A_836 = vector.shape_cast %bitcast_convert_type3A_830 : vector<16xf32> to vector<1x16xf32>
    tpu.vector_store %arg10[%swap3A_832, %swap3A_833], %swap3A_836 {strides = array<i32>} : memref<16x128xf32, #tpu.memory_space<vmem>>, vector<1x16xf32>,
    %get3A_837 = arith.constant 15 : i32
    %get3A_838 = arith.index_cast %get3A_837 : i32 to index
    %get3A_839 = arith.index_cast %mul3A_13 : i32 to index
    %get3A_840 = tpu.vector_load %arg11[%get3A_838, %get3A_839] {strides = array<i32>} : memref<16x128xf32, #tpu.memory_space<vmem>>, vector<1x16xf32>,
    %get3A_841 = vector.shape_cast %get3A_840 : vector<1x16xf32> to vector<16xf32>
    %bitcast_convert_type3A_842 = tpu.bitcast %get3A_841 : vector<16xf32> -> vector<16xi32>
    %shift_right_logical3A_843 = arith.constant 16 : i32
    %shift_right_logical3A_844 = vector.broadcast %shift_right_logical3A_843 : i32 to vector<16xi32>
    %shift_right_logical3A_845 = arith.shrui %bitcast_convert_type3A_842, %shift_right_logical3A_844 : vector<16xi32>
    %and3A_846 = arith.constant 1 : i32
    %and3A_847 = vector.broadcast %and3A_846 : i32 to vector<16xi32>
    %and3A_848 = arith.andi %shift_right_logical3A_845, %and3A_847 : vector<16xi32>
    %add3A_849 = arith.constant 32767 : i32
    %add3A_850 = vector.broadcast %add3A_849 : i32 to vector<16xi32>
    %add3A_851 = arith.addi %bitcast_convert_type3A_842, %add3A_850 : vector<16xi32>
    %add3A_852 = arith.addi %add3A_851, %and3A_848 : vector<16xi32>
    %and3A_853 = arith.constant -65536 : i32
    %and3A_854 = vector.broadcast %and3A_853 : i32 to vector<16xi32>
    %and3A_855 = arith.andi %add3A_852, %and3A_854 : vector<16xi32>
    %bitcast_convert_type3A_856 = tpu.bitcast %and3A_855 : vector<16xi32> -> vector<16xf32>
    %swap3A_857 = arith.constant 15 : i32
    %swap3A_858 = arith.index_cast %swap3A_857 : i32 to index
    %swap3A_859 = arith.index_cast %mul3A_13 : i32 to index
    %swap3A_860 = tpu.vector_load %arg11[%swap3A_858, %swap3A_859] {strides = array<i32>} : memref<16x128xf32, #tpu.memory_space<vmem>>, vector<1x16xf32>,
    %swap3A_861 = vector.shape_cast %swap3A_860 : vector<1x16xf32> to vector<16xf32>
    %swap3A_862 = vector.shape_cast %bitcast_convert_type3A_856 : vector<16xf32> to vector<1x16xf32>
    tpu.vector_store %arg11[%swap3A_858, %swap3A_859], %swap3A_862 {strides = array<i32>} : memref<16x128xf32, #tpu.memory_space<vmem>>, vector<1x16xf32>,
    %get3A_863 = arith.constant 0 : i32
    %get3A_864 = arith.index_cast %get3A_863 : i32 to index
    %get3A_865 = arith.index_cast %mul3A_13 : i32 to index
    %get3A_866 = tpu.vector_load %arg10[%get3A_864, %get3A_865] {strides = array<i32>} : memref<16x128xf32, #tpu.memory_space<vmem>>, vector<1x16xf32>,
    %get3A_867 = vector.shape_cast %get3A_866 : vector<1x16xf32> to vector<16xf32>
    %get3A_868 = arith.constant 1 : i32
    %get3A_869 = arith.index_cast %get3A_868 : i32 to index
    %get3A_870 = arith.index_cast %mul3A_13 : i32 to index
    %get3A_871 = tpu.vector_load %arg10[%get3A_869, %get3A_870] {strides = array<i32>} : memref<16x128xf32, #tpu.memory_space<vmem>>, vector<1x16xf32>,
    %get3A_872 = vector.shape_cast %get3A_871 : vector<1x16xf32> to vector<16xf32>
    %get3A_873 = arith.constant 2 : i32
    %get3A_874 = arith.index_cast %get3A_873 : i32 to index
    %get3A_875 = arith.index_cast %mul3A_13 : i32 to index
    %get3A_876 = tpu.vector_load %arg10[%get3A_874, %get3A_875] {strides = array<i32>} : memref<16x128xf32, #tpu.memory_space<vmem>>, vector<1x16xf32>,
    %get3A_877 = vector.shape_cast %get3A_876 : vector<1x16xf32> to vector<16xf32>
    %get3A_878 = arith.constant 3 : i32
    %get3A_879 = arith.index_cast %get3A_878 : i32 to index
    %get3A_880 = arith.index_cast %mul3A_13 : i32 to index
    %get3A_881 = tpu.vector_load %arg10[%get3A_879, %get3A_880] {strides = array<i32>} : memref<16x128xf32, #tpu.memory_space<vmem>>, vector<1x16xf32>,
    %get3A_882 = vector.shape_cast %get3A_881 : vector<1x16xf32> to vector<16xf32>
    %get3A_883 = arith.constant 4 : i32
    %get3A_884 = arith.index_cast %get3A_883 : i32 to index
    %get3A_885 = arith.index_cast %mul3A_13 : i32 to index
    %get3A_886 = tpu.vector_load %arg10[%get3A_884, %get3A_885] {strides = array<i32>} : memref<16x128xf32, #tpu.memory_space<vmem>>, vector<1x16xf32>,
    %get3A_887 = vector.shape_cast %get3A_886 : vector<1x16xf32> to vector<16xf32>
    %get3A_888 = arith.constant 5 : i32
    %get3A_889 = arith.index_cast %get3A_888 : i32 to index
    %get3A_890 = arith.index_cast %mul3A_13 : i32 to index
    %get3A_891 = tpu.vector_load %arg10[%get3A_889, %get3A_890] {strides = array<i32>} : memref<16x128xf32, #tpu.memory_space<vmem>>, vector<1x16xf32>,
    %get3A_892 = vector.shape_cast %get3A_891 : vector<1x16xf32> to vector<16xf32>
    %get3A_893 = arith.constant 6 : i32
    %get3A_894 = arith.index_cast %get3A_893 : i32 to index
    %get3A_895 = arith.index_cast %mul3A_13 : i32 to index
    %get3A_896 = tpu.vector_load %arg10[%get3A_894, %get3A_895] {strides = array<i32>} : memref<16x128xf32, #tpu.memory_space<vmem>>, vector<1x16xf32>,
    %get3A_897 = vector.shape_cast %get3A_896 : vector<1x16xf32> to vector<16xf32>
    %get3A_898 = arith.constant 7 : i32
    %get3A_899 = arith.index_cast %get3A_898 : i32 to index
    %get3A_900 = arith.index_cast %mul3A_13 : i32 to index
    %get3A_901 = tpu.vector_load %arg10[%get3A_899, %get3A_900] {strides = array<i32>} : memref<16x128xf32, #tpu.memory_space<vmem>>, vector<1x16xf32>,
    %get3A_902 = vector.shape_cast %get3A_901 : vector<1x16xf32> to vector<16xf32>
    %get3A_903 = arith.constant 8 : i32
    %get3A_904 = arith.index_cast %get3A_903 : i32 to index
    %get3A_905 = arith.index_cast %mul3A_13 : i32 to index
    %get3A_906 = tpu.vector_load %arg10[%get3A_904, %get3A_905] {strides = array<i32>} : memref<16x128xf32, #tpu.memory_space<vmem>>, vector<1x16xf32>,
    %get3A_907 = vector.shape_cast %get3A_906 : vector<1x16xf32> to vector<16xf32>
    %get3A_908 = arith.constant 9 : i32
    %get3A_909 = arith.index_cast %get3A_908 : i32 to index
    %get3A_910 = arith.index_cast %mul3A_13 : i32 to index
    %get3A_911 = tpu.vector_load %arg10[%get3A_909, %get3A_910] {strides = array<i32>} : memref<16x128xf32, #tpu.memory_space<vmem>>, vector<1x16xf32>,
    %get3A_912 = vector.shape_cast %get3A_911 : vector<1x16xf32> to vector<16xf32>
    %get3A_913 = arith.constant 10 : i32
    %get3A_914 = arith.index_cast %get3A_913 : i32 to index
    %get3A_915 = arith.index_cast %mul3A_13 : i32 to index
    %get3A_916 = tpu.vector_load %arg10[%get3A_914, %get3A_915] {strides = array<i32>} : memref<16x128xf32, #tpu.memory_space<vmem>>, vector<1x16xf32>,
    %get3A_917 = vector.shape_cast %get3A_916 : vector<1x16xf32> to vector<16xf32>
    %get3A_918 = arith.constant 11 : i32
    %get3A_919 = arith.index_cast %get3A_918 : i32 to index
    %get3A_920 = arith.index_cast %mul3A_13 : i32 to index
    %get3A_921 = tpu.vector_load %arg10[%get3A_919, %get3A_920] {strides = array<i32>} : memref<16x128xf32, #tpu.memory_space<vmem>>, vector<1x16xf32>,
    %get3A_922 = vector.shape_cast %get3A_921 : vector<1x16xf32> to vector<16xf32>
    %get3A_923 = arith.constant 12 : i32
    %get3A_924 = arith.index_cast %get3A_923 : i32 to index
    %get3A_925 = arith.index_cast %mul3A_13 : i32 to index
    %get3A_926 = tpu.vector_load %arg10[%get3A_924, %get3A_925] {strides = array<i32>} : memref<16x128xf32, #tpu.memory_space<vmem>>, vector<1x16xf32>,
    %get3A_927 = vector.shape_cast %get3A_926 : vector<1x16xf32> to vector<16xf32>
    %get3A_928 = arith.constant 13 : i32
    %get3A_929 = arith.index_cast %get3A_928 : i32 to index
    %get3A_930 = arith.index_cast %mul3A_13 : i32 to index
    %get3A_931 = tpu.vector_load %arg10[%get3A_929, %get3A_930] {strides = array<i32>} : memref<16x128xf32, #tpu.memory_space<vmem>>, vector<1x16xf32>,
    %get3A_932 = vector.shape_cast %get3A_931 : vector<1x16xf32> to vector<16xf32>
    %get3A_933 = arith.constant 14 : i32
    %get3A_934 = arith.index_cast %get3A_933 : i32 to index
    %get3A_935 = arith.index_cast %mul3A_13 : i32 to index
    %get3A_936 = tpu.vector_load %arg10[%get3A_934, %get3A_935] {strides = array<i32>} : memref<16x128xf32, #tpu.memory_space<vmem>>, vector<1x16xf32>,
    %get3A_937 = vector.shape_cast %get3A_936 : vector<1x16xf32> to vector<16xf32>
    %get3A_938 = arith.constant 15 : i32
    %get3A_939 = arith.index_cast %get3A_938 : i32 to index
    %get3A_940 = arith.index_cast %mul3A_13 : i32 to index
    %get3A_941 = tpu.vector_load %arg10[%get3A_939, %get3A_940] {strides = array<i32>} : memref<16x128xf32, #tpu.memory_space<vmem>>, vector<1x16xf32>,
    %get3A_942 = vector.shape_cast %get3A_941 : vector<1x16xf32> to vector<16xf32>
    %get3A_943 = arith.constant 0 : i32
    %get3A_944 = arith.index_cast %get3A_943 : i32 to index
    %get3A_945 = arith.index_cast %mul3A_13 : i32 to index
    %get3A_946 = tpu.vector_load %arg11[%get3A_944, %get3A_945] {strides = array<i32>} : memref<16x128xf32, #tpu.memory_space<vmem>>, vector<1x16xf32>,
    %get3A_947 = vector.shape_cast %get3A_946 : vector<1x16xf32> to vector<16xf32>
    %get3A_948 = arith.constant 1 : i32
    %get3A_949 = arith.index_cast %get3A_948 : i32 to index
    %get3A_950 = arith.index_cast %mul3A_13 : i32 to index
    %get3A_951 = tpu.vector_load %arg11[%get3A_949, %get3A_950] {strides = array<i32>} : memref<16x128xf32, #tpu.memory_space<vmem>>, vector<1x16xf32>,
    %get3A_952 = vector.shape_cast %get3A_951 : vector<1x16xf32> to vector<16xf32>
    %get3A_953 = arith.constant 2 : i32
    %get3A_954 = arith.index_cast %get3A_953 : i32 to index
    %get3A_955 = arith.index_cast %mul3A_13 : i32 to index
    %get3A_956 = tpu.vector_load %arg11[%get3A_954, %get3A_955] {strides = array<i32>} : memref<16x128xf32, #tpu.memory_space<vmem>>, vector<1x16xf32>,
    %get3A_957 = vector.shape_cast %get3A_956 : vector<1x16xf32> to vector<16xf32>
    %get3A_958 = arith.constant 3 : i32
    %get3A_959 = arith.index_cast %get3A_958 : i32 to index
    %get3A_960 = arith.index_cast %mul3A_13 : i32 to index
    %get3A_961 = tpu.vector_load %arg11[%get3A_959, %get3A_960] {strides = array<i32>} : memref<16x128xf32, #tpu.memory_space<vmem>>, vector<1x16xf32>,
    %get3A_962 = vector.shape_cast %get3A_961 : vector<1x16xf32> to vector<16xf32>
    %get3A_963 = arith.constant 4 : i32
    %get3A_964 = arith.index_cast %get3A_963 : i32 to index
    %get3A_965 = arith.index_cast %mul3A_13 : i32 to index
    %get3A_966 = tpu.vector_load %arg11[%get3A_964, %get3A_965] {strides = array<i32>} : memref<16x128xf32, #tpu.memory_space<vmem>>, vector<1x16xf32>,
    %get3A_967 = vector.shape_cast %get3A_966 : vector<1x16xf32> to vector<16xf32>
    %get3A_968 = arith.constant 5 : i32
    %get3A_969 = arith.index_cast %get3A_968 : i32 to index
    %get3A_970 = arith.index_cast %mul3A_13 : i32 to index
    %get3A_971 = tpu.vector_load %arg11[%get3A_969, %get3A_970] {strides = array<i32>} : memref<16x128xf32, #tpu.memory_space<vmem>>, vector<1x16xf32>,
    %get3A_972 = vector.shape_cast %get3A_971 : vector<1x16xf32> to vector<16xf32>
    %get3A_973 = arith.constant 6 : i32
    %get3A_974 = arith.index_cast %get3A_973 : i32 to index
    %get3A_975 = arith.index_cast %mul3A_13 : i32 to index
    %get3A_976 = tpu.vector_load %arg11[%get3A_974, %get3A_975] {strides = array<i32>} : memref<16x128xf32, #tpu.memory_space<vmem>>, vector<1x16xf32>,
    %get3A_977 = vector.shape_cast %get3A_976 : vector<1x16xf32> to vector<16xf32>
    %get3A_978 = arith.constant 7 : i32
    %get3A_979 = arith.index_cast %get3A_978 : i32 to index
    %get3A_980 = arith.index_cast %mul3A_13 : i32 to index
    %get3A_981 = tpu.vector_load %arg11[%get3A_979, %get3A_980] {strides = array<i32>} : memref<16x128xf32, #tpu.memory_space<vmem>>, vector<1x16xf32>,
    %get3A_982 = vector.shape_cast %get3A_981 : vector<1x16xf32> to vector<16xf32>
    %get3A_983 = arith.constant 8 : i32
    %get3A_984 = arith.index_cast %get3A_983 : i32 to index
    %get3A_985 = arith.index_cast %mul3A_13 : i32 to index
    %get3A_986 = tpu.vector_load %arg11[%get3A_984, %get3A_985] {strides = array<i32>} : memref<16x128xf32, #tpu.memory_space<vmem>>, vector<1x16xf32>,
    %get3A_987 = vector.shape_cast %get3A_986 : vector<1x16xf32> to vector<16xf32>
    %get3A_988 = arith.constant 9 : i32
    %get3A_989 = arith.index_cast %get3A_988 : i32 to index
    %get3A_990 = arith.index_cast %mul3A_13 : i32 to index
    %get3A_991 = tpu.vector_load %arg11[%get3A_989, %get3A_990] {strides = array<i32>} : memref<16x128xf32, #tpu.memory_space<vmem>>, vector<1x16xf32>,
    %get3A_992 = vector.shape_cast %get3A_991 : vector<1x16xf32> to vector<16xf32>
    %get3A_993 = arith.constant 10 : i32
    %get3A_994 = arith.index_cast %get3A_993 : i32 to index
    %get3A_995 = arith.index_cast %mul3A_13 : i32 to index
    %get3A_996 = tpu.vector_load %arg11[%get3A_994, %get3A_995] {strides = array<i32>} : memref<16x128xf32, #tpu.memory_space<vmem>>, vector<1x16xf32>,
    %get3A_997 = vector.shape_cast %get3A_996 : vector<1x16xf32> to vector<16xf32>
    %get3A_998 = arith.constant 11 : i32
    %get3A_999 = arith.index_cast %get3A_998 : i32 to index
    %get3A_1000 = arith.index_cast %mul3A_13 : i32 to index
    %get3A_1001 = tpu.vector_load %arg11[%get3A_999, %get3A_1000] {strides = array<i32>} : memref<16x128xf32, #tpu.memory_space<vmem>>, vector<1x16xf32>,
    %get3A_1002 = vector.shape_cast %get3A_1001 : vector<1x16xf32> to vector<16xf32>
    %get3A_1003 = arith.constant 12 : i32
    %get3A_1004 = arith.index_cast %get3A_1003 : i32 to index
    %get3A_1005 = arith.index_cast %mul3A_13 : i32 to index
    %get3A_1006 = tpu.vector_load %arg11[%get3A_1004, %get3A_1005] {strides = array<i32>} : memref<16x128xf32, #tpu.memory_space<vmem>>, vector<1x16xf32>,
    %get3A_1007 = vector.shape_cast %get3A_1006 : vector<1x16xf32> to vector<16xf32>
    %get3A_1008 = arith.constant 13 : i32
    %get3A_1009 = arith.index_cast %get3A_1008 : i32 to index
    %get3A_1010 = arith.index_cast %mul3A_13 : i32 to index
    %get3A_1011 = tpu.vector_load %arg11[%get3A_1009, %get3A_1010] {strides = array<i32>} : memref<16x128xf32, #tpu.memory_space<vmem>>, vector<1x16xf32>,
    %get3A_1012 = vector.shape_cast %get3A_1011 : vector<1x16xf32> to vector<16xf32>
    %get3A_1013 = arith.constant 14 : i32
    %get3A_1014 = arith.index_cast %get3A_1013 : i32 to index
    %get3A_1015 = arith.index_cast %mul3A_13 : i32 to index
    %get3A_1016 = tpu.vector_load %arg11[%get3A_1014, %get3A_1015] {strides = array<i32>} : memref<16x128xf32, #tpu.memory_space<vmem>>, vector<1x16xf32>,
    %get3A_1017 = vector.shape_cast %get3A_1016 : vector<1x16xf32> to vector<16xf32>
    %get3A_1018 = arith.constant 15 : i32
    %get3A_1019 = arith.index_cast %get3A_1018 : i32 to index
    %get3A_1020 = arith.index_cast %mul3A_13 : i32 to index
    %get3A_1021 = tpu.vector_load %arg11[%get3A_1019, %get3A_1020] {strides = array<i32>} : memref<16x128xf32, #tpu.memory_space<vmem>>, vector<1x16xf32>,
    %get3A_1022 = vector.shape_cast %get3A_1021 : vector<1x16xf32> to vector<16xf32>
    %broadcast_in_dim3A = arith.constant 1.000000e+00 : f32
    %broadcast_in_dim3A_1023 = vector.broadcast %broadcast_in_dim3A : f32 to vector<16xf32>
    %broadcast_in_dim3A_1024 = arith.constant 0.000000e+00 : f32
    %broadcast_in_dim3A_1025 = vector.broadcast %broadcast_in_dim3A_1024 : f32 to vector<16xf32>
    %scan3A = arith.constant 0 : i32
    %scan3A_1026 = arith.constant 50 : i32
    %scan3A_1027 = arith.addi %scan3A, %scan3A_1026 : i32
    %scan3A_1028 = arith.constant 1 : i32
    %scan3A_1029:2 = scf.for %scan3A_1256 = %scan3A to %scan3A_1027 step %scan3A_1028 iter_args(%scan3A_1257 = %broadcast_in_dim3A_1023, %scan3A_1258 = %broadcast_in_dim3A_1025) -> (vector<16xf32>, vector<16xf32>)  : i32 {
      %get3A_1259 = arith.index_cast %scan3A_1256 : i32 to index
      %get3A_1260 = arith.constant 0 : index
      %get3A_1261 = tpu.vector_load %arg8[%get3A_1259, %get3A_1260] {strides = array<i32>} : memref<50x16xf32, #tpu.memory_space<vmem>>, vector<1x16xf32>,
      %get3A_1262 = vector.shape_cast %get3A_1261 : vector<1x16xf32> to vector<16xf32>
      %exp3A = math.exp %get3A_1262 : vector<16xf32>
      %slice3A = vector.extract_strided_slice %exp3A {offsets = [0], sizes = [1], strides = [1]} : vector<16xf32> to vector<1xf32>
      %squeeze3A = vector.extract %slice3A[0] : f32 from vector<1xf32>
      %slice3A_1263 = vector.extract_strided_slice %exp3A {offsets = [1], sizes = [1], strides = [1]} : vector<16xf32> to vector<1xf32>
      %squeeze3A_1264 = vector.extract %slice3A_1263[0] : f32 from vector<1xf32>
      %slice3A_1265 = vector.extract_strided_slice %exp3A {offsets = [2], sizes = [1], strides = [1]} : vector<16xf32> to vector<1xf32>
      %squeeze3A_1266 = vector.extract %slice3A_1265[0] : f32 from vector<1xf32>
      %slice3A_1267 = vector.extract_strided_slice %exp3A {offsets = [3], sizes = [1], strides = [1]} : vector<16xf32> to vector<1xf32>
      %squeeze3A_1268 = vector.extract %slice3A_1267[0] : f32 from vector<1xf32>
      %slice3A_1269 = vector.extract_strided_slice %exp3A {offsets = [4], sizes = [1], strides = [1]} : vector<16xf32> to vector<1xf32>
      %squeeze3A_1270 = vector.extract %slice3A_1269[0] : f32 from vector<1xf32>
      %slice3A_1271 = vector.extract_strided_slice %exp3A {offsets = [5], sizes = [1], strides = [1]} : vector<16xf32> to vector<1xf32>
      %squeeze3A_1272 = vector.extract %slice3A_1271[0] : f32 from vector<1xf32>
      %slice3A_1273 = vector.extract_strided_slice %exp3A {offsets = [6], sizes = [1], strides = [1]} : vector<16xf32> to vector<1xf32>
      %squeeze3A_1274 = vector.extract %slice3A_1273[0] : f32 from vector<1xf32>
      %slice3A_1275 = vector.extract_strided_slice %exp3A {offsets = [7], sizes = [1], strides = [1]} : vector<16xf32> to vector<1xf32>
      %squeeze3A_1276 = vector.extract %slice3A_1275[0] : f32 from vector<1xf32>
      %slice3A_1277 = vector.extract_strided_slice %exp3A {offsets = [8], sizes = [1], strides = [1]} : vector<16xf32> to vector<1xf32>
      %squeeze3A_1278 = vector.extract %slice3A_1277[0] : f32 from vector<1xf32>
      %slice3A_1279 = vector.extract_strided_slice %exp3A {offsets = [9], sizes = [1], strides = [1]} : vector<16xf32> to vector<1xf32>
      %squeeze3A_1280 = vector.extract %slice3A_1279[0] : f32 from vector<1xf32>
      %slice3A_1281 = vector.extract_strided_slice %exp3A {offsets = [10], sizes = [1], strides = [1]} : vector<16xf32> to vector<1xf32>
      %squeeze3A_1282 = vector.extract %slice3A_1281[0] : f32 from vector<1xf32>
      %slice3A_1283 = vector.extract_strided_slice %exp3A {offsets = [11], sizes = [1], strides = [1]} : vector<16xf32> to vector<1xf32>
      %squeeze3A_1284 = vector.extract %slice3A_1283[0] : f32 from vector<1xf32>
      %slice3A_1285 = vector.extract_strided_slice %exp3A {offsets = [12], sizes = [1], strides = [1]} : vector<16xf32> to vector<1xf32>
      %squeeze3A_1286 = vector.extract %slice3A_1285[0] : f32 from vector<1xf32>
      %slice3A_1287 = vector.extract_strided_slice %exp3A {offsets = [13], sizes = [1], strides = [1]} : vector<16xf32> to vector<1xf32>
      %squeeze3A_1288 = vector.extract %slice3A_1287[0] : f32 from vector<1xf32>
      %slice3A_1289 = vector.extract_strided_slice %exp3A {offsets = [14], sizes = [1], strides = [1]} : vector<16xf32> to vector<1xf32>
      %squeeze3A_1290 = vector.extract %slice3A_1289[0] : f32 from vector<1xf32>
      %slice3A_1291 = vector.extract_strided_slice %exp3A {offsets = [15], sizes = [1], strides = [1]} : vector<16xf32> to vector<1xf32>
      %squeeze3A_1292 = vector.extract %slice3A_1291[0] : f32 from vector<1xf32>
      %add3A_1293 = arith.addf %squeeze3A, %squeeze3A_1264 : f32
      %add3A_1294 = arith.addf %add3A_1293, %squeeze3A_1266 : f32
      %add3A_1295 = arith.addf %add3A_1294, %squeeze3A_1268 : f32
      %add3A_1296 = arith.addf %add3A_1295, %squeeze3A_1270 : f32
      %add3A_1297 = arith.addf %add3A_1296, %squeeze3A_1272 : f32
      %add3A_1298 = arith.addf %add3A_1297, %squeeze3A_1274 : f32
      %add3A_1299 = arith.addf %add3A_1298, %squeeze3A_1276 : f32
      %add3A_1300 = arith.addf %add3A_1299, %squeeze3A_1278 : f32
      %add3A_1301 = arith.addf %add3A_1300, %squeeze3A_1280 : f32
      %add3A_1302 = arith.addf %add3A_1301, %squeeze3A_1282 : f32
      %add3A_1303 = arith.addf %add3A_1302, %squeeze3A_1284 : f32
      %add3A_1304 = arith.addf %add3A_1303, %squeeze3A_1286 : f32
      %add3A_1305 = arith.addf %add3A_1304, %squeeze3A_1288 : f32
      %add3A_1306 = arith.addf %add3A_1305, %squeeze3A_1290 : f32
      %add3A_1307 = arith.addf %add3A_1306, %squeeze3A_1292 : f32
      %div3A = vector.broadcast %add3A_1307 : f32 to vector<16xf32>
      %div3A_1308 = arith.divf %exp3A, %div3A : vector<16xf32>
      %bitcast_convert_type3A_1309 = tpu.bitcast %div3A_1308 : vector<16xf32> -> vector<16xi32>
      %shift_right_logical3A_1310 = arith.constant 16 : i32
      %shift_right_logical3A_1311 = vector.broadcast %shift_right_logical3A_1310 : i32 to vector<16xi32>
      %shift_right_logical3A_1312 = arith.shrui %bitcast_convert_type3A_1309, %shift_right_logical3A_1311 : vector<16xi32>
      %and3A_1313 = arith.constant 1 : i32
      %and3A_1314 = vector.broadcast %and3A_1313 : i32 to vector<16xi32>
      %and3A_1315 = arith.andi %shift_right_logical3A_1312, %and3A_1314 : vector<16xi32>
      %add3A_1316 = arith.constant 32767 : i32
      %add3A_1317 = vector.broadcast %add3A_1316 : i32 to vector<16xi32>
      %add3A_1318 = arith.addi %bitcast_convert_type3A_1309, %add3A_1317 : vector<16xi32>
      %add3A_1319 = arith.addi %add3A_1318, %and3A_1315 : vector<16xi32>
      %and3A_1320 = arith.constant -65536 : i32
      %and3A_1321 = vector.broadcast %and3A_1320 : i32 to vector<16xi32>
      %and3A_1322 = arith.andi %add3A_1319, %and3A_1321 : vector<16xi32>
      %bitcast_convert_type3A_1323 = tpu.bitcast %and3A_1322 : vector<16xi32> -> vector<16xf32>
      %slice3A_1324 = vector.extract_strided_slice %bitcast_convert_type3A_1323 {offsets = [0], sizes = [1], strides = [1]} : vector<16xf32> to vector<1xf32>
      %squeeze3A_1325 = vector.extract %slice3A_1324[0] : f32 from vector<1xf32>
      %slice3A_1326 = vector.extract_strided_slice %bitcast_convert_type3A_1323 {offsets = [1], sizes = [1], strides = [1]} : vector<16xf32> to vector<1xf32>
      %squeeze3A_1327 = vector.extract %slice3A_1326[0] : f32 from vector<1xf32>
      %slice3A_1328 = vector.extract_strided_slice %bitcast_convert_type3A_1323 {offsets = [2], sizes = [1], strides = [1]} : vector<16xf32> to vector<1xf32>
      %squeeze3A_1329 = vector.extract %slice3A_1328[0] : f32 from vector<1xf32>
      %slice3A_1330 = vector.extract_strided_slice %bitcast_convert_type3A_1323 {offsets = [3], sizes = [1], strides = [1]} : vector<16xf32> to vector<1xf32>
      %squeeze3A_1331 = vector.extract %slice3A_1330[0] : f32 from vector<1xf32>
      %slice3A_1332 = vector.extract_strided_slice %bitcast_convert_type3A_1323 {offsets = [4], sizes = [1], strides = [1]} : vector<16xf32> to vector<1xf32>
      %squeeze3A_1333 = vector.extract %slice3A_1332[0] : f32 from vector<1xf32>
      %slice3A_1334 = vector.extract_strided_slice %bitcast_convert_type3A_1323 {offsets = [5], sizes = [1], strides = [1]} : vector<16xf32> to vector<1xf32>
      %squeeze3A_1335 = vector.extract %slice3A_1334[0] : f32 from vector<1xf32>
      %slice3A_1336 = vector.extract_strided_slice %bitcast_convert_type3A_1323 {offsets = [6], sizes = [1], strides = [1]} : vector<16xf32> to vector<1xf32>
      %squeeze3A_1337 = vector.extract %slice3A_1336[0] : f32 from vector<1xf32>
      %slice3A_1338 = vector.extract_strided_slice %bitcast_convert_type3A_1323 {offsets = [7], sizes = [1], strides = [1]} : vector<16xf32> to vector<1xf32>
      %squeeze3A_1339 = vector.extract %slice3A_1338[0] : f32 from vector<1xf32>
      %slice3A_1340 = vector.extract_strided_slice %bitcast_convert_type3A_1323 {offsets = [8], sizes = [1], strides = [1]} : vector<16xf32> to vector<1xf32>
      %squeeze3A_1341 = vector.extract %slice3A_1340[0] : f32 from vector<1xf32>
      %slice3A_1342 = vector.extract_strided_slice %bitcast_convert_type3A_1323 {offsets = [9], sizes = [1], strides = [1]} : vector<16xf32> to vector<1xf32>
      %squeeze3A_1343 = vector.extract %slice3A_1342[0] : f32 from vector<1xf32>
      %slice3A_1344 = vector.extract_strided_slice %bitcast_convert_type3A_1323 {offsets = [10], sizes = [1], strides = [1]} : vector<16xf32> to vector<1xf32>
      %squeeze3A_1345 = vector.extract %slice3A_1344[0] : f32 from vector<1xf32>
      %slice3A_1346 = vector.extract_strided_slice %bitcast_convert_type3A_1323 {offsets = [11], sizes = [1], strides = [1]} : vector<16xf32> to vector<1xf32>
      %squeeze3A_1347 = vector.extract %slice3A_1346[0] : f32 from vector<1xf32>
      %slice3A_1348 = vector.extract_strided_slice %bitcast_convert_type3A_1323 {offsets = [12], sizes = [1], strides = [1]} : vector<16xf32> to vector<1xf32>
      %squeeze3A_1349 = vector.extract %slice3A_1348[0] : f32 from vector<1xf32>
      %slice3A_1350 = vector.extract_strided_slice %bitcast_convert_type3A_1323 {offsets = [13], sizes = [1], strides = [1]} : vector<16xf32> to vector<1xf32>
      %squeeze3A_1351 = vector.extract %slice3A_1350[0] : f32 from vector<1xf32>
      %slice3A_1352 = vector.extract_strided_slice %bitcast_convert_type3A_1323 {offsets = [14], sizes = [1], strides = [1]} : vector<16xf32> to vector<1xf32>
      %squeeze3A_1353 = vector.extract %slice3A_1352[0] : f32 from vector<1xf32>
      %slice3A_1354 = vector.extract_strided_slice %bitcast_convert_type3A_1323 {offsets = [15], sizes = [1], strides = [1]} : vector<16xf32> to vector<1xf32>
      %squeeze3A_1355 = vector.extract %slice3A_1354[0] : f32 from vector<1xf32>
      %mul3A_1356 = vector.broadcast %squeeze3A_1325 : f32 to vector<16xf32>
      %mul3A_1357 = arith.mulf %mul3A_1356, %get3A_867 : vector<16xf32>
      %mul3A_1358 = vector.broadcast %squeeze3A_1327 : f32 to vector<16xf32>
      %mul3A_1359 = arith.mulf %mul3A_1358, %get3A_872 : vector<16xf32>
      %mul3A_1360 = vector.broadcast %squeeze3A_1329 : f32 to vector<16xf32>
      %mul3A_1361 = arith.mulf %mul3A_1360, %get3A_877 : vector<16xf32>
      %mul3A_1362 = vector.broadcast %squeeze3A_1331 : f32 to vector<16xf32>
      %mul3A_1363 = arith.mulf %mul3A_1362, %get3A_882 : vector<16xf32>
      %mul3A_1364 = vector.broadcast %squeeze3A_1333 : f32 to vector<16xf32>
      %mul3A_1365 = arith.mulf %mul3A_1364, %get3A_887 : vector<16xf32>
      %mul3A_1366 = vector.broadcast %squeeze3A_1335 : f32 to vector<16xf32>
      %mul3A_1367 = arith.mulf %mul3A_1366, %get3A_892 : vector<16xf32>
      %mul3A_1368 = vector.broadcast %squeeze3A_1337 : f32 to vector<16xf32>
      %mul3A_1369 = arith.mulf %mul3A_1368, %get3A_897 : vector<16xf32>
      %mul3A_1370 = vector.broadcast %squeeze3A_1339 : f32 to vector<16xf32>
      %mul3A_1371 = arith.mulf %mul3A_1370, %get3A_902 : vector<16xf32>
      %mul3A_1372 = vector.broadcast %squeeze3A_1341 : f32 to vector<16xf32>
      %mul3A_1373 = arith.mulf %mul3A_1372, %get3A_907 : vector<16xf32>
      %mul3A_1374 = vector.broadcast %squeeze3A_1343 : f32 to vector<16xf32>
      %mul3A_1375 = arith.mulf %mul3A_1374, %get3A_912 : vector<16xf32>
      %mul3A_1376 = vector.broadcast %squeeze3A_1345 : f32 to vector<16xf32>
      %mul3A_1377 = arith.mulf %mul3A_1376, %get3A_917 : vector<16xf32>
      %mul3A_1378 = vector.broadcast %squeeze3A_1347 : f32 to vector<16xf32>
      %mul3A_1379 = arith.mulf %mul3A_1378, %get3A_922 : vector<16xf32>
      %mul3A_1380 = vector.broadcast %squeeze3A_1349 : f32 to vector<16xf32>
      %mul3A_1381 = arith.mulf %mul3A_1380, %get3A_927 : vector<16xf32>
      %mul3A_1382 = vector.broadcast %squeeze3A_1351 : f32 to vector<16xf32>
      %mul3A_1383 = arith.mulf %mul3A_1382, %get3A_932 : vector<16xf32>
      %mul3A_1384 = vector.broadcast %squeeze3A_1353 : f32 to vector<16xf32>
      %mul3A_1385 = arith.mulf %mul3A_1384, %get3A_937 : vector<16xf32>
      %mul3A_1386 = vector.broadcast %squeeze3A_1355 : f32 to vector<16xf32>
      %mul3A_1387 = arith.mulf %mul3A_1386, %get3A_942 : vector<16xf32>
      %add3A_1388 = arith.addf %mul3A_1357, %mul3A_1359 : vector<16xf32>
      %add3A_1389 = arith.addf %mul3A_1361, %mul3A_1363 : vector<16xf32>
      %add3A_1390 = arith.addf %mul3A_1365, %mul3A_1367 : vector<16xf32>
      %add3A_1391 = arith.addf %mul3A_1369, %mul3A_1371 : vector<16xf32>
      %add3A_1392 = arith.addf %mul3A_1373, %mul3A_1375 : vector<16xf32>
      %add3A_1393 = arith.addf %mul3A_1377, %mul3A_1379 : vector<16xf32>
      %add3A_1394 = arith.addf %mul3A_1381, %mul3A_1383 : vector<16xf32>
      %add3A_1395 = arith.addf %mul3A_1385, %mul3A_1387 : vector<16xf32>
      %add3A_1396 = arith.addf %add3A_1388, %add3A_1389 : vector<16xf32>
      %add3A_1397 = arith.addf %add3A_1390, %add3A_1391 : vector<16xf32>
      %add3A_1398 = arith.addf %add3A_1392, %add3A_1393 : vector<16xf32>
      %add3A_1399 = arith.addf %add3A_1394, %add3A_1395 : vector<16xf32>
      %add3A_1400 = arith.addf %add3A_1396, %add3A_1397 : vector<16xf32>
      %add3A_1401 = arith.addf %add3A_1398, %add3A_1399 : vector<16xf32>
      %add3A_1402 = arith.addf %add3A_1400, %add3A_1401 : vector<16xf32>
      %mul3A_1403 = vector.broadcast %squeeze3A_1325 : f32 to vector<16xf32>
      %mul3A_1404 = arith.mulf %mul3A_1403, %get3A_947 : vector<16xf32>
      %mul3A_1405 = vector.broadcast %squeeze3A_1327 : f32 to vector<16xf32>
      %mul3A_1406 = arith.mulf %mul3A_1405, %get3A_952 : vector<16xf32>
      %mul3A_1407 = vector.broadcast %squeeze3A_1329 : f32 to vector<16xf32>
      %mul3A_1408 = arith.mulf %mul3A_1407, %get3A_957 : vector<16xf32>
      %mul3A_1409 = vector.broadcast %squeeze3A_1331 : f32 to vector<16xf32>
      %mul3A_1410 = arith.mulf %mul3A_1409, %get3A_962 : vector<16xf32>
      %mul3A_1411 = vector.broadcast %squeeze3A_1333 : f32 to vector<16xf32>
      %mul3A_1412 = arith.mulf %mul3A_1411, %get3A_967 : vector<16xf32>
      %mul3A_1413 = vector.broadcast %squeeze3A_1335 : f32 to vector<16xf32>
      %mul3A_1414 = arith.mulf %mul3A_1413, %get3A_972 : vector<16xf32>
      %mul3A_1415 = vector.broadcast %squeeze3A_1337 : f32 to vector<16xf32>
      %mul3A_1416 = arith.mulf %mul3A_1415, %get3A_977 : vector<16xf32>
      %mul3A_1417 = vector.broadcast %squeeze3A_1339 : f32 to vector<16xf32>
      %mul3A_1418 = arith.mulf %mul3A_1417, %get3A_982 : vector<16xf32>
      %mul3A_1419 = vector.broadcast %squeeze3A_1341 : f32 to vector<16xf32>
      %mul3A_1420 = arith.mulf %mul3A_1419, %get3A_987 : vector<16xf32>
      %mul3A_1421 = vector.broadcast %squeeze3A_1343 : f32 to vector<16xf32>
      %mul3A_1422 = arith.mulf %mul3A_1421, %get3A_992 : vector<16xf32>
      %mul3A_1423 = vector.broadcast %squeeze3A_1345 : f32 to vector<16xf32>
      %mul3A_1424 = arith.mulf %mul3A_1423, %get3A_997 : vector<16xf32>
      %mul3A_1425 = vector.broadcast %squeeze3A_1347 : f32 to vector<16xf32>
      %mul3A_1426 = arith.mulf %mul3A_1425, %get3A_1002 : vector<16xf32>
      %mul3A_1427 = vector.broadcast %squeeze3A_1349 : f32 to vector<16xf32>
      %mul3A_1428 = arith.mulf %mul3A_1427, %get3A_1007 : vector<16xf32>
      %mul3A_1429 = vector.broadcast %squeeze3A_1351 : f32 to vector<16xf32>
      %mul3A_1430 = arith.mulf %mul3A_1429, %get3A_1012 : vector<16xf32>
      %mul3A_1431 = vector.broadcast %squeeze3A_1353 : f32 to vector<16xf32>
      %mul3A_1432 = arith.mulf %mul3A_1431, %get3A_1017 : vector<16xf32>
      %mul3A_1433 = vector.broadcast %squeeze3A_1355 : f32 to vector<16xf32>
      %mul3A_1434 = arith.mulf %mul3A_1433, %get3A_1022 : vector<16xf32>
      %add3A_1435 = arith.addf %mul3A_1404, %mul3A_1406 : vector<16xf32>
      %add3A_1436 = arith.addf %mul3A_1408, %mul3A_1410 : vector<16xf32>
      %add3A_1437 = arith.addf %mul3A_1412, %mul3A_1414 : vector<16xf32>
      %add3A_1438 = arith.addf %mul3A_1416, %mul3A_1418 : vector<16xf32>
      %add3A_1439 = arith.addf %mul3A_1420, %mul3A_1422 : vector<16xf32>
      %add3A_1440 = arith.addf %mul3A_1424, %mul3A_1426 : vector<16xf32>
      %add3A_1441 = arith.addf %mul3A_1428, %mul3A_1430 : vector<16xf32>
      %add3A_1442 = arith.addf %mul3A_1432, %mul3A_1434 : vector<16xf32>
      %add3A_1443 = arith.addf %add3A_1435, %add3A_1436 : vector<16xf32>
      %add3A_1444 = arith.addf %add3A_1437, %add3A_1438 : vector<16xf32>
      %add3A_1445 = arith.addf %add3A_1439, %add3A_1440 : vector<16xf32>
      %add3A_1446 = arith.addf %add3A_1441, %add3A_1442 : vector<16xf32>
      %add3A_1447 = arith.addf %add3A_1443, %add3A_1444 : vector<16xf32>
      %add3A_1448 = arith.addf %add3A_1445, %add3A_1446 : vector<16xf32>
      %add3A_1449 = arith.addf %add3A_1447, %add3A_1448 : vector<16xf32>
      %get3A_1450 = arith.index_cast %scan3A_1256 : i32 to index
      %get3A_1451 = arith.index_cast %mul3A_13 : i32 to index
      %get3A_1452 = tpu.vector_load %arg9[%get3A_1450, %get3A_1451] {strides = array<i32>} : memref<50x128xf32, #tpu.memory_space<vmem>>, vector<1x16xf32>,
      %get3A_1453 = vector.shape_cast %get3A_1452 : vector<1x16xf32> to vector<16xf32>
      %mul3A_1454 = arith.mulf %add3A_1402, %scan3A_1257 : vector<16xf32>
      %mul3A_1455 = arith.mulf %add3A_1402, %scan3A_1258 : vector<16xf32>
      %mul3A_1456 = arith.mulf %add3A_1402, %get3A_1453 : vector<16xf32>
      %add3A_1457 = arith.addf %mul3A_1456, %add3A_1449 : vector<16xf32>
      %add3A_1458 = arith.addf %mul3A_1455, %add3A_1457 : vector<16xf32>
      scf.yield %mul3A_1454, %add3A_1458 : vector<16xf32>, vector<16xf32>
    }
    %scan3A_1030 = arith.constant 50 : i32
    %swap3A_1031 = arith.constant 0 : index
    %swap3A_1032 = tpu.vector_load %arg12[%swap3A_1031] {strides = array<i32>} : memref<32xf32, #tpu.memory_space<vmem>>, vector<16xf32>,
    %swap3A_1033 = vector.shape_cast %swap3A_1032 : vector<16xf32> to vector<16xf32>
    %swap3A_1034 = vector.shape_cast %scan3A_1029#0 : vector<16xf32> to vector<16xf32>
    tpu.vector_store %arg12[%swap3A_1031], %swap3A_1034 {strides = array<i32>} : memref<32xf32, #tpu.memory_space<vmem>>, vector<16xf32>,
    %swap3A_1035 = arith.constant 16 : index
    %swap3A_1036 = tpu.vector_load %arg12[%swap3A_1035] {strides = array<i32>} : memref<32xf32, #tpu.memory_space<vmem>>, vector<16xf32>,
    %swap3A_1037 = vector.shape_cast %swap3A_1036 : vector<16xf32> to vector<16xf32>
    %swap3A_1038 = vector.shape_cast %scan3A_1029#1 : vector<16xf32> to vector<16xf32>
    tpu.vector_store %arg12[%swap3A_1035], %swap3A_1038 {strides = array<i32>} : memref<32xf32, #tpu.memory_space<vmem>>, vector<16xf32>,
    %eq3A_1039 = arith.constant 0 : i32
    %eq3A_1040 = arith.cmpi eq, %arg1, %eq3A_1039 : i32
    %convert_element_type3A = arith.extui %eq3A_1040 : i1 to i32
    %cond3A = arith.constant 0 : i32
    %cond3A_1041 = arith.cmpi ne, %convert_element_type3A, %cond3A : i32
    scf.if %cond3A_1041 {
      "tpu.region"() ({
        %run_scoped3A = tpu.sem_alloc : memref<!tpu.dma_semaphore, #tpu.memory_space<semaphore_mem>>
        %dma_start3A_1256 = arith.constant 0 : i32
        %dma_start3A_1257 = tpu.memref_slice %arg15[%dma_start3A_1256] : memref<1024xf32, #tpu.memory_space<vmem_shared>> -> memref<32xf32, #tpu.memory_space<vmem_shared>>
        %dma_start3A_1258 = arith.constant 0 : i32
        %dma_start3A_1259 = tpu.memref_slice %arg15[%dma_start3A_1258] : memref<1024xf32, #tpu.memory_space<vmem_shared>> -> memref<32xf32, #tpu.memory_space<vmem_shared>>
        tpu.enqueue_dma source(%arg12 : memref<32xf32, #tpu.memory_space<vmem>>) target(%dma_start3A_1259 : memref<32xf32, #tpu.memory_space<vmem_shared>>) target_semaphore(%run_scoped3A : memref<!tpu.dma_semaphore, #tpu.memory_space<semaphore_mem>>)
        %dma_wait3A_1260 = arith.constant 0 : i32
        %dma_wait3A_1261 = tpu.memref_slice %arg15[%dma_wait3A_1260] : memref<1024xf32, #tpu.memory_space<vmem_shared>> -> memref<32xf32, #tpu.memory_space<vmem_shared>>
        %dma_wait3A_1262 = arith.constant 0 : i32
        %dma_wait3A_1263 = tpu.memref_slice %arg15[%dma_wait3A_1262] : memref<1024xf32, #tpu.memory_space<vmem_shared>> -> memref<32xf32, #tpu.memory_space<vmem_shared>>
        tpu.wait_dma2 semaphore(%run_scoped3A : memref<!tpu.dma_semaphore, #tpu.memory_space<semaphore_mem>>) src(%arg12 : memref<32xf32, #tpu.memory_space<vmem>>) dst(%dma_wait3A_1263 : memref<32xf32, #tpu.memory_space<vmem_shared>>)
        tpu.yield
      }) : () -> ()
    } else {
    }
    %eq3A_1042 = arith.constant 1 : i32
    %eq3A_1043 = arith.cmpi eq, %arg1, %eq3A_1042 : i32
    %convert_element_type3A_1044 = arith.extui %eq3A_1043 : i1 to i32
    %cond3A_1045 = arith.constant 0 : i32
    %cond3A_1046 = arith.cmpi ne, %convert_element_type3A_1044, %cond3A_1045 : i32
    scf.if %cond3A_1046 {
      "tpu.region"() ({
        %run_scoped3A = tpu.sem_alloc : memref<!tpu.dma_semaphore, #tpu.memory_space<semaphore_mem>>
        %dma_start3A_1256 = arith.constant 128 : i32
        %dma_start3A_1257 = tpu.memref_slice %arg15[%dma_start3A_1256] : memref<1024xf32, #tpu.memory_space<vmem_shared>> -> memref<32xf32, #tpu.memory_space<vmem_shared>>
        %dma_start3A_1258 = arith.constant 128 : i32
        %dma_start3A_1259 = tpu.memref_slice %arg15[%dma_start3A_1258] : memref<1024xf32, #tpu.memory_space<vmem_shared>> -> memref<32xf32, #tpu.memory_space<vmem_shared>>
        tpu.enqueue_dma source(%arg12 : memref<32xf32, #tpu.memory_space<vmem>>) target(%dma_start3A_1259 : memref<32xf32, #tpu.memory_space<vmem_shared>>) target_semaphore(%run_scoped3A : memref<!tpu.dma_semaphore, #tpu.memory_space<semaphore_mem>>)
        %dma_wait3A_1260 = arith.constant 128 : i32
        %dma_wait3A_1261 = tpu.memref_slice %arg15[%dma_wait3A_1260] : memref<1024xf32, #tpu.memory_space<vmem_shared>> -> memref<32xf32, #tpu.memory_space<vmem_shared>>
        %dma_wait3A_1262 = arith.constant 128 : i32
        %dma_wait3A_1263 = tpu.memref_slice %arg15[%dma_wait3A_1262] : memref<1024xf32, #tpu.memory_space<vmem_shared>> -> memref<32xf32, #tpu.memory_space<vmem_shared>>
        tpu.wait_dma2 semaphore(%run_scoped3A : memref<!tpu.dma_semaphore, #tpu.memory_space<semaphore_mem>>) src(%arg12 : memref<32xf32, #tpu.memory_space<vmem>>) dst(%dma_wait3A_1263 : memref<32xf32, #tpu.memory_space<vmem_shared>>)
        tpu.yield
      }) : () -> ()
    } else {
    }
    %eq3A_1047 = arith.constant 2 : i32
    %eq3A_1048 = arith.cmpi eq, %arg1, %eq3A_1047 : i32
    %convert_element_type3A_1049 = arith.extui %eq3A_1048 : i1 to i32
    %cond3A_1050 = arith.constant 0 : i32
    %cond3A_1051 = arith.cmpi ne, %convert_element_type3A_1049, %cond3A_1050 : i32
    scf.if %cond3A_1051 {
      "tpu.region"() ({
        %run_scoped3A = tpu.sem_alloc : memref<!tpu.dma_semaphore, #tpu.memory_space<semaphore_mem>>
        %dma_start3A_1256 = arith.constant 256 : i32
        %dma_start3A_1257 = tpu.memref_slice %arg15[%dma_start3A_1256] : memref<1024xf32, #tpu.memory_space<vmem_shared>> -> memref<32xf32, #tpu.memory_space<vmem_shared>>
        %dma_start3A_1258 = arith.constant 256 : i32
        %dma_start3A_1259 = tpu.memref_slice %arg15[%dma_start3A_1258] : memref<1024xf32, #tpu.memory_space<vmem_shared>> -> memref<32xf32, #tpu.memory_space<vmem_shared>>
        tpu.enqueue_dma source(%arg12 : memref<32xf32, #tpu.memory_space<vmem>>) target(%dma_start3A_1259 : memref<32xf32, #tpu.memory_space<vmem_shared>>) target_semaphore(%run_scoped3A : memref<!tpu.dma_semaphore, #tpu.memory_space<semaphore_mem>>)
        %dma_wait3A_1260 = arith.constant 256 : i32
        %dma_wait3A_1261 = tpu.memref_slice %arg15[%dma_wait3A_1260] : memref<1024xf32, #tpu.memory_space<vmem_shared>> -> memref<32xf32, #tpu.memory_space<vmem_shared>>
        %dma_wait3A_1262 = arith.constant 256 : i32
        %dma_wait3A_1263 = tpu.memref_slice %arg15[%dma_wait3A_1262] : memref<1024xf32, #tpu.memory_space<vmem_shared>> -> memref<32xf32, #tpu.memory_space<vmem_shared>>
        tpu.wait_dma2 semaphore(%run_scoped3A : memref<!tpu.dma_semaphore, #tpu.memory_space<semaphore_mem>>) src(%arg12 : memref<32xf32, #tpu.memory_space<vmem>>) dst(%dma_wait3A_1263 : memref<32xf32, #tpu.memory_space<vmem_shared>>)
        tpu.yield
      }) : () -> ()
    } else {
    }
    %eq3A_1052 = arith.constant 3 : i32
    %eq3A_1053 = arith.cmpi eq, %arg1, %eq3A_1052 : i32
    %convert_element_type3A_1054 = arith.extui %eq3A_1053 : i1 to i32
    %cond3A_1055 = arith.constant 0 : i32
    %cond3A_1056 = arith.cmpi ne, %convert_element_type3A_1054, %cond3A_1055 : i32
    scf.if %cond3A_1056 {
      "tpu.region"() ({
        %run_scoped3A = tpu.sem_alloc : memref<!tpu.dma_semaphore, #tpu.memory_space<semaphore_mem>>
        %dma_start3A_1256 = arith.constant 384 : i32
        %dma_start3A_1257 = tpu.memref_slice %arg15[%dma_start3A_1256] : memref<1024xf32, #tpu.memory_space<vmem_shared>> -> memref<32xf32, #tpu.memory_space<vmem_shared>>
        %dma_start3A_1258 = arith.constant 384 : i32
        %dma_start3A_1259 = tpu.memref_slice %arg15[%dma_start3A_1258] : memref<1024xf32, #tpu.memory_space<vmem_shared>> -> memref<32xf32, #tpu.memory_space<vmem_shared>>
        tpu.enqueue_dma source(%arg12 : memref<32xf32, #tpu.memory_space<vmem>>) target(%dma_start3A_1259 : memref<32xf32, #tpu.memory_space<vmem_shared>>) target_semaphore(%run_scoped3A : memref<!tpu.dma_semaphore, #tpu.memory_space<semaphore_mem>>)
        %dma_wait3A_1260 = arith.constant 384 : i32
        %dma_wait3A_1261 = tpu.memref_slice %arg15[%dma_wait3A_1260] : memref<1024xf32, #tpu.memory_space<vmem_shared>> -> memref<32xf32, #tpu.memory_space<vmem_shared>>
        %dma_wait3A_1262 = arith.constant 384 : i32
        %dma_wait3A_1263 = tpu.memref_slice %arg15[%dma_wait3A_1262] : memref<1024xf32, #tpu.memory_space<vmem_shared>> -> memref<32xf32, #tpu.memory_space<vmem_shared>>
        tpu.wait_dma2 semaphore(%run_scoped3A : memref<!tpu.dma_semaphore, #tpu.memory_space<semaphore_mem>>) src(%arg12 : memref<32xf32, #tpu.memory_space<vmem>>) dst(%dma_wait3A_1263 : memref<32xf32, #tpu.memory_space<vmem_shared>>)
        tpu.yield
      }) : () -> ()
    } else {
    }
    %eq3A_1057 = arith.constant 4 : i32
    %eq3A_1058 = arith.cmpi eq, %arg1, %eq3A_1057 : i32
    %convert_element_type3A_1059 = arith.extui %eq3A_1058 : i1 to i32
    %cond3A_1060 = arith.constant 0 : i32
    %cond3A_1061 = arith.cmpi ne, %convert_element_type3A_1059, %cond3A_1060 : i32
    scf.if %cond3A_1061 {
      "tpu.region"() ({
        %run_scoped3A = tpu.sem_alloc : memref<!tpu.dma_semaphore, #tpu.memory_space<semaphore_mem>>
        %dma_start3A_1256 = arith.constant 512 : i32
        %dma_start3A_1257 = tpu.memref_slice %arg15[%dma_start3A_1256] : memref<1024xf32, #tpu.memory_space<vmem_shared>> -> memref<32xf32, #tpu.memory_space<vmem_shared>>
        %dma_start3A_1258 = arith.constant 512 : i32
        %dma_start3A_1259 = tpu.memref_slice %arg15[%dma_start3A_1258] : memref<1024xf32, #tpu.memory_space<vmem_shared>> -> memref<32xf32, #tpu.memory_space<vmem_shared>>
        tpu.enqueue_dma source(%arg12 : memref<32xf32, #tpu.memory_space<vmem>>) target(%dma_start3A_1259 : memref<32xf32, #tpu.memory_space<vmem_shared>>) target_semaphore(%run_scoped3A : memref<!tpu.dma_semaphore, #tpu.memory_space<semaphore_mem>>)
        %dma_wait3A_1260 = arith.constant 512 : i32
        %dma_wait3A_1261 = tpu.memref_slice %arg15[%dma_wait3A_1260] : memref<1024xf32, #tpu.memory_space<vmem_shared>> -> memref<32xf32, #tpu.memory_space<vmem_shared>>
        %dma_wait3A_1262 = arith.constant 512 : i32
        %dma_wait3A_1263 = tpu.memref_slice %arg15[%dma_wait3A_1262] : memref<1024xf32, #tpu.memory_space<vmem_shared>> -> memref<32xf32, #tpu.memory_space<vmem_shared>>
        tpu.wait_dma2 semaphore(%run_scoped3A : memref<!tpu.dma_semaphore, #tpu.memory_space<semaphore_mem>>) src(%arg12 : memref<32xf32, #tpu.memory_space<vmem>>) dst(%dma_wait3A_1263 : memref<32xf32, #tpu.memory_space<vmem_shared>>)
        tpu.yield
      }) : () -> ()
    } else {
    }
    %eq3A_1062 = arith.constant 5 : i32
    %eq3A_1063 = arith.cmpi eq, %arg1, %eq3A_1062 : i32
    %convert_element_type3A_1064 = arith.extui %eq3A_1063 : i1 to i32
    %cond3A_1065 = arith.constant 0 : i32
    %cond3A_1066 = arith.cmpi ne, %convert_element_type3A_1064, %cond3A_1065 : i32
    scf.if %cond3A_1066 {
      "tpu.region"() ({
        %run_scoped3A = tpu.sem_alloc : memref<!tpu.dma_semaphore, #tpu.memory_space<semaphore_mem>>
        %dma_start3A_1256 = arith.constant 640 : i32
        %dma_start3A_1257 = tpu.memref_slice %arg15[%dma_start3A_1256] : memref<1024xf32, #tpu.memory_space<vmem_shared>> -> memref<32xf32, #tpu.memory_space<vmem_shared>>
        %dma_start3A_1258 = arith.constant 640 : i32
        %dma_start3A_1259 = tpu.memref_slice %arg15[%dma_start3A_1258] : memref<1024xf32, #tpu.memory_space<vmem_shared>> -> memref<32xf32, #tpu.memory_space<vmem_shared>>
        tpu.enqueue_dma source(%arg12 : memref<32xf32, #tpu.memory_space<vmem>>) target(%dma_start3A_1259 : memref<32xf32, #tpu.memory_space<vmem_shared>>) target_semaphore(%run_scoped3A : memref<!tpu.dma_semaphore, #tpu.memory_space<semaphore_mem>>)
        %dma_wait3A_1260 = arith.constant 640 : i32
        %dma_wait3A_1261 = tpu.memref_slice %arg15[%dma_wait3A_1260] : memref<1024xf32, #tpu.memory_space<vmem_shared>> -> memref<32xf32, #tpu.memory_space<vmem_shared>>
        %dma_wait3A_1262 = arith.constant 640 : i32
        %dma_wait3A_1263 = tpu.memref_slice %arg15[%dma_wait3A_1262] : memref<1024xf32, #tpu.memory_space<vmem_shared>> -> memref<32xf32, #tpu.memory_space<vmem_shared>>
        tpu.wait_dma2 semaphore(%run_scoped3A : memref<!tpu.dma_semaphore, #tpu.memory_space<semaphore_mem>>) src(%arg12 : memref<32xf32, #tpu.memory_space<vmem>>) dst(%dma_wait3A_1263 : memref<32xf32, #tpu.memory_space<vmem_shared>>)
        tpu.yield
      }) : () -> ()
    } else {
    }
    %eq3A_1067 = arith.constant 6 : i32
    %eq3A_1068 = arith.cmpi eq, %arg1, %eq3A_1067 : i32
    %convert_element_type3A_1069 = arith.extui %eq3A_1068 : i1 to i32
    %cond3A_1070 = arith.constant 0 : i32
    %cond3A_1071 = arith.cmpi ne, %convert_element_type3A_1069, %cond3A_1070 : i32
    scf.if %cond3A_1071 {
      "tpu.region"() ({
        %run_scoped3A = tpu.sem_alloc : memref<!tpu.dma_semaphore, #tpu.memory_space<semaphore_mem>>
        %dma_start3A_1256 = arith.constant 768 : i32
        %dma_start3A_1257 = tpu.memref_slice %arg15[%dma_start3A_1256] : memref<1024xf32, #tpu.memory_space<vmem_shared>> -> memref<32xf32, #tpu.memory_space<vmem_shared>>
        %dma_start3A_1258 = arith.constant 768 : i32
        %dma_start3A_1259 = tpu.memref_slice %arg15[%dma_start3A_1258] : memref<1024xf32, #tpu.memory_space<vmem_shared>> -> memref<32xf32, #tpu.memory_space<vmem_shared>>
        tpu.enqueue_dma source(%arg12 : memref<32xf32, #tpu.memory_space<vmem>>) target(%dma_start3A_1259 : memref<32xf32, #tpu.memory_space<vmem_shared>>) target_semaphore(%run_scoped3A : memref<!tpu.dma_semaphore, #tpu.memory_space<semaphore_mem>>)
        %dma_wait3A_1260 = arith.constant 768 : i32
        %dma_wait3A_1261 = tpu.memref_slice %arg15[%dma_wait3A_1260] : memref<1024xf32, #tpu.memory_space<vmem_shared>> -> memref<32xf32, #tpu.memory_space<vmem_shared>>
        %dma_wait3A_1262 = arith.constant 768 : i32
        %dma_wait3A_1263 = tpu.memref_slice %arg15[%dma_wait3A_1262] : memref<1024xf32, #tpu.memory_space<vmem_shared>> -> memref<32xf32, #tpu.memory_space<vmem_shared>>
        tpu.wait_dma2 semaphore(%run_scoped3A : memref<!tpu.dma_semaphore, #tpu.memory_space<semaphore_mem>>) src(%arg12 : memref<32xf32, #tpu.memory_space<vmem>>) dst(%dma_wait3A_1263 : memref<32xf32, #tpu.memory_space<vmem_shared>>)
        tpu.yield
      }) : () -> ()
    } else {
    }
    %eq3A_1072 = arith.constant 7 : i32
    %eq3A_1073 = arith.cmpi eq, %arg1, %eq3A_1072 : i32
    %convert_element_type3A_1074 = arith.extui %eq3A_1073 : i1 to i32
    %cond3A_1075 = arith.constant 0 : i32
    %cond3A_1076 = arith.cmpi ne, %convert_element_type3A_1074, %cond3A_1075 : i32
    scf.if %cond3A_1076 {
      "tpu.region"() ({
        %run_scoped3A = tpu.sem_alloc : memref<!tpu.dma_semaphore, #tpu.memory_space<semaphore_mem>>
        %dma_start3A_1256 = arith.constant 896 : i32
        %dma_start3A_1257 = tpu.memref_slice %arg15[%dma_start3A_1256] : memref<1024xf32, #tpu.memory_space<vmem_shared>> -> memref<32xf32, #tpu.memory_space<vmem_shared>>
        %dma_start3A_1258 = arith.constant 896 : i32
        %dma_start3A_1259 = tpu.memref_slice %arg15[%dma_start3A_1258] : memref<1024xf32, #tpu.memory_space<vmem_shared>> -> memref<32xf32, #tpu.memory_space<vmem_shared>>
        tpu.enqueue_dma source(%arg12 : memref<32xf32, #tpu.memory_space<vmem>>) target(%dma_start3A_1259 : memref<32xf32, #tpu.memory_space<vmem_shared>>) target_semaphore(%run_scoped3A : memref<!tpu.dma_semaphore, #tpu.memory_space<semaphore_mem>>)
        %dma_wait3A_1260 = arith.constant 896 : i32
        %dma_wait3A_1261 = tpu.memref_slice %arg15[%dma_wait3A_1260] : memref<1024xf32, #tpu.memory_space<vmem_shared>> -> memref<32xf32, #tpu.memory_space<vmem_shared>>
        %dma_wait3A_1262 = arith.constant 896 : i32
        %dma_wait3A_1263 = tpu.memref_slice %arg15[%dma_wait3A_1262] : memref<1024xf32, #tpu.memory_space<vmem_shared>> -> memref<32xf32, #tpu.memory_space<vmem_shared>>
        tpu.wait_dma2 semaphore(%run_scoped3A : memref<!tpu.dma_semaphore, #tpu.memory_space<semaphore_mem>>) src(%arg12 : memref<32xf32, #tpu.memory_space<vmem>>) dst(%dma_wait3A_1263 : memref<32xf32, #tpu.memory_space<vmem_shared>>)
        tpu.yield
      }) : () -> ()
    } else {
    }
    %barrier3A = arith.constant 0 : index
    tpu.barrier barrier_id(%barrier3A)
    "tpu.region"() ({
      %run_scoped3A = tpu.sem_alloc : memref<!tpu.dma_semaphore, #tpu.memory_space<semaphore_mem>>
      tpu.enqueue_dma source(%arg15 : memref<1024xf32, #tpu.memory_space<vmem_shared>>) target(%arg13 : memref<1024xf32, #tpu.memory_space<vmem>>) target_semaphore(%run_scoped3A : memref<!tpu.dma_semaphore, #tpu.memory_space<semaphore_mem>>)
      tpu.wait_dma2 semaphore(%run_scoped3A : memref<!tpu.dma_semaphore, #tpu.memory_space<semaphore_mem>>) src(%arg15 : memref<1024xf32, #tpu.memory_space<vmem_shared>>) dst(%arg13 : memref<1024xf32, #tpu.memory_space<vmem>>)
      tpu.yield
    }) : () -> ()
    %get3A_1077 = arith.constant 0 : index
    %get3A_1078 = tpu.vector_load %arg13[%get3A_1077] {strides = array<i32>} : memref<1024xf32, #tpu.memory_space<vmem>>, vector<16xf32>,
    %get3A_1079 = vector.shape_cast %get3A_1078 : vector<16xf32> to vector<16xf32>
    %get3A_1080 = arith.constant 128 : index
    %get3A_1081 = tpu.vector_load %arg13[%get3A_1080] {strides = array<i32>} : memref<1024xf32, #tpu.memory_space<vmem>>, vector<16xf32>,
    %get3A_1082 = vector.shape_cast %get3A_1081 : vector<16xf32> to vector<16xf32>
    %get3A_1083 = arith.constant 256 : index
    %get3A_1084 = tpu.vector_load %arg13[%get3A_1083] {strides = array<i32>} : memref<1024xf32, #tpu.memory_space<vmem>>, vector<16xf32>,
    %get3A_1085 = vector.shape_cast %get3A_1084 : vector<16xf32> to vector<16xf32>
    %get3A_1086 = arith.constant 384 : index
    %get3A_1087 = tpu.vector_load %arg13[%get3A_1086] {strides = array<i32>} : memref<1024xf32, #tpu.memory_space<vmem>>, vector<16xf32>,
    %get3A_1088 = vector.shape_cast %get3A_1087 : vector<16xf32> to vector<16xf32>
    %get3A_1089 = arith.constant 512 : index
    %get3A_1090 = tpu.vector_load %arg13[%get3A_1089] {strides = array<i32>} : memref<1024xf32, #tpu.memory_space<vmem>>, vector<16xf32>,
    %get3A_1091 = vector.shape_cast %get3A_1090 : vector<16xf32> to vector<16xf32>
    %get3A_1092 = arith.constant 640 : index
    %get3A_1093 = tpu.vector_load %arg13[%get3A_1092] {strides = array<i32>} : memref<1024xf32, #tpu.memory_space<vmem>>, vector<16xf32>,
    %get3A_1094 = vector.shape_cast %get3A_1093 : vector<16xf32> to vector<16xf32>
    %get3A_1095 = arith.constant 768 : index
    %get3A_1096 = tpu.vector_load %arg13[%get3A_1095] {strides = array<i32>} : memref<1024xf32, #tpu.memory_space<vmem>>, vector<16xf32>,
    %get3A_1097 = vector.shape_cast %get3A_1096 : vector<16xf32> to vector<16xf32>
    %get3A_1098 = arith.constant 896 : index
    %get3A_1099 = tpu.vector_load %arg13[%get3A_1098] {strides = array<i32>} : memref<1024xf32, #tpu.memory_space<vmem>>, vector<16xf32>,
    %get3A_1100 = vector.shape_cast %get3A_1099 : vector<16xf32> to vector<16xf32>
    %get3A_1101 = arith.constant 16 : index
    %get3A_1102 = tpu.vector_load %arg13[%get3A_1101] {strides = array<i32>} : memref<1024xf32, #tpu.memory_space<vmem>>, vector<16xf32>,
    %get3A_1103 = vector.shape_cast %get3A_1102 : vector<16xf32> to vector<16xf32>
    %get3A_1104 = arith.constant 144 : index
    %get3A_1105 = tpu.vector_load %arg13[%get3A_1104] {strides = array<i32>} : memref<1024xf32, #tpu.memory_space<vmem>>, vector<16xf32>,
    %get3A_1106 = vector.shape_cast %get3A_1105 : vector<16xf32> to vector<16xf32>
    %get3A_1107 = arith.constant 272 : index
    %get3A_1108 = tpu.vector_load %arg13[%get3A_1107] {strides = array<i32>} : memref<1024xf32, #tpu.memory_space<vmem>>, vector<16xf32>,
    %get3A_1109 = vector.shape_cast %get3A_1108 : vector<16xf32> to vector<16xf32>
    %get3A_1110 = arith.constant 400 : index
    %get3A_1111 = tpu.vector_load %arg13[%get3A_1110] {strides = array<i32>} : memref<1024xf32, #tpu.memory_space<vmem>>, vector<16xf32>,
    %get3A_1112 = vector.shape_cast %get3A_1111 : vector<16xf32> to vector<16xf32>
    %get3A_1113 = arith.constant 528 : index
    %get3A_1114 = tpu.vector_load %arg13[%get3A_1113] {strides = array<i32>} : memref<1024xf32, #tpu.memory_space<vmem>>, vector<16xf32>,
    %get3A_1115 = vector.shape_cast %get3A_1114 : vector<16xf32> to vector<16xf32>
    %get3A_1116 = arith.constant 656 : index
    %get3A_1117 = tpu.vector_load %arg13[%get3A_1116] {strides = array<i32>} : memref<1024xf32, #tpu.memory_space<vmem>>, vector<16xf32>,
    %get3A_1118 = vector.shape_cast %get3A_1117 : vector<16xf32> to vector<16xf32>
    %get3A_1119 = arith.constant 784 : index
    %get3A_1120 = tpu.vector_load %arg13[%get3A_1119] {strides = array<i32>} : memref<1024xf32, #tpu.memory_space<vmem>>, vector<16xf32>,
    %get3A_1121 = vector.shape_cast %get3A_1120 : vector<16xf32> to vector<16xf32>
    %get3A_1122 = arith.constant 912 : index
    %get3A_1123 = tpu.vector_load %arg13[%get3A_1122] {strides = array<i32>} : memref<1024xf32, #tpu.memory_space<vmem>>, vector<16xf32>,
    %get3A_1124 = vector.shape_cast %get3A_1123 : vector<16xf32> to vector<16xf32>
    %dma_wait3A = arith.constant 0 : i32
    %dma_wait3A_1125 = arith.constant 0 : i32
    %dma_wait3A_1126 = tpu.memref_slice %arg14[%dma_wait3A, %dma_wait3A_1125] : memref<512x128xf32, #tpu.memory_space<vmem>> -> memref<256x128xf32, #tpu.memory_space<vmem>>
    %dma_wait3A_1127 = arith.constant 0 : i32
    %dma_wait3A_1128 = tpu.memref_slice %arg2[%mul3A_2, %dma_wait3A_1127] : memref<16384x128xf32, #tpu.memory_space<hbm>> -> memref<256x128xf32, #tpu.memory_space<hbm>>
    %dma_wait3A_1129 = arith.constant 0 : i32
    %dma_wait3A_1130 = arith.constant 0 : i32
    %dma_wait3A_1131 = tpu.memref_slice %arg14[%dma_wait3A_1129, %dma_wait3A_1130] : memref<512x128xf32, #tpu.memory_space<vmem>> -> memref<256x128xf32, #tpu.memory_space<vmem>>
    %dma_wait3A_1132 = arith.constant 0 : i32
    %dma_wait3A_1133 = tpu.memref_slice %arg2[%mul3A_2, %dma_wait3A_1132] : memref<16384x128xf32, #tpu.memory_space<hbm>> -> memref<256x128xf32, #tpu.memory_space<hbm>>
    tpu.wait_dma2 semaphore(%arg16 : memref<!tpu.dma_semaphore, #tpu.memory_space<semaphore_mem>>) src(%dma_wait3A_1133 : memref<256x128xf32, #tpu.memory_space<hbm>>) dst(%dma_wait3A_1131 : memref<256x128xf32, #tpu.memory_space<vmem>>)
    %scan3A_1134 = arith.constant 0 : i32
    %scan3A_1135 = arith.constant 0 : i32
    %scan3A_1136 = arith.constant 32 : i32
    %scan3A_1137 = arith.addi %scan3A_1135, %scan3A_1136 : i32
    %scan3A_1138 = arith.constant 1 : i32
    scf.for %scan3A_1256 = %scan3A_1135 to %scan3A_1137 step %scan3A_1138  : i32 {
      %mul3A_1257 = arith.constant 4 : i32
      %mul3A_1258 = arith.muli %scan3A_1256, %mul3A_1257 : i32
      %add3A_1259 = arith.constant 0 : i32
      %add3A_1260 = arith.addi %add3A_1259, %mul3A_1258 : i32
      %add3A_1261 = arith.constant 0 : i32
      %add3A_1262 = arith.addi %add3A_1260, %add3A_1261 : i32
      %get3A_1263 = arith.index_cast %add3A_1262 : i32 to index
      %get3A_1264 = arith.constant 0 : index
      %get3A_1265 = tpu.vector_load %arg14[%get3A_1263, %get3A_1264] {strides = array<i32>} : memref<512x128xf32, #tpu.memory_space<vmem>>, vector<1x16xf32>,
      %get3A_1266 = vector.shape_cast %get3A_1265 : vector<1x16xf32> to vector<16xf32>
      %mul3A_1267 = arith.mulf %get3A_1266, %get3A_1079 : vector<16xf32>
      %add3A_1268 = arith.addf %mul3A_1267, %get3A_1103 : vector<16xf32>
      %add3A_1269 = arith.constant 0 : i32
      %add3A_1270 = arith.addi %add3A_1260, %add3A_1269 : i32
      %swap3A_1271 = arith.index_cast %add3A_1270 : i32 to index
      %swap3A_1272 = arith.constant 0 : index
      %swap3A_1273 = tpu.vector_load %arg14[%swap3A_1271, %swap3A_1272] {strides = array<i32>} : memref<512x128xf32, #tpu.memory_space<vmem>>, vector<1x16xf32>,
      %swap3A_1274 = vector.shape_cast %swap3A_1273 : vector<1x16xf32> to vector<16xf32>
      %swap3A_1275 = vector.shape_cast %add3A_1268 : vector<16xf32> to vector<1x16xf32>
      tpu.vector_store %arg14[%swap3A_1271, %swap3A_1272], %swap3A_1275 {strides = array<i32>} : memref<512x128xf32, #tpu.memory_space<vmem>>, vector<1x16xf32>,
      %add3A_1276 = arith.constant 0 : i32
      %add3A_1277 = arith.addi %add3A_1260, %add3A_1276 : i32
      %get3A_1278 = arith.index_cast %add3A_1277 : i32 to index
      %get3A_1279 = arith.constant 16 : index
      %get3A_1280 = tpu.vector_load %arg14[%get3A_1278, %get3A_1279] {strides = array<i32>} : memref<512x128xf32, #tpu.memory_space<vmem>>, vector<1x16xf32>,
      %get3A_1281 = vector.shape_cast %get3A_1280 : vector<1x16xf32> to vector<16xf32>
      %mul3A_1282 = arith.mulf %get3A_1281, %get3A_1082 : vector<16xf32>
      %add3A_1283 = arith.addf %mul3A_1282, %get3A_1106 : vector<16xf32>
      %add3A_1284 = arith.constant 0 : i32
      %add3A_1285 = arith.addi %add3A_1260, %add3A_1284 : i32
      %swap3A_1286 = arith.index_cast %add3A_1285 : i32 to index
      %swap3A_1287 = arith.constant 16 : index
      %swap3A_1288 = tpu.vector_load %arg14[%swap3A_1286, %swap3A_1287] {strides = array<i32>} : memref<512x128xf32, #tpu.memory_space<vmem>>, vector<1x16xf32>,
      %swap3A_1289 = vector.shape_cast %swap3A_1288 : vector<1x16xf32> to vector<16xf32>
      %swap3A_1290 = vector.shape_cast %add3A_1283 : vector<16xf32> to vector<1x16xf32>
      tpu.vector_store %arg14[%swap3A_1286, %swap3A_1287], %swap3A_1290 {strides = array<i32>} : memref<512x128xf32, #tpu.memory_space<vmem>>, vector<1x16xf32>,
      %add3A_1291 = arith.constant 0 : i32
      %add3A_1292 = arith.addi %add3A_1260, %add3A_1291 : i32
      %get3A_1293 = arith.index_cast %add3A_1292 : i32 to index
      %get3A_1294 = arith.constant 32 : index
      %get3A_1295 = tpu.vector_load %arg14[%get3A_1293, %get3A_1294] {strides = array<i32>} : memref<512x128xf32, #tpu.memory_space<vmem>>, vector<1x16xf32>,
      %get3A_1296 = vector.shape_cast %get3A_1295 : vector<1x16xf32> to vector<16xf32>
      %mul3A_1297 = arith.mulf %get3A_1296, %get3A_1085 : vector<16xf32>
      %add3A_1298 = arith.addf %mul3A_1297, %get3A_1109 : vector<16xf32>
      %add3A_1299 = arith.constant 0 : i32
      %add3A_1300 = arith.addi %add3A_1260, %add3A_1299 : i32
      %swap3A_1301 = arith.index_cast %add3A_1300 : i32 to index
      %swap3A_1302 = arith.constant 32 : index
      %swap3A_1303 = tpu.vector_load %arg14[%swap3A_1301, %swap3A_1302] {strides = array<i32>} : memref<512x128xf32, #tpu.memory_space<vmem>>, vector<1x16xf32>,
      %swap3A_1304 = vector.shape_cast %swap3A_1303 : vector<1x16xf32> to vector<16xf32>
      %swap3A_1305 = vector.shape_cast %add3A_1298 : vector<16xf32> to vector<1x16xf32>
      tpu.vector_store %arg14[%swap3A_1301, %swap3A_1302], %swap3A_1305 {strides = array<i32>} : memref<512x128xf32, #tpu.memory_space<vmem>>, vector<1x16xf32>,
      %add3A_1306 = arith.constant 0 : i32
      %add3A_1307 = arith.addi %add3A_1260, %add3A_1306 : i32
      %get3A_1308 = arith.index_cast %add3A_1307 : i32 to index
      %get3A_1309 = arith.constant 48 : index
      %get3A_1310 = tpu.vector_load %arg14[%get3A_1308, %get3A_1309] {strides = array<i32>} : memref<512x128xf32, #tpu.memory_space<vmem>>, vector<1x16xf32>,
      %get3A_1311 = vector.shape_cast %get3A_1310 : vector<1x16xf32> to vector<16xf32>
      %mul3A_1312 = arith.mulf %get3A_1311, %get3A_1088 : vector<16xf32>
      %add3A_1313 = arith.addf %mul3A_1312, %get3A_1112 : vector<16xf32>
      %add3A_1314 = arith.constant 0 : i32
      %add3A_1315 = arith.addi %add3A_1260, %add3A_1314 : i32
      %swap3A_1316 = arith.index_cast %add3A_1315 : i32 to index
      %swap3A_1317 = arith.constant 48 : index
      %swap3A_1318 = tpu.vector_load %arg14[%swap3A_1316, %swap3A_1317] {strides = array<i32>} : memref<512x128xf32, #tpu.memory_space<vmem>>, vector<1x16xf32>,
      %swap3A_1319 = vector.shape_cast %swap3A_1318 : vector<1x16xf32> to vector<16xf32>
      %swap3A_1320 = vector.shape_cast %add3A_1313 : vector<16xf32> to vector<1x16xf32>
      tpu.vector_store %arg14[%swap3A_1316, %swap3A_1317], %swap3A_1320 {strides = array<i32>} : memref<512x128xf32, #tpu.memory_space<vmem>>, vector<1x16xf32>,
      %add3A_1321 = arith.constant 0 : i32
      %add3A_1322 = arith.addi %add3A_1260, %add3A_1321 : i32
      %get3A_1323 = arith.index_cast %add3A_1322 : i32 to index
      %get3A_1324 = arith.constant 64 : index
      %get3A_1325 = tpu.vector_load %arg14[%get3A_1323, %get3A_1324] {strides = array<i32>} : memref<512x128xf32, #tpu.memory_space<vmem>>, vector<1x16xf32>,
      %get3A_1326 = vector.shape_cast %get3A_1325 : vector<1x16xf32> to vector<16xf32>
      %mul3A_1327 = arith.mulf %get3A_1326, %get3A_1091 : vector<16xf32>
      %add3A_1328 = arith.addf %mul3A_1327, %get3A_1115 : vector<16xf32>
      %add3A_1329 = arith.constant 0 : i32
      %add3A_1330 = arith.addi %add3A_1260, %add3A_1329 : i32
      %swap3A_1331 = arith.index_cast %add3A_1330 : i32 to index
      %swap3A_1332 = arith.constant 64 : index
      %swap3A_1333 = tpu.vector_load %arg14[%swap3A_1331, %swap3A_1332] {strides = array<i32>} : memref<512x128xf32, #tpu.memory_space<vmem>>, vector<1x16xf32>,
      %swap3A_1334 = vector.shape_cast %swap3A_1333 : vector<1x16xf32> to vector<16xf32>
      %swap3A_1335 = vector.shape_cast %add3A_1328 : vector<16xf32> to vector<1x16xf32>
      tpu.vector_store %arg14[%swap3A_1331, %swap3A_1332], %swap3A_1335 {strides = array<i32>} : memref<512x128xf32, #tpu.memory_space<vmem>>, vector<1x16xf32>,
      %add3A_1336 = arith.constant 0 : i32
      %add3A_1337 = arith.addi %add3A_1260, %add3A_1336 : i32
      %get3A_1338 = arith.index_cast %add3A_1337 : i32 to index
      %get3A_1339 = arith.constant 80 : index
      %get3A_1340 = tpu.vector_load %arg14[%get3A_1338, %get3A_1339] {strides = array<i32>} : memref<512x128xf32, #tpu.memory_space<vmem>>, vector<1x16xf32>,
      %get3A_1341 = vector.shape_cast %get3A_1340 : vector<1x16xf32> to vector<16xf32>
      %mul3A_1342 = arith.mulf %get3A_1341, %get3A_1094 : vector<16xf32>
      %add3A_1343 = arith.addf %mul3A_1342, %get3A_1118 : vector<16xf32>
      %add3A_1344 = arith.constant 0 : i32
      %add3A_1345 = arith.addi %add3A_1260, %add3A_1344 : i32
      %swap3A_1346 = arith.index_cast %add3A_1345 : i32 to index
      %swap3A_1347 = arith.constant 80 : index
      %swap3A_1348 = tpu.vector_load %arg14[%swap3A_1346, %swap3A_1347] {strides = array<i32>} : memref<512x128xf32, #tpu.memory_space<vmem>>, vector<1x16xf32>,
      %swap3A_1349 = vector.shape_cast %swap3A_1348 : vector<1x16xf32> to vector<16xf32>
      %swap3A_1350 = vector.shape_cast %add3A_1343 : vector<16xf32> to vector<1x16xf32>
      tpu.vector_store %arg14[%swap3A_1346, %swap3A_1347], %swap3A_1350 {strides = array<i32>} : memref<512x128xf32, #tpu.memory_space<vmem>>, vector<1x16xf32>,
      %add3A_1351 = arith.constant 0 : i32
      %add3A_1352 = arith.addi %add3A_1260, %add3A_1351 : i32
      %get3A_1353 = arith.index_cast %add3A_1352 : i32 to index
      %get3A_1354 = arith.constant 96 : index
      %get3A_1355 = tpu.vector_load %arg14[%get3A_1353, %get3A_1354] {strides = array<i32>} : memref<512x128xf32, #tpu.memory_space<vmem>>, vector<1x16xf32>,
      %get3A_1356 = vector.shape_cast %get3A_1355 : vector<1x16xf32> to vector<16xf32>
      %mul3A_1357 = arith.mulf %get3A_1356, %get3A_1097 : vector<16xf32>
      %add3A_1358 = arith.addf %mul3A_1357, %get3A_1121 : vector<16xf32>
      %add3A_1359 = arith.constant 0 : i32
      %add3A_1360 = arith.addi %add3A_1260, %add3A_1359 : i32
      %swap3A_1361 = arith.index_cast %add3A_1360 : i32 to index
      %swap3A_1362 = arith.constant 96 : index
      %swap3A_1363 = tpu.vector_load %arg14[%swap3A_1361, %swap3A_1362] {strides = array<i32>} : memref<512x128xf32, #tpu.memory_space<vmem>>, vector<1x16xf32>,
      %swap3A_1364 = vector.shape_cast %swap3A_1363 : vector<1x16xf32> to vector<16xf32>
      %swap3A_1365 = vector.shape_cast %add3A_1358 : vector<16xf32> to vector<1x16xf32>
      tpu.vector_store %arg14[%swap3A_1361, %swap3A_1362], %swap3A_1365 {strides = array<i32>} : memref<512x128xf32, #tpu.memory_space<vmem>>, vector<1x16xf32>,
      %add3A_1366 = arith.constant 0 : i32
      %add3A_1367 = arith.addi %add3A_1260, %add3A_1366 : i32
      %get3A_1368 = arith.index_cast %add3A_1367 : i32 to index
      %get3A_1369 = arith.constant 112 : index
      %get3A_1370 = tpu.vector_load %arg14[%get3A_1368, %get3A_1369] {strides = array<i32>} : memref<512x128xf32, #tpu.memory_space<vmem>>, vector<1x16xf32>,
      %get3A_1371 = vector.shape_cast %get3A_1370 : vector<1x16xf32> to vector<16xf32>
      %mul3A_1372 = arith.mulf %get3A_1371, %get3A_1100 : vector<16xf32>
      %add3A_1373 = arith.addf %mul3A_1372, %get3A_1124 : vector<16xf32>
      %add3A_1374 = arith.constant 0 : i32
      %add3A_1375 = arith.addi %add3A_1260, %add3A_1374 : i32
      %swap3A_1376 = arith.index_cast %add3A_1375 : i32 to index
      %swap3A_1377 = arith.constant 112 : index
      %swap3A_1378 = tpu.vector_load %arg14[%swap3A_1376, %swap3A_1377] {strides = array<i32>} : memref<512x128xf32, #tpu.memory_space<vmem>>, vector<1x16xf32>,
      %swap3A_1379 = vector.shape_cast %swap3A_1378 : vector<1x16xf32> to vector<16xf32>
      %swap3A_1380 = vector.shape_cast %add3A_1373 : vector<16xf32> to vector<1x16xf32>
      tpu.vector_store %arg14[%swap3A_1376, %swap3A_1377], %swap3A_1380 {strides = array<i32>} : memref<512x128xf32, #tpu.memory_space<vmem>>, vector<1x16xf32>,
      %add3A_1381 = arith.constant 1 : i32
      %add3A_1382 = arith.addi %add3A_1260, %add3A_1381 : i32
      %get3A_1383 = arith.index_cast %add3A_1382 : i32 to index
      %get3A_1384 = arith.constant 0 : index
      %get3A_1385 = tpu.vector_load %arg14[%get3A_1383, %get3A_1384] {strides = array<i32>} : memref<512x128xf32, #tpu.memory_space<vmem>>, vector<1x16xf32>,
      %get3A_1386 = vector.shape_cast %get3A_1385 : vector<1x16xf32> to vector<16xf32>
      %mul3A_1387 = arith.mulf %get3A_1386, %get3A_1079 : vector<16xf32>
      %add3A_1388 = arith.addf %mul3A_1387, %get3A_1103 : vector<16xf32>
      %add3A_1389 = arith.constant 1 : i32
      %add3A_1390 = arith.addi %add3A_1260, %add3A_1389 : i32
      %swap3A_1391 = arith.index_cast %add3A_1390 : i32 to index
      %swap3A_1392 = arith.constant 0 : index
      %swap3A_1393 = tpu.vector_load %arg14[%swap3A_1391, %swap3A_1392] {strides = array<i32>} : memref<512x128xf32, #tpu.memory_space<vmem>>, vector<1x16xf32>,
      %swap3A_1394 = vector.shape_cast %swap3A_1393 : vector<1x16xf32> to vector<16xf32>
      %swap3A_1395 = vector.shape_cast %add3A_1388 : vector<16xf32> to vector<1x16xf32>
      tpu.vector_store %arg14[%swap3A_1391, %swap3A_1392], %swap3A_1395 {strides = array<i32>} : memref<512x128xf32, #tpu.memory_space<vmem>>, vector<1x16xf32>,
      %add3A_1396 = arith.constant 1 : i32
      %add3A_1397 = arith.addi %add3A_1260, %add3A_1396 : i32
      %get3A_1398 = arith.index_cast %add3A_1397 : i32 to index
      %get3A_1399 = arith.constant 16 : index
      %get3A_1400 = tpu.vector_load %arg14[%get3A_1398, %get3A_1399] {strides = array<i32>} : memref<512x128xf32, #tpu.memory_space<vmem>>, vector<1x16xf32>,
      %get3A_1401 = vector.shape_cast %get3A_1400 : vector<1x16xf32> to vector<16xf32>
      %mul3A_1402 = arith.mulf %get3A_1401, %get3A_1082 : vector<16xf32>
      %add3A_1403 = arith.addf %mul3A_1402, %get3A_1106 : vector<16xf32>
      %add3A_1404 = arith.constant 1 : i32
      %add3A_1405 = arith.addi %add3A_1260, %add3A_1404 : i32
      %swap3A_1406 = arith.index_cast %add3A_1405 : i32 to index
      %swap3A_1407 = arith.constant 16 : index
      %swap3A_1408 = tpu.vector_load %arg14[%swap3A_1406, %swap3A_1407] {strides = array<i32>} : memref<512x128xf32, #tpu.memory_space<vmem>>, vector<1x16xf32>,
      %swap3A_1409 = vector.shape_cast %swap3A_1408 : vector<1x16xf32> to vector<16xf32>
      %swap3A_1410 = vector.shape_cast %add3A_1403 : vector<16xf32> to vector<1x16xf32>
      tpu.vector_store %arg14[%swap3A_1406, %swap3A_1407], %swap3A_1410 {strides = array<i32>} : memref<512x128xf32, #tpu.memory_space<vmem>>, vector<1x16xf32>,
      %add3A_1411 = arith.constant 1 : i32
      %add3A_1412 = arith.addi %add3A_1260, %add3A_1411 : i32
      %get3A_1413 = arith.index_cast %add3A_1412 : i32 to index
      %get3A_1414 = arith.constant 32 : index
      %get3A_1415 = tpu.vector_load %arg14[%get3A_1413, %get3A_1414] {strides = array<i32>} : memref<512x128xf32, #tpu.memory_space<vmem>>, vector<1x16xf32>,
      %get3A_1416 = vector.shape_cast %get3A_1415 : vector<1x16xf32> to vector<16xf32>
      %mul3A_1417 = arith.mulf %get3A_1416, %get3A_1085 : vector<16xf32>
      %add3A_1418 = arith.addf %mul3A_1417, %get3A_1109 : vector<16xf32>
      %add3A_1419 = arith.constant 1 : i32
      %add3A_1420 = arith.addi %add3A_1260, %add3A_1419 : i32
      %swap3A_1421 = arith.index_cast %add3A_1420 : i32 to index
      %swap3A_1422 = arith.constant 32 : index
      %swap3A_1423 = tpu.vector_load %arg14[%swap3A_1421, %swap3A_1422] {strides = array<i32>} : memref<512x128xf32, #tpu.memory_space<vmem>>, vector<1x16xf32>,
      %swap3A_1424 = vector.shape_cast %swap3A_1423 : vector<1x16xf32> to vector<16xf32>
      %swap3A_1425 = vector.shape_cast %add3A_1418 : vector<16xf32> to vector<1x16xf32>
      tpu.vector_store %arg14[%swap3A_1421, %swap3A_1422], %swap3A_1425 {strides = array<i32>} : memref<512x128xf32, #tpu.memory_space<vmem>>, vector<1x16xf32>,
      %add3A_1426 = arith.constant 1 : i32
      %add3A_1427 = arith.addi %add3A_1260, %add3A_1426 : i32
      %get3A_1428 = arith.index_cast %add3A_1427 : i32 to index
      %get3A_1429 = arith.constant 48 : index
      %get3A_1430 = tpu.vector_load %arg14[%get3A_1428, %get3A_1429] {strides = array<i32>} : memref<512x128xf32, #tpu.memory_space<vmem>>, vector<1x16xf32>,
      %get3A_1431 = vector.shape_cast %get3A_1430 : vector<1x16xf32> to vector<16xf32>
      %mul3A_1432 = arith.mulf %get3A_1431, %get3A_1088 : vector<16xf32>
      %add3A_1433 = arith.addf %mul3A_1432, %get3A_1112 : vector<16xf32>
      %add3A_1434 = arith.constant 1 : i32
      %add3A_1435 = arith.addi %add3A_1260, %add3A_1434 : i32
      %swap3A_1436 = arith.index_cast %add3A_1435 : i32 to index
      %swap3A_1437 = arith.constant 48 : index
      %swap3A_1438 = tpu.vector_load %arg14[%swap3A_1436, %swap3A_1437] {strides = array<i32>} : memref<512x128xf32, #tpu.memory_space<vmem>>, vector<1x16xf32>,
      %swap3A_1439 = vector.shape_cast %swap3A_1438 : vector<1x16xf32> to vector<16xf32>
      %swap3A_1440 = vector.shape_cast %add3A_1433 : vector<16xf32> to vector<1x16xf32>
      tpu.vector_store %arg14[%swap3A_1436, %swap3A_1437], %swap3A_1440 {strides = array<i32>} : memref<512x128xf32, #tpu.memory_space<vmem>>, vector<1x16xf32>,
      %add3A_1441 = arith.constant 1 : i32
      %add3A_1442 = arith.addi %add3A_1260, %add3A_1441 : i32
      %get3A_1443 = arith.index_cast %add3A_1442 : i32 to index
      %get3A_1444 = arith.constant 64 : index
      %get3A_1445 = tpu.vector_load %arg14[%get3A_1443, %get3A_1444] {strides = array<i32>} : memref<512x128xf32, #tpu.memory_space<vmem>>, vector<1x16xf32>,
      %get3A_1446 = vector.shape_cast %get3A_1445 : vector<1x16xf32> to vector<16xf32>
      %mul3A_1447 = arith.mulf %get3A_1446, %get3A_1091 : vector<16xf32>
      %add3A_1448 = arith.addf %mul3A_1447, %get3A_1115 : vector<16xf32>
      %add3A_1449 = arith.constant 1 : i32
      %add3A_1450 = arith.addi %add3A_1260, %add3A_1449 : i32
      %swap3A_1451 = arith.index_cast %add3A_1450 : i32 to index
      %swap3A_1452 = arith.constant 64 : index
      %swap3A_1453 = tpu.vector_load %arg14[%swap3A_1451, %swap3A_1452] {strides = array<i32>} : memref<512x128xf32, #tpu.memory_space<vmem>>, vector<1x16xf32>,
      %swap3A_1454 = vector.shape_cast %swap3A_1453 : vector<1x16xf32> to vector<16xf32>
      %swap3A_1455 = vector.shape_cast %add3A_1448 : vector<16xf32> to vector<1x16xf32>
      tpu.vector_store %arg14[%swap3A_1451, %swap3A_1452], %swap3A_1455 {strides = array<i32>} : memref<512x128xf32, #tpu.memory_space<vmem>>, vector<1x16xf32>,
      %add3A_1456 = arith.constant 1 : i32
      %add3A_1457 = arith.addi %add3A_1260, %add3A_1456 : i32
      %get3A_1458 = arith.index_cast %add3A_1457 : i32 to index
      %get3A_1459 = arith.constant 80 : index
      %get3A_1460 = tpu.vector_load %arg14[%get3A_1458, %get3A_1459] {strides = array<i32>} : memref<512x128xf32, #tpu.memory_space<vmem>>, vector<1x16xf32>,
      %get3A_1461 = vector.shape_cast %get3A_1460 : vector<1x16xf32> to vector<16xf32>
      %mul3A_1462 = arith.mulf %get3A_1461, %get3A_1094 : vector<16xf32>
      %add3A_1463 = arith.addf %mul3A_1462, %get3A_1118 : vector<16xf32>
      %add3A_1464 = arith.constant 1 : i32
      %add3A_1465 = arith.addi %add3A_1260, %add3A_1464 : i32
      %swap3A_1466 = arith.index_cast %add3A_1465 : i32 to index
      %swap3A_1467 = arith.constant 80 : index
      %swap3A_1468 = tpu.vector_load %arg14[%swap3A_1466, %swap3A_1467] {strides = array<i32>} : memref<512x128xf32, #tpu.memory_space<vmem>>, vector<1x16xf32>,
      %swap3A_1469 = vector.shape_cast %swap3A_1468 : vector<1x16xf32> to vector<16xf32>
      %swap3A_1470 = vector.shape_cast %add3A_1463 : vector<16xf32> to vector<1x16xf32>
      tpu.vector_store %arg14[%swap3A_1466, %swap3A_1467], %swap3A_1470 {strides = array<i32>} : memref<512x128xf32, #tpu.memory_space<vmem>>, vector<1x16xf32>,
      %add3A_1471 = arith.constant 1 : i32
      %add3A_1472 = arith.addi %add3A_1260, %add3A_1471 : i32
      %get3A_1473 = arith.index_cast %add3A_1472 : i32 to index
      %get3A_1474 = arith.constant 96 : index
      %get3A_1475 = tpu.vector_load %arg14[%get3A_1473, %get3A_1474] {strides = array<i32>} : memref<512x128xf32, #tpu.memory_space<vmem>>, vector<1x16xf32>,
      %get3A_1476 = vector.shape_cast %get3A_1475 : vector<1x16xf32> to vector<16xf32>
      %mul3A_1477 = arith.mulf %get3A_1476, %get3A_1097 : vector<16xf32>
      %add3A_1478 = arith.addf %mul3A_1477, %get3A_1121 : vector<16xf32>
      %add3A_1479 = arith.constant 1 : i32
      %add3A_1480 = arith.addi %add3A_1260, %add3A_1479 : i32
      %swap3A_1481 = arith.index_cast %add3A_1480 : i32 to index
      %swap3A_1482 = arith.constant 96 : index
      %swap3A_1483 = tpu.vector_load %arg14[%swap3A_1481, %swap3A_1482] {strides = array<i32>} : memref<512x128xf32, #tpu.memory_space<vmem>>, vector<1x16xf32>,
      %swap3A_1484 = vector.shape_cast %swap3A_1483 : vector<1x16xf32> to vector<16xf32>
      %swap3A_1485 = vector.shape_cast %add3A_1478 : vector<16xf32> to vector<1x16xf32>
      tpu.vector_store %arg14[%swap3A_1481, %swap3A_1482], %swap3A_1485 {strides = array<i32>} : memref<512x128xf32, #tpu.memory_space<vmem>>, vector<1x16xf32>,
      %add3A_1486 = arith.constant 1 : i32
      %add3A_1487 = arith.addi %add3A_1260, %add3A_1486 : i32
      %get3A_1488 = arith.index_cast %add3A_1487 : i32 to index
      %get3A_1489 = arith.constant 112 : index
      %get3A_1490 = tpu.vector_load %arg14[%get3A_1488, %get3A_1489] {strides = array<i32>} : memref<512x128xf32, #tpu.memory_space<vmem>>, vector<1x16xf32>,
      %get3A_1491 = vector.shape_cast %get3A_1490 : vector<1x16xf32> to vector<16xf32>
      %mul3A_1492 = arith.mulf %get3A_1491, %get3A_1100 : vector<16xf32>
      %add3A_1493 = arith.addf %mul3A_1492, %get3A_1124 : vector<16xf32>
      %add3A_1494 = arith.constant 1 : i32
      %add3A_1495 = arith.addi %add3A_1260, %add3A_1494 : i32
      %swap3A_1496 = arith.index_cast %add3A_1495 : i32 to index
      %swap3A_1497 = arith.constant 112 : index
      %swap3A_1498 = tpu.vector_load %arg14[%swap3A_1496, %swap3A_1497] {strides = array<i32>} : memref<512x128xf32, #tpu.memory_space<vmem>>, vector<1x16xf32>,
      %swap3A_1499 = vector.shape_cast %swap3A_1498 : vector<1x16xf32> to vector<16xf32>
      %swap3A_1500 = vector.shape_cast %add3A_1493 : vector<16xf32> to vector<1x16xf32>
      tpu.vector_store %arg14[%swap3A_1496, %swap3A_1497], %swap3A_1500 {strides = array<i32>} : memref<512x128xf32, #tpu.memory_space<vmem>>, vector<1x16xf32>,
      %add3A_1501 = arith.constant 2 : i32
      %add3A_1502 = arith.addi %add3A_1260, %add3A_1501 : i32
      %get3A_1503 = arith.index_cast %add3A_1502 : i32 to index
      %get3A_1504 = arith.constant 0 : index
      %get3A_1505 = tpu.vector_load %arg14[%get3A_1503, %get3A_1504] {strides = array<i32>} : memref<512x128xf32, #tpu.memory_space<vmem>>, vector<1x16xf32>,
      %get3A_1506 = vector.shape_cast %get3A_1505 : vector<1x16xf32> to vector<16xf32>
      %mul3A_1507 = arith.mulf %get3A_1506, %get3A_1079 : vector<16xf32>
      %add3A_1508 = arith.addf %mul3A_1507, %get3A_1103 : vector<16xf32>
      %add3A_1509 = arith.constant 2 : i32
      %add3A_1510 = arith.addi %add3A_1260, %add3A_1509 : i32
      %swap3A_1511 = arith.index_cast %add3A_1510 : i32 to index
      %swap3A_1512 = arith.constant 0 : index
      %swap3A_1513 = tpu.vector_load %arg14[%swap3A_1511, %swap3A_1512] {strides = array<i32>} : memref<512x128xf32, #tpu.memory_space<vmem>>, vector<1x16xf32>,
      %swap3A_1514 = vector.shape_cast %swap3A_1513 : vector<1x16xf32> to vector<16xf32>
      %swap3A_1515 = vector.shape_cast %add3A_1508 : vector<16xf32> to vector<1x16xf32>
      tpu.vector_store %arg14[%swap3A_1511, %swap3A_1512], %swap3A_1515 {strides = array<i32>} : memref<512x128xf32, #tpu.memory_space<vmem>>, vector<1x16xf32>,
      %add3A_1516 = arith.constant 2 : i32
      %add3A_1517 = arith.addi %add3A_1260, %add3A_1516 : i32
      %get3A_1518 = arith.index_cast %add3A_1517 : i32 to index
      %get3A_1519 = arith.constant 16 : index
      %get3A_1520 = tpu.vector_load %arg14[%get3A_1518, %get3A_1519] {strides = array<i32>} : memref<512x128xf32, #tpu.memory_space<vmem>>, vector<1x16xf32>,
      %get3A_1521 = vector.shape_cast %get3A_1520 : vector<1x16xf32> to vector<16xf32>
      %mul3A_1522 = arith.mulf %get3A_1521, %get3A_1082 : vector<16xf32>
      %add3A_1523 = arith.addf %mul3A_1522, %get3A_1106 : vector<16xf32>
      %add3A_1524 = arith.constant 2 : i32
      %add3A_1525 = arith.addi %add3A_1260, %add3A_1524 : i32
      %swap3A_1526 = arith.index_cast %add3A_1525 : i32 to index
      %swap3A_1527 = arith.constant 16 : index
      %swap3A_1528 = tpu.vector_load %arg14[%swap3A_1526, %swap3A_1527] {strides = array<i32>} : memref<512x128xf32, #tpu.memory_space<vmem>>, vector<1x16xf32>,
      %swap3A_1529 = vector.shape_cast %swap3A_1528 : vector<1x16xf32> to vector<16xf32>
      %swap3A_1530 = vector.shape_cast %add3A_1523 : vector<16xf32> to vector<1x16xf32>
      tpu.vector_store %arg14[%swap3A_1526, %swap3A_1527], %swap3A_1530 {strides = array<i32>} : memref<512x128xf32, #tpu.memory_space<vmem>>, vector<1x16xf32>,
      %add3A_1531 = arith.constant 2 : i32
      %add3A_1532 = arith.addi %add3A_1260, %add3A_1531 : i32
      %get3A_1533 = arith.index_cast %add3A_1532 : i32 to index
      %get3A_1534 = arith.constant 32 : index
      %get3A_1535 = tpu.vector_load %arg14[%get3A_1533, %get3A_1534] {strides = array<i32>} : memref<512x128xf32, #tpu.memory_space<vmem>>, vector<1x16xf32>,
      %get3A_1536 = vector.shape_cast %get3A_1535 : vector<1x16xf32> to vector<16xf32>
      %mul3A_1537 = arith.mulf %get3A_1536, %get3A_1085 : vector<16xf32>
      %add3A_1538 = arith.addf %mul3A_1537, %get3A_1109 : vector<16xf32>
      %add3A_1539 = arith.constant 2 : i32
      %add3A_1540 = arith.addi %add3A_1260, %add3A_1539 : i32
      %swap3A_1541 = arith.index_cast %add3A_1540 : i32 to index
      %swap3A_1542 = arith.constant 32 : index
      %swap3A_1543 = tpu.vector_load %arg14[%swap3A_1541, %swap3A_1542] {strides = array<i32>} : memref<512x128xf32, #tpu.memory_space<vmem>>, vector<1x16xf32>,
      %swap3A_1544 = vector.shape_cast %swap3A_1543 : vector<1x16xf32> to vector<16xf32>
      %swap3A_1545 = vector.shape_cast %add3A_1538 : vector<16xf32> to vector<1x16xf32>
      tpu.vector_store %arg14[%swap3A_1541, %swap3A_1542], %swap3A_1545 {strides = array<i32>} : memref<512x128xf32, #tpu.memory_space<vmem>>, vector<1x16xf32>,
      %add3A_1546 = arith.constant 2 : i32
      %add3A_1547 = arith.addi %add3A_1260, %add3A_1546 : i32
      %get3A_1548 = arith.index_cast %add3A_1547 : i32 to index
      %get3A_1549 = arith.constant 48 : index
      %get3A_1550 = tpu.vector_load %arg14[%get3A_1548, %get3A_1549] {strides = array<i32>} : memref<512x128xf32, #tpu.memory_space<vmem>>, vector<1x16xf32>,
      %get3A_1551 = vector.shape_cast %get3A_1550 : vector<1x16xf32> to vector<16xf32>
      %mul3A_1552 = arith.mulf %get3A_1551, %get3A_1088 : vector<16xf32>
      %add3A_1553 = arith.addf %mul3A_1552, %get3A_1112 : vector<16xf32>
      %add3A_1554 = arith.constant 2 : i32
      %add3A_1555 = arith.addi %add3A_1260, %add3A_1554 : i32
      %swap3A_1556 = arith.index_cast %add3A_1555 : i32 to index
      %swap3A_1557 = arith.constant 48 : index
      %swap3A_1558 = tpu.vector_load %arg14[%swap3A_1556, %swap3A_1557] {strides = array<i32>} : memref<512x128xf32, #tpu.memory_space<vmem>>, vector<1x16xf32>,
      %swap3A_1559 = vector.shape_cast %swap3A_1558 : vector<1x16xf32> to vector<16xf32>
      %swap3A_1560 = vector.shape_cast %add3A_1553 : vector<16xf32> to vector<1x16xf32>
      tpu.vector_store %arg14[%swap3A_1556, %swap3A_1557], %swap3A_1560 {strides = array<i32>} : memref<512x128xf32, #tpu.memory_space<vmem>>, vector<1x16xf32>,
      %add3A_1561 = arith.constant 2 : i32
      %add3A_1562 = arith.addi %add3A_1260, %add3A_1561 : i32
      %get3A_1563 = arith.index_cast %add3A_1562 : i32 to index
      %get3A_1564 = arith.constant 64 : index
      %get3A_1565 = tpu.vector_load %arg14[%get3A_1563, %get3A_1564] {strides = array<i32>} : memref<512x128xf32, #tpu.memory_space<vmem>>, vector<1x16xf32>,
      %get3A_1566 = vector.shape_cast %get3A_1565 : vector<1x16xf32> to vector<16xf32>
      %mul3A_1567 = arith.mulf %get3A_1566, %get3A_1091 : vector<16xf32>
      %add3A_1568 = arith.addf %mul3A_1567, %get3A_1115 : vector<16xf32>
      %add3A_1569 = arith.constant 2 : i32
      %add3A_1570 = arith.addi %add3A_1260, %add3A_1569 : i32
      %swap3A_1571 = arith.index_cast %add3A_1570 : i32 to index
      %swap3A_1572 = arith.constant 64 : index
      %swap3A_1573 = tpu.vector_load %arg14[%swap3A_1571, %swap3A_1572] {strides = array<i32>} : memref<512x128xf32, #tpu.memory_space<vmem>>, vector<1x16xf32>,
      %swap3A_1574 = vector.shape_cast %swap3A_1573 : vector<1x16xf32> to vector<16xf32>
      %swap3A_1575 = vector.shape_cast %add3A_1568 : vector<16xf32> to vector<1x16xf32>
      tpu.vector_store %arg14[%swap3A_1571, %swap3A_1572], %swap3A_1575 {strides = array<i32>} : memref<512x128xf32, #tpu.memory_space<vmem>>, vector<1x16xf32>,
      %add3A_1576 = arith.constant 2 : i32
      %add3A_1577 = arith.addi %add3A_1260, %add3A_1576 : i32
      %get3A_1578 = arith.index_cast %add3A_1577 : i32 to index
      %get3A_1579 = arith.constant 80 : index
      %get3A_1580 = tpu.vector_load %arg14[%get3A_1578, %get3A_1579] {strides = array<i32>} : memref<512x128xf32, #tpu.memory_space<vmem>>, vector<1x16xf32>,
      %get3A_1581 = vector.shape_cast %get3A_1580 : vector<1x16xf32> to vector<16xf32>
      %mul3A_1582 = arith.mulf %get3A_1581, %get3A_1094 : vector<16xf32>
      %add3A_1583 = arith.addf %mul3A_1582, %get3A_1118 : vector<16xf32>
      %add3A_1584 = arith.constant 2 : i32
      %add3A_1585 = arith.addi %add3A_1260, %add3A_1584 : i32
      %swap3A_1586 = arith.index_cast %add3A_1585 : i32 to index
      %swap3A_1587 = arith.constant 80 : index
      %swap3A_1588 = tpu.vector_load %arg14[%swap3A_1586, %swap3A_1587] {strides = array<i32>} : memref<512x128xf32, #tpu.memory_space<vmem>>, vector<1x16xf32>,
      %swap3A_1589 = vector.shape_cast %swap3A_1588 : vector<1x16xf32> to vector<16xf32>
      %swap3A_1590 = vector.shape_cast %add3A_1583 : vector<16xf32> to vector<1x16xf32>
      tpu.vector_store %arg14[%swap3A_1586, %swap3A_1587], %swap3A_1590 {strides = array<i32>} : memref<512x128xf32, #tpu.memory_space<vmem>>, vector<1x16xf32>,
      %add3A_1591 = arith.constant 2 : i32
      %add3A_1592 = arith.addi %add3A_1260, %add3A_1591 : i32
      %get3A_1593 = arith.index_cast %add3A_1592 : i32 to index
      %get3A_1594 = arith.constant 96 : index
      %get3A_1595 = tpu.vector_load %arg14[%get3A_1593, %get3A_1594] {strides = array<i32>} : memref<512x128xf32, #tpu.memory_space<vmem>>, vector<1x16xf32>,
      %get3A_1596 = vector.shape_cast %get3A_1595 : vector<1x16xf32> to vector<16xf32>
      %mul3A_1597 = arith.mulf %get3A_1596, %get3A_1097 : vector<16xf32>
      %add3A_1598 = arith.addf %mul3A_1597, %get3A_1121 : vector<16xf32>
      %add3A_1599 = arith.constant 2 : i32
      %add3A_1600 = arith.addi %add3A_1260, %add3A_1599 : i32
      %swap3A_1601 = arith.index_cast %add3A_1600 : i32 to index
      %swap3A_1602 = arith.constant 96 : index
      %swap3A_1603 = tpu.vector_load %arg14[%swap3A_1601, %swap3A_1602] {strides = array<i32>} : memref<512x128xf32, #tpu.memory_space<vmem>>, vector<1x16xf32>,
      %swap3A_1604 = vector.shape_cast %swap3A_1603 : vector<1x16xf32> to vector<16xf32>
      %swap3A_1605 = vector.shape_cast %add3A_1598 : vector<16xf32> to vector<1x16xf32>
      tpu.vector_store %arg14[%swap3A_1601, %swap3A_1602], %swap3A_1605 {strides = array<i32>} : memref<512x128xf32, #tpu.memory_space<vmem>>, vector<1x16xf32>,
      %add3A_1606 = arith.constant 2 : i32
      %add3A_1607 = arith.addi %add3A_1260, %add3A_1606 : i32
      %get3A_1608 = arith.index_cast %add3A_1607 : i32 to index
      %get3A_1609 = arith.constant 112 : index
      %get3A_1610 = tpu.vector_load %arg14[%get3A_1608, %get3A_1609] {strides = array<i32>} : memref<512x128xf32, #tpu.memory_space<vmem>>, vector<1x16xf32>,
      %get3A_1611 = vector.shape_cast %get3A_1610 : vector<1x16xf32> to vector<16xf32>
      %mul3A_1612 = arith.mulf %get3A_1611, %get3A_1100 : vector<16xf32>
      %add3A_1613 = arith.addf %mul3A_1612, %get3A_1124 : vector<16xf32>
      %add3A_1614 = arith.constant 2 : i32
      %add3A_1615 = arith.addi %add3A_1260, %add3A_1614 : i32
      %swap3A_1616 = arith.index_cast %add3A_1615 : i32 to index
      %swap3A_1617 = arith.constant 112 : index
      %swap3A_1618 = tpu.vector_load %arg14[%swap3A_1616, %swap3A_1617] {strides = array<i32>} : memref<512x128xf32, #tpu.memory_space<vmem>>, vector<1x16xf32>,
      %swap3A_1619 = vector.shape_cast %swap3A_1618 : vector<1x16xf32> to vector<16xf32>
      %swap3A_1620 = vector.shape_cast %add3A_1613 : vector<16xf32> to vector<1x16xf32>
      tpu.vector_store %arg14[%swap3A_1616, %swap3A_1617], %swap3A_1620 {strides = array<i32>} : memref<512x128xf32, #tpu.memory_space<vmem>>, vector<1x16xf32>,
      %add3A_1621 = arith.constant 3 : i32
      %add3A_1622 = arith.addi %add3A_1260, %add3A_1621 : i32
      %get3A_1623 = arith.index_cast %add3A_1622 : i32 to index
      %get3A_1624 = arith.constant 0 : index
      %get3A_1625 = tpu.vector_load %arg14[%get3A_1623, %get3A_1624] {strides = array<i32>} : memref<512x128xf32, #tpu.memory_space<vmem>>, vector<1x16xf32>,
      %get3A_1626 = vector.shape_cast %get3A_1625 : vector<1x16xf32> to vector<16xf32>
      %mul3A_1627 = arith.mulf %get3A_1626, %get3A_1079 : vector<16xf32>
      %add3A_1628 = arith.addf %mul3A_1627, %get3A_1103 : vector<16xf32>
      %add3A_1629 = arith.constant 3 : i32
      %add3A_1630 = arith.addi %add3A_1260, %add3A_1629 : i32
      %swap3A_1631 = arith.index_cast %add3A_1630 : i32 to index
      %swap3A_1632 = arith.constant 0 : index
      %swap3A_1633 = tpu.vector_load %arg14[%swap3A_1631, %swap3A_1632] {strides = array<i32>} : memref<512x128xf32, #tpu.memory_space<vmem>>, vector<1x16xf32>,
      %swap3A_1634 = vector.shape_cast %swap3A_1633 : vector<1x16xf32> to vector<16xf32>
      %swap3A_1635 = vector.shape_cast %add3A_1628 : vector<16xf32> to vector<1x16xf32>
      tpu.vector_store %arg14[%swap3A_1631, %swap3A_1632], %swap3A_1635 {strides = array<i32>} : memref<512x128xf32, #tpu.memory_space<vmem>>, vector<1x16xf32>,
      %add3A_1636 = arith.constant 3 : i32
      %add3A_1637 = arith.addi %add3A_1260, %add3A_1636 : i32
      %get3A_1638 = arith.index_cast %add3A_1637 : i32 to index
      %get3A_1639 = arith.constant 16 : index
      %get3A_1640 = tpu.vector_load %arg14[%get3A_1638, %get3A_1639] {strides = array<i32>} : memref<512x128xf32, #tpu.memory_space<vmem>>, vector<1x16xf32>,
      %get3A_1641 = vector.shape_cast %get3A_1640 : vector<1x16xf32> to vector<16xf32>
      %mul3A_1642 = arith.mulf %get3A_1641, %get3A_1082 : vector<16xf32>
      %add3A_1643 = arith.addf %mul3A_1642, %get3A_1106 : vector<16xf32>
      %add3A_1644 = arith.constant 3 : i32
      %add3A_1645 = arith.addi %add3A_1260, %add3A_1644 : i32
      %swap3A_1646 = arith.index_cast %add3A_1645 : i32 to index
      %swap3A_1647 = arith.constant 16 : index
      %swap3A_1648 = tpu.vector_load %arg14[%swap3A_1646, %swap3A_1647] {strides = array<i32>} : memref<512x128xf32, #tpu.memory_space<vmem>>, vector<1x16xf32>,
      %swap3A_1649 = vector.shape_cast %swap3A_1648 : vector<1x16xf32> to vector<16xf32>
      %swap3A_1650 = vector.shape_cast %add3A_1643 : vector<16xf32> to vector<1x16xf32>
      tpu.vector_store %arg14[%swap3A_1646, %swap3A_1647], %swap3A_1650 {strides = array<i32>} : memref<512x128xf32, #tpu.memory_space<vmem>>, vector<1x16xf32>,
      %add3A_1651 = arith.constant 3 : i32
      %add3A_1652 = arith.addi %add3A_1260, %add3A_1651 : i32
      %get3A_1653 = arith.index_cast %add3A_1652 : i32 to index
      %get3A_1654 = arith.constant 32 : index
      %get3A_1655 = tpu.vector_load %arg14[%get3A_1653, %get3A_1654] {strides = array<i32>} : memref<512x128xf32, #tpu.memory_space<vmem>>, vector<1x16xf32>,
      %get3A_1656 = vector.shape_cast %get3A_1655 : vector<1x16xf32> to vector<16xf32>
      %mul3A_1657 = arith.mulf %get3A_1656, %get3A_1085 : vector<16xf32>
      %add3A_1658 = arith.addf %mul3A_1657, %get3A_1109 : vector<16xf32>
      %add3A_1659 = arith.constant 3 : i32
      %add3A_1660 = arith.addi %add3A_1260, %add3A_1659 : i32
      %swap3A_1661 = arith.index_cast %add3A_1660 : i32 to index
      %swap3A_1662 = arith.constant 32 : index
      %swap3A_1663 = tpu.vector_load %arg14[%swap3A_1661, %swap3A_1662] {strides = array<i32>} : memref<512x128xf32, #tpu.memory_space<vmem>>, vector<1x16xf32>,
      %swap3A_1664 = vector.shape_cast %swap3A_1663 : vector<1x16xf32> to vector<16xf32>
      %swap3A_1665 = vector.shape_cast %add3A_1658 : vector<16xf32> to vector<1x16xf32>
      tpu.vector_store %arg14[%swap3A_1661, %swap3A_1662], %swap3A_1665 {strides = array<i32>} : memref<512x128xf32, #tpu.memory_space<vmem>>, vector<1x16xf32>,
      %add3A_1666 = arith.constant 3 : i32
      %add3A_1667 = arith.addi %add3A_1260, %add3A_1666 : i32
      %get3A_1668 = arith.index_cast %add3A_1667 : i32 to index
      %get3A_1669 = arith.constant 48 : index
      %get3A_1670 = tpu.vector_load %arg14[%get3A_1668, %get3A_1669] {strides = array<i32>} : memref<512x128xf32, #tpu.memory_space<vmem>>, vector<1x16xf32>,
      %get3A_1671 = vector.shape_cast %get3A_1670 : vector<1x16xf32> to vector<16xf32>
      %mul3A_1672 = arith.mulf %get3A_1671, %get3A_1088 : vector<16xf32>
      %add3A_1673 = arith.addf %mul3A_1672, %get3A_1112 : vector<16xf32>
      %add3A_1674 = arith.constant 3 : i32
      %add3A_1675 = arith.addi %add3A_1260, %add3A_1674 : i32
      %swap3A_1676 = arith.index_cast %add3A_1675 : i32 to index
      %swap3A_1677 = arith.constant 48 : index
      %swap3A_1678 = tpu.vector_load %arg14[%swap3A_1676, %swap3A_1677] {strides = array<i32>} : memref<512x128xf32, #tpu.memory_space<vmem>>, vector<1x16xf32>,
      %swap3A_1679 = vector.shape_cast %swap3A_1678 : vector<1x16xf32> to vector<16xf32>
      %swap3A_1680 = vector.shape_cast %add3A_1673 : vector<16xf32> to vector<1x16xf32>
      tpu.vector_store %arg14[%swap3A_1676, %swap3A_1677], %swap3A_1680 {strides = array<i32>} : memref<512x128xf32, #tpu.memory_space<vmem>>, vector<1x16xf32>,
      %add3A_1681 = arith.constant 3 : i32
      %add3A_1682 = arith.addi %add3A_1260, %add3A_1681 : i32
      %get3A_1683 = arith.index_cast %add3A_1682 : i32 to index
      %get3A_1684 = arith.constant 64 : index
      %get3A_1685 = tpu.vector_load %arg14[%get3A_1683, %get3A_1684] {strides = array<i32>} : memref<512x128xf32, #tpu.memory_space<vmem>>, vector<1x16xf32>,
      %get3A_1686 = vector.shape_cast %get3A_1685 : vector<1x16xf32> to vector<16xf32>
      %mul3A_1687 = arith.mulf %get3A_1686, %get3A_1091 : vector<16xf32>
      %add3A_1688 = arith.addf %mul3A_1687, %get3A_1115 : vector<16xf32>
      %add3A_1689 = arith.constant 3 : i32
      %add3A_1690 = arith.addi %add3A_1260, %add3A_1689 : i32
      %swap3A_1691 = arith.index_cast %add3A_1690 : i32 to index
      %swap3A_1692 = arith.constant 64 : index
      %swap3A_1693 = tpu.vector_load %arg14[%swap3A_1691, %swap3A_1692] {strides = array<i32>} : memref<512x128xf32, #tpu.memory_space<vmem>>, vector<1x16xf32>,
      %swap3A_1694 = vector.shape_cast %swap3A_1693 : vector<1x16xf32> to vector<16xf32>
      %swap3A_1695 = vector.shape_cast %add3A_1688 : vector<16xf32> to vector<1x16xf32>
      tpu.vector_store %arg14[%swap3A_1691, %swap3A_1692], %swap3A_1695 {strides = array<i32>} : memref<512x128xf32, #tpu.memory_space<vmem>>, vector<1x16xf32>,
      %add3A_1696 = arith.constant 3 : i32
      %add3A_1697 = arith.addi %add3A_1260, %add3A_1696 : i32
      %get3A_1698 = arith.index_cast %add3A_1697 : i32 to index
      %get3A_1699 = arith.constant 80 : index
      %get3A_1700 = tpu.vector_load %arg14[%get3A_1698, %get3A_1699] {strides = array<i32>} : memref<512x128xf32, #tpu.memory_space<vmem>>, vector<1x16xf32>,
      %get3A_1701 = vector.shape_cast %get3A_1700 : vector<1x16xf32> to vector<16xf32>
      %mul3A_1702 = arith.mulf %get3A_1701, %get3A_1094 : vector<16xf32>
      %add3A_1703 = arith.addf %mul3A_1702, %get3A_1118 : vector<16xf32>
      %add3A_1704 = arith.constant 3 : i32
      %add3A_1705 = arith.addi %add3A_1260, %add3A_1704 : i32
      %swap3A_1706 = arith.index_cast %add3A_1705 : i32 to index
      %swap3A_1707 = arith.constant 80 : index
      %swap3A_1708 = tpu.vector_load %arg14[%swap3A_1706, %swap3A_1707] {strides = array<i32>} : memref<512x128xf32, #tpu.memory_space<vmem>>, vector<1x16xf32>,
      %swap3A_1709 = vector.shape_cast %swap3A_1708 : vector<1x16xf32> to vector<16xf32>
      %swap3A_1710 = vector.shape_cast %add3A_1703 : vector<16xf32> to vector<1x16xf32>
      tpu.vector_store %arg14[%swap3A_1706, %swap3A_1707], %swap3A_1710 {strides = array<i32>} : memref<512x128xf32, #tpu.memory_space<vmem>>, vector<1x16xf32>,
      %add3A_1711 = arith.constant 3 : i32
      %add3A_1712 = arith.addi %add3A_1260, %add3A_1711 : i32
      %get3A_1713 = arith.index_cast %add3A_1712 : i32 to index
      %get3A_1714 = arith.constant 96 : index
      %get3A_1715 = tpu.vector_load %arg14[%get3A_1713, %get3A_1714] {strides = array<i32>} : memref<512x128xf32, #tpu.memory_space<vmem>>, vector<1x16xf32>,
      %get3A_1716 = vector.shape_cast %get3A_1715 : vector<1x16xf32> to vector<16xf32>
      %mul3A_1717 = arith.mulf %get3A_1716, %get3A_1097 : vector<16xf32>
      %add3A_1718 = arith.addf %mul3A_1717, %get3A_1121 : vector<16xf32>
      %add3A_1719 = arith.constant 3 : i32
      %add3A_1720 = arith.addi %add3A_1260, %add3A_1719 : i32
      %swap3A_1721 = arith.index_cast %add3A_1720 : i32 to index
      %swap3A_1722 = arith.constant 96 : index
      %swap3A_1723 = tpu.vector_load %arg14[%swap3A_1721, %swap3A_1722] {strides = array<i32>} : memref<512x128xf32, #tpu.memory_space<vmem>>, vector<1x16xf32>,
      %swap3A_1724 = vector.shape_cast %swap3A_1723 : vector<1x16xf32> to vector<16xf32>
      %swap3A_1725 = vector.shape_cast %add3A_1718 : vector<16xf32> to vector<1x16xf32>
      tpu.vector_store %arg14[%swap3A_1721, %swap3A_1722], %swap3A_1725 {strides = array<i32>} : memref<512x128xf32, #tpu.memory_space<vmem>>, vector<1x16xf32>,
      %add3A_1726 = arith.constant 3 : i32
      %add3A_1727 = arith.addi %add3A_1260, %add3A_1726 : i32
      %get3A_1728 = arith.index_cast %add3A_1727 : i32 to index
      %get3A_1729 = arith.constant 112 : index
      %get3A_1730 = tpu.vector_load %arg14[%get3A_1728, %get3A_1729] {strides = array<i32>} : memref<512x128xf32, #tpu.memory_space<vmem>>, vector<1x16xf32>,
      %get3A_1731 = vector.shape_cast %get3A_1730 : vector<1x16xf32> to vector<16xf32>
      %mul3A_1732 = arith.mulf %get3A_1731, %get3A_1100 : vector<16xf32>
      %add3A_1733 = arith.addf %mul3A_1732, %get3A_1124 : vector<16xf32>
      %add3A_1734 = arith.constant 3 : i32
      %add3A_1735 = arith.addi %add3A_1260, %add3A_1734 : i32
      %swap3A_1736 = arith.index_cast %add3A_1735 : i32 to index
      %swap3A_1737 = arith.constant 112 : index
      %swap3A_1738 = tpu.vector_load %arg14[%swap3A_1736, %swap3A_1737] {strides = array<i32>} : memref<512x128xf32, #tpu.memory_space<vmem>>, vector<1x16xf32>,
      %swap3A_1739 = vector.shape_cast %swap3A_1738 : vector<1x16xf32> to vector<16xf32>
      %swap3A_1740 = vector.shape_cast %add3A_1733 : vector<16xf32> to vector<1x16xf32>
      tpu.vector_store %arg14[%swap3A_1736, %swap3A_1737], %swap3A_1740 {strides = array<i32>} : memref<512x128xf32, #tpu.memory_space<vmem>>, vector<1x16xf32>,
    }
    %scan3A_1139 = arith.constant 32 : i32
    %add3A_1140 = arith.constant 0 : i32
    %add3A_1141 = arith.addi %mul3A_2, %add3A_1140 : i32
    %dma_start3A_1142 = arith.constant 0 : i32
    %dma_start3A_1143 = arith.constant 0 : i32
    %dma_start3A_1144 = tpu.memref_slice %arg14[%dma_start3A_1142, %dma_start3A_1143] : memref<512x128xf32, #tpu.memory_space<vmem>> -> memref<128x128xf32, #tpu.memory_space<vmem>>
    %dma_start3A_1145 = arith.constant 0 : i32
    %dma_start3A_1146 = tpu.memref_slice %arg7[%add3A_1141, %dma_start3A_1145] : memref<16384x128xf32, #tpu.memory_space<hbm>> -> memref<128x128xf32, #tpu.memory_space<hbm>>
    %dma_start3A_1147 = arith.constant 0 : i32
    %dma_start3A_1148 = tpu.memref_slice %arg7[%add3A_1141, %dma_start3A_1147] : memref<16384x128xf32, #tpu.memory_space<hbm>> -> memref<128x128xf32, #tpu.memory_space<hbm>>
    %dma_start3A_1149 = arith.constant 0 : i32
    %dma_start3A_1150 = arith.constant 0 : i32
    %dma_start3A_1151 = tpu.memref_slice %arg14[%dma_start3A_1149, %dma_start3A_1150] : memref<512x128xf32, #tpu.memory_space<vmem>> -> memref<128x128xf32, #tpu.memory_space<vmem>>
    tpu.enqueue_dma source(%dma_start3A_1151 : memref<128x128xf32, #tpu.memory_space<vmem>>) target(%dma_start3A_1148 : memref<128x128xf32, #tpu.memory_space<hbm>>) target_semaphore(%arg19 : memref<!tpu.dma_semaphore, #tpu.memory_space<semaphore_mem>>)
    %scan3A_1152 = arith.constant 0 : i32
    %scan3A_1153 = arith.constant 0 : i32
    %scan3A_1154 = arith.constant 32 : i32
    %scan3A_1155 = arith.addi %scan3A_1153, %scan3A_1154 : i32
    %scan3A_1156 = arith.constant 1 : i32
    scf.for %scan3A_1256 = %scan3A_1153 to %scan3A_1155 step %scan3A_1156  : i32 {
      %mul3A_1257 = arith.constant 4 : i32
      %mul3A_1258 = arith.muli %scan3A_1256, %mul3A_1257 : i32
      %add3A_1259 = arith.constant 128 : i32
      %add3A_1260 = arith.addi %add3A_1259, %mul3A_1258 : i32
      %add3A_1261 = arith.constant 0 : i32
      %add3A_1262 = arith.addi %add3A_1260, %add3A_1261 : i32
      %get3A_1263 = arith.index_cast %add3A_1262 : i32 to index
      %get3A_1264 = arith.constant 0 : index
      %get3A_1265 = tpu.vector_load %arg14[%get3A_1263, %get3A_1264] {strides = array<i32>} : memref<512x128xf32, #tpu.memory_space<vmem>>, vector<1x16xf32>,
      %get3A_1266 = vector.shape_cast %get3A_1265 : vector<1x16xf32> to vector<16xf32>
      %mul3A_1267 = arith.mulf %get3A_1266, %get3A_1079 : vector<16xf32>
      %add3A_1268 = arith.addf %mul3A_1267, %get3A_1103 : vector<16xf32>
      %add3A_1269 = arith.constant 0 : i32
      %add3A_1270 = arith.addi %add3A_1260, %add3A_1269 : i32
      %swap3A_1271 = arith.index_cast %add3A_1270 : i32 to index
      %swap3A_1272 = arith.constant 0 : index
      %swap3A_1273 = tpu.vector_load %arg14[%swap3A_1271, %swap3A_1272] {strides = array<i32>} : memref<512x128xf32, #tpu.memory_space<vmem>>, vector<1x16xf32>,
      %swap3A_1274 = vector.shape_cast %swap3A_1273 : vector<1x16xf32> to vector<16xf32>
      %swap3A_1275 = vector.shape_cast %add3A_1268 : vector<16xf32> to vector<1x16xf32>
      tpu.vector_store %arg14[%swap3A_1271, %swap3A_1272], %swap3A_1275 {strides = array<i32>} : memref<512x128xf32, #tpu.memory_space<vmem>>, vector<1x16xf32>,
      %add3A_1276 = arith.constant 0 : i32
      %add3A_1277 = arith.addi %add3A_1260, %add3A_1276 : i32
      %get3A_1278 = arith.index_cast %add3A_1277 : i32 to index
      %get3A_1279 = arith.constant 16 : index
      %get3A_1280 = tpu.vector_load %arg14[%get3A_1278, %get3A_1279] {strides = array<i32>} : memref<512x128xf32, #tpu.memory_space<vmem>>, vector<1x16xf32>,
      %get3A_1281 = vector.shape_cast %get3A_1280 : vector<1x16xf32> to vector<16xf32>
      %mul3A_1282 = arith.mulf %get3A_1281, %get3A_1082 : vector<16xf32>
      %add3A_1283 = arith.addf %mul3A_1282, %get3A_1106 : vector<16xf32>
      %add3A_1284 = arith.constant 0 : i32
      %add3A_1285 = arith.addi %add3A_1260, %add3A_1284 : i32
      %swap3A_1286 = arith.index_cast %add3A_1285 : i32 to index
      %swap3A_1287 = arith.constant 16 : index
      %swap3A_1288 = tpu.vector_load %arg14[%swap3A_1286, %swap3A_1287] {strides = array<i32>} : memref<512x128xf32, #tpu.memory_space<vmem>>, vector<1x16xf32>,
      %swap3A_1289 = vector.shape_cast %swap3A_1288 : vector<1x16xf32> to vector<16xf32>
      %swap3A_1290 = vector.shape_cast %add3A_1283 : vector<16xf32> to vector<1x16xf32>
      tpu.vector_store %arg14[%swap3A_1286, %swap3A_1287], %swap3A_1290 {strides = array<i32>} : memref<512x128xf32, #tpu.memory_space<vmem>>, vector<1x16xf32>,
      %add3A_1291 = arith.constant 0 : i32
      %add3A_1292 = arith.addi %add3A_1260, %add3A_1291 : i32
      %get3A_1293 = arith.index_cast %add3A_1292 : i32 to index
      %get3A_1294 = arith.constant 32 : index
      %get3A_1295 = tpu.vector_load %arg14[%get3A_1293, %get3A_1294] {strides = array<i32>} : memref<512x128xf32, #tpu.memory_space<vmem>>, vector<1x16xf32>,
      %get3A_1296 = vector.shape_cast %get3A_1295 : vector<1x16xf32> to vector<16xf32>
      %mul3A_1297 = arith.mulf %get3A_1296, %get3A_1085 : vector<16xf32>
      %add3A_1298 = arith.addf %mul3A_1297, %get3A_1109 : vector<16xf32>
      %add3A_1299 = arith.constant 0 : i32
      %add3A_1300 = arith.addi %add3A_1260, %add3A_1299 : i32
      %swap3A_1301 = arith.index_cast %add3A_1300 : i32 to index
      %swap3A_1302 = arith.constant 32 : index
      %swap3A_1303 = tpu.vector_load %arg14[%swap3A_1301, %swap3A_1302] {strides = array<i32>} : memref<512x128xf32, #tpu.memory_space<vmem>>, vector<1x16xf32>,
      %swap3A_1304 = vector.shape_cast %swap3A_1303 : vector<1x16xf32> to vector<16xf32>
      %swap3A_1305 = vector.shape_cast %add3A_1298 : vector<16xf32> to vector<1x16xf32>
      tpu.vector_store %arg14[%swap3A_1301, %swap3A_1302], %swap3A_1305 {strides = array<i32>} : memref<512x128xf32, #tpu.memory_space<vmem>>, vector<1x16xf32>,
      %add3A_1306 = arith.constant 0 : i32
      %add3A_1307 = arith.addi %add3A_1260, %add3A_1306 : i32
      %get3A_1308 = arith.index_cast %add3A_1307 : i32 to index
      %get3A_1309 = arith.constant 48 : index
      %get3A_1310 = tpu.vector_load %arg14[%get3A_1308, %get3A_1309] {strides = array<i32>} : memref<512x128xf32, #tpu.memory_space<vmem>>, vector<1x16xf32>,
      %get3A_1311 = vector.shape_cast %get3A_1310 : vector<1x16xf32> to vector<16xf32>
      %mul3A_1312 = arith.mulf %get3A_1311, %get3A_1088 : vector<16xf32>
      %add3A_1313 = arith.addf %mul3A_1312, %get3A_1112 : vector<16xf32>
      %add3A_1314 = arith.constant 0 : i32
      %add3A_1315 = arith.addi %add3A_1260, %add3A_1314 : i32
      %swap3A_1316 = arith.index_cast %add3A_1315 : i32 to index
      %swap3A_1317 = arith.constant 48 : index
      %swap3A_1318 = tpu.vector_load %arg14[%swap3A_1316, %swap3A_1317] {strides = array<i32>} : memref<512x128xf32, #tpu.memory_space<vmem>>, vector<1x16xf32>,
      %swap3A_1319 = vector.shape_cast %swap3A_1318 : vector<1x16xf32> to vector<16xf32>
      %swap3A_1320 = vector.shape_cast %add3A_1313 : vector<16xf32> to vector<1x16xf32>
      tpu.vector_store %arg14[%swap3A_1316, %swap3A_1317], %swap3A_1320 {strides = array<i32>} : memref<512x128xf32, #tpu.memory_space<vmem>>, vector<1x16xf32>,
      %add3A_1321 = arith.constant 0 : i32
      %add3A_1322 = arith.addi %add3A_1260, %add3A_1321 : i32
      %get3A_1323 = arith.index_cast %add3A_1322 : i32 to index
      %get3A_1324 = arith.constant 64 : index
      %get3A_1325 = tpu.vector_load %arg14[%get3A_1323, %get3A_1324] {strides = array<i32>} : memref<512x128xf32, #tpu.memory_space<vmem>>, vector<1x16xf32>,
      %get3A_1326 = vector.shape_cast %get3A_1325 : vector<1x16xf32> to vector<16xf32>
      %mul3A_1327 = arith.mulf %get3A_1326, %get3A_1091 : vector<16xf32>
      %add3A_1328 = arith.addf %mul3A_1327, %get3A_1115 : vector<16xf32>
      %add3A_1329 = arith.constant 0 : i32
      %add3A_1330 = arith.addi %add3A_1260, %add3A_1329 : i32
      %swap3A_1331 = arith.index_cast %add3A_1330 : i32 to index
      %swap3A_1332 = arith.constant 64 : index
      %swap3A_1333 = tpu.vector_load %arg14[%swap3A_1331, %swap3A_1332] {strides = array<i32>} : memref<512x128xf32, #tpu.memory_space<vmem>>, vector<1x16xf32>,
      %swap3A_1334 = vector.shape_cast %swap3A_1333 : vector<1x16xf32> to vector<16xf32>
      %swap3A_1335 = vector.shape_cast %add3A_1328 : vector<16xf32> to vector<1x16xf32>
      tpu.vector_store %arg14[%swap3A_1331, %swap3A_1332], %swap3A_1335 {strides = array<i32>} : memref<512x128xf32, #tpu.memory_space<vmem>>, vector<1x16xf32>,
      %add3A_1336 = arith.constant 0 : i32
      %add3A_1337 = arith.addi %add3A_1260, %add3A_1336 : i32
      %get3A_1338 = arith.index_cast %add3A_1337 : i32 to index
      %get3A_1339 = arith.constant 80 : index
      %get3A_1340 = tpu.vector_load %arg14[%get3A_1338, %get3A_1339] {strides = array<i32>} : memref<512x128xf32, #tpu.memory_space<vmem>>, vector<1x16xf32>,
      %get3A_1341 = vector.shape_cast %get3A_1340 : vector<1x16xf32> to vector<16xf32>
      %mul3A_1342 = arith.mulf %get3A_1341, %get3A_1094 : vector<16xf32>
      %add3A_1343 = arith.addf %mul3A_1342, %get3A_1118 : vector<16xf32>
      %add3A_1344 = arith.constant 0 : i32
      %add3A_1345 = arith.addi %add3A_1260, %add3A_1344 : i32
      %swap3A_1346 = arith.index_cast %add3A_1345 : i32 to index
      %swap3A_1347 = arith.constant 80 : index
      %swap3A_1348 = tpu.vector_load %arg14[%swap3A_1346, %swap3A_1347] {strides = array<i32>} : memref<512x128xf32, #tpu.memory_space<vmem>>, vector<1x16xf32>,
      %swap3A_1349 = vector.shape_cast %swap3A_1348 : vector<1x16xf32> to vector<16xf32>
      %swap3A_1350 = vector.shape_cast %add3A_1343 : vector<16xf32> to vector<1x16xf32>
      tpu.vector_store %arg14[%swap3A_1346, %swap3A_1347], %swap3A_1350 {strides = array<i32>} : memref<512x128xf32, #tpu.memory_space<vmem>>, vector<1x16xf32>,
      %add3A_1351 = arith.constant 0 : i32
      %add3A_1352 = arith.addi %add3A_1260, %add3A_1351 : i32
      %get3A_1353 = arith.index_cast %add3A_1352 : i32 to index
      %get3A_1354 = arith.constant 96 : index
      %get3A_1355 = tpu.vector_load %arg14[%get3A_1353, %get3A_1354] {strides = array<i32>} : memref<512x128xf32, #tpu.memory_space<vmem>>, vector<1x16xf32>,
      %get3A_1356 = vector.shape_cast %get3A_1355 : vector<1x16xf32> to vector<16xf32>
      %mul3A_1357 = arith.mulf %get3A_1356, %get3A_1097 : vector<16xf32>
      %add3A_1358 = arith.addf %mul3A_1357, %get3A_1121 : vector<16xf32>
      %add3A_1359 = arith.constant 0 : i32
      %add3A_1360 = arith.addi %add3A_1260, %add3A_1359 : i32
      %swap3A_1361 = arith.index_cast %add3A_1360 : i32 to index
      %swap3A_1362 = arith.constant 96 : index
      %swap3A_1363 = tpu.vector_load %arg14[%swap3A_1361, %swap3A_1362] {strides = array<i32>} : memref<512x128xf32, #tpu.memory_space<vmem>>, vector<1x16xf32>,
      %swap3A_1364 = vector.shape_cast %swap3A_1363 : vector<1x16xf32> to vector<16xf32>
      %swap3A_1365 = vector.shape_cast %add3A_1358 : vector<16xf32> to vector<1x16xf32>
      tpu.vector_store %arg14[%swap3A_1361, %swap3A_1362], %swap3A_1365 {strides = array<i32>} : memref<512x128xf32, #tpu.memory_space<vmem>>, vector<1x16xf32>,
      %add3A_1366 = arith.constant 0 : i32
      %add3A_1367 = arith.addi %add3A_1260, %add3A_1366 : i32
      %get3A_1368 = arith.index_cast %add3A_1367 : i32 to index
      %get3A_1369 = arith.constant 112 : index
      %get3A_1370 = tpu.vector_load %arg14[%get3A_1368, %get3A_1369] {strides = array<i32>} : memref<512x128xf32, #tpu.memory_space<vmem>>, vector<1x16xf32>,
      %get3A_1371 = vector.shape_cast %get3A_1370 : vector<1x16xf32> to vector<16xf32>
      %mul3A_1372 = arith.mulf %get3A_1371, %get3A_1100 : vector<16xf32>
      %add3A_1373 = arith.addf %mul3A_1372, %get3A_1124 : vector<16xf32>
      %add3A_1374 = arith.constant 0 : i32
      %add3A_1375 = arith.addi %add3A_1260, %add3A_1374 : i32
      %swap3A_1376 = arith.index_cast %add3A_1375 : i32 to index
      %swap3A_1377 = arith.constant 112 : index
      %swap3A_1378 = tpu.vector_load %arg14[%swap3A_1376, %swap3A_1377] {strides = array<i32>} : memref<512x128xf32, #tpu.memory_space<vmem>>, vector<1x16xf32>,
      %swap3A_1379 = vector.shape_cast %swap3A_1378 : vector<1x16xf32> to vector<16xf32>
      %swap3A_1380 = vector.shape_cast %add3A_1373 : vector<16xf32> to vector<1x16xf32>
      tpu.vector_store %arg14[%swap3A_1376, %swap3A_1377], %swap3A_1380 {strides = array<i32>} : memref<512x128xf32, #tpu.memory_space<vmem>>, vector<1x16xf32>,
      %add3A_1381 = arith.constant 1 : i32
      %add3A_1382 = arith.addi %add3A_1260, %add3A_1381 : i32
      %get3A_1383 = arith.index_cast %add3A_1382 : i32 to index
      %get3A_1384 = arith.constant 0 : index
      %get3A_1385 = tpu.vector_load %arg14[%get3A_1383, %get3A_1384] {strides = array<i32>} : memref<512x128xf32, #tpu.memory_space<vmem>>, vector<1x16xf32>,
      %get3A_1386 = vector.shape_cast %get3A_1385 : vector<1x16xf32> to vector<16xf32>
      %mul3A_1387 = arith.mulf %get3A_1386, %get3A_1079 : vector<16xf32>
      %add3A_1388 = arith.addf %mul3A_1387, %get3A_1103 : vector<16xf32>
      %add3A_1389 = arith.constant 1 : i32
      %add3A_1390 = arith.addi %add3A_1260, %add3A_1389 : i32
      %swap3A_1391 = arith.index_cast %add3A_1390 : i32 to index
      %swap3A_1392 = arith.constant 0 : index
      %swap3A_1393 = tpu.vector_load %arg14[%swap3A_1391, %swap3A_1392] {strides = array<i32>} : memref<512x128xf32, #tpu.memory_space<vmem>>, vector<1x16xf32>,
      %swap3A_1394 = vector.shape_cast %swap3A_1393 : vector<1x16xf32> to vector<16xf32>
      %swap3A_1395 = vector.shape_cast %add3A_1388 : vector<16xf32> to vector<1x16xf32>
      tpu.vector_store %arg14[%swap3A_1391, %swap3A_1392], %swap3A_1395 {strides = array<i32>} : memref<512x128xf32, #tpu.memory_space<vmem>>, vector<1x16xf32>,
      %add3A_1396 = arith.constant 1 : i32
      %add3A_1397 = arith.addi %add3A_1260, %add3A_1396 : i32
      %get3A_1398 = arith.index_cast %add3A_1397 : i32 to index
      %get3A_1399 = arith.constant 16 : index
      %get3A_1400 = tpu.vector_load %arg14[%get3A_1398, %get3A_1399] {strides = array<i32>} : memref<512x128xf32, #tpu.memory_space<vmem>>, vector<1x16xf32>,
      %get3A_1401 = vector.shape_cast %get3A_1400 : vector<1x16xf32> to vector<16xf32>
      %mul3A_1402 = arith.mulf %get3A_1401, %get3A_1082 : vector<16xf32>
      %add3A_1403 = arith.addf %mul3A_1402, %get3A_1106 : vector<16xf32>
      %add3A_1404 = arith.constant 1 : i32
      %add3A_1405 = arith.addi %add3A_1260, %add3A_1404 : i32
      %swap3A_1406 = arith.index_cast %add3A_1405 : i32 to index
      %swap3A_1407 = arith.constant 16 : index
      %swap3A_1408 = tpu.vector_load %arg14[%swap3A_1406, %swap3A_1407] {strides = array<i32>} : memref<512x128xf32, #tpu.memory_space<vmem>>, vector<1x16xf32>,
      %swap3A_1409 = vector.shape_cast %swap3A_1408 : vector<1x16xf32> to vector<16xf32>
      %swap3A_1410 = vector.shape_cast %add3A_1403 : vector<16xf32> to vector<1x16xf32>
      tpu.vector_store %arg14[%swap3A_1406, %swap3A_1407], %swap3A_1410 {strides = array<i32>} : memref<512x128xf32, #tpu.memory_space<vmem>>, vector<1x16xf32>,
      %add3A_1411 = arith.constant 1 : i32
      %add3A_1412 = arith.addi %add3A_1260, %add3A_1411 : i32
      %get3A_1413 = arith.index_cast %add3A_1412 : i32 to index
      %get3A_1414 = arith.constant 32 : index
      %get3A_1415 = tpu.vector_load %arg14[%get3A_1413, %get3A_1414] {strides = array<i32>} : memref<512x128xf32, #tpu.memory_space<vmem>>, vector<1x16xf32>,
      %get3A_1416 = vector.shape_cast %get3A_1415 : vector<1x16xf32> to vector<16xf32>
      %mul3A_1417 = arith.mulf %get3A_1416, %get3A_1085 : vector<16xf32>
      %add3A_1418 = arith.addf %mul3A_1417, %get3A_1109 : vector<16xf32>
      %add3A_1419 = arith.constant 1 : i32
      %add3A_1420 = arith.addi %add3A_1260, %add3A_1419 : i32
      %swap3A_1421 = arith.index_cast %add3A_1420 : i32 to index
      %swap3A_1422 = arith.constant 32 : index
      %swap3A_1423 = tpu.vector_load %arg14[%swap3A_1421, %swap3A_1422] {strides = array<i32>} : memref<512x128xf32, #tpu.memory_space<vmem>>, vector<1x16xf32>,
      %swap3A_1424 = vector.shape_cast %swap3A_1423 : vector<1x16xf32> to vector<16xf32>
      %swap3A_1425 = vector.shape_cast %add3A_1418 : vector<16xf32> to vector<1x16xf32>
      tpu.vector_store %arg14[%swap3A_1421, %swap3A_1422], %swap3A_1425 {strides = array<i32>} : memref<512x128xf32, #tpu.memory_space<vmem>>, vector<1x16xf32>,
      %add3A_1426 = arith.constant 1 : i32
      %add3A_1427 = arith.addi %add3A_1260, %add3A_1426 : i32
      %get3A_1428 = arith.index_cast %add3A_1427 : i32 to index
      %get3A_1429 = arith.constant 48 : index
      %get3A_1430 = tpu.vector_load %arg14[%get3A_1428, %get3A_1429] {strides = array<i32>} : memref<512x128xf32, #tpu.memory_space<vmem>>, vector<1x16xf32>,
      %get3A_1431 = vector.shape_cast %get3A_1430 : vector<1x16xf32> to vector<16xf32>
      %mul3A_1432 = arith.mulf %get3A_1431, %get3A_1088 : vector<16xf32>
      %add3A_1433 = arith.addf %mul3A_1432, %get3A_1112 : vector<16xf32>
      %add3A_1434 = arith.constant 1 : i32
      %add3A_1435 = arith.addi %add3A_1260, %add3A_1434 : i32
      %swap3A_1436 = arith.index_cast %add3A_1435 : i32 to index
      %swap3A_1437 = arith.constant 48 : index
      %swap3A_1438 = tpu.vector_load %arg14[%swap3A_1436, %swap3A_1437] {strides = array<i32>} : memref<512x128xf32, #tpu.memory_space<vmem>>, vector<1x16xf32>,
      %swap3A_1439 = vector.shape_cast %swap3A_1438 : vector<1x16xf32> to vector<16xf32>
      %swap3A_1440 = vector.shape_cast %add3A_1433 : vector<16xf32> to vector<1x16xf32>
      tpu.vector_store %arg14[%swap3A_1436, %swap3A_1437], %swap3A_1440 {strides = array<i32>} : memref<512x128xf32, #tpu.memory_space<vmem>>, vector<1x16xf32>,
      %add3A_1441 = arith.constant 1 : i32
      %add3A_1442 = arith.addi %add3A_1260, %add3A_1441 : i32
      %get3A_1443 = arith.index_cast %add3A_1442 : i32 to index
      %get3A_1444 = arith.constant 64 : index
      %get3A_1445 = tpu.vector_load %arg14[%get3A_1443, %get3A_1444] {strides = array<i32>} : memref<512x128xf32, #tpu.memory_space<vmem>>, vector<1x16xf32>,
      %get3A_1446 = vector.shape_cast %get3A_1445 : vector<1x16xf32> to vector<16xf32>
      %mul3A_1447 = arith.mulf %get3A_1446, %get3A_1091 : vector<16xf32>
      %add3A_1448 = arith.addf %mul3A_1447, %get3A_1115 : vector<16xf32>
      %add3A_1449 = arith.constant 1 : i32
      %add3A_1450 = arith.addi %add3A_1260, %add3A_1449 : i32
      %swap3A_1451 = arith.index_cast %add3A_1450 : i32 to index
      %swap3A_1452 = arith.constant 64 : index
      %swap3A_1453 = tpu.vector_load %arg14[%swap3A_1451, %swap3A_1452] {strides = array<i32>} : memref<512x128xf32, #tpu.memory_space<vmem>>, vector<1x16xf32>,
      %swap3A_1454 = vector.shape_cast %swap3A_1453 : vector<1x16xf32> to vector<16xf32>
      %swap3A_1455 = vector.shape_cast %add3A_1448 : vector<16xf32> to vector<1x16xf32>
      tpu.vector_store %arg14[%swap3A_1451, %swap3A_1452], %swap3A_1455 {strides = array<i32>} : memref<512x128xf32, #tpu.memory_space<vmem>>, vector<1x16xf32>,
      %add3A_1456 = arith.constant 1 : i32
      %add3A_1457 = arith.addi %add3A_1260, %add3A_1456 : i32
      %get3A_1458 = arith.index_cast %add3A_1457 : i32 to index
      %get3A_1459 = arith.constant 80 : index
      %get3A_1460 = tpu.vector_load %arg14[%get3A_1458, %get3A_1459] {strides = array<i32>} : memref<512x128xf32, #tpu.memory_space<vmem>>, vector<1x16xf32>,
      %get3A_1461 = vector.shape_cast %get3A_1460 : vector<1x16xf32> to vector<16xf32>
      %mul3A_1462 = arith.mulf %get3A_1461, %get3A_1094 : vector<16xf32>
      %add3A_1463 = arith.addf %mul3A_1462, %get3A_1118 : vector<16xf32>
      %add3A_1464 = arith.constant 1 : i32
      %add3A_1465 = arith.addi %add3A_1260, %add3A_1464 : i32
      %swap3A_1466 = arith.index_cast %add3A_1465 : i32 to index
      %swap3A_1467 = arith.constant 80 : index
      %swap3A_1468 = tpu.vector_load %arg14[%swap3A_1466, %swap3A_1467] {strides = array<i32>} : memref<512x128xf32, #tpu.memory_space<vmem>>, vector<1x16xf32>,
      %swap3A_1469 = vector.shape_cast %swap3A_1468 : vector<1x16xf32> to vector<16xf32>
      %swap3A_1470 = vector.shape_cast %add3A_1463 : vector<16xf32> to vector<1x16xf32>
      tpu.vector_store %arg14[%swap3A_1466, %swap3A_1467], %swap3A_1470 {strides = array<i32>} : memref<512x128xf32, #tpu.memory_space<vmem>>, vector<1x16xf32>,
      %add3A_1471 = arith.constant 1 : i32
      %add3A_1472 = arith.addi %add3A_1260, %add3A_1471 : i32
      %get3A_1473 = arith.index_cast %add3A_1472 : i32 to index
      %get3A_1474 = arith.constant 96 : index
      %get3A_1475 = tpu.vector_load %arg14[%get3A_1473, %get3A_1474] {strides = array<i32>} : memref<512x128xf32, #tpu.memory_space<vmem>>, vector<1x16xf32>,
      %get3A_1476 = vector.shape_cast %get3A_1475 : vector<1x16xf32> to vector<16xf32>
      %mul3A_1477 = arith.mulf %get3A_1476, %get3A_1097 : vector<16xf32>
      %add3A_1478 = arith.addf %mul3A_1477, %get3A_1121 : vector<16xf32>
      %add3A_1479 = arith.constant 1 : i32
      %add3A_1480 = arith.addi %add3A_1260, %add3A_1479 : i32
      %swap3A_1481 = arith.index_cast %add3A_1480 : i32 to index
      %swap3A_1482 = arith.constant 96 : index
      %swap3A_1483 = tpu.vector_load %arg14[%swap3A_1481, %swap3A_1482] {strides = array<i32>} : memref<512x128xf32, #tpu.memory_space<vmem>>, vector<1x16xf32>,
      %swap3A_1484 = vector.shape_cast %swap3A_1483 : vector<1x16xf32> to vector<16xf32>
      %swap3A_1485 = vector.shape_cast %add3A_1478 : vector<16xf32> to vector<1x16xf32>
      tpu.vector_store %arg14[%swap3A_1481, %swap3A_1482], %swap3A_1485 {strides = array<i32>} : memref<512x128xf32, #tpu.memory_space<vmem>>, vector<1x16xf32>,
      %add3A_1486 = arith.constant 1 : i32
      %add3A_1487 = arith.addi %add3A_1260, %add3A_1486 : i32
      %get3A_1488 = arith.index_cast %add3A_1487 : i32 to index
      %get3A_1489 = arith.constant 112 : index
      %get3A_1490 = tpu.vector_load %arg14[%get3A_1488, %get3A_1489] {strides = array<i32>} : memref<512x128xf32, #tpu.memory_space<vmem>>, vector<1x16xf32>,
      %get3A_1491 = vector.shape_cast %get3A_1490 : vector<1x16xf32> to vector<16xf32>
      %mul3A_1492 = arith.mulf %get3A_1491, %get3A_1100 : vector<16xf32>
      %add3A_1493 = arith.addf %mul3A_1492, %get3A_1124 : vector<16xf32>
      %add3A_1494 = arith.constant 1 : i32
      %add3A_1495 = arith.addi %add3A_1260, %add3A_1494 : i32
      %swap3A_1496 = arith.index_cast %add3A_1495 : i32 to index
      %swap3A_1497 = arith.constant 112 : index
      %swap3A_1498 = tpu.vector_load %arg14[%swap3A_1496, %swap3A_1497] {strides = array<i32>} : memref<512x128xf32, #tpu.memory_space<vmem>>, vector<1x16xf32>,
      %swap3A_1499 = vector.shape_cast %swap3A_1498 : vector<1x16xf32> to vector<16xf32>
      %swap3A_1500 = vector.shape_cast %add3A_1493 : vector<16xf32> to vector<1x16xf32>
      tpu.vector_store %arg14[%swap3A_1496, %swap3A_1497], %swap3A_1500 {strides = array<i32>} : memref<512x128xf32, #tpu.memory_space<vmem>>, vector<1x16xf32>,
      %add3A_1501 = arith.constant 2 : i32
      %add3A_1502 = arith.addi %add3A_1260, %add3A_1501 : i32
      %get3A_1503 = arith.index_cast %add3A_1502 : i32 to index
      %get3A_1504 = arith.constant 0 : index
      %get3A_1505 = tpu.vector_load %arg14[%get3A_1503, %get3A_1504] {strides = array<i32>} : memref<512x128xf32, #tpu.memory_space<vmem>>, vector<1x16xf32>,
      %get3A_1506 = vector.shape_cast %get3A_1505 : vector<1x16xf32> to vector<16xf32>
      %mul3A_1507 = arith.mulf %get3A_1506, %get3A_1079 : vector<16xf32>
      %add3A_1508 = arith.addf %mul3A_1507, %get3A_1103 : vector<16xf32>
      %add3A_1509 = arith.constant 2 : i32
      %add3A_1510 = arith.addi %add3A_1260, %add3A_1509 : i32
      %swap3A_1511 = arith.index_cast %add3A_1510 : i32 to index
      %swap3A_1512 = arith.constant 0 : index
      %swap3A_1513 = tpu.vector_load %arg14[%swap3A_1511, %swap3A_1512] {strides = array<i32>} : memref<512x128xf32, #tpu.memory_space<vmem>>, vector<1x16xf32>,
      %swap3A_1514 = vector.shape_cast %swap3A_1513 : vector<1x16xf32> to vector<16xf32>
      %swap3A_1515 = vector.shape_cast %add3A_1508 : vector<16xf32> to vector<1x16xf32>
      tpu.vector_store %arg14[%swap3A_1511, %swap3A_1512], %swap3A_1515 {strides = array<i32>} : memref<512x128xf32, #tpu.memory_space<vmem>>, vector<1x16xf32>,
      %add3A_1516 = arith.constant 2 : i32
      %add3A_1517 = arith.addi %add3A_1260, %add3A_1516 : i32
      %get3A_1518 = arith.index_cast %add3A_1517 : i32 to index
      %get3A_1519 = arith.constant 16 : index
      %get3A_1520 = tpu.vector_load %arg14[%get3A_1518, %get3A_1519] {strides = array<i32>} : memref<512x128xf32, #tpu.memory_space<vmem>>, vector<1x16xf32>,
      %get3A_1521 = vector.shape_cast %get3A_1520 : vector<1x16xf32> to vector<16xf32>
      %mul3A_1522 = arith.mulf %get3A_1521, %get3A_1082 : vector<16xf32>
      %add3A_1523 = arith.addf %mul3A_1522, %get3A_1106 : vector<16xf32>
      %add3A_1524 = arith.constant 2 : i32
      %add3A_1525 = arith.addi %add3A_1260, %add3A_1524 : i32
      %swap3A_1526 = arith.index_cast %add3A_1525 : i32 to index
      %swap3A_1527 = arith.constant 16 : index
      %swap3A_1528 = tpu.vector_load %arg14[%swap3A_1526, %swap3A_1527] {strides = array<i32>} : memref<512x128xf32, #tpu.memory_space<vmem>>, vector<1x16xf32>,
      %swap3A_1529 = vector.shape_cast %swap3A_1528 : vector<1x16xf32> to vector<16xf32>
      %swap3A_1530 = vector.shape_cast %add3A_1523 : vector<16xf32> to vector<1x16xf32>
      tpu.vector_store %arg14[%swap3A_1526, %swap3A_1527], %swap3A_1530 {strides = array<i32>} : memref<512x128xf32, #tpu.memory_space<vmem>>, vector<1x16xf32>,
      %add3A_1531 = arith.constant 2 : i32
      %add3A_1532 = arith.addi %add3A_1260, %add3A_1531 : i32
      %get3A_1533 = arith.index_cast %add3A_1532 : i32 to index
      %get3A_1534 = arith.constant 32 : index
      %get3A_1535 = tpu.vector_load %arg14[%get3A_1533, %get3A_1534] {strides = array<i32>} : memref<512x128xf32, #tpu.memory_space<vmem>>, vector<1x16xf32>,
      %get3A_1536 = vector.shape_cast %get3A_1535 : vector<1x16xf32> to vector<16xf32>
      %mul3A_1537 = arith.mulf %get3A_1536, %get3A_1085 : vector<16xf32>
      %add3A_1538 = arith.addf %mul3A_1537, %get3A_1109 : vector<16xf32>
      %add3A_1539 = arith.constant 2 : i32
      %add3A_1540 = arith.addi %add3A_1260, %add3A_1539 : i32
      %swap3A_1541 = arith.index_cast %add3A_1540 : i32 to index
      %swap3A_1542 = arith.constant 32 : index
      %swap3A_1543 = tpu.vector_load %arg14[%swap3A_1541, %swap3A_1542] {strides = array<i32>} : memref<512x128xf32, #tpu.memory_space<vmem>>, vector<1x16xf32>,
      %swap3A_1544 = vector.shape_cast %swap3A_1543 : vector<1x16xf32> to vector<16xf32>
      %swap3A_1545 = vector.shape_cast %add3A_1538 : vector<16xf32> to vector<1x16xf32>
      tpu.vector_store %arg14[%swap3A_1541, %swap3A_1542], %swap3A_1545 {strides = array<i32>} : memref<512x128xf32, #tpu.memory_space<vmem>>, vector<1x16xf32>,
      %add3A_1546 = arith.constant 2 : i32
      %add3A_1547 = arith.addi %add3A_1260, %add3A_1546 : i32
      %get3A_1548 = arith.index_cast %add3A_1547 : i32 to index
      %get3A_1549 = arith.constant 48 : index
      %get3A_1550 = tpu.vector_load %arg14[%get3A_1548, %get3A_1549] {strides = array<i32>} : memref<512x128xf32, #tpu.memory_space<vmem>>, vector<1x16xf32>,
      %get3A_1551 = vector.shape_cast %get3A_1550 : vector<1x16xf32> to vector<16xf32>
      %mul3A_1552 = arith.mulf %get3A_1551, %get3A_1088 : vector<16xf32>
      %add3A_1553 = arith.addf %mul3A_1552, %get3A_1112 : vector<16xf32>
      %add3A_1554 = arith.constant 2 : i32
      %add3A_1555 = arith.addi %add3A_1260, %add3A_1554 : i32
      %swap3A_1556 = arith.index_cast %add3A_1555 : i32 to index
      %swap3A_1557 = arith.constant 48 : index
      %swap3A_1558 = tpu.vector_load %arg14[%swap3A_1556, %swap3A_1557] {strides = array<i32>} : memref<512x128xf32, #tpu.memory_space<vmem>>, vector<1x16xf32>,
      %swap3A_1559 = vector.shape_cast %swap3A_1558 : vector<1x16xf32> to vector<16xf32>
      %swap3A_1560 = vector.shape_cast %add3A_1553 : vector<16xf32> to vector<1x16xf32>
      tpu.vector_store %arg14[%swap3A_1556, %swap3A_1557], %swap3A_1560 {strides = array<i32>} : memref<512x128xf32, #tpu.memory_space<vmem>>, vector<1x16xf32>,
      %add3A_1561 = arith.constant 2 : i32
      %add3A_1562 = arith.addi %add3A_1260, %add3A_1561 : i32
      %get3A_1563 = arith.index_cast %add3A_1562 : i32 to index
      %get3A_1564 = arith.constant 64 : index
      %get3A_1565 = tpu.vector_load %arg14[%get3A_1563, %get3A_1564] {strides = array<i32>} : memref<512x128xf32, #tpu.memory_space<vmem>>, vector<1x16xf32>,
      %get3A_1566 = vector.shape_cast %get3A_1565 : vector<1x16xf32> to vector<16xf32>
      %mul3A_1567 = arith.mulf %get3A_1566, %get3A_1091 : vector<16xf32>
      %add3A_1568 = arith.addf %mul3A_1567, %get3A_1115 : vector<16xf32>
      %add3A_1569 = arith.constant 2 : i32
      %add3A_1570 = arith.addi %add3A_1260, %add3A_1569 : i32
      %swap3A_1571 = arith.index_cast %add3A_1570 : i32 to index
      %swap3A_1572 = arith.constant 64 : index
      %swap3A_1573 = tpu.vector_load %arg14[%swap3A_1571, %swap3A_1572] {strides = array<i32>} : memref<512x128xf32, #tpu.memory_space<vmem>>, vector<1x16xf32>,
      %swap3A_1574 = vector.shape_cast %swap3A_1573 : vector<1x16xf32> to vector<16xf32>
      %swap3A_1575 = vector.shape_cast %add3A_1568 : vector<16xf32> to vector<1x16xf32>
      tpu.vector_store %arg14[%swap3A_1571, %swap3A_1572], %swap3A_1575 {strides = array<i32>} : memref<512x128xf32, #tpu.memory_space<vmem>>, vector<1x16xf32>,
      %add3A_1576 = arith.constant 2 : i32
      %add3A_1577 = arith.addi %add3A_1260, %add3A_1576 : i32
      %get3A_1578 = arith.index_cast %add3A_1577 : i32 to index
      %get3A_1579 = arith.constant 80 : index
      %get3A_1580 = tpu.vector_load %arg14[%get3A_1578, %get3A_1579] {strides = array<i32>} : memref<512x128xf32, #tpu.memory_space<vmem>>, vector<1x16xf32>,
      %get3A_1581 = vector.shape_cast %get3A_1580 : vector<1x16xf32> to vector<16xf32>
      %mul3A_1582 = arith.mulf %get3A_1581, %get3A_1094 : vector<16xf32>
      %add3A_1583 = arith.addf %mul3A_1582, %get3A_1118 : vector<16xf32>
      %add3A_1584 = arith.constant 2 : i32
      %add3A_1585 = arith.addi %add3A_1260, %add3A_1584 : i32
      %swap3A_1586 = arith.index_cast %add3A_1585 : i32 to index
      %swap3A_1587 = arith.constant 80 : index
      %swap3A_1588 = tpu.vector_load %arg14[%swap3A_1586, %swap3A_1587] {strides = array<i32>} : memref<512x128xf32, #tpu.memory_space<vmem>>, vector<1x16xf32>,
      %swap3A_1589 = vector.shape_cast %swap3A_1588 : vector<1x16xf32> to vector<16xf32>
      %swap3A_1590 = vector.shape_cast %add3A_1583 : vector<16xf32> to vector<1x16xf32>
      tpu.vector_store %arg14[%swap3A_1586, %swap3A_1587], %swap3A_1590 {strides = array<i32>} : memref<512x128xf32, #tpu.memory_space<vmem>>, vector<1x16xf32>,
      %add3A_1591 = arith.constant 2 : i32
      %add3A_1592 = arith.addi %add3A_1260, %add3A_1591 : i32
      %get3A_1593 = arith.index_cast %add3A_1592 : i32 to index
      %get3A_1594 = arith.constant 96 : index
      %get3A_1595 = tpu.vector_load %arg14[%get3A_1593, %get3A_1594] {strides = array<i32>} : memref<512x128xf32, #tpu.memory_space<vmem>>, vector<1x16xf32>,
      %get3A_1596 = vector.shape_cast %get3A_1595 : vector<1x16xf32> to vector<16xf32>
      %mul3A_1597 = arith.mulf %get3A_1596, %get3A_1097 : vector<16xf32>
      %add3A_1598 = arith.addf %mul3A_1597, %get3A_1121 : vector<16xf32>
      %add3A_1599 = arith.constant 2 : i32
      %add3A_1600 = arith.addi %add3A_1260, %add3A_1599 : i32
      %swap3A_1601 = arith.index_cast %add3A_1600 : i32 to index
      %swap3A_1602 = arith.constant 96 : index
      %swap3A_1603 = tpu.vector_load %arg14[%swap3A_1601, %swap3A_1602] {strides = array<i32>} : memref<512x128xf32, #tpu.memory_space<vmem>>, vector<1x16xf32>,
      %swap3A_1604 = vector.shape_cast %swap3A_1603 : vector<1x16xf32> to vector<16xf32>
      %swap3A_1605 = vector.shape_cast %add3A_1598 : vector<16xf32> to vector<1x16xf32>
      tpu.vector_store %arg14[%swap3A_1601, %swap3A_1602], %swap3A_1605 {strides = array<i32>} : memref<512x128xf32, #tpu.memory_space<vmem>>, vector<1x16xf32>,
      %add3A_1606 = arith.constant 2 : i32
      %add3A_1607 = arith.addi %add3A_1260, %add3A_1606 : i32
      %get3A_1608 = arith.index_cast %add3A_1607 : i32 to index
      %get3A_1609 = arith.constant 112 : index
      %get3A_1610 = tpu.vector_load %arg14[%get3A_1608, %get3A_1609] {strides = array<i32>} : memref<512x128xf32, #tpu.memory_space<vmem>>, vector<1x16xf32>,
      %get3A_1611 = vector.shape_cast %get3A_1610 : vector<1x16xf32> to vector<16xf32>
      %mul3A_1612 = arith.mulf %get3A_1611, %get3A_1100 : vector<16xf32>
      %add3A_1613 = arith.addf %mul3A_1612, %get3A_1124 : vector<16xf32>
      %add3A_1614 = arith.constant 2 : i32
      %add3A_1615 = arith.addi %add3A_1260, %add3A_1614 : i32
      %swap3A_1616 = arith.index_cast %add3A_1615 : i32 to index
      %swap3A_1617 = arith.constant 112 : index
      %swap3A_1618 = tpu.vector_load %arg14[%swap3A_1616, %swap3A_1617] {strides = array<i32>} : memref<512x128xf32, #tpu.memory_space<vmem>>, vector<1x16xf32>,
      %swap3A_1619 = vector.shape_cast %swap3A_1618 : vector<1x16xf32> to vector<16xf32>
      %swap3A_1620 = vector.shape_cast %add3A_1613 : vector<16xf32> to vector<1x16xf32>
      tpu.vector_store %arg14[%swap3A_1616, %swap3A_1617], %swap3A_1620 {strides = array<i32>} : memref<512x128xf32, #tpu.memory_space<vmem>>, vector<1x16xf32>,
      %add3A_1621 = arith.constant 3 : i32
      %add3A_1622 = arith.addi %add3A_1260, %add3A_1621 : i32
      %get3A_1623 = arith.index_cast %add3A_1622 : i32 to index
      %get3A_1624 = arith.constant 0 : index
      %get3A_1625 = tpu.vector_load %arg14[%get3A_1623, %get3A_1624] {strides = array<i32>} : memref<512x128xf32, #tpu.memory_space<vmem>>, vector<1x16xf32>,
      %get3A_1626 = vector.shape_cast %get3A_1625 : vector<1x16xf32> to vector<16xf32>
      %mul3A_1627 = arith.mulf %get3A_1626, %get3A_1079 : vector<16xf32>
      %add3A_1628 = arith.addf %mul3A_1627, %get3A_1103 : vector<16xf32>
      %add3A_1629 = arith.constant 3 : i32
      %add3A_1630 = arith.addi %add3A_1260, %add3A_1629 : i32
      %swap3A_1631 = arith.index_cast %add3A_1630 : i32 to index
      %swap3A_1632 = arith.constant 0 : index
      %swap3A_1633 = tpu.vector_load %arg14[%swap3A_1631, %swap3A_1632] {strides = array<i32>} : memref<512x128xf32, #tpu.memory_space<vmem>>, vector<1x16xf32>,
      %swap3A_1634 = vector.shape_cast %swap3A_1633 : vector<1x16xf32> to vector<16xf32>
      %swap3A_1635 = vector.shape_cast %add3A_1628 : vector<16xf32> to vector<1x16xf32>
      tpu.vector_store %arg14[%swap3A_1631, %swap3A_1632], %swap3A_1635 {strides = array<i32>} : memref<512x128xf32, #tpu.memory_space<vmem>>, vector<1x16xf32>,
      %add3A_1636 = arith.constant 3 : i32
      %add3A_1637 = arith.addi %add3A_1260, %add3A_1636 : i32
      %get3A_1638 = arith.index_cast %add3A_1637 : i32 to index
      %get3A_1639 = arith.constant 16 : index
      %get3A_1640 = tpu.vector_load %arg14[%get3A_1638, %get3A_1639] {strides = array<i32>} : memref<512x128xf32, #tpu.memory_space<vmem>>, vector<1x16xf32>,
      %get3A_1641 = vector.shape_cast %get3A_1640 : vector<1x16xf32> to vector<16xf32>
      %mul3A_1642 = arith.mulf %get3A_1641, %get3A_1082 : vector<16xf32>
      %add3A_1643 = arith.addf %mul3A_1642, %get3A_1106 : vector<16xf32>
      %add3A_1644 = arith.constant 3 : i32
      %add3A_1645 = arith.addi %add3A_1260, %add3A_1644 : i32
      %swap3A_1646 = arith.index_cast %add3A_1645 : i32 to index
      %swap3A_1647 = arith.constant 16 : index
      %swap3A_1648 = tpu.vector_load %arg14[%swap3A_1646, %swap3A_1647] {strides = array<i32>} : memref<512x128xf32, #tpu.memory_space<vmem>>, vector<1x16xf32>,
      %swap3A_1649 = vector.shape_cast %swap3A_1648 : vector<1x16xf32> to vector<16xf32>
      %swap3A_1650 = vector.shape_cast %add3A_1643 : vector<16xf32> to vector<1x16xf32>
      tpu.vector_store %arg14[%swap3A_1646, %swap3A_1647], %swap3A_1650 {strides = array<i32>} : memref<512x128xf32, #tpu.memory_space<vmem>>, vector<1x16xf32>,
      %add3A_1651 = arith.constant 3 : i32
      %add3A_1652 = arith.addi %add3A_1260, %add3A_1651 : i32
      %get3A_1653 = arith.index_cast %add3A_1652 : i32 to index
      %get3A_1654 = arith.constant 32 : index
      %get3A_1655 = tpu.vector_load %arg14[%get3A_1653, %get3A_1654] {strides = array<i32>} : memref<512x128xf32, #tpu.memory_space<vmem>>, vector<1x16xf32>,
      %get3A_1656 = vector.shape_cast %get3A_1655 : vector<1x16xf32> to vector<16xf32>
      %mul3A_1657 = arith.mulf %get3A_1656, %get3A_1085 : vector<16xf32>
      %add3A_1658 = arith.addf %mul3A_1657, %get3A_1109 : vector<16xf32>
      %add3A_1659 = arith.constant 3 : i32
      %add3A_1660 = arith.addi %add3A_1260, %add3A_1659 : i32
      %swap3A_1661 = arith.index_cast %add3A_1660 : i32 to index
      %swap3A_1662 = arith.constant 32 : index
      %swap3A_1663 = tpu.vector_load %arg14[%swap3A_1661, %swap3A_1662] {strides = array<i32>} : memref<512x128xf32, #tpu.memory_space<vmem>>, vector<1x16xf32>,
      %swap3A_1664 = vector.shape_cast %swap3A_1663 : vector<1x16xf32> to vector<16xf32>
      %swap3A_1665 = vector.shape_cast %add3A_1658 : vector<16xf32> to vector<1x16xf32>
      tpu.vector_store %arg14[%swap3A_1661, %swap3A_1662], %swap3A_1665 {strides = array<i32>} : memref<512x128xf32, #tpu.memory_space<vmem>>, vector<1x16xf32>,
      %add3A_1666 = arith.constant 3 : i32
      %add3A_1667 = arith.addi %add3A_1260, %add3A_1666 : i32
      %get3A_1668 = arith.index_cast %add3A_1667 : i32 to index
      %get3A_1669 = arith.constant 48 : index
      %get3A_1670 = tpu.vector_load %arg14[%get3A_1668, %get3A_1669] {strides = array<i32>} : memref<512x128xf32, #tpu.memory_space<vmem>>, vector<1x16xf32>,
      %get3A_1671 = vector.shape_cast %get3A_1670 : vector<1x16xf32> to vector<16xf32>
      %mul3A_1672 = arith.mulf %get3A_1671, %get3A_1088 : vector<16xf32>
      %add3A_1673 = arith.addf %mul3A_1672, %get3A_1112 : vector<16xf32>
      %add3A_1674 = arith.constant 3 : i32
      %add3A_1675 = arith.addi %add3A_1260, %add3A_1674 : i32
      %swap3A_1676 = arith.index_cast %add3A_1675 : i32 to index
      %swap3A_1677 = arith.constant 48 : index
      %swap3A_1678 = tpu.vector_load %arg14[%swap3A_1676, %swap3A_1677] {strides = array<i32>} : memref<512x128xf32, #tpu.memory_space<vmem>>, vector<1x16xf32>,
      %swap3A_1679 = vector.shape_cast %swap3A_1678 : vector<1x16xf32> to vector<16xf32>
      %swap3A_1680 = vector.shape_cast %add3A_1673 : vector<16xf32> to vector<1x16xf32>
      tpu.vector_store %arg14[%swap3A_1676, %swap3A_1677], %swap3A_1680 {strides = array<i32>} : memref<512x128xf32, #tpu.memory_space<vmem>>, vector<1x16xf32>,
      %add3A_1681 = arith.constant 3 : i32
      %add3A_1682 = arith.addi %add3A_1260, %add3A_1681 : i32
      %get3A_1683 = arith.index_cast %add3A_1682 : i32 to index
      %get3A_1684 = arith.constant 64 : index
      %get3A_1685 = tpu.vector_load %arg14[%get3A_1683, %get3A_1684] {strides = array<i32>} : memref<512x128xf32, #tpu.memory_space<vmem>>, vector<1x16xf32>,
      %get3A_1686 = vector.shape_cast %get3A_1685 : vector<1x16xf32> to vector<16xf32>
      %mul3A_1687 = arith.mulf %get3A_1686, %get3A_1091 : vector<16xf32>
      %add3A_1688 = arith.addf %mul3A_1687, %get3A_1115 : vector<16xf32>
      %add3A_1689 = arith.constant 3 : i32
      %add3A_1690 = arith.addi %add3A_1260, %add3A_1689 : i32
      %swap3A_1691 = arith.index_cast %add3A_1690 : i32 to index
      %swap3A_1692 = arith.constant 64 : index
      %swap3A_1693 = tpu.vector_load %arg14[%swap3A_1691, %swap3A_1692] {strides = array<i32>} : memref<512x128xf32, #tpu.memory_space<vmem>>, vector<1x16xf32>,
      %swap3A_1694 = vector.shape_cast %swap3A_1693 : vector<1x16xf32> to vector<16xf32>
      %swap3A_1695 = vector.shape_cast %add3A_1688 : vector<16xf32> to vector<1x16xf32>
      tpu.vector_store %arg14[%swap3A_1691, %swap3A_1692], %swap3A_1695 {strides = array<i32>} : memref<512x128xf32, #tpu.memory_space<vmem>>, vector<1x16xf32>,
      %add3A_1696 = arith.constant 3 : i32
      %add3A_1697 = arith.addi %add3A_1260, %add3A_1696 : i32
      %get3A_1698 = arith.index_cast %add3A_1697 : i32 to index
      %get3A_1699 = arith.constant 80 : index
      %get3A_1700 = tpu.vector_load %arg14[%get3A_1698, %get3A_1699] {strides = array<i32>} : memref<512x128xf32, #tpu.memory_space<vmem>>, vector<1x16xf32>,
      %get3A_1701 = vector.shape_cast %get3A_1700 : vector<1x16xf32> to vector<16xf32>
      %mul3A_1702 = arith.mulf %get3A_1701, %get3A_1094 : vector<16xf32>
      %add3A_1703 = arith.addf %mul3A_1702, %get3A_1118 : vector<16xf32>
      %add3A_1704 = arith.constant 3 : i32
      %add3A_1705 = arith.addi %add3A_1260, %add3A_1704 : i32
      %swap3A_1706 = arith.index_cast %add3A_1705 : i32 to index
      %swap3A_1707 = arith.constant 80 : index
      %swap3A_1708 = tpu.vector_load %arg14[%swap3A_1706, %swap3A_1707] {strides = array<i32>} : memref<512x128xf32, #tpu.memory_space<vmem>>, vector<1x16xf32>,
      %swap3A_1709 = vector.shape_cast %swap3A_1708 : vector<1x16xf32> to vector<16xf32>
      %swap3A_1710 = vector.shape_cast %add3A_1703 : vector<16xf32> to vector<1x16xf32>
      tpu.vector_store %arg14[%swap3A_1706, %swap3A_1707], %swap3A_1710 {strides = array<i32>} : memref<512x128xf32, #tpu.memory_space<vmem>>, vector<1x16xf32>,
      %add3A_1711 = arith.constant 3 : i32
      %add3A_1712 = arith.addi %add3A_1260, %add3A_1711 : i32
      %get3A_1713 = arith.index_cast %add3A_1712 : i32 to index
      %get3A_1714 = arith.constant 96 : index
      %get3A_1715 = tpu.vector_load %arg14[%get3A_1713, %get3A_1714] {strides = array<i32>} : memref<512x128xf32, #tpu.memory_space<vmem>>, vector<1x16xf32>,
      %get3A_1716 = vector.shape_cast %get3A_1715 : vector<1x16xf32> to vector<16xf32>
      %mul3A_1717 = arith.mulf %get3A_1716, %get3A_1097 : vector<16xf32>
      %add3A_1718 = arith.addf %mul3A_1717, %get3A_1121 : vector<16xf32>
      %add3A_1719 = arith.constant 3 : i32
      %add3A_1720 = arith.addi %add3A_1260, %add3A_1719 : i32
      %swap3A_1721 = arith.index_cast %add3A_1720 : i32 to index
      %swap3A_1722 = arith.constant 96 : index
      %swap3A_1723 = tpu.vector_load %arg14[%swap3A_1721, %swap3A_1722] {strides = array<i32>} : memref<512x128xf32, #tpu.memory_space<vmem>>, vector<1x16xf32>,
      %swap3A_1724 = vector.shape_cast %swap3A_1723 : vector<1x16xf32> to vector<16xf32>
      %swap3A_1725 = vector.shape_cast %add3A_1718 : vector<16xf32> to vector<1x16xf32>
      tpu.vector_store %arg14[%swap3A_1721, %swap3A_1722], %swap3A_1725 {strides = array<i32>} : memref<512x128xf32, #tpu.memory_space<vmem>>, vector<1x16xf32>,
      %add3A_1726 = arith.constant 3 : i32
      %add3A_1727 = arith.addi %add3A_1260, %add3A_1726 : i32
      %get3A_1728 = arith.index_cast %add3A_1727 : i32 to index
      %get3A_1729 = arith.constant 112 : index
      %get3A_1730 = tpu.vector_load %arg14[%get3A_1728, %get3A_1729] {strides = array<i32>} : memref<512x128xf32, #tpu.memory_space<vmem>>, vector<1x16xf32>,
      %get3A_1731 = vector.shape_cast %get3A_1730 : vector<1x16xf32> to vector<16xf32>
      %mul3A_1732 = arith.mulf %get3A_1731, %get3A_1100 : vector<16xf32>
      %add3A_1733 = arith.addf %mul3A_1732, %get3A_1124 : vector<16xf32>
      %add3A_1734 = arith.constant 3 : i32
      %add3A_1735 = arith.addi %add3A_1260, %add3A_1734 : i32
      %swap3A_1736 = arith.index_cast %add3A_1735 : i32 to index
      %swap3A_1737 = arith.constant 112 : index
      %swap3A_1738 = tpu.vector_load %arg14[%swap3A_1736, %swap3A_1737] {strides = array<i32>} : memref<512x128xf32, #tpu.memory_space<vmem>>, vector<1x16xf32>,
      %swap3A_1739 = vector.shape_cast %swap3A_1738 : vector<1x16xf32> to vector<16xf32>
      %swap3A_1740 = vector.shape_cast %add3A_1733 : vector<16xf32> to vector<1x16xf32>
      tpu.vector_store %arg14[%swap3A_1736, %swap3A_1737], %swap3A_1740 {strides = array<i32>} : memref<512x128xf32, #tpu.memory_space<vmem>>, vector<1x16xf32>,
    }
    %scan3A_1157 = arith.constant 32 : i32
    %add3A_1158 = arith.constant 128 : i32
    %add3A_1159 = arith.addi %mul3A_2, %add3A_1158 : i32
    %dma_start3A_1160 = arith.constant 128 : i32
    %dma_start3A_1161 = arith.constant 0 : i32
    %dma_start3A_1162 = tpu.memref_slice %arg14[%dma_start3A_1160, %dma_start3A_1161] : memref<512x128xf32, #tpu.memory_space<vmem>> -> memref<128x128xf32, #tpu.memory_space<vmem>>
    %dma_start3A_1163 = arith.constant 0 : i32
    %dma_start3A_1164 = tpu.memref_slice %arg7[%add3A_1159, %dma_start3A_1163] : memref<16384x128xf32, #tpu.memory_space<hbm>> -> memref<128x128xf32, #tpu.memory_space<hbm>>
    %dma_start3A_1165 = arith.constant 0 : i32
    %dma_start3A_1166 = tpu.memref_slice %arg7[%add3A_1159, %dma_start3A_1165] : memref<16384x128xf32, #tpu.memory_space<hbm>> -> memref<128x128xf32, #tpu.memory_space<hbm>>
    %dma_start3A_1167 = arith.constant 128 : i32
    %dma_start3A_1168 = arith.constant 0 : i32
    %dma_start3A_1169 = tpu.memref_slice %arg14[%dma_start3A_1167, %dma_start3A_1168] : memref<512x128xf32, #tpu.memory_space<vmem>> -> memref<128x128xf32, #tpu.memory_space<vmem>>
    tpu.enqueue_dma source(%dma_start3A_1169 : memref<128x128xf32, #tpu.memory_space<vmem>>) target(%dma_start3A_1166 : memref<128x128xf32, #tpu.memory_space<hbm>>) target_semaphore(%arg19 : memref<!tpu.dma_semaphore, #tpu.memory_space<semaphore_mem>>)
    %dma_wait3A_1170 = arith.constant 256 : i32
    %dma_wait3A_1171 = arith.constant 0 : i32
    %dma_wait3A_1172 = tpu.memref_slice %arg14[%dma_wait3A_1170, %dma_wait3A_1171] : memref<512x128xf32, #tpu.memory_space<vmem>> -> memref<256x128xf32, #tpu.memory_space<vmem>>
    %dma_wait3A_1173 = arith.constant 0 : i32
    %dma_wait3A_1174 = tpu.memref_slice %arg2[%add3A_24, %dma_wait3A_1173] : memref<16384x128xf32, #tpu.memory_space<hbm>> -> memref<256x128xf32, #tpu.memory_space<hbm>>
    %dma_wait3A_1175 = arith.constant 256 : i32
    %dma_wait3A_1176 = arith.constant 0 : i32
    %dma_wait3A_1177 = tpu.memref_slice %arg14[%dma_wait3A_1175, %dma_wait3A_1176] : memref<512x128xf32, #tpu.memory_space<vmem>> -> memref<256x128xf32, #tpu.memory_space<vmem>>
    %dma_wait3A_1178 = arith.constant 0 : i32
    %dma_wait3A_1179 = tpu.memref_slice %arg2[%add3A_24, %dma_wait3A_1178] : memref<16384x128xf32, #tpu.memory_space<hbm>> -> memref<256x128xf32, #tpu.memory_space<hbm>>
    tpu.wait_dma2 semaphore(%arg17 : memref<!tpu.dma_semaphore, #tpu.memory_space<semaphore_mem>>) src(%dma_wait3A_1179 : memref<256x128xf32, #tpu.memory_space<hbm>>) dst(%dma_wait3A_1177 : memref<256x128xf32, #tpu.memory_space<vmem>>)
    %scan3A_1180 = arith.constant 0 : i32
    %scan3A_1181 = arith.constant 0 : i32
    %scan3A_1182 = arith.constant 32 : i32
    %scan3A_1183 = arith.addi %scan3A_1181, %scan3A_1182 : i32
    %scan3A_1184 = arith.constant 1 : i32
    scf.for %scan3A_1256 = %scan3A_1181 to %scan3A_1183 step %scan3A_1184  : i32 {
      %mul3A_1257 = arith.constant 4 : i32
      %mul3A_1258 = arith.muli %scan3A_1256, %mul3A_1257 : i32
      %add3A_1259 = arith.constant 256 : i32
      %add3A_1260 = arith.addi %add3A_1259, %mul3A_1258 : i32
      %add3A_1261 = arith.constant 0 : i32
      %add3A_1262 = arith.addi %add3A_1260, %add3A_1261 : i32
      %get3A_1263 = arith.index_cast %add3A_1262 : i32 to index
      %get3A_1264 = arith.constant 0 : index
      %get3A_1265 = tpu.vector_load %arg14[%get3A_1263, %get3A_1264] {strides = array<i32>} : memref<512x128xf32, #tpu.memory_space<vmem>>, vector<1x16xf32>,
      %get3A_1266 = vector.shape_cast %get3A_1265 : vector<1x16xf32> to vector<16xf32>
      %mul3A_1267 = arith.mulf %get3A_1266, %get3A_1079 : vector<16xf32>
      %add3A_1268 = arith.addf %mul3A_1267, %get3A_1103 : vector<16xf32>
      %add3A_1269 = arith.constant 0 : i32
      %add3A_1270 = arith.addi %add3A_1260, %add3A_1269 : i32
      %swap3A_1271 = arith.index_cast %add3A_1270 : i32 to index
      %swap3A_1272 = arith.constant 0 : index
      %swap3A_1273 = tpu.vector_load %arg14[%swap3A_1271, %swap3A_1272] {strides = array<i32>} : memref<512x128xf32, #tpu.memory_space<vmem>>, vector<1x16xf32>,
      %swap3A_1274 = vector.shape_cast %swap3A_1273 : vector<1x16xf32> to vector<16xf32>
      %swap3A_1275 = vector.shape_cast %add3A_1268 : vector<16xf32> to vector<1x16xf32>
      tpu.vector_store %arg14[%swap3A_1271, %swap3A_1272], %swap3A_1275 {strides = array<i32>} : memref<512x128xf32, #tpu.memory_space<vmem>>, vector<1x16xf32>,
      %add3A_1276 = arith.constant 0 : i32
      %add3A_1277 = arith.addi %add3A_1260, %add3A_1276 : i32
      %get3A_1278 = arith.index_cast %add3A_1277 : i32 to index
      %get3A_1279 = arith.constant 16 : index
      %get3A_1280 = tpu.vector_load %arg14[%get3A_1278, %get3A_1279] {strides = array<i32>} : memref<512x128xf32, #tpu.memory_space<vmem>>, vector<1x16xf32>,
      %get3A_1281 = vector.shape_cast %get3A_1280 : vector<1x16xf32> to vector<16xf32>
      %mul3A_1282 = arith.mulf %get3A_1281, %get3A_1082 : vector<16xf32>
      %add3A_1283 = arith.addf %mul3A_1282, %get3A_1106 : vector<16xf32>
      %add3A_1284 = arith.constant 0 : i32
      %add3A_1285 = arith.addi %add3A_1260, %add3A_1284 : i32
      %swap3A_1286 = arith.index_cast %add3A_1285 : i32 to index
      %swap3A_1287 = arith.constant 16 : index
      %swap3A_1288 = tpu.vector_load %arg14[%swap3A_1286, %swap3A_1287] {strides = array<i32>} : memref<512x128xf32, #tpu.memory_space<vmem>>, vector<1x16xf32>,
      %swap3A_1289 = vector.shape_cast %swap3A_1288 : vector<1x16xf32> to vector<16xf32>
      %swap3A_1290 = vector.shape_cast %add3A_1283 : vector<16xf32> to vector<1x16xf32>
      tpu.vector_store %arg14[%swap3A_1286, %swap3A_1287], %swap3A_1290 {strides = array<i32>} : memref<512x128xf32, #tpu.memory_space<vmem>>, vector<1x16xf32>,
      %add3A_1291 = arith.constant 0 : i32
      %add3A_1292 = arith.addi %add3A_1260, %add3A_1291 : i32
      %get3A_1293 = arith.index_cast %add3A_1292 : i32 to index
      %get3A_1294 = arith.constant 32 : index
      %get3A_1295 = tpu.vector_load %arg14[%get3A_1293, %get3A_1294] {strides = array<i32>} : memref<512x128xf32, #tpu.memory_space<vmem>>, vector<1x16xf32>,
      %get3A_1296 = vector.shape_cast %get3A_1295 : vector<1x16xf32> to vector<16xf32>
      %mul3A_1297 = arith.mulf %get3A_1296, %get3A_1085 : vector<16xf32>
      %add3A_1298 = arith.addf %mul3A_1297, %get3A_1109 : vector<16xf32>
      %add3A_1299 = arith.constant 0 : i32
      %add3A_1300 = arith.addi %add3A_1260, %add3A_1299 : i32
      %swap3A_1301 = arith.index_cast %add3A_1300 : i32 to index
      %swap3A_1302 = arith.constant 32 : index
      %swap3A_1303 = tpu.vector_load %arg14[%swap3A_1301, %swap3A_1302] {strides = array<i32>} : memref<512x128xf32, #tpu.memory_space<vmem>>, vector<1x16xf32>,
      %swap3A_1304 = vector.shape_cast %swap3A_1303 : vector<1x16xf32> to vector<16xf32>
      %swap3A_1305 = vector.shape_cast %add3A_1298 : vector<16xf32> to vector<1x16xf32>
      tpu.vector_store %arg14[%swap3A_1301, %swap3A_1302], %swap3A_1305 {strides = array<i32>} : memref<512x128xf32, #tpu.memory_space<vmem>>, vector<1x16xf32>,
      %add3A_1306 = arith.constant 0 : i32
      %add3A_1307 = arith.addi %add3A_1260, %add3A_1306 : i32
      %get3A_1308 = arith.index_cast %add3A_1307 : i32 to index
      %get3A_1309 = arith.constant 48 : index
      %get3A_1310 = tpu.vector_load %arg14[%get3A_1308, %get3A_1309] {strides = array<i32>} : memref<512x128xf32, #tpu.memory_space<vmem>>, vector<1x16xf32>,
      %get3A_1311 = vector.shape_cast %get3A_1310 : vector<1x16xf32> to vector<16xf32>
      %mul3A_1312 = arith.mulf %get3A_1311, %get3A_1088 : vector<16xf32>
      %add3A_1313 = arith.addf %mul3A_1312, %get3A_1112 : vector<16xf32>
      %add3A_1314 = arith.constant 0 : i32
      %add3A_1315 = arith.addi %add3A_1260, %add3A_1314 : i32
      %swap3A_1316 = arith.index_cast %add3A_1315 : i32 to index
      %swap3A_1317 = arith.constant 48 : index
      %swap3A_1318 = tpu.vector_load %arg14[%swap3A_1316, %swap3A_1317] {strides = array<i32>} : memref<512x128xf32, #tpu.memory_space<vmem>>, vector<1x16xf32>,
      %swap3A_1319 = vector.shape_cast %swap3A_1318 : vector<1x16xf32> to vector<16xf32>
      %swap3A_1320 = vector.shape_cast %add3A_1313 : vector<16xf32> to vector<1x16xf32>
      tpu.vector_store %arg14[%swap3A_1316, %swap3A_1317], %swap3A_1320 {strides = array<i32>} : memref<512x128xf32, #tpu.memory_space<vmem>>, vector<1x16xf32>,
      %add3A_1321 = arith.constant 0 : i32
      %add3A_1322 = arith.addi %add3A_1260, %add3A_1321 : i32
      %get3A_1323 = arith.index_cast %add3A_1322 : i32 to index
      %get3A_1324 = arith.constant 64 : index
      %get3A_1325 = tpu.vector_load %arg14[%get3A_1323, %get3A_1324] {strides = array<i32>} : memref<512x128xf32, #tpu.memory_space<vmem>>, vector<1x16xf32>,
      %get3A_1326 = vector.shape_cast %get3A_1325 : vector<1x16xf32> to vector<16xf32>
      %mul3A_1327 = arith.mulf %get3A_1326, %get3A_1091 : vector<16xf32>
      %add3A_1328 = arith.addf %mul3A_1327, %get3A_1115 : vector<16xf32>
      %add3A_1329 = arith.constant 0 : i32
      %add3A_1330 = arith.addi %add3A_1260, %add3A_1329 : i32
      %swap3A_1331 = arith.index_cast %add3A_1330 : i32 to index
      %swap3A_1332 = arith.constant 64 : index
      %swap3A_1333 = tpu.vector_load %arg14[%swap3A_1331, %swap3A_1332] {strides = array<i32>} : memref<512x128xf32, #tpu.memory_space<vmem>>, vector<1x16xf32>,
      %swap3A_1334 = vector.shape_cast %swap3A_1333 : vector<1x16xf32> to vector<16xf32>
      %swap3A_1335 = vector.shape_cast %add3A_1328 : vector<16xf32> to vector<1x16xf32>
      tpu.vector_store %arg14[%swap3A_1331, %swap3A_1332], %swap3A_1335 {strides = array<i32>} : memref<512x128xf32, #tpu.memory_space<vmem>>, vector<1x16xf32>,
      %add3A_1336 = arith.constant 0 : i32
      %add3A_1337 = arith.addi %add3A_1260, %add3A_1336 : i32
      %get3A_1338 = arith.index_cast %add3A_1337 : i32 to index
      %get3A_1339 = arith.constant 80 : index
      %get3A_1340 = tpu.vector_load %arg14[%get3A_1338, %get3A_1339] {strides = array<i32>} : memref<512x128xf32, #tpu.memory_space<vmem>>, vector<1x16xf32>,
      %get3A_1341 = vector.shape_cast %get3A_1340 : vector<1x16xf32> to vector<16xf32>
      %mul3A_1342 = arith.mulf %get3A_1341, %get3A_1094 : vector<16xf32>
      %add3A_1343 = arith.addf %mul3A_1342, %get3A_1118 : vector<16xf32>
      %add3A_1344 = arith.constant 0 : i32
      %add3A_1345 = arith.addi %add3A_1260, %add3A_1344 : i32
      %swap3A_1346 = arith.index_cast %add3A_1345 : i32 to index
      %swap3A_1347 = arith.constant 80 : index
      %swap3A_1348 = tpu.vector_load %arg14[%swap3A_1346, %swap3A_1347] {strides = array<i32>} : memref<512x128xf32, #tpu.memory_space<vmem>>, vector<1x16xf32>,
      %swap3A_1349 = vector.shape_cast %swap3A_1348 : vector<1x16xf32> to vector<16xf32>
      %swap3A_1350 = vector.shape_cast %add3A_1343 : vector<16xf32> to vector<1x16xf32>
      tpu.vector_store %arg14[%swap3A_1346, %swap3A_1347], %swap3A_1350 {strides = array<i32>} : memref<512x128xf32, #tpu.memory_space<vmem>>, vector<1x16xf32>,
      %add3A_1351 = arith.constant 0 : i32
      %add3A_1352 = arith.addi %add3A_1260, %add3A_1351 : i32
      %get3A_1353 = arith.index_cast %add3A_1352 : i32 to index
      %get3A_1354 = arith.constant 96 : index
      %get3A_1355 = tpu.vector_load %arg14[%get3A_1353, %get3A_1354] {strides = array<i32>} : memref<512x128xf32, #tpu.memory_space<vmem>>, vector<1x16xf32>,
      %get3A_1356 = vector.shape_cast %get3A_1355 : vector<1x16xf32> to vector<16xf32>
      %mul3A_1357 = arith.mulf %get3A_1356, %get3A_1097 : vector<16xf32>
      %add3A_1358 = arith.addf %mul3A_1357, %get3A_1121 : vector<16xf32>
      %add3A_1359 = arith.constant 0 : i32
      %add3A_1360 = arith.addi %add3A_1260, %add3A_1359 : i32
      %swap3A_1361 = arith.index_cast %add3A_1360 : i32 to index
      %swap3A_1362 = arith.constant 96 : index
      %swap3A_1363 = tpu.vector_load %arg14[%swap3A_1361, %swap3A_1362] {strides = array<i32>} : memref<512x128xf32, #tpu.memory_space<vmem>>, vector<1x16xf32>,
      %swap3A_1364 = vector.shape_cast %swap3A_1363 : vector<1x16xf32> to vector<16xf32>
      %swap3A_1365 = vector.shape_cast %add3A_1358 : vector<16xf32> to vector<1x16xf32>
      tpu.vector_store %arg14[%swap3A_1361, %swap3A_1362], %swap3A_1365 {strides = array<i32>} : memref<512x128xf32, #tpu.memory_space<vmem>>, vector<1x16xf32>,
      %add3A_1366 = arith.constant 0 : i32
      %add3A_1367 = arith.addi %add3A_1260, %add3A_1366 : i32
      %get3A_1368 = arith.index_cast %add3A_1367 : i32 to index
      %get3A_1369 = arith.constant 112 : index
      %get3A_1370 = tpu.vector_load %arg14[%get3A_1368, %get3A_1369] {strides = array<i32>} : memref<512x128xf32, #tpu.memory_space<vmem>>, vector<1x16xf32>,
      %get3A_1371 = vector.shape_cast %get3A_1370 : vector<1x16xf32> to vector<16xf32>
      %mul3A_1372 = arith.mulf %get3A_1371, %get3A_1100 : vector<16xf32>
      %add3A_1373 = arith.addf %mul3A_1372, %get3A_1124 : vector<16xf32>
      %add3A_1374 = arith.constant 0 : i32
      %add3A_1375 = arith.addi %add3A_1260, %add3A_1374 : i32
      %swap3A_1376 = arith.index_cast %add3A_1375 : i32 to index
      %swap3A_1377 = arith.constant 112 : index
      %swap3A_1378 = tpu.vector_load %arg14[%swap3A_1376, %swap3A_1377] {strides = array<i32>} : memref<512x128xf32, #tpu.memory_space<vmem>>, vector<1x16xf32>,
      %swap3A_1379 = vector.shape_cast %swap3A_1378 : vector<1x16xf32> to vector<16xf32>
      %swap3A_1380 = vector.shape_cast %add3A_1373 : vector<16xf32> to vector<1x16xf32>
      tpu.vector_store %arg14[%swap3A_1376, %swap3A_1377], %swap3A_1380 {strides = array<i32>} : memref<512x128xf32, #tpu.memory_space<vmem>>, vector<1x16xf32>,
      %add3A_1381 = arith.constant 1 : i32
      %add3A_1382 = arith.addi %add3A_1260, %add3A_1381 : i32
      %get3A_1383 = arith.index_cast %add3A_1382 : i32 to index
      %get3A_1384 = arith.constant 0 : index
      %get3A_1385 = tpu.vector_load %arg14[%get3A_1383, %get3A_1384] {strides = array<i32>} : memref<512x128xf32, #tpu.memory_space<vmem>>, vector<1x16xf32>,
      %get3A_1386 = vector.shape_cast %get3A_1385 : vector<1x16xf32> to vector<16xf32>
      %mul3A_1387 = arith.mulf %get3A_1386, %get3A_1079 : vector<16xf32>
      %add3A_1388 = arith.addf %mul3A_1387, %get3A_1103 : vector<16xf32>
      %add3A_1389 = arith.constant 1 : i32
      %add3A_1390 = arith.addi %add3A_1260, %add3A_1389 : i32
      %swap3A_1391 = arith.index_cast %add3A_1390 : i32 to index
      %swap3A_1392 = arith.constant 0 : index
      %swap3A_1393 = tpu.vector_load %arg14[%swap3A_1391, %swap3A_1392] {strides = array<i32>} : memref<512x128xf32, #tpu.memory_space<vmem>>, vector<1x16xf32>,
      %swap3A_1394 = vector.shape_cast %swap3A_1393 : vector<1x16xf32> to vector<16xf32>
      %swap3A_1395 = vector.shape_cast %add3A_1388 : vector<16xf32> to vector<1x16xf32>
      tpu.vector_store %arg14[%swap3A_1391, %swap3A_1392], %swap3A_1395 {strides = array<i32>} : memref<512x128xf32, #tpu.memory_space<vmem>>, vector<1x16xf32>,
      %add3A_1396 = arith.constant 1 : i32
      %add3A_1397 = arith.addi %add3A_1260, %add3A_1396 : i32
      %get3A_1398 = arith.index_cast %add3A_1397 : i32 to index
      %get3A_1399 = arith.constant 16 : index
      %get3A_1400 = tpu.vector_load %arg14[%get3A_1398, %get3A_1399] {strides = array<i32>} : memref<512x128xf32, #tpu.memory_space<vmem>>, vector<1x16xf32>,
      %get3A_1401 = vector.shape_cast %get3A_1400 : vector<1x16xf32> to vector<16xf32>
      %mul3A_1402 = arith.mulf %get3A_1401, %get3A_1082 : vector<16xf32>
      %add3A_1403 = arith.addf %mul3A_1402, %get3A_1106 : vector<16xf32>
      %add3A_1404 = arith.constant 1 : i32
      %add3A_1405 = arith.addi %add3A_1260, %add3A_1404 : i32
      %swap3A_1406 = arith.index_cast %add3A_1405 : i32 to index
      %swap3A_1407 = arith.constant 16 : index
      %swap3A_1408 = tpu.vector_load %arg14[%swap3A_1406, %swap3A_1407] {strides = array<i32>} : memref<512x128xf32, #tpu.memory_space<vmem>>, vector<1x16xf32>,
      %swap3A_1409 = vector.shape_cast %swap3A_1408 : vector<1x16xf32> to vector<16xf32>
      %swap3A_1410 = vector.shape_cast %add3A_1403 : vector<16xf32> to vector<1x16xf32>
      tpu.vector_store %arg14[%swap3A_1406, %swap3A_1407], %swap3A_1410 {strides = array<i32>} : memref<512x128xf32, #tpu.memory_space<vmem>>, vector<1x16xf32>,
      %add3A_1411 = arith.constant 1 : i32
      %add3A_1412 = arith.addi %add3A_1260, %add3A_1411 : i32
      %get3A_1413 = arith.index_cast %add3A_1412 : i32 to index
      %get3A_1414 = arith.constant 32 : index
      %get3A_1415 = tpu.vector_load %arg14[%get3A_1413, %get3A_1414] {strides = array<i32>} : memref<512x128xf32, #tpu.memory_space<vmem>>, vector<1x16xf32>,
      %get3A_1416 = vector.shape_cast %get3A_1415 : vector<1x16xf32> to vector<16xf32>
      %mul3A_1417 = arith.mulf %get3A_1416, %get3A_1085 : vector<16xf32>
      %add3A_1418 = arith.addf %mul3A_1417, %get3A_1109 : vector<16xf32>
      %add3A_1419 = arith.constant 1 : i32
      %add3A_1420 = arith.addi %add3A_1260, %add3A_1419 : i32
      %swap3A_1421 = arith.index_cast %add3A_1420 : i32 to index
      %swap3A_1422 = arith.constant 32 : index
      %swap3A_1423 = tpu.vector_load %arg14[%swap3A_1421, %swap3A_1422] {strides = array<i32>} : memref<512x128xf32, #tpu.memory_space<vmem>>, vector<1x16xf32>,
      %swap3A_1424 = vector.shape_cast %swap3A_1423 : vector<1x16xf32> to vector<16xf32>
      %swap3A_1425 = vector.shape_cast %add3A_1418 : vector<16xf32> to vector<1x16xf32>
      tpu.vector_store %arg14[%swap3A_1421, %swap3A_1422], %swap3A_1425 {strides = array<i32>} : memref<512x128xf32, #tpu.memory_space<vmem>>, vector<1x16xf32>,
      %add3A_1426 = arith.constant 1 : i32
      %add3A_1427 = arith.addi %add3A_1260, %add3A_1426 : i32
      %get3A_1428 = arith.index_cast %add3A_1427 : i32 to index
      %get3A_1429 = arith.constant 48 : index
      %get3A_1430 = tpu.vector_load %arg14[%get3A_1428, %get3A_1429] {strides = array<i32>} : memref<512x128xf32, #tpu.memory_space<vmem>>, vector<1x16xf32>,
      %get3A_1431 = vector.shape_cast %get3A_1430 : vector<1x16xf32> to vector<16xf32>
      %mul3A_1432 = arith.mulf %get3A_1431, %get3A_1088 : vector<16xf32>
      %add3A_1433 = arith.addf %mul3A_1432, %get3A_1112 : vector<16xf32>
      %add3A_1434 = arith.constant 1 : i32
      %add3A_1435 = arith.addi %add3A_1260, %add3A_1434 : i32
      %swap3A_1436 = arith.index_cast %add3A_1435 : i32 to index
      %swap3A_1437 = arith.constant 48 : index
      %swap3A_1438 = tpu.vector_load %arg14[%swap3A_1436, %swap3A_1437] {strides = array<i32>} : memref<512x128xf32, #tpu.memory_space<vmem>>, vector<1x16xf32>,
      %swap3A_1439 = vector.shape_cast %swap3A_1438 : vector<1x16xf32> to vector<16xf32>
      %swap3A_1440 = vector.shape_cast %add3A_1433 : vector<16xf32> to vector<1x16xf32>
      tpu.vector_store %arg14[%swap3A_1436, %swap3A_1437], %swap3A_1440 {strides = array<i32>} : memref<512x128xf32, #tpu.memory_space<vmem>>, vector<1x16xf32>,
      %add3A_1441 = arith.constant 1 : i32
      %add3A_1442 = arith.addi %add3A_1260, %add3A_1441 : i32
      %get3A_1443 = arith.index_cast %add3A_1442 : i32 to index
      %get3A_1444 = arith.constant 64 : index
      %get3A_1445 = tpu.vector_load %arg14[%get3A_1443, %get3A_1444] {strides = array<i32>} : memref<512x128xf32, #tpu.memory_space<vmem>>, vector<1x16xf32>,
      %get3A_1446 = vector.shape_cast %get3A_1445 : vector<1x16xf32> to vector<16xf32>
      %mul3A_1447 = arith.mulf %get3A_1446, %get3A_1091 : vector<16xf32>
      %add3A_1448 = arith.addf %mul3A_1447, %get3A_1115 : vector<16xf32>
      %add3A_1449 = arith.constant 1 : i32
      %add3A_1450 = arith.addi %add3A_1260, %add3A_1449 : i32
      %swap3A_1451 = arith.index_cast %add3A_1450 : i32 to index
      %swap3A_1452 = arith.constant 64 : index
      %swap3A_1453 = tpu.vector_load %arg14[%swap3A_1451, %swap3A_1452] {strides = array<i32>} : memref<512x128xf32, #tpu.memory_space<vmem>>, vector<1x16xf32>,
      %swap3A_1454 = vector.shape_cast %swap3A_1453 : vector<1x16xf32> to vector<16xf32>
      %swap3A_1455 = vector.shape_cast %add3A_1448 : vector<16xf32> to vector<1x16xf32>
      tpu.vector_store %arg14[%swap3A_1451, %swap3A_1452], %swap3A_1455 {strides = array<i32>} : memref<512x128xf32, #tpu.memory_space<vmem>>, vector<1x16xf32>,
      %add3A_1456 = arith.constant 1 : i32
      %add3A_1457 = arith.addi %add3A_1260, %add3A_1456 : i32
      %get3A_1458 = arith.index_cast %add3A_1457 : i32 to index
      %get3A_1459 = arith.constant 80 : index
      %get3A_1460 = tpu.vector_load %arg14[%get3A_1458, %get3A_1459] {strides = array<i32>} : memref<512x128xf32, #tpu.memory_space<vmem>>, vector<1x16xf32>,
      %get3A_1461 = vector.shape_cast %get3A_1460 : vector<1x16xf32> to vector<16xf32>
      %mul3A_1462 = arith.mulf %get3A_1461, %get3A_1094 : vector<16xf32>
      %add3A_1463 = arith.addf %mul3A_1462, %get3A_1118 : vector<16xf32>
      %add3A_1464 = arith.constant 1 : i32
      %add3A_1465 = arith.addi %add3A_1260, %add3A_1464 : i32
      %swap3A_1466 = arith.index_cast %add3A_1465 : i32 to index
      %swap3A_1467 = arith.constant 80 : index
      %swap3A_1468 = tpu.vector_load %arg14[%swap3A_1466, %swap3A_1467] {strides = array<i32>} : memref<512x128xf32, #tpu.memory_space<vmem>>, vector<1x16xf32>,
      %swap3A_1469 = vector.shape_cast %swap3A_1468 : vector<1x16xf32> to vector<16xf32>
      %swap3A_1470 = vector.shape_cast %add3A_1463 : vector<16xf32> to vector<1x16xf32>
      tpu.vector_store %arg14[%swap3A_1466, %swap3A_1467], %swap3A_1470 {strides = array<i32>} : memref<512x128xf32, #tpu.memory_space<vmem>>, vector<1x16xf32>,
      %add3A_1471 = arith.constant 1 : i32
      %add3A_1472 = arith.addi %add3A_1260, %add3A_1471 : i32
      %get3A_1473 = arith.index_cast %add3A_1472 : i32 to index
      %get3A_1474 = arith.constant 96 : index
      %get3A_1475 = tpu.vector_load %arg14[%get3A_1473, %get3A_1474] {strides = array<i32>} : memref<512x128xf32, #tpu.memory_space<vmem>>, vector<1x16xf32>,
      %get3A_1476 = vector.shape_cast %get3A_1475 : vector<1x16xf32> to vector<16xf32>
      %mul3A_1477 = arith.mulf %get3A_1476, %get3A_1097 : vector<16xf32>
      %add3A_1478 = arith.addf %mul3A_1477, %get3A_1121 : vector<16xf32>
      %add3A_1479 = arith.constant 1 : i32
      %add3A_1480 = arith.addi %add3A_1260, %add3A_1479 : i32
      %swap3A_1481 = arith.index_cast %add3A_1480 : i32 to index
      %swap3A_1482 = arith.constant 96 : index
      %swap3A_1483 = tpu.vector_load %arg14[%swap3A_1481, %swap3A_1482] {strides = array<i32>} : memref<512x128xf32, #tpu.memory_space<vmem>>, vector<1x16xf32>,
      %swap3A_1484 = vector.shape_cast %swap3A_1483 : vector<1x16xf32> to vector<16xf32>
      %swap3A_1485 = vector.shape_cast %add3A_1478 : vector<16xf32> to vector<1x16xf32>
      tpu.vector_store %arg14[%swap3A_1481, %swap3A_1482], %swap3A_1485 {strides = array<i32>} : memref<512x128xf32, #tpu.memory_space<vmem>>, vector<1x16xf32>,
      %add3A_1486 = arith.constant 1 : i32
      %add3A_1487 = arith.addi %add3A_1260, %add3A_1486 : i32
      %get3A_1488 = arith.index_cast %add3A_1487 : i32 to index
      %get3A_1489 = arith.constant 112 : index
      %get3A_1490 = tpu.vector_load %arg14[%get3A_1488, %get3A_1489] {strides = array<i32>} : memref<512x128xf32, #tpu.memory_space<vmem>>, vector<1x16xf32>,
      %get3A_1491 = vector.shape_cast %get3A_1490 : vector<1x16xf32> to vector<16xf32>
      %mul3A_1492 = arith.mulf %get3A_1491, %get3A_1100 : vector<16xf32>
      %add3A_1493 = arith.addf %mul3A_1492, %get3A_1124 : vector<16xf32>
      %add3A_1494 = arith.constant 1 : i32
      %add3A_1495 = arith.addi %add3A_1260, %add3A_1494 : i32
      %swap3A_1496 = arith.index_cast %add3A_1495 : i32 to index
      %swap3A_1497 = arith.constant 112 : index
      %swap3A_1498 = tpu.vector_load %arg14[%swap3A_1496, %swap3A_1497] {strides = array<i32>} : memref<512x128xf32, #tpu.memory_space<vmem>>, vector<1x16xf32>,
      %swap3A_1499 = vector.shape_cast %swap3A_1498 : vector<1x16xf32> to vector<16xf32>
      %swap3A_1500 = vector.shape_cast %add3A_1493 : vector<16xf32> to vector<1x16xf32>
      tpu.vector_store %arg14[%swap3A_1496, %swap3A_1497], %swap3A_1500 {strides = array<i32>} : memref<512x128xf32, #tpu.memory_space<vmem>>, vector<1x16xf32>,
      %add3A_1501 = arith.constant 2 : i32
      %add3A_1502 = arith.addi %add3A_1260, %add3A_1501 : i32
      %get3A_1503 = arith.index_cast %add3A_1502 : i32 to index
      %get3A_1504 = arith.constant 0 : index
      %get3A_1505 = tpu.vector_load %arg14[%get3A_1503, %get3A_1504] {strides = array<i32>} : memref<512x128xf32, #tpu.memory_space<vmem>>, vector<1x16xf32>,
      %get3A_1506 = vector.shape_cast %get3A_1505 : vector<1x16xf32> to vector<16xf32>
      %mul3A_1507 = arith.mulf %get3A_1506, %get3A_1079 : vector<16xf32>
      %add3A_1508 = arith.addf %mul3A_1507, %get3A_1103 : vector<16xf32>
      %add3A_1509 = arith.constant 2 : i32
      %add3A_1510 = arith.addi %add3A_1260, %add3A_1509 : i32
      %swap3A_1511 = arith.index_cast %add3A_1510 : i32 to index
      %swap3A_1512 = arith.constant 0 : index
      %swap3A_1513 = tpu.vector_load %arg14[%swap3A_1511, %swap3A_1512] {strides = array<i32>} : memref<512x128xf32, #tpu.memory_space<vmem>>, vector<1x16xf32>,
      %swap3A_1514 = vector.shape_cast %swap3A_1513 : vector<1x16xf32> to vector<16xf32>
      %swap3A_1515 = vector.shape_cast %add3A_1508 : vector<16xf32> to vector<1x16xf32>
      tpu.vector_store %arg14[%swap3A_1511, %swap3A_1512], %swap3A_1515 {strides = array<i32>} : memref<512x128xf32, #tpu.memory_space<vmem>>, vector<1x16xf32>,
      %add3A_1516 = arith.constant 2 : i32
      %add3A_1517 = arith.addi %add3A_1260, %add3A_1516 : i32
      %get3A_1518 = arith.index_cast %add3A_1517 : i32 to index
      %get3A_1519 = arith.constant 16 : index
      %get3A_1520 = tpu.vector_load %arg14[%get3A_1518, %get3A_1519] {strides = array<i32>} : memref<512x128xf32, #tpu.memory_space<vmem>>, vector<1x16xf32>,
      %get3A_1521 = vector.shape_cast %get3A_1520 : vector<1x16xf32> to vector<16xf32>
      %mul3A_1522 = arith.mulf %get3A_1521, %get3A_1082 : vector<16xf32>
      %add3A_1523 = arith.addf %mul3A_1522, %get3A_1106 : vector<16xf32>
      %add3A_1524 = arith.constant 2 : i32
      %add3A_1525 = arith.addi %add3A_1260, %add3A_1524 : i32
      %swap3A_1526 = arith.index_cast %add3A_1525 : i32 to index
      %swap3A_1527 = arith.constant 16 : index
      %swap3A_1528 = tpu.vector_load %arg14[%swap3A_1526, %swap3A_1527] {strides = array<i32>} : memref<512x128xf32, #tpu.memory_space<vmem>>, vector<1x16xf32>,
      %swap3A_1529 = vector.shape_cast %swap3A_1528 : vector<1x16xf32> to vector<16xf32>
      %swap3A_1530 = vector.shape_cast %add3A_1523 : vector<16xf32> to vector<1x16xf32>
      tpu.vector_store %arg14[%swap3A_1526, %swap3A_1527], %swap3A_1530 {strides = array<i32>} : memref<512x128xf32, #tpu.memory_space<vmem>>, vector<1x16xf32>,
      %add3A_1531 = arith.constant 2 : i32
      %add3A_1532 = arith.addi %add3A_1260, %add3A_1531 : i32
      %get3A_1533 = arith.index_cast %add3A_1532 : i32 to index
      %get3A_1534 = arith.constant 32 : index
      %get3A_1535 = tpu.vector_load %arg14[%get3A_1533, %get3A_1534] {strides = array<i32>} : memref<512x128xf32, #tpu.memory_space<vmem>>, vector<1x16xf32>,
      %get3A_1536 = vector.shape_cast %get3A_1535 : vector<1x16xf32> to vector<16xf32>
      %mul3A_1537 = arith.mulf %get3A_1536, %get3A_1085 : vector<16xf32>
      %add3A_1538 = arith.addf %mul3A_1537, %get3A_1109 : vector<16xf32>
      %add3A_1539 = arith.constant 2 : i32
      %add3A_1540 = arith.addi %add3A_1260, %add3A_1539 : i32
      %swap3A_1541 = arith.index_cast %add3A_1540 : i32 to index
      %swap3A_1542 = arith.constant 32 : index
      %swap3A_1543 = tpu.vector_load %arg14[%swap3A_1541, %swap3A_1542] {strides = array<i32>} : memref<512x128xf32, #tpu.memory_space<vmem>>, vector<1x16xf32>,
      %swap3A_1544 = vector.shape_cast %swap3A_1543 : vector<1x16xf32> to vector<16xf32>
      %swap3A_1545 = vector.shape_cast %add3A_1538 : vector<16xf32> to vector<1x16xf32>
      tpu.vector_store %arg14[%swap3A_1541, %swap3A_1542], %swap3A_1545 {strides = array<i32>} : memref<512x128xf32, #tpu.memory_space<vmem>>, vector<1x16xf32>,
      %add3A_1546 = arith.constant 2 : i32
      %add3A_1547 = arith.addi %add3A_1260, %add3A_1546 : i32
      %get3A_1548 = arith.index_cast %add3A_1547 : i32 to index
      %get3A_1549 = arith.constant 48 : index
      %get3A_1550 = tpu.vector_load %arg14[%get3A_1548, %get3A_1549] {strides = array<i32>} : memref<512x128xf32, #tpu.memory_space<vmem>>, vector<1x16xf32>,
      %get3A_1551 = vector.shape_cast %get3A_1550 : vector<1x16xf32> to vector<16xf32>
      %mul3A_1552 = arith.mulf %get3A_1551, %get3A_1088 : vector<16xf32>
      %add3A_1553 = arith.addf %mul3A_1552, %get3A_1112 : vector<16xf32>
      %add3A_1554 = arith.constant 2 : i32
      %add3A_1555 = arith.addi %add3A_1260, %add3A_1554 : i32
      %swap3A_1556 = arith.index_cast %add3A_1555 : i32 to index
      %swap3A_1557 = arith.constant 48 : index
      %swap3A_1558 = tpu.vector_load %arg14[%swap3A_1556, %swap3A_1557] {strides = array<i32>} : memref<512x128xf32, #tpu.memory_space<vmem>>, vector<1x16xf32>,
      %swap3A_1559 = vector.shape_cast %swap3A_1558 : vector<1x16xf32> to vector<16xf32>
      %swap3A_1560 = vector.shape_cast %add3A_1553 : vector<16xf32> to vector<1x16xf32>
      tpu.vector_store %arg14[%swap3A_1556, %swap3A_1557], %swap3A_1560 {strides = array<i32>} : memref<512x128xf32, #tpu.memory_space<vmem>>, vector<1x16xf32>,
      %add3A_1561 = arith.constant 2 : i32
      %add3A_1562 = arith.addi %add3A_1260, %add3A_1561 : i32
      %get3A_1563 = arith.index_cast %add3A_1562 : i32 to index
      %get3A_1564 = arith.constant 64 : index
      %get3A_1565 = tpu.vector_load %arg14[%get3A_1563, %get3A_1564] {strides = array<i32>} : memref<512x128xf32, #tpu.memory_space<vmem>>, vector<1x16xf32>,
      %get3A_1566 = vector.shape_cast %get3A_1565 : vector<1x16xf32> to vector<16xf32>
      %mul3A_1567 = arith.mulf %get3A_1566, %get3A_1091 : vector<16xf32>
      %add3A_1568 = arith.addf %mul3A_1567, %get3A_1115 : vector<16xf32>
      %add3A_1569 = arith.constant 2 : i32
      %add3A_1570 = arith.addi %add3A_1260, %add3A_1569 : i32
      %swap3A_1571 = arith.index_cast %add3A_1570 : i32 to index
      %swap3A_1572 = arith.constant 64 : index
      %swap3A_1573 = tpu.vector_load %arg14[%swap3A_1571, %swap3A_1572] {strides = array<i32>} : memref<512x128xf32, #tpu.memory_space<vmem>>, vector<1x16xf32>,
      %swap3A_1574 = vector.shape_cast %swap3A_1573 : vector<1x16xf32> to vector<16xf32>
      %swap3A_1575 = vector.shape_cast %add3A_1568 : vector<16xf32> to vector<1x16xf32>
      tpu.vector_store %arg14[%swap3A_1571, %swap3A_1572], %swap3A_1575 {strides = array<i32>} : memref<512x128xf32, #tpu.memory_space<vmem>>, vector<1x16xf32>,
      %add3A_1576 = arith.constant 2 : i32
      %add3A_1577 = arith.addi %add3A_1260, %add3A_1576 : i32
      %get3A_1578 = arith.index_cast %add3A_1577 : i32 to index
      %get3A_1579 = arith.constant 80 : index
      %get3A_1580 = tpu.vector_load %arg14[%get3A_1578, %get3A_1579] {strides = array<i32>} : memref<512x128xf32, #tpu.memory_space<vmem>>, vector<1x16xf32>,
      %get3A_1581 = vector.shape_cast %get3A_1580 : vector<1x16xf32> to vector<16xf32>
      %mul3A_1582 = arith.mulf %get3A_1581, %get3A_1094 : vector<16xf32>
      %add3A_1583 = arith.addf %mul3A_1582, %get3A_1118 : vector<16xf32>
      %add3A_1584 = arith.constant 2 : i32
      %add3A_1585 = arith.addi %add3A_1260, %add3A_1584 : i32
      %swap3A_1586 = arith.index_cast %add3A_1585 : i32 to index
      %swap3A_1587 = arith.constant 80 : index
      %swap3A_1588 = tpu.vector_load %arg14[%swap3A_1586, %swap3A_1587] {strides = array<i32>} : memref<512x128xf32, #tpu.memory_space<vmem>>, vector<1x16xf32>,
      %swap3A_1589 = vector.shape_cast %swap3A_1588 : vector<1x16xf32> to vector<16xf32>
      %swap3A_1590 = vector.shape_cast %add3A_1583 : vector<16xf32> to vector<1x16xf32>
      tpu.vector_store %arg14[%swap3A_1586, %swap3A_1587], %swap3A_1590 {strides = array<i32>} : memref<512x128xf32, #tpu.memory_space<vmem>>, vector<1x16xf32>,
      %add3A_1591 = arith.constant 2 : i32
      %add3A_1592 = arith.addi %add3A_1260, %add3A_1591 : i32
      %get3A_1593 = arith.index_cast %add3A_1592 : i32 to index
      %get3A_1594 = arith.constant 96 : index
      %get3A_1595 = tpu.vector_load %arg14[%get3A_1593, %get3A_1594] {strides = array<i32>} : memref<512x128xf32, #tpu.memory_space<vmem>>, vector<1x16xf32>,
      %get3A_1596 = vector.shape_cast %get3A_1595 : vector<1x16xf32> to vector<16xf32>
      %mul3A_1597 = arith.mulf %get3A_1596, %get3A_1097 : vector<16xf32>
      %add3A_1598 = arith.addf %mul3A_1597, %get3A_1121 : vector<16xf32>
      %add3A_1599 = arith.constant 2 : i32
      %add3A_1600 = arith.addi %add3A_1260, %add3A_1599 : i32
      %swap3A_1601 = arith.index_cast %add3A_1600 : i32 to index
      %swap3A_1602 = arith.constant 96 : index
      %swap3A_1603 = tpu.vector_load %arg14[%swap3A_1601, %swap3A_1602] {strides = array<i32>} : memref<512x128xf32, #tpu.memory_space<vmem>>, vector<1x16xf32>,
      %swap3A_1604 = vector.shape_cast %swap3A_1603 : vector<1x16xf32> to vector<16xf32>
      %swap3A_1605 = vector.shape_cast %add3A_1598 : vector<16xf32> to vector<1x16xf32>
      tpu.vector_store %arg14[%swap3A_1601, %swap3A_1602], %swap3A_1605 {strides = array<i32>} : memref<512x128xf32, #tpu.memory_space<vmem>>, vector<1x16xf32>,
      %add3A_1606 = arith.constant 2 : i32
      %add3A_1607 = arith.addi %add3A_1260, %add3A_1606 : i32
      %get3A_1608 = arith.index_cast %add3A_1607 : i32 to index
      %get3A_1609 = arith.constant 112 : index
      %get3A_1610 = tpu.vector_load %arg14[%get3A_1608, %get3A_1609] {strides = array<i32>} : memref<512x128xf32, #tpu.memory_space<vmem>>, vector<1x16xf32>,
      %get3A_1611 = vector.shape_cast %get3A_1610 : vector<1x16xf32> to vector<16xf32>
      %mul3A_1612 = arith.mulf %get3A_1611, %get3A_1100 : vector<16xf32>
      %add3A_1613 = arith.addf %mul3A_1612, %get3A_1124 : vector<16xf32>
      %add3A_1614 = arith.constant 2 : i32
      %add3A_1615 = arith.addi %add3A_1260, %add3A_1614 : i32
      %swap3A_1616 = arith.index_cast %add3A_1615 : i32 to index
      %swap3A_1617 = arith.constant 112 : index
      %swap3A_1618 = tpu.vector_load %arg14[%swap3A_1616, %swap3A_1617] {strides = array<i32>} : memref<512x128xf32, #tpu.memory_space<vmem>>, vector<1x16xf32>,
      %swap3A_1619 = vector.shape_cast %swap3A_1618 : vector<1x16xf32> to vector<16xf32>
      %swap3A_1620 = vector.shape_cast %add3A_1613 : vector<16xf32> to vector<1x16xf32>
      tpu.vector_store %arg14[%swap3A_1616, %swap3A_1617], %swap3A_1620 {strides = array<i32>} : memref<512x128xf32, #tpu.memory_space<vmem>>, vector<1x16xf32>,
      %add3A_1621 = arith.constant 3 : i32
      %add3A_1622 = arith.addi %add3A_1260, %add3A_1621 : i32
      %get3A_1623 = arith.index_cast %add3A_1622 : i32 to index
      %get3A_1624 = arith.constant 0 : index
      %get3A_1625 = tpu.vector_load %arg14[%get3A_1623, %get3A_1624] {strides = array<i32>} : memref<512x128xf32, #tpu.memory_space<vmem>>, vector<1x16xf32>,
      %get3A_1626 = vector.shape_cast %get3A_1625 : vector<1x16xf32> to vector<16xf32>
      %mul3A_1627 = arith.mulf %get3A_1626, %get3A_1079 : vector<16xf32>
      %add3A_1628 = arith.addf %mul3A_1627, %get3A_1103 : vector<16xf32>
      %add3A_1629 = arith.constant 3 : i32
      %add3A_1630 = arith.addi %add3A_1260, %add3A_1629 : i32
      %swap3A_1631 = arith.index_cast %add3A_1630 : i32 to index
      %swap3A_1632 = arith.constant 0 : index
      %swap3A_1633 = tpu.vector_load %arg14[%swap3A_1631, %swap3A_1632] {strides = array<i32>} : memref<512x128xf32, #tpu.memory_space<vmem>>, vector<1x16xf32>,
      %swap3A_1634 = vector.shape_cast %swap3A_1633 : vector<1x16xf32> to vector<16xf32>
      %swap3A_1635 = vector.shape_cast %add3A_1628 : vector<16xf32> to vector<1x16xf32>
      tpu.vector_store %arg14[%swap3A_1631, %swap3A_1632], %swap3A_1635 {strides = array<i32>} : memref<512x128xf32, #tpu.memory_space<vmem>>, vector<1x16xf32>,
      %add3A_1636 = arith.constant 3 : i32
      %add3A_1637 = arith.addi %add3A_1260, %add3A_1636 : i32
      %get3A_1638 = arith.index_cast %add3A_1637 : i32 to index
      %get3A_1639 = arith.constant 16 : index
      %get3A_1640 = tpu.vector_load %arg14[%get3A_1638, %get3A_1639] {strides = array<i32>} : memref<512x128xf32, #tpu.memory_space<vmem>>, vector<1x16xf32>,
      %get3A_1641 = vector.shape_cast %get3A_1640 : vector<1x16xf32> to vector<16xf32>
      %mul3A_1642 = arith.mulf %get3A_1641, %get3A_1082 : vector<16xf32>
      %add3A_1643 = arith.addf %mul3A_1642, %get3A_1106 : vector<16xf32>
      %add3A_1644 = arith.constant 3 : i32
      %add3A_1645 = arith.addi %add3A_1260, %add3A_1644 : i32
      %swap3A_1646 = arith.index_cast %add3A_1645 : i32 to index
      %swap3A_1647 = arith.constant 16 : index
      %swap3A_1648 = tpu.vector_load %arg14[%swap3A_1646, %swap3A_1647] {strides = array<i32>} : memref<512x128xf32, #tpu.memory_space<vmem>>, vector<1x16xf32>,
      %swap3A_1649 = vector.shape_cast %swap3A_1648 : vector<1x16xf32> to vector<16xf32>
      %swap3A_1650 = vector.shape_cast %add3A_1643 : vector<16xf32> to vector<1x16xf32>
      tpu.vector_store %arg14[%swap3A_1646, %swap3A_1647], %swap3A_1650 {strides = array<i32>} : memref<512x128xf32, #tpu.memory_space<vmem>>, vector<1x16xf32>,
      %add3A_1651 = arith.constant 3 : i32
      %add3A_1652 = arith.addi %add3A_1260, %add3A_1651 : i32
      %get3A_1653 = arith.index_cast %add3A_1652 : i32 to index
      %get3A_1654 = arith.constant 32 : index
      %get3A_1655 = tpu.vector_load %arg14[%get3A_1653, %get3A_1654] {strides = array<i32>} : memref<512x128xf32, #tpu.memory_space<vmem>>, vector<1x16xf32>,
      %get3A_1656 = vector.shape_cast %get3A_1655 : vector<1x16xf32> to vector<16xf32>
      %mul3A_1657 = arith.mulf %get3A_1656, %get3A_1085 : vector<16xf32>
      %add3A_1658 = arith.addf %mul3A_1657, %get3A_1109 : vector<16xf32>
      %add3A_1659 = arith.constant 3 : i32
      %add3A_1660 = arith.addi %add3A_1260, %add3A_1659 : i32
      %swap3A_1661 = arith.index_cast %add3A_1660 : i32 to index
      %swap3A_1662 = arith.constant 32 : index
      %swap3A_1663 = tpu.vector_load %arg14[%swap3A_1661, %swap3A_1662] {strides = array<i32>} : memref<512x128xf32, #tpu.memory_space<vmem>>, vector<1x16xf32>,
      %swap3A_1664 = vector.shape_cast %swap3A_1663 : vector<1x16xf32> to vector<16xf32>
      %swap3A_1665 = vector.shape_cast %add3A_1658 : vector<16xf32> to vector<1x16xf32>
      tpu.vector_store %arg14[%swap3A_1661, %swap3A_1662], %swap3A_1665 {strides = array<i32>} : memref<512x128xf32, #tpu.memory_space<vmem>>, vector<1x16xf32>,
      %add3A_1666 = arith.constant 3 : i32
      %add3A_1667 = arith.addi %add3A_1260, %add3A_1666 : i32
      %get3A_1668 = arith.index_cast %add3A_1667 : i32 to index
      %get3A_1669 = arith.constant 48 : index
      %get3A_1670 = tpu.vector_load %arg14[%get3A_1668, %get3A_1669] {strides = array<i32>} : memref<512x128xf32, #tpu.memory_space<vmem>>, vector<1x16xf32>,
      %get3A_1671 = vector.shape_cast %get3A_1670 : vector<1x16xf32> to vector<16xf32>
      %mul3A_1672 = arith.mulf %get3A_1671, %get3A_1088 : vector<16xf32>
      %add3A_1673 = arith.addf %mul3A_1672, %get3A_1112 : vector<16xf32>
      %add3A_1674 = arith.constant 3 : i32
      %add3A_1675 = arith.addi %add3A_1260, %add3A_1674 : i32
      %swap3A_1676 = arith.index_cast %add3A_1675 : i32 to index
      %swap3A_1677 = arith.constant 48 : index
      %swap3A_1678 = tpu.vector_load %arg14[%swap3A_1676, %swap3A_1677] {strides = array<i32>} : memref<512x128xf32, #tpu.memory_space<vmem>>, vector<1x16xf32>,
      %swap3A_1679 = vector.shape_cast %swap3A_1678 : vector<1x16xf32> to vector<16xf32>
      %swap3A_1680 = vector.shape_cast %add3A_1673 : vector<16xf32> to vector<1x16xf32>
      tpu.vector_store %arg14[%swap3A_1676, %swap3A_1677], %swap3A_1680 {strides = array<i32>} : memref<512x128xf32, #tpu.memory_space<vmem>>, vector<1x16xf32>,
      %add3A_1681 = arith.constant 3 : i32
      %add3A_1682 = arith.addi %add3A_1260, %add3A_1681 : i32
      %get3A_1683 = arith.index_cast %add3A_1682 : i32 to index
      %get3A_1684 = arith.constant 64 : index
      %get3A_1685 = tpu.vector_load %arg14[%get3A_1683, %get3A_1684] {strides = array<i32>} : memref<512x128xf32, #tpu.memory_space<vmem>>, vector<1x16xf32>,
      %get3A_1686 = vector.shape_cast %get3A_1685 : vector<1x16xf32> to vector<16xf32>
      %mul3A_1687 = arith.mulf %get3A_1686, %get3A_1091 : vector<16xf32>
      %add3A_1688 = arith.addf %mul3A_1687, %get3A_1115 : vector<16xf32>
      %add3A_1689 = arith.constant 3 : i32
      %add3A_1690 = arith.addi %add3A_1260, %add3A_1689 : i32
      %swap3A_1691 = arith.index_cast %add3A_1690 : i32 to index
      %swap3A_1692 = arith.constant 64 : index
      %swap3A_1693 = tpu.vector_load %arg14[%swap3A_1691, %swap3A_1692] {strides = array<i32>} : memref<512x128xf32, #tpu.memory_space<vmem>>, vector<1x16xf32>,
      %swap3A_1694 = vector.shape_cast %swap3A_1693 : vector<1x16xf32> to vector<16xf32>
      %swap3A_1695 = vector.shape_cast %add3A_1688 : vector<16xf32> to vector<1x16xf32>
      tpu.vector_store %arg14[%swap3A_1691, %swap3A_1692], %swap3A_1695 {strides = array<i32>} : memref<512x128xf32, #tpu.memory_space<vmem>>, vector<1x16xf32>,
      %add3A_1696 = arith.constant 3 : i32
      %add3A_1697 = arith.addi %add3A_1260, %add3A_1696 : i32
      %get3A_1698 = arith.index_cast %add3A_1697 : i32 to index
      %get3A_1699 = arith.constant 80 : index
      %get3A_1700 = tpu.vector_load %arg14[%get3A_1698, %get3A_1699] {strides = array<i32>} : memref<512x128xf32, #tpu.memory_space<vmem>>, vector<1x16xf32>,
      %get3A_1701 = vector.shape_cast %get3A_1700 : vector<1x16xf32> to vector<16xf32>
      %mul3A_1702 = arith.mulf %get3A_1701, %get3A_1094 : vector<16xf32>
      %add3A_1703 = arith.addf %mul3A_1702, %get3A_1118 : vector<16xf32>
      %add3A_1704 = arith.constant 3 : i32
      %add3A_1705 = arith.addi %add3A_1260, %add3A_1704 : i32
      %swap3A_1706 = arith.index_cast %add3A_1705 : i32 to index
      %swap3A_1707 = arith.constant 80 : index
      %swap3A_1708 = tpu.vector_load %arg14[%swap3A_1706, %swap3A_1707] {strides = array<i32>} : memref<512x128xf32, #tpu.memory_space<vmem>>, vector<1x16xf32>,
      %swap3A_1709 = vector.shape_cast %swap3A_1708 : vector<1x16xf32> to vector<16xf32>
      %swap3A_1710 = vector.shape_cast %add3A_1703 : vector<16xf32> to vector<1x16xf32>
      tpu.vector_store %arg14[%swap3A_1706, %swap3A_1707], %swap3A_1710 {strides = array<i32>} : memref<512x128xf32, #tpu.memory_space<vmem>>, vector<1x16xf32>,
      %add3A_1711 = arith.constant 3 : i32
      %add3A_1712 = arith.addi %add3A_1260, %add3A_1711 : i32
      %get3A_1713 = arith.index_cast %add3A_1712 : i32 to index
      %get3A_1714 = arith.constant 96 : index
      %get3A_1715 = tpu.vector_load %arg14[%get3A_1713, %get3A_1714] {strides = array<i32>} : memref<512x128xf32, #tpu.memory_space<vmem>>, vector<1x16xf32>,
      %get3A_1716 = vector.shape_cast %get3A_1715 : vector<1x16xf32> to vector<16xf32>
      %mul3A_1717 = arith.mulf %get3A_1716, %get3A_1097 : vector<16xf32>
      %add3A_1718 = arith.addf %mul3A_1717, %get3A_1121 : vector<16xf32>
      %add3A_1719 = arith.constant 3 : i32
      %add3A_1720 = arith.addi %add3A_1260, %add3A_1719 : i32
      %swap3A_1721 = arith.index_cast %add3A_1720 : i32 to index
      %swap3A_1722 = arith.constant 96 : index
      %swap3A_1723 = tpu.vector_load %arg14[%swap3A_1721, %swap3A_1722] {strides = array<i32>} : memref<512x128xf32, #tpu.memory_space<vmem>>, vector<1x16xf32>,
      %swap3A_1724 = vector.shape_cast %swap3A_1723 : vector<1x16xf32> to vector<16xf32>
      %swap3A_1725 = vector.shape_cast %add3A_1718 : vector<16xf32> to vector<1x16xf32>
      tpu.vector_store %arg14[%swap3A_1721, %swap3A_1722], %swap3A_1725 {strides = array<i32>} : memref<512x128xf32, #tpu.memory_space<vmem>>, vector<1x16xf32>,
      %add3A_1726 = arith.constant 3 : i32
      %add3A_1727 = arith.addi %add3A_1260, %add3A_1726 : i32
      %get3A_1728 = arith.index_cast %add3A_1727 : i32 to index
      %get3A_1729 = arith.constant 112 : index
      %get3A_1730 = tpu.vector_load %arg14[%get3A_1728, %get3A_1729] {strides = array<i32>} : memref<512x128xf32, #tpu.memory_space<vmem>>, vector<1x16xf32>,
      %get3A_1731 = vector.shape_cast %get3A_1730 : vector<1x16xf32> to vector<16xf32>
      %mul3A_1732 = arith.mulf %get3A_1731, %get3A_1100 : vector<16xf32>
      %add3A_1733 = arith.addf %mul3A_1732, %get3A_1124 : vector<16xf32>
      %add3A_1734 = arith.constant 3 : i32
      %add3A_1735 = arith.addi %add3A_1260, %add3A_1734 : i32
      %swap3A_1736 = arith.index_cast %add3A_1735 : i32 to index
      %swap3A_1737 = arith.constant 112 : index
      %swap3A_1738 = tpu.vector_load %arg14[%swap3A_1736, %swap3A_1737] {strides = array<i32>} : memref<512x128xf32, #tpu.memory_space<vmem>>, vector<1x16xf32>,
      %swap3A_1739 = vector.shape_cast %swap3A_1738 : vector<1x16xf32> to vector<16xf32>
      %swap3A_1740 = vector.shape_cast %add3A_1733 : vector<16xf32> to vector<1x16xf32>
      tpu.vector_store %arg14[%swap3A_1736, %swap3A_1737], %swap3A_1740 {strides = array<i32>} : memref<512x128xf32, #tpu.memory_space<vmem>>, vector<1x16xf32>,
    }
    %scan3A_1185 = arith.constant 32 : i32
    %add3A_1186 = arith.constant 256 : i32
    %add3A_1187 = arith.addi %mul3A_2, %add3A_1186 : i32
    %dma_start3A_1188 = arith.constant 256 : i32
    %dma_start3A_1189 = arith.constant 0 : i32
    %dma_start3A_1190 = tpu.memref_slice %arg14[%dma_start3A_1188, %dma_start3A_1189] : memref<512x128xf32, #tpu.memory_space<vmem>> -> memref<128x128xf32, #tpu.memory_space<vmem>>
    %dma_start3A_1191 = arith.constant 0 : i32
    %dma_start3A_1192 = tpu.memref_slice %arg7[%add3A_1187, %dma_start3A_1191] : memref<16384x128xf32, #tpu.memory_space<hbm>> -> memref<128x128xf32, #tpu.memory_space<hbm>>
    %dma_start3A_1193 = arith.constant 0 : i32
    %dma_start3A_1194 = tpu.memref_slice %arg7[%add3A_1187, %dma_start3A_1193] : memref<16384x128xf32, #tpu.memory_space<hbm>> -> memref<128x128xf32, #tpu.memory_space<hbm>>
    %dma_start3A_1195 = arith.constant 256 : i32
    %dma_start3A_1196 = arith.constant 0 : i32
    %dma_start3A_1197 = tpu.memref_slice %arg14[%dma_start3A_1195, %dma_start3A_1196] : memref<512x128xf32, #tpu.memory_space<vmem>> -> memref<128x128xf32, #tpu.memory_space<vmem>>
    tpu.enqueue_dma source(%dma_start3A_1197 : memref<128x128xf32, #tpu.memory_space<vmem>>) target(%dma_start3A_1194 : memref<128x128xf32, #tpu.memory_space<hbm>>) target_semaphore(%arg19 : memref<!tpu.dma_semaphore, #tpu.memory_space<semaphore_mem>>)
    %scan3A_1198 = arith.constant 0 : i32
    %scan3A_1199 = arith.constant 0 : i32
    %scan3A_1200 = arith.constant 32 : i32
    %scan3A_1201 = arith.addi %scan3A_1199, %scan3A_1200 : i32
    %scan3A_1202 = arith.constant 1 : i32
    scf.for %scan3A_1256 = %scan3A_1199 to %scan3A_1201 step %scan3A_1202  : i32 {
      %mul3A_1257 = arith.constant 4 : i32
      %mul3A_1258 = arith.muli %scan3A_1256, %mul3A_1257 : i32
      %add3A_1259 = arith.constant 384 : i32
      %add3A_1260 = arith.addi %add3A_1259, %mul3A_1258 : i32
      %add3A_1261 = arith.constant 0 : i32
      %add3A_1262 = arith.addi %add3A_1260, %add3A_1261 : i32
      %get3A_1263 = arith.index_cast %add3A_1262 : i32 to index
      %get3A_1264 = arith.constant 0 : index
      %get3A_1265 = tpu.vector_load %arg14[%get3A_1263, %get3A_1264] {strides = array<i32>} : memref<512x128xf32, #tpu.memory_space<vmem>>, vector<1x16xf32>,
      %get3A_1266 = vector.shape_cast %get3A_1265 : vector<1x16xf32> to vector<16xf32>
      %mul3A_1267 = arith.mulf %get3A_1266, %get3A_1079 : vector<16xf32>
      %add3A_1268 = arith.addf %mul3A_1267, %get3A_1103 : vector<16xf32>
      %add3A_1269 = arith.constant 0 : i32
      %add3A_1270 = arith.addi %add3A_1260, %add3A_1269 : i32
      %swap3A_1271 = arith.index_cast %add3A_1270 : i32 to index
      %swap3A_1272 = arith.constant 0 : index
      %swap3A_1273 = tpu.vector_load %arg14[%swap3A_1271, %swap3A_1272] {strides = array<i32>} : memref<512x128xf32, #tpu.memory_space<vmem>>, vector<1x16xf32>,
      %swap3A_1274 = vector.shape_cast %swap3A_1273 : vector<1x16xf32> to vector<16xf32>
      %swap3A_1275 = vector.shape_cast %add3A_1268 : vector<16xf32> to vector<1x16xf32>
      tpu.vector_store %arg14[%swap3A_1271, %swap3A_1272], %swap3A_1275 {strides = array<i32>} : memref<512x128xf32, #tpu.memory_space<vmem>>, vector<1x16xf32>,
      %add3A_1276 = arith.constant 0 : i32
      %add3A_1277 = arith.addi %add3A_1260, %add3A_1276 : i32
      %get3A_1278 = arith.index_cast %add3A_1277 : i32 to index
      %get3A_1279 = arith.constant 16 : index
      %get3A_1280 = tpu.vector_load %arg14[%get3A_1278, %get3A_1279] {strides = array<i32>} : memref<512x128xf32, #tpu.memory_space<vmem>>, vector<1x16xf32>,
      %get3A_1281 = vector.shape_cast %get3A_1280 : vector<1x16xf32> to vector<16xf32>
      %mul3A_1282 = arith.mulf %get3A_1281, %get3A_1082 : vector<16xf32>
      %add3A_1283 = arith.addf %mul3A_1282, %get3A_1106 : vector<16xf32>
      %add3A_1284 = arith.constant 0 : i32
      %add3A_1285 = arith.addi %add3A_1260, %add3A_1284 : i32
      %swap3A_1286 = arith.index_cast %add3A_1285 : i32 to index
      %swap3A_1287 = arith.constant 16 : index
      %swap3A_1288 = tpu.vector_load %arg14[%swap3A_1286, %swap3A_1287] {strides = array<i32>} : memref<512x128xf32, #tpu.memory_space<vmem>>, vector<1x16xf32>,
      %swap3A_1289 = vector.shape_cast %swap3A_1288 : vector<1x16xf32> to vector<16xf32>
      %swap3A_1290 = vector.shape_cast %add3A_1283 : vector<16xf32> to vector<1x16xf32>
      tpu.vector_store %arg14[%swap3A_1286, %swap3A_1287], %swap3A_1290 {strides = array<i32>} : memref<512x128xf32, #tpu.memory_space<vmem>>, vector<1x16xf32>,
      %add3A_1291 = arith.constant 0 : i32
      %add3A_1292 = arith.addi %add3A_1260, %add3A_1291 : i32
      %get3A_1293 = arith.index_cast %add3A_1292 : i32 to index
      %get3A_1294 = arith.constant 32 : index
      %get3A_1295 = tpu.vector_load %arg14[%get3A_1293, %get3A_1294] {strides = array<i32>} : memref<512x128xf32, #tpu.memory_space<vmem>>, vector<1x16xf32>,
      %get3A_1296 = vector.shape_cast %get3A_1295 : vector<1x16xf32> to vector<16xf32>
      %mul3A_1297 = arith.mulf %get3A_1296, %get3A_1085 : vector<16xf32>
      %add3A_1298 = arith.addf %mul3A_1297, %get3A_1109 : vector<16xf32>
      %add3A_1299 = arith.constant 0 : i32
      %add3A_1300 = arith.addi %add3A_1260, %add3A_1299 : i32
      %swap3A_1301 = arith.index_cast %add3A_1300 : i32 to index
      %swap3A_1302 = arith.constant 32 : index
      %swap3A_1303 = tpu.vector_load %arg14[%swap3A_1301, %swap3A_1302] {strides = array<i32>} : memref<512x128xf32, #tpu.memory_space<vmem>>, vector<1x16xf32>,
      %swap3A_1304 = vector.shape_cast %swap3A_1303 : vector<1x16xf32> to vector<16xf32>
      %swap3A_1305 = vector.shape_cast %add3A_1298 : vector<16xf32> to vector<1x16xf32>
      tpu.vector_store %arg14[%swap3A_1301, %swap3A_1302], %swap3A_1305 {strides = array<i32>} : memref<512x128xf32, #tpu.memory_space<vmem>>, vector<1x16xf32>,
      %add3A_1306 = arith.constant 0 : i32
      %add3A_1307 = arith.addi %add3A_1260, %add3A_1306 : i32
      %get3A_1308 = arith.index_cast %add3A_1307 : i32 to index
      %get3A_1309 = arith.constant 48 : index
      %get3A_1310 = tpu.vector_load %arg14[%get3A_1308, %get3A_1309] {strides = array<i32>} : memref<512x128xf32, #tpu.memory_space<vmem>>, vector<1x16xf32>,
      %get3A_1311 = vector.shape_cast %get3A_1310 : vector<1x16xf32> to vector<16xf32>
      %mul3A_1312 = arith.mulf %get3A_1311, %get3A_1088 : vector<16xf32>
      %add3A_1313 = arith.addf %mul3A_1312, %get3A_1112 : vector<16xf32>
      %add3A_1314 = arith.constant 0 : i32
      %add3A_1315 = arith.addi %add3A_1260, %add3A_1314 : i32
      %swap3A_1316 = arith.index_cast %add3A_1315 : i32 to index
      %swap3A_1317 = arith.constant 48 : index
      %swap3A_1318 = tpu.vector_load %arg14[%swap3A_1316, %swap3A_1317] {strides = array<i32>} : memref<512x128xf32, #tpu.memory_space<vmem>>, vector<1x16xf32>,
      %swap3A_1319 = vector.shape_cast %swap3A_1318 : vector<1x16xf32> to vector<16xf32>
      %swap3A_1320 = vector.shape_cast %add3A_1313 : vector<16xf32> to vector<1x16xf32>
      tpu.vector_store %arg14[%swap3A_1316, %swap3A_1317], %swap3A_1320 {strides = array<i32>} : memref<512x128xf32, #tpu.memory_space<vmem>>, vector<1x16xf32>,
      %add3A_1321 = arith.constant 0 : i32
      %add3A_1322 = arith.addi %add3A_1260, %add3A_1321 : i32
      %get3A_1323 = arith.index_cast %add3A_1322 : i32 to index
      %get3A_1324 = arith.constant 64 : index
      %get3A_1325 = tpu.vector_load %arg14[%get3A_1323, %get3A_1324] {strides = array<i32>} : memref<512x128xf32, #tpu.memory_space<vmem>>, vector<1x16xf32>,
      %get3A_1326 = vector.shape_cast %get3A_1325 : vector<1x16xf32> to vector<16xf32>
      %mul3A_1327 = arith.mulf %get3A_1326, %get3A_1091 : vector<16xf32>
      %add3A_1328 = arith.addf %mul3A_1327, %get3A_1115 : vector<16xf32>
      %add3A_1329 = arith.constant 0 : i32
      %add3A_1330 = arith.addi %add3A_1260, %add3A_1329 : i32
      %swap3A_1331 = arith.index_cast %add3A_1330 : i32 to index
      %swap3A_1332 = arith.constant 64 : index
      %swap3A_1333 = tpu.vector_load %arg14[%swap3A_1331, %swap3A_1332] {strides = array<i32>} : memref<512x128xf32, #tpu.memory_space<vmem>>, vector<1x16xf32>,
      %swap3A_1334 = vector.shape_cast %swap3A_1333 : vector<1x16xf32> to vector<16xf32>
      %swap3A_1335 = vector.shape_cast %add3A_1328 : vector<16xf32> to vector<1x16xf32>
      tpu.vector_store %arg14[%swap3A_1331, %swap3A_1332], %swap3A_1335 {strides = array<i32>} : memref<512x128xf32, #tpu.memory_space<vmem>>, vector<1x16xf32>,
      %add3A_1336 = arith.constant 0 : i32
      %add3A_1337 = arith.addi %add3A_1260, %add3A_1336 : i32
      %get3A_1338 = arith.index_cast %add3A_1337 : i32 to index
      %get3A_1339 = arith.constant 80 : index
      %get3A_1340 = tpu.vector_load %arg14[%get3A_1338, %get3A_1339] {strides = array<i32>} : memref<512x128xf32, #tpu.memory_space<vmem>>, vector<1x16xf32>,
      %get3A_1341 = vector.shape_cast %get3A_1340 : vector<1x16xf32> to vector<16xf32>
      %mul3A_1342 = arith.mulf %get3A_1341, %get3A_1094 : vector<16xf32>
      %add3A_1343 = arith.addf %mul3A_1342, %get3A_1118 : vector<16xf32>
      %add3A_1344 = arith.constant 0 : i32
      %add3A_1345 = arith.addi %add3A_1260, %add3A_1344 : i32
      %swap3A_1346 = arith.index_cast %add3A_1345 : i32 to index
      %swap3A_1347 = arith.constant 80 : index
      %swap3A_1348 = tpu.vector_load %arg14[%swap3A_1346, %swap3A_1347] {strides = array<i32>} : memref<512x128xf32, #tpu.memory_space<vmem>>, vector<1x16xf32>,
      %swap3A_1349 = vector.shape_cast %swap3A_1348 : vector<1x16xf32> to vector<16xf32>
      %swap3A_1350 = vector.shape_cast %add3A_1343 : vector<16xf32> to vector<1x16xf32>
      tpu.vector_store %arg14[%swap3A_1346, %swap3A_1347], %swap3A_1350 {strides = array<i32>} : memref<512x128xf32, #tpu.memory_space<vmem>>, vector<1x16xf32>,
      %add3A_1351 = arith.constant 0 : i32
      %add3A_1352 = arith.addi %add3A_1260, %add3A_1351 : i32
      %get3A_1353 = arith.index_cast %add3A_1352 : i32 to index
      %get3A_1354 = arith.constant 96 : index
      %get3A_1355 = tpu.vector_load %arg14[%get3A_1353, %get3A_1354] {strides = array<i32>} : memref<512x128xf32, #tpu.memory_space<vmem>>, vector<1x16xf32>,
      %get3A_1356 = vector.shape_cast %get3A_1355 : vector<1x16xf32> to vector<16xf32>
      %mul3A_1357 = arith.mulf %get3A_1356, %get3A_1097 : vector<16xf32>
      %add3A_1358 = arith.addf %mul3A_1357, %get3A_1121 : vector<16xf32>
      %add3A_1359 = arith.constant 0 : i32
      %add3A_1360 = arith.addi %add3A_1260, %add3A_1359 : i32
      %swap3A_1361 = arith.index_cast %add3A_1360 : i32 to index
      %swap3A_1362 = arith.constant 96 : index
      %swap3A_1363 = tpu.vector_load %arg14[%swap3A_1361, %swap3A_1362] {strides = array<i32>} : memref<512x128xf32, #tpu.memory_space<vmem>>, vector<1x16xf32>,
      %swap3A_1364 = vector.shape_cast %swap3A_1363 : vector<1x16xf32> to vector<16xf32>
      %swap3A_1365 = vector.shape_cast %add3A_1358 : vector<16xf32> to vector<1x16xf32>
      tpu.vector_store %arg14[%swap3A_1361, %swap3A_1362], %swap3A_1365 {strides = array<i32>} : memref<512x128xf32, #tpu.memory_space<vmem>>, vector<1x16xf32>,
      %add3A_1366 = arith.constant 0 : i32
      %add3A_1367 = arith.addi %add3A_1260, %add3A_1366 : i32
      %get3A_1368 = arith.index_cast %add3A_1367 : i32 to index
      %get3A_1369 = arith.constant 112 : index
      %get3A_1370 = tpu.vector_load %arg14[%get3A_1368, %get3A_1369] {strides = array<i32>} : memref<512x128xf32, #tpu.memory_space<vmem>>, vector<1x16xf32>,
      %get3A_1371 = vector.shape_cast %get3A_1370 : vector<1x16xf32> to vector<16xf32>
      %mul3A_1372 = arith.mulf %get3A_1371, %get3A_1100 : vector<16xf32>
      %add3A_1373 = arith.addf %mul3A_1372, %get3A_1124 : vector<16xf32>
      %add3A_1374 = arith.constant 0 : i32
      %add3A_1375 = arith.addi %add3A_1260, %add3A_1374 : i32
      %swap3A_1376 = arith.index_cast %add3A_1375 : i32 to index
      %swap3A_1377 = arith.constant 112 : index
      %swap3A_1378 = tpu.vector_load %arg14[%swap3A_1376, %swap3A_1377] {strides = array<i32>} : memref<512x128xf32, #tpu.memory_space<vmem>>, vector<1x16xf32>,
      %swap3A_1379 = vector.shape_cast %swap3A_1378 : vector<1x16xf32> to vector<16xf32>
      %swap3A_1380 = vector.shape_cast %add3A_1373 : vector<16xf32> to vector<1x16xf32>
      tpu.vector_store %arg14[%swap3A_1376, %swap3A_1377], %swap3A_1380 {strides = array<i32>} : memref<512x128xf32, #tpu.memory_space<vmem>>, vector<1x16xf32>,
      %add3A_1381 = arith.constant 1 : i32
      %add3A_1382 = arith.addi %add3A_1260, %add3A_1381 : i32
      %get3A_1383 = arith.index_cast %add3A_1382 : i32 to index
      %get3A_1384 = arith.constant 0 : index
      %get3A_1385 = tpu.vector_load %arg14[%get3A_1383, %get3A_1384] {strides = array<i32>} : memref<512x128xf32, #tpu.memory_space<vmem>>, vector<1x16xf32>,
      %get3A_1386 = vector.shape_cast %get3A_1385 : vector<1x16xf32> to vector<16xf32>
      %mul3A_1387 = arith.mulf %get3A_1386, %get3A_1079 : vector<16xf32>
      %add3A_1388 = arith.addf %mul3A_1387, %get3A_1103 : vector<16xf32>
      %add3A_1389 = arith.constant 1 : i32
      %add3A_1390 = arith.addi %add3A_1260, %add3A_1389 : i32
      %swap3A_1391 = arith.index_cast %add3A_1390 : i32 to index
      %swap3A_1392 = arith.constant 0 : index
      %swap3A_1393 = tpu.vector_load %arg14[%swap3A_1391, %swap3A_1392] {strides = array<i32>} : memref<512x128xf32, #tpu.memory_space<vmem>>, vector<1x16xf32>,
      %swap3A_1394 = vector.shape_cast %swap3A_1393 : vector<1x16xf32> to vector<16xf32>
      %swap3A_1395 = vector.shape_cast %add3A_1388 : vector<16xf32> to vector<1x16xf32>
      tpu.vector_store %arg14[%swap3A_1391, %swap3A_1392], %swap3A_1395 {strides = array<i32>} : memref<512x128xf32, #tpu.memory_space<vmem>>, vector<1x16xf32>,
      %add3A_1396 = arith.constant 1 : i32
      %add3A_1397 = arith.addi %add3A_1260, %add3A_1396 : i32
      %get3A_1398 = arith.index_cast %add3A_1397 : i32 to index
      %get3A_1399 = arith.constant 16 : index
      %get3A_1400 = tpu.vector_load %arg14[%get3A_1398, %get3A_1399] {strides = array<i32>} : memref<512x128xf32, #tpu.memory_space<vmem>>, vector<1x16xf32>,
      %get3A_1401 = vector.shape_cast %get3A_1400 : vector<1x16xf32> to vector<16xf32>
      %mul3A_1402 = arith.mulf %get3A_1401, %get3A_1082 : vector<16xf32>
      %add3A_1403 = arith.addf %mul3A_1402, %get3A_1106 : vector<16xf32>
      %add3A_1404 = arith.constant 1 : i32
      %add3A_1405 = arith.addi %add3A_1260, %add3A_1404 : i32
      %swap3A_1406 = arith.index_cast %add3A_1405 : i32 to index
      %swap3A_1407 = arith.constant 16 : index
      %swap3A_1408 = tpu.vector_load %arg14[%swap3A_1406, %swap3A_1407] {strides = array<i32>} : memref<512x128xf32, #tpu.memory_space<vmem>>, vector<1x16xf32>,
      %swap3A_1409 = vector.shape_cast %swap3A_1408 : vector<1x16xf32> to vector<16xf32>
      %swap3A_1410 = vector.shape_cast %add3A_1403 : vector<16xf32> to vector<1x16xf32>
      tpu.vector_store %arg14[%swap3A_1406, %swap3A_1407], %swap3A_1410 {strides = array<i32>} : memref<512x128xf32, #tpu.memory_space<vmem>>, vector<1x16xf32>,
      %add3A_1411 = arith.constant 1 : i32
      %add3A_1412 = arith.addi %add3A_1260, %add3A_1411 : i32
      %get3A_1413 = arith.index_cast %add3A_1412 : i32 to index
      %get3A_1414 = arith.constant 32 : index
      %get3A_1415 = tpu.vector_load %arg14[%get3A_1413, %get3A_1414] {strides = array<i32>} : memref<512x128xf32, #tpu.memory_space<vmem>>, vector<1x16xf32>,
      %get3A_1416 = vector.shape_cast %get3A_1415 : vector<1x16xf32> to vector<16xf32>
      %mul3A_1417 = arith.mulf %get3A_1416, %get3A_1085 : vector<16xf32>
      %add3A_1418 = arith.addf %mul3A_1417, %get3A_1109 : vector<16xf32>
      %add3A_1419 = arith.constant 1 : i32
      %add3A_1420 = arith.addi %add3A_1260, %add3A_1419 : i32
      %swap3A_1421 = arith.index_cast %add3A_1420 : i32 to index
      %swap3A_1422 = arith.constant 32 : index
      %swap3A_1423 = tpu.vector_load %arg14[%swap3A_1421, %swap3A_1422] {strides = array<i32>} : memref<512x128xf32, #tpu.memory_space<vmem>>, vector<1x16xf32>,
      %swap3A_1424 = vector.shape_cast %swap3A_1423 : vector<1x16xf32> to vector<16xf32>
      %swap3A_1425 = vector.shape_cast %add3A_1418 : vector<16xf32> to vector<1x16xf32>
      tpu.vector_store %arg14[%swap3A_1421, %swap3A_1422], %swap3A_1425 {strides = array<i32>} : memref<512x128xf32, #tpu.memory_space<vmem>>, vector<1x16xf32>,
      %add3A_1426 = arith.constant 1 : i32
      %add3A_1427 = arith.addi %add3A_1260, %add3A_1426 : i32
      %get3A_1428 = arith.index_cast %add3A_1427 : i32 to index
      %get3A_1429 = arith.constant 48 : index
      %get3A_1430 = tpu.vector_load %arg14[%get3A_1428, %get3A_1429] {strides = array<i32>} : memref<512x128xf32, #tpu.memory_space<vmem>>, vector<1x16xf32>,
      %get3A_1431 = vector.shape_cast %get3A_1430 : vector<1x16xf32> to vector<16xf32>
      %mul3A_1432 = arith.mulf %get3A_1431, %get3A_1088 : vector<16xf32>
      %add3A_1433 = arith.addf %mul3A_1432, %get3A_1112 : vector<16xf32>
      %add3A_1434 = arith.constant 1 : i32
      %add3A_1435 = arith.addi %add3A_1260, %add3A_1434 : i32
      %swap3A_1436 = arith.index_cast %add3A_1435 : i32 to index
      %swap3A_1437 = arith.constant 48 : index
      %swap3A_1438 = tpu.vector_load %arg14[%swap3A_1436, %swap3A_1437] {strides = array<i32>} : memref<512x128xf32, #tpu.memory_space<vmem>>, vector<1x16xf32>,
      %swap3A_1439 = vector.shape_cast %swap3A_1438 : vector<1x16xf32> to vector<16xf32>
      %swap3A_1440 = vector.shape_cast %add3A_1433 : vector<16xf32> to vector<1x16xf32>
      tpu.vector_store %arg14[%swap3A_1436, %swap3A_1437], %swap3A_1440 {strides = array<i32>} : memref<512x128xf32, #tpu.memory_space<vmem>>, vector<1x16xf32>,
      %add3A_1441 = arith.constant 1 : i32
      %add3A_1442 = arith.addi %add3A_1260, %add3A_1441 : i32
      %get3A_1443 = arith.index_cast %add3A_1442 : i32 to index
      %get3A_1444 = arith.constant 64 : index
      %get3A_1445 = tpu.vector_load %arg14[%get3A_1443, %get3A_1444] {strides = array<i32>} : memref<512x128xf32, #tpu.memory_space<vmem>>, vector<1x16xf32>,
      %get3A_1446 = vector.shape_cast %get3A_1445 : vector<1x16xf32> to vector<16xf32>
      %mul3A_1447 = arith.mulf %get3A_1446, %get3A_1091 : vector<16xf32>
      %add3A_1448 = arith.addf %mul3A_1447, %get3A_1115 : vector<16xf32>
      %add3A_1449 = arith.constant 1 : i32
      %add3A_1450 = arith.addi %add3A_1260, %add3A_1449 : i32
      %swap3A_1451 = arith.index_cast %add3A_1450 : i32 to index
      %swap3A_1452 = arith.constant 64 : index
      %swap3A_1453 = tpu.vector_load %arg14[%swap3A_1451, %swap3A_1452] {strides = array<i32>} : memref<512x128xf32, #tpu.memory_space<vmem>>, vector<1x16xf32>,
      %swap3A_1454 = vector.shape_cast %swap3A_1453 : vector<1x16xf32> to vector<16xf32>
      %swap3A_1455 = vector.shape_cast %add3A_1448 : vector<16xf32> to vector<1x16xf32>
      tpu.vector_store %arg14[%swap3A_1451, %swap3A_1452], %swap3A_1455 {strides = array<i32>} : memref<512x128xf32, #tpu.memory_space<vmem>>, vector<1x16xf32>,
      %add3A_1456 = arith.constant 1 : i32
      %add3A_1457 = arith.addi %add3A_1260, %add3A_1456 : i32
      %get3A_1458 = arith.index_cast %add3A_1457 : i32 to index
      %get3A_1459 = arith.constant 80 : index
      %get3A_1460 = tpu.vector_load %arg14[%get3A_1458, %get3A_1459] {strides = array<i32>} : memref<512x128xf32, #tpu.memory_space<vmem>>, vector<1x16xf32>,
      %get3A_1461 = vector.shape_cast %get3A_1460 : vector<1x16xf32> to vector<16xf32>
      %mul3A_1462 = arith.mulf %get3A_1461, %get3A_1094 : vector<16xf32>
      %add3A_1463 = arith.addf %mul3A_1462, %get3A_1118 : vector<16xf32>
      %add3A_1464 = arith.constant 1 : i32
      %add3A_1465 = arith.addi %add3A_1260, %add3A_1464 : i32
      %swap3A_1466 = arith.index_cast %add3A_1465 : i32 to index
      %swap3A_1467 = arith.constant 80 : index
      %swap3A_1468 = tpu.vector_load %arg14[%swap3A_1466, %swap3A_1467] {strides = array<i32>} : memref<512x128xf32, #tpu.memory_space<vmem>>, vector<1x16xf32>,
      %swap3A_1469 = vector.shape_cast %swap3A_1468 : vector<1x16xf32> to vector<16xf32>
      %swap3A_1470 = vector.shape_cast %add3A_1463 : vector<16xf32> to vector<1x16xf32>
      tpu.vector_store %arg14[%swap3A_1466, %swap3A_1467], %swap3A_1470 {strides = array<i32>} : memref<512x128xf32, #tpu.memory_space<vmem>>, vector<1x16xf32>,
      %add3A_1471 = arith.constant 1 : i32
      %add3A_1472 = arith.addi %add3A_1260, %add3A_1471 : i32
      %get3A_1473 = arith.index_cast %add3A_1472 : i32 to index
      %get3A_1474 = arith.constant 96 : index
      %get3A_1475 = tpu.vector_load %arg14[%get3A_1473, %get3A_1474] {strides = array<i32>} : memref<512x128xf32, #tpu.memory_space<vmem>>, vector<1x16xf32>,
      %get3A_1476 = vector.shape_cast %get3A_1475 : vector<1x16xf32> to vector<16xf32>
      %mul3A_1477 = arith.mulf %get3A_1476, %get3A_1097 : vector<16xf32>
      %add3A_1478 = arith.addf %mul3A_1477, %get3A_1121 : vector<16xf32>
      %add3A_1479 = arith.constant 1 : i32
      %add3A_1480 = arith.addi %add3A_1260, %add3A_1479 : i32
      %swap3A_1481 = arith.index_cast %add3A_1480 : i32 to index
      %swap3A_1482 = arith.constant 96 : index
      %swap3A_1483 = tpu.vector_load %arg14[%swap3A_1481, %swap3A_1482] {strides = array<i32>} : memref<512x128xf32, #tpu.memory_space<vmem>>, vector<1x16xf32>,
      %swap3A_1484 = vector.shape_cast %swap3A_1483 : vector<1x16xf32> to vector<16xf32>
      %swap3A_1485 = vector.shape_cast %add3A_1478 : vector<16xf32> to vector<1x16xf32>
      tpu.vector_store %arg14[%swap3A_1481, %swap3A_1482], %swap3A_1485 {strides = array<i32>} : memref<512x128xf32, #tpu.memory_space<vmem>>, vector<1x16xf32>,
      %add3A_1486 = arith.constant 1 : i32
      %add3A_1487 = arith.addi %add3A_1260, %add3A_1486 : i32
      %get3A_1488 = arith.index_cast %add3A_1487 : i32 to index
      %get3A_1489 = arith.constant 112 : index
      %get3A_1490 = tpu.vector_load %arg14[%get3A_1488, %get3A_1489] {strides = array<i32>} : memref<512x128xf32, #tpu.memory_space<vmem>>, vector<1x16xf32>,
      %get3A_1491 = vector.shape_cast %get3A_1490 : vector<1x16xf32> to vector<16xf32>
      %mul3A_1492 = arith.mulf %get3A_1491, %get3A_1100 : vector<16xf32>
      %add3A_1493 = arith.addf %mul3A_1492, %get3A_1124 : vector<16xf32>
      %add3A_1494 = arith.constant 1 : i32
      %add3A_1495 = arith.addi %add3A_1260, %add3A_1494 : i32
      %swap3A_1496 = arith.index_cast %add3A_1495 : i32 to index
      %swap3A_1497 = arith.constant 112 : index
      %swap3A_1498 = tpu.vector_load %arg14[%swap3A_1496, %swap3A_1497] {strides = array<i32>} : memref<512x128xf32, #tpu.memory_space<vmem>>, vector<1x16xf32>,
      %swap3A_1499 = vector.shape_cast %swap3A_1498 : vector<1x16xf32> to vector<16xf32>
      %swap3A_1500 = vector.shape_cast %add3A_1493 : vector<16xf32> to vector<1x16xf32>
      tpu.vector_store %arg14[%swap3A_1496, %swap3A_1497], %swap3A_1500 {strides = array<i32>} : memref<512x128xf32, #tpu.memory_space<vmem>>, vector<1x16xf32>,
      %add3A_1501 = arith.constant 2 : i32
      %add3A_1502 = arith.addi %add3A_1260, %add3A_1501 : i32
      %get3A_1503 = arith.index_cast %add3A_1502 : i32 to index
      %get3A_1504 = arith.constant 0 : index
      %get3A_1505 = tpu.vector_load %arg14[%get3A_1503, %get3A_1504] {strides = array<i32>} : memref<512x128xf32, #tpu.memory_space<vmem>>, vector<1x16xf32>,
      %get3A_1506 = vector.shape_cast %get3A_1505 : vector<1x16xf32> to vector<16xf32>
      %mul3A_1507 = arith.mulf %get3A_1506, %get3A_1079 : vector<16xf32>
      %add3A_1508 = arith.addf %mul3A_1507, %get3A_1103 : vector<16xf32>
      %add3A_1509 = arith.constant 2 : i32
      %add3A_1510 = arith.addi %add3A_1260, %add3A_1509 : i32
      %swap3A_1511 = arith.index_cast %add3A_1510 : i32 to index
      %swap3A_1512 = arith.constant 0 : index
      %swap3A_1513 = tpu.vector_load %arg14[%swap3A_1511, %swap3A_1512] {strides = array<i32>} : memref<512x128xf32, #tpu.memory_space<vmem>>, vector<1x16xf32>,
      %swap3A_1514 = vector.shape_cast %swap3A_1513 : vector<1x16xf32> to vector<16xf32>
      %swap3A_1515 = vector.shape_cast %add3A_1508 : vector<16xf32> to vector<1x16xf32>
      tpu.vector_store %arg14[%swap3A_1511, %swap3A_1512], %swap3A_1515 {strides = array<i32>} : memref<512x128xf32, #tpu.memory_space<vmem>>, vector<1x16xf32>,
      %add3A_1516 = arith.constant 2 : i32
      %add3A_1517 = arith.addi %add3A_1260, %add3A_1516 : i32
      %get3A_1518 = arith.index_cast %add3A_1517 : i32 to index
      %get3A_1519 = arith.constant 16 : index
      %get3A_1520 = tpu.vector_load %arg14[%get3A_1518, %get3A_1519] {strides = array<i32>} : memref<512x128xf32, #tpu.memory_space<vmem>>, vector<1x16xf32>,
      %get3A_1521 = vector.shape_cast %get3A_1520 : vector<1x16xf32> to vector<16xf32>
      %mul3A_1522 = arith.mulf %get3A_1521, %get3A_1082 : vector<16xf32>
      %add3A_1523 = arith.addf %mul3A_1522, %get3A_1106 : vector<16xf32>
      %add3A_1524 = arith.constant 2 : i32
      %add3A_1525 = arith.addi %add3A_1260, %add3A_1524 : i32
      %swap3A_1526 = arith.index_cast %add3A_1525 : i32 to index
      %swap3A_1527 = arith.constant 16 : index
      %swap3A_1528 = tpu.vector_load %arg14[%swap3A_1526, %swap3A_1527] {strides = array<i32>} : memref<512x128xf32, #tpu.memory_space<vmem>>, vector<1x16xf32>,
      %swap3A_1529 = vector.shape_cast %swap3A_1528 : vector<1x16xf32> to vector<16xf32>
      %swap3A_1530 = vector.shape_cast %add3A_1523 : vector<16xf32> to vector<1x16xf32>
      tpu.vector_store %arg14[%swap3A_1526, %swap3A_1527], %swap3A_1530 {strides = array<i32>} : memref<512x128xf32, #tpu.memory_space<vmem>>, vector<1x16xf32>,
      %add3A_1531 = arith.constant 2 : i32
      %add3A_1532 = arith.addi %add3A_1260, %add3A_1531 : i32
      %get3A_1533 = arith.index_cast %add3A_1532 : i32 to index
      %get3A_1534 = arith.constant 32 : index
      %get3A_1535 = tpu.vector_load %arg14[%get3A_1533, %get3A_1534] {strides = array<i32>} : memref<512x128xf32, #tpu.memory_space<vmem>>, vector<1x16xf32>,
      %get3A_1536 = vector.shape_cast %get3A_1535 : vector<1x16xf32> to vector<16xf32>
      %mul3A_1537 = arith.mulf %get3A_1536, %get3A_1085 : vector<16xf32>
      %add3A_1538 = arith.addf %mul3A_1537, %get3A_1109 : vector<16xf32>
      %add3A_1539 = arith.constant 2 : i32
      %add3A_1540 = arith.addi %add3A_1260, %add3A_1539 : i32
      %swap3A_1541 = arith.index_cast %add3A_1540 : i32 to index
      %swap3A_1542 = arith.constant 32 : index
      %swap3A_1543 = tpu.vector_load %arg14[%swap3A_1541, %swap3A_1542] {strides = array<i32>} : memref<512x128xf32, #tpu.memory_space<vmem>>, vector<1x16xf32>,
      %swap3A_1544 = vector.shape_cast %swap3A_1543 : vector<1x16xf32> to vector<16xf32>
      %swap3A_1545 = vector.shape_cast %add3A_1538 : vector<16xf32> to vector<1x16xf32>
      tpu.vector_store %arg14[%swap3A_1541, %swap3A_1542], %swap3A_1545 {strides = array<i32>} : memref<512x128xf32, #tpu.memory_space<vmem>>, vector<1x16xf32>,
      %add3A_1546 = arith.constant 2 : i32
      %add3A_1547 = arith.addi %add3A_1260, %add3A_1546 : i32
      %get3A_1548 = arith.index_cast %add3A_1547 : i32 to index
      %get3A_1549 = arith.constant 48 : index
      %get3A_1550 = tpu.vector_load %arg14[%get3A_1548, %get3A_1549] {strides = array<i32>} : memref<512x128xf32, #tpu.memory_space<vmem>>, vector<1x16xf32>,
      %get3A_1551 = vector.shape_cast %get3A_1550 : vector<1x16xf32> to vector<16xf32>
      %mul3A_1552 = arith.mulf %get3A_1551, %get3A_1088 : vector<16xf32>
      %add3A_1553 = arith.addf %mul3A_1552, %get3A_1112 : vector<16xf32>
      %add3A_1554 = arith.constant 2 : i32
      %add3A_1555 = arith.addi %add3A_1260, %add3A_1554 : i32
      %swap3A_1556 = arith.index_cast %add3A_1555 : i32 to index
      %swap3A_1557 = arith.constant 48 : index
      %swap3A_1558 = tpu.vector_load %arg14[%swap3A_1556, %swap3A_1557] {strides = array<i32>} : memref<512x128xf32, #tpu.memory_space<vmem>>, vector<1x16xf32>,
      %swap3A_1559 = vector.shape_cast %swap3A_1558 : vector<1x16xf32> to vector<16xf32>
      %swap3A_1560 = vector.shape_cast %add3A_1553 : vector<16xf32> to vector<1x16xf32>
      tpu.vector_store %arg14[%swap3A_1556, %swap3A_1557], %swap3A_1560 {strides = array<i32>} : memref<512x128xf32, #tpu.memory_space<vmem>>, vector<1x16xf32>,
      %add3A_1561 = arith.constant 2 : i32
      %add3A_1562 = arith.addi %add3A_1260, %add3A_1561 : i32
      %get3A_1563 = arith.index_cast %add3A_1562 : i32 to index
      %get3A_1564 = arith.constant 64 : index
      %get3A_1565 = tpu.vector_load %arg14[%get3A_1563, %get3A_1564] {strides = array<i32>} : memref<512x128xf32, #tpu.memory_space<vmem>>, vector<1x16xf32>,
      %get3A_1566 = vector.shape_cast %get3A_1565 : vector<1x16xf32> to vector<16xf32>
      %mul3A_1567 = arith.mulf %get3A_1566, %get3A_1091 : vector<16xf32>
      %add3A_1568 = arith.addf %mul3A_1567, %get3A_1115 : vector<16xf32>
      %add3A_1569 = arith.constant 2 : i32
      %add3A_1570 = arith.addi %add3A_1260, %add3A_1569 : i32
      %swap3A_1571 = arith.index_cast %add3A_1570 : i32 to index
      %swap3A_1572 = arith.constant 64 : index
      %swap3A_1573 = tpu.vector_load %arg14[%swap3A_1571, %swap3A_1572] {strides = array<i32>} : memref<512x128xf32, #tpu.memory_space<vmem>>, vector<1x16xf32>,
      %swap3A_1574 = vector.shape_cast %swap3A_1573 : vector<1x16xf32> to vector<16xf32>
      %swap3A_1575 = vector.shape_cast %add3A_1568 : vector<16xf32> to vector<1x16xf32>
      tpu.vector_store %arg14[%swap3A_1571, %swap3A_1572], %swap3A_1575 {strides = array<i32>} : memref<512x128xf32, #tpu.memory_space<vmem>>, vector<1x16xf32>,
      %add3A_1576 = arith.constant 2 : i32
      %add3A_1577 = arith.addi %add3A_1260, %add3A_1576 : i32
      %get3A_1578 = arith.index_cast %add3A_1577 : i32 to index
      %get3A_1579 = arith.constant 80 : index
      %get3A_1580 = tpu.vector_load %arg14[%get3A_1578, %get3A_1579] {strides = array<i32>} : memref<512x128xf32, #tpu.memory_space<vmem>>, vector<1x16xf32>,
      %get3A_1581 = vector.shape_cast %get3A_1580 : vector<1x16xf32> to vector<16xf32>
      %mul3A_1582 = arith.mulf %get3A_1581, %get3A_1094 : vector<16xf32>
      %add3A_1583 = arith.addf %mul3A_1582, %get3A_1118 : vector<16xf32>
      %add3A_1584 = arith.constant 2 : i32
      %add3A_1585 = arith.addi %add3A_1260, %add3A_1584 : i32
      %swap3A_1586 = arith.index_cast %add3A_1585 : i32 to index
      %swap3A_1587 = arith.constant 80 : index
      %swap3A_1588 = tpu.vector_load %arg14[%swap3A_1586, %swap3A_1587] {strides = array<i32>} : memref<512x128xf32, #tpu.memory_space<vmem>>, vector<1x16xf32>,
      %swap3A_1589 = vector.shape_cast %swap3A_1588 : vector<1x16xf32> to vector<16xf32>
      %swap3A_1590 = vector.shape_cast %add3A_1583 : vector<16xf32> to vector<1x16xf32>
      tpu.vector_store %arg14[%swap3A_1586, %swap3A_1587], %swap3A_1590 {strides = array<i32>} : memref<512x128xf32, #tpu.memory_space<vmem>>, vector<1x16xf32>,
      %add3A_1591 = arith.constant 2 : i32
      %add3A_1592 = arith.addi %add3A_1260, %add3A_1591 : i32
      %get3A_1593 = arith.index_cast %add3A_1592 : i32 to index
      %get3A_1594 = arith.constant 96 : index
      %get3A_1595 = tpu.vector_load %arg14[%get3A_1593, %get3A_1594] {strides = array<i32>} : memref<512x128xf32, #tpu.memory_space<vmem>>, vector<1x16xf32>,
      %get3A_1596 = vector.shape_cast %get3A_1595 : vector<1x16xf32> to vector<16xf32>
      %mul3A_1597 = arith.mulf %get3A_1596, %get3A_1097 : vector<16xf32>
      %add3A_1598 = arith.addf %mul3A_1597, %get3A_1121 : vector<16xf32>
      %add3A_1599 = arith.constant 2 : i32
      %add3A_1600 = arith.addi %add3A_1260, %add3A_1599 : i32
      %swap3A_1601 = arith.index_cast %add3A_1600 : i32 to index
      %swap3A_1602 = arith.constant 96 : index
      %swap3A_1603 = tpu.vector_load %arg14[%swap3A_1601, %swap3A_1602] {strides = array<i32>} : memref<512x128xf32, #tpu.memory_space<vmem>>, vector<1x16xf32>,
      %swap3A_1604 = vector.shape_cast %swap3A_1603 : vector<1x16xf32> to vector<16xf32>
      %swap3A_1605 = vector.shape_cast %add3A_1598 : vector<16xf32> to vector<1x16xf32>
      tpu.vector_store %arg14[%swap3A_1601, %swap3A_1602], %swap3A_1605 {strides = array<i32>} : memref<512x128xf32, #tpu.memory_space<vmem>>, vector<1x16xf32>,
      %add3A_1606 = arith.constant 2 : i32
      %add3A_1607 = arith.addi %add3A_1260, %add3A_1606 : i32
      %get3A_1608 = arith.index_cast %add3A_1607 : i32 to index
      %get3A_1609 = arith.constant 112 : index
      %get3A_1610 = tpu.vector_load %arg14[%get3A_1608, %get3A_1609] {strides = array<i32>} : memref<512x128xf32, #tpu.memory_space<vmem>>, vector<1x16xf32>,
      %get3A_1611 = vector.shape_cast %get3A_1610 : vector<1x16xf32> to vector<16xf32>
      %mul3A_1612 = arith.mulf %get3A_1611, %get3A_1100 : vector<16xf32>
      %add3A_1613 = arith.addf %mul3A_1612, %get3A_1124 : vector<16xf32>
      %add3A_1614 = arith.constant 2 : i32
      %add3A_1615 = arith.addi %add3A_1260, %add3A_1614 : i32
      %swap3A_1616 = arith.index_cast %add3A_1615 : i32 to index
      %swap3A_1617 = arith.constant 112 : index
      %swap3A_1618 = tpu.vector_load %arg14[%swap3A_1616, %swap3A_1617] {strides = array<i32>} : memref<512x128xf32, #tpu.memory_space<vmem>>, vector<1x16xf32>,
      %swap3A_1619 = vector.shape_cast %swap3A_1618 : vector<1x16xf32> to vector<16xf32>
      %swap3A_1620 = vector.shape_cast %add3A_1613 : vector<16xf32> to vector<1x16xf32>
      tpu.vector_store %arg14[%swap3A_1616, %swap3A_1617], %swap3A_1620 {strides = array<i32>} : memref<512x128xf32, #tpu.memory_space<vmem>>, vector<1x16xf32>,
      %add3A_1621 = arith.constant 3 : i32
      %add3A_1622 = arith.addi %add3A_1260, %add3A_1621 : i32
      %get3A_1623 = arith.index_cast %add3A_1622 : i32 to index
      %get3A_1624 = arith.constant 0 : index
      %get3A_1625 = tpu.vector_load %arg14[%get3A_1623, %get3A_1624] {strides = array<i32>} : memref<512x128xf32, #tpu.memory_space<vmem>>, vector<1x16xf32>,
      %get3A_1626 = vector.shape_cast %get3A_1625 : vector<1x16xf32> to vector<16xf32>
      %mul3A_1627 = arith.mulf %get3A_1626, %get3A_1079 : vector<16xf32>
      %add3A_1628 = arith.addf %mul3A_1627, %get3A_1103 : vector<16xf32>
      %add3A_1629 = arith.constant 3 : i32
      %add3A_1630 = arith.addi %add3A_1260, %add3A_1629 : i32
      %swap3A_1631 = arith.index_cast %add3A_1630 : i32 to index
      %swap3A_1632 = arith.constant 0 : index
      %swap3A_1633 = tpu.vector_load %arg14[%swap3A_1631, %swap3A_1632] {strides = array<i32>} : memref<512x128xf32, #tpu.memory_space<vmem>>, vector<1x16xf32>,
      %swap3A_1634 = vector.shape_cast %swap3A_1633 : vector<1x16xf32> to vector<16xf32>
      %swap3A_1635 = vector.shape_cast %add3A_1628 : vector<16xf32> to vector<1x16xf32>
      tpu.vector_store %arg14[%swap3A_1631, %swap3A_1632], %swap3A_1635 {strides = array<i32>} : memref<512x128xf32, #tpu.memory_space<vmem>>, vector<1x16xf32>,
      %add3A_1636 = arith.constant 3 : i32
      %add3A_1637 = arith.addi %add3A_1260, %add3A_1636 : i32
      %get3A_1638 = arith.index_cast %add3A_1637 : i32 to index
      %get3A_1639 = arith.constant 16 : index
      %get3A_1640 = tpu.vector_load %arg14[%get3A_1638, %get3A_1639] {strides = array<i32>} : memref<512x128xf32, #tpu.memory_space<vmem>>, vector<1x16xf32>,
      %get3A_1641 = vector.shape_cast %get3A_1640 : vector<1x16xf32> to vector<16xf32>
      %mul3A_1642 = arith.mulf %get3A_1641, %get3A_1082 : vector<16xf32>
      %add3A_1643 = arith.addf %mul3A_1642, %get3A_1106 : vector<16xf32>
      %add3A_1644 = arith.constant 3 : i32
      %add3A_1645 = arith.addi %add3A_1260, %add3A_1644 : i32
      %swap3A_1646 = arith.index_cast %add3A_1645 : i32 to index
      %swap3A_1647 = arith.constant 16 : index
      %swap3A_1648 = tpu.vector_load %arg14[%swap3A_1646, %swap3A_1647] {strides = array<i32>} : memref<512x128xf32, #tpu.memory_space<vmem>>, vector<1x16xf32>,
      %swap3A_1649 = vector.shape_cast %swap3A_1648 : vector<1x16xf32> to vector<16xf32>
      %swap3A_1650 = vector.shape_cast %add3A_1643 : vector<16xf32> to vector<1x16xf32>
      tpu.vector_store %arg14[%swap3A_1646, %swap3A_1647], %swap3A_1650 {strides = array<i32>} : memref<512x128xf32, #tpu.memory_space<vmem>>, vector<1x16xf32>,
      %add3A_1651 = arith.constant 3 : i32
      %add3A_1652 = arith.addi %add3A_1260, %add3A_1651 : i32
      %get3A_1653 = arith.index_cast %add3A_1652 : i32 to index
      %get3A_1654 = arith.constant 32 : index
      %get3A_1655 = tpu.vector_load %arg14[%get3A_1653, %get3A_1654] {strides = array<i32>} : memref<512x128xf32, #tpu.memory_space<vmem>>, vector<1x16xf32>,
      %get3A_1656 = vector.shape_cast %get3A_1655 : vector<1x16xf32> to vector<16xf32>
      %mul3A_1657 = arith.mulf %get3A_1656, %get3A_1085 : vector<16xf32>
      %add3A_1658 = arith.addf %mul3A_1657, %get3A_1109 : vector<16xf32>
      %add3A_1659 = arith.constant 3 : i32
      %add3A_1660 = arith.addi %add3A_1260, %add3A_1659 : i32
      %swap3A_1661 = arith.index_cast %add3A_1660 : i32 to index
      %swap3A_1662 = arith.constant 32 : index
      %swap3A_1663 = tpu.vector_load %arg14[%swap3A_1661, %swap3A_1662] {strides = array<i32>} : memref<512x128xf32, #tpu.memory_space<vmem>>, vector<1x16xf32>,
      %swap3A_1664 = vector.shape_cast %swap3A_1663 : vector<1x16xf32> to vector<16xf32>
      %swap3A_1665 = vector.shape_cast %add3A_1658 : vector<16xf32> to vector<1x16xf32>
      tpu.vector_store %arg14[%swap3A_1661, %swap3A_1662], %swap3A_1665 {strides = array<i32>} : memref<512x128xf32, #tpu.memory_space<vmem>>, vector<1x16xf32>,
      %add3A_1666 = arith.constant 3 : i32
      %add3A_1667 = arith.addi %add3A_1260, %add3A_1666 : i32
      %get3A_1668 = arith.index_cast %add3A_1667 : i32 to index
      %get3A_1669 = arith.constant 48 : index
      %get3A_1670 = tpu.vector_load %arg14[%get3A_1668, %get3A_1669] {strides = array<i32>} : memref<512x128xf32, #tpu.memory_space<vmem>>, vector<1x16xf32>,
      %get3A_1671 = vector.shape_cast %get3A_1670 : vector<1x16xf32> to vector<16xf32>
      %mul3A_1672 = arith.mulf %get3A_1671, %get3A_1088 : vector<16xf32>
      %add3A_1673 = arith.addf %mul3A_1672, %get3A_1112 : vector<16xf32>
      %add3A_1674 = arith.constant 3 : i32
      %add3A_1675 = arith.addi %add3A_1260, %add3A_1674 : i32
      %swap3A_1676 = arith.index_cast %add3A_1675 : i32 to index
      %swap3A_1677 = arith.constant 48 : index
      %swap3A_1678 = tpu.vector_load %arg14[%swap3A_1676, %swap3A_1677] {strides = array<i32>} : memref<512x128xf32, #tpu.memory_space<vmem>>, vector<1x16xf32>,
      %swap3A_1679 = vector.shape_cast %swap3A_1678 : vector<1x16xf32> to vector<16xf32>
      %swap3A_1680 = vector.shape_cast %add3A_1673 : vector<16xf32> to vector<1x16xf32>
      tpu.vector_store %arg14[%swap3A_1676, %swap3A_1677], %swap3A_1680 {strides = array<i32>} : memref<512x128xf32, #tpu.memory_space<vmem>>, vector<1x16xf32>,
      %add3A_1681 = arith.constant 3 : i32
      %add3A_1682 = arith.addi %add3A_1260, %add3A_1681 : i32
      %get3A_1683 = arith.index_cast %add3A_1682 : i32 to index
      %get3A_1684 = arith.constant 64 : index
      %get3A_1685 = tpu.vector_load %arg14[%get3A_1683, %get3A_1684] {strides = array<i32>} : memref<512x128xf32, #tpu.memory_space<vmem>>, vector<1x16xf32>,
      %get3A_1686 = vector.shape_cast %get3A_1685 : vector<1x16xf32> to vector<16xf32>
      %mul3A_1687 = arith.mulf %get3A_1686, %get3A_1091 : vector<16xf32>
      %add3A_1688 = arith.addf %mul3A_1687, %get3A_1115 : vector<16xf32>
      %add3A_1689 = arith.constant 3 : i32
      %add3A_1690 = arith.addi %add3A_1260, %add3A_1689 : i32
      %swap3A_1691 = arith.index_cast %add3A_1690 : i32 to index
      %swap3A_1692 = arith.constant 64 : index
      %swap3A_1693 = tpu.vector_load %arg14[%swap3A_1691, %swap3A_1692] {strides = array<i32>} : memref<512x128xf32, #tpu.memory_space<vmem>>, vector<1x16xf32>,
      %swap3A_1694 = vector.shape_cast %swap3A_1693 : vector<1x16xf32> to vector<16xf32>
      %swap3A_1695 = vector.shape_cast %add3A_1688 : vector<16xf32> to vector<1x16xf32>
      tpu.vector_store %arg14[%swap3A_1691, %swap3A_1692], %swap3A_1695 {strides = array<i32>} : memref<512x128xf32, #tpu.memory_space<vmem>>, vector<1x16xf32>,
      %add3A_1696 = arith.constant 3 : i32
      %add3A_1697 = arith.addi %add3A_1260, %add3A_1696 : i32
      %get3A_1698 = arith.index_cast %add3A_1697 : i32 to index
      %get3A_1699 = arith.constant 80 : index
      %get3A_1700 = tpu.vector_load %arg14[%get3A_1698, %get3A_1699] {strides = array<i32>} : memref<512x128xf32, #tpu.memory_space<vmem>>, vector<1x16xf32>,
      %get3A_1701 = vector.shape_cast %get3A_1700 : vector<1x16xf32> to vector<16xf32>
      %mul3A_1702 = arith.mulf %get3A_1701, %get3A_1094 : vector<16xf32>
      %add3A_1703 = arith.addf %mul3A_1702, %get3A_1118 : vector<16xf32>
      %add3A_1704 = arith.constant 3 : i32
      %add3A_1705 = arith.addi %add3A_1260, %add3A_1704 : i32
      %swap3A_1706 = arith.index_cast %add3A_1705 : i32 to index
      %swap3A_1707 = arith.constant 80 : index
      %swap3A_1708 = tpu.vector_load %arg14[%swap3A_1706, %swap3A_1707] {strides = array<i32>} : memref<512x128xf32, #tpu.memory_space<vmem>>, vector<1x16xf32>,
      %swap3A_1709 = vector.shape_cast %swap3A_1708 : vector<1x16xf32> to vector<16xf32>
      %swap3A_1710 = vector.shape_cast %add3A_1703 : vector<16xf32> to vector<1x16xf32>
      tpu.vector_store %arg14[%swap3A_1706, %swap3A_1707], %swap3A_1710 {strides = array<i32>} : memref<512x128xf32, #tpu.memory_space<vmem>>, vector<1x16xf32>,
      %add3A_1711 = arith.constant 3 : i32
      %add3A_1712 = arith.addi %add3A_1260, %add3A_1711 : i32
      %get3A_1713 = arith.index_cast %add3A_1712 : i32 to index
      %get3A_1714 = arith.constant 96 : index
      %get3A_1715 = tpu.vector_load %arg14[%get3A_1713, %get3A_1714] {strides = array<i32>} : memref<512x128xf32, #tpu.memory_space<vmem>>, vector<1x16xf32>,
      %get3A_1716 = vector.shape_cast %get3A_1715 : vector<1x16xf32> to vector<16xf32>
      %mul3A_1717 = arith.mulf %get3A_1716, %get3A_1097 : vector<16xf32>
      %add3A_1718 = arith.addf %mul3A_1717, %get3A_1121 : vector<16xf32>
      %add3A_1719 = arith.constant 3 : i32
      %add3A_1720 = arith.addi %add3A_1260, %add3A_1719 : i32
      %swap3A_1721 = arith.index_cast %add3A_1720 : i32 to index
      %swap3A_1722 = arith.constant 96 : index
      %swap3A_1723 = tpu.vector_load %arg14[%swap3A_1721, %swap3A_1722] {strides = array<i32>} : memref<512x128xf32, #tpu.memory_space<vmem>>, vector<1x16xf32>,
      %swap3A_1724 = vector.shape_cast %swap3A_1723 : vector<1x16xf32> to vector<16xf32>
      %swap3A_1725 = vector.shape_cast %add3A_1718 : vector<16xf32> to vector<1x16xf32>
      tpu.vector_store %arg14[%swap3A_1721, %swap3A_1722], %swap3A_1725 {strides = array<i32>} : memref<512x128xf32, #tpu.memory_space<vmem>>, vector<1x16xf32>,
      %add3A_1726 = arith.constant 3 : i32
      %add3A_1727 = arith.addi %add3A_1260, %add3A_1726 : i32
      %get3A_1728 = arith.index_cast %add3A_1727 : i32 to index
      %get3A_1729 = arith.constant 112 : index
      %get3A_1730 = tpu.vector_load %arg14[%get3A_1728, %get3A_1729] {strides = array<i32>} : memref<512x128xf32, #tpu.memory_space<vmem>>, vector<1x16xf32>,
      %get3A_1731 = vector.shape_cast %get3A_1730 : vector<1x16xf32> to vector<16xf32>
      %mul3A_1732 = arith.mulf %get3A_1731, %get3A_1100 : vector<16xf32>
      %add3A_1733 = arith.addf %mul3A_1732, %get3A_1124 : vector<16xf32>
      %add3A_1734 = arith.constant 3 : i32
      %add3A_1735 = arith.addi %add3A_1260, %add3A_1734 : i32
      %swap3A_1736 = arith.index_cast %add3A_1735 : i32 to index
      %swap3A_1737 = arith.constant 112 : index
      %swap3A_1738 = tpu.vector_load %arg14[%swap3A_1736, %swap3A_1737] {strides = array<i32>} : memref<512x128xf32, #tpu.memory_space<vmem>>, vector<1x16xf32>,
      %swap3A_1739 = vector.shape_cast %swap3A_1738 : vector<1x16xf32> to vector<16xf32>
      %swap3A_1740 = vector.shape_cast %add3A_1733 : vector<16xf32> to vector<1x16xf32>
      tpu.vector_store %arg14[%swap3A_1736, %swap3A_1737], %swap3A_1740 {strides = array<i32>} : memref<512x128xf32, #tpu.memory_space<vmem>>, vector<1x16xf32>,
    }
    %scan3A_1203 = arith.constant 32 : i32
    %add3A_1204 = arith.constant 384 : i32
    %add3A_1205 = arith.addi %mul3A_2, %add3A_1204 : i32
    %dma_start3A_1206 = arith.constant 384 : i32
    %dma_start3A_1207 = arith.constant 0 : i32
    %dma_start3A_1208 = tpu.memref_slice %arg14[%dma_start3A_1206, %dma_start3A_1207] : memref<512x128xf32, #tpu.memory_space<vmem>> -> memref<128x128xf32, #tpu.memory_space<vmem>>
    %dma_start3A_1209 = arith.constant 0 : i32
    %dma_start3A_1210 = tpu.memref_slice %arg7[%add3A_1205, %dma_start3A_1209] : memref<16384x128xf32, #tpu.memory_space<hbm>> -> memref<128x128xf32, #tpu.memory_space<hbm>>
    %dma_start3A_1211 = arith.constant 0 : i32
    %dma_start3A_1212 = tpu.memref_slice %arg7[%add3A_1205, %dma_start3A_1211] : memref<16384x128xf32, #tpu.memory_space<hbm>> -> memref<128x128xf32, #tpu.memory_space<hbm>>
    %dma_start3A_1213 = arith.constant 384 : i32
    %dma_start3A_1214 = arith.constant 0 : i32
    %dma_start3A_1215 = tpu.memref_slice %arg14[%dma_start3A_1213, %dma_start3A_1214] : memref<512x128xf32, #tpu.memory_space<vmem>> -> memref<128x128xf32, #tpu.memory_space<vmem>>
    tpu.enqueue_dma source(%dma_start3A_1215 : memref<128x128xf32, #tpu.memory_space<vmem>>) target(%dma_start3A_1212 : memref<128x128xf32, #tpu.memory_space<hbm>>) target_semaphore(%arg19 : memref<!tpu.dma_semaphore, #tpu.memory_space<semaphore_mem>>)
    %dma_wait3A_1216 = arith.constant 0 : i32
    %dma_wait3A_1217 = arith.constant 0 : i32
    %dma_wait3A_1218 = tpu.memref_slice %arg14[%dma_wait3A_1216, %dma_wait3A_1217] : memref<512x128xf32, #tpu.memory_space<vmem>> -> memref<128x128xf32, #tpu.memory_space<vmem>>
    %dma_wait3A_1219 = arith.constant 0 : i32
    %dma_wait3A_1220 = tpu.memref_slice %arg7[%add3A_1141, %dma_wait3A_1219] : memref<16384x128xf32, #tpu.memory_space<hbm>> -> memref<128x128xf32, #tpu.memory_space<hbm>>
    %dma_wait3A_1221 = arith.constant 0 : i32
    %dma_wait3A_1222 = tpu.memref_slice %arg7[%add3A_1141, %dma_wait3A_1221] : memref<16384x128xf32, #tpu.memory_space<hbm>> -> memref<128x128xf32, #tpu.memory_space<hbm>>
    %dma_wait3A_1223 = arith.constant 0 : i32
    %dma_wait3A_1224 = arith.constant 0 : i32
    %dma_wait3A_1225 = tpu.memref_slice %arg14[%dma_wait3A_1223, %dma_wait3A_1224] : memref<512x128xf32, #tpu.memory_space<vmem>> -> memref<128x128xf32, #tpu.memory_space<vmem>>
    tpu.wait_dma2 semaphore(%arg19 : memref<!tpu.dma_semaphore, #tpu.memory_space<semaphore_mem>>) src(%dma_wait3A_1225 : memref<128x128xf32, #tpu.memory_space<vmem>>) dst(%dma_wait3A_1222 : memref<128x128xf32, #tpu.memory_space<hbm>>)
    %dma_wait3A_1226 = arith.constant 128 : i32
    %dma_wait3A_1227 = arith.constant 0 : i32
    %dma_wait3A_1228 = tpu.memref_slice %arg14[%dma_wait3A_1226, %dma_wait3A_1227] : memref<512x128xf32, #tpu.memory_space<vmem>> -> memref<128x128xf32, #tpu.memory_space<vmem>>
    %dma_wait3A_1229 = arith.constant 0 : i32
    %dma_wait3A_1230 = tpu.memref_slice %arg7[%add3A_1159, %dma_wait3A_1229] : memref<16384x128xf32, #tpu.memory_space<hbm>> -> memref<128x128xf32, #tpu.memory_space<hbm>>
    %dma_wait3A_1231 = arith.constant 0 : i32
    %dma_wait3A_1232 = tpu.memref_slice %arg7[%add3A_1159, %dma_wait3A_1231] : memref<16384x128xf32, #tpu.memory_space<hbm>> -> memref<128x128xf32, #tpu.memory_space<hbm>>
    %dma_wait3A_1233 = arith.constant 128 : i32
    %dma_wait3A_1234 = arith.constant 0 : i32
    %dma_wait3A_1235 = tpu.memref_slice %arg14[%dma_wait3A_1233, %dma_wait3A_1234] : memref<512x128xf32, #tpu.memory_space<vmem>> -> memref<128x128xf32, #tpu.memory_space<vmem>>
    tpu.wait_dma2 semaphore(%arg19 : memref<!tpu.dma_semaphore, #tpu.memory_space<semaphore_mem>>) src(%dma_wait3A_1235 : memref<128x128xf32, #tpu.memory_space<vmem>>) dst(%dma_wait3A_1232 : memref<128x128xf32, #tpu.memory_space<hbm>>)
    %dma_wait3A_1236 = arith.constant 256 : i32
    %dma_wait3A_1237 = arith.constant 0 : i32
    %dma_wait3A_1238 = tpu.memref_slice %arg14[%dma_wait3A_1236, %dma_wait3A_1237] : memref<512x128xf32, #tpu.memory_space<vmem>> -> memref<128x128xf32, #tpu.memory_space<vmem>>
    %dma_wait3A_1239 = arith.constant 0 : i32
    %dma_wait3A_1240 = tpu.memref_slice %arg7[%add3A_1187, %dma_wait3A_1239] : memref<16384x128xf32, #tpu.memory_space<hbm>> -> memref<128x128xf32, #tpu.memory_space<hbm>>
    %dma_wait3A_1241 = arith.constant 0 : i32
    %dma_wait3A_1242 = tpu.memref_slice %arg7[%add3A_1187, %dma_wait3A_1241] : memref<16384x128xf32, #tpu.memory_space<hbm>> -> memref<128x128xf32, #tpu.memory_space<hbm>>
    %dma_wait3A_1243 = arith.constant 256 : i32
    %dma_wait3A_1244 = arith.constant 0 : i32
    %dma_wait3A_1245 = tpu.memref_slice %arg14[%dma_wait3A_1243, %dma_wait3A_1244] : memref<512x128xf32, #tpu.memory_space<vmem>> -> memref<128x128xf32, #tpu.memory_space<vmem>>
    tpu.wait_dma2 semaphore(%arg19 : memref<!tpu.dma_semaphore, #tpu.memory_space<semaphore_mem>>) src(%dma_wait3A_1245 : memref<128x128xf32, #tpu.memory_space<vmem>>) dst(%dma_wait3A_1242 : memref<128x128xf32, #tpu.memory_space<hbm>>)
    %dma_wait3A_1246 = arith.constant 384 : i32
    %dma_wait3A_1247 = arith.constant 0 : i32
    %dma_wait3A_1248 = tpu.memref_slice %arg14[%dma_wait3A_1246, %dma_wait3A_1247] : memref<512x128xf32, #tpu.memory_space<vmem>> -> memref<128x128xf32, #tpu.memory_space<vmem>>
    %dma_wait3A_1249 = arith.constant 0 : i32
    %dma_wait3A_1250 = tpu.memref_slice %arg7[%add3A_1205, %dma_wait3A_1249] : memref<16384x128xf32, #tpu.memory_space<hbm>> -> memref<128x128xf32, #tpu.memory_space<hbm>>
    %dma_wait3A_1251 = arith.constant 0 : i32
    %dma_wait3A_1252 = tpu.memref_slice %arg7[%add3A_1205, %dma_wait3A_1251] : memref<16384x128xf32, #tpu.memory_space<hbm>> -> memref<128x128xf32, #tpu.memory_space<hbm>>
    %dma_wait3A_1253 = arith.constant 384 : i32
    %dma_wait3A_1254 = arith.constant 0 : i32
    %dma_wait3A_1255 = tpu.memref_slice %arg14[%dma_wait3A_1253, %dma_wait3A_1254] : memref<512x128xf32, #tpu.memory_space<vmem>> -> memref<128x128xf32, #tpu.memory_space<vmem>>
    tpu.wait_dma2 semaphore(%arg19 : memref<!tpu.dma_semaphore, #tpu.memory_space<semaphore_mem>>) src(%dma_wait3A_1255 : memref<128x128xf32, #tpu.memory_space<vmem>>) dst(%dma_wait3A_1252 : memref<128x128xf32, #tpu.memory_space<hbm>>)
    return
  }
}

</mosaic_0001>

<sc_bundles>
// kernel: kernel.3.cloned.1.call-start
scs
__scs_entry_jumppad:
0x0: {  	(pc) =	sbr.rel $0x88, $3  }
0x1: {  	(tag) =	ssettag $0x0;
	lr =	simm.s32 $0x1  }
0x2: {  	[smem:$0x3F9C] =	sst lr;
	_ =	strace $0xD0000000  }
0x3: {  	_ = 	snop  }
0x4: {  	_ = 	snop  }
0x5: {  	_ = 	snop  }
0x6: {  	_ = 	snop  }
0x7: {  	_ = 	snop  }
__scs_overlays_trampoline_lowered:
0x8: {  	[smem:$0x3FAB] =	sst s0  }
0x9: {  	[smem:$0x3FAC] =	sst s1  }
0xa: {  	[smem:$0x3FAD] =	sst s2  }
0xb: {  	[smem:$0x3FAE] =	sst s3  }
0xc: {  	[smem:$0x3FAF] =	sst s4  }
0xd: {  	[smem:$0x3FB0] =	sst s5  }
0xe: {  	[smem:$0x3FB1] =	sst s6  }
0xf: {  	[smem:$0x3FB2] =	sst s7  }
0x10: {  	[smem:$0x3FB3] =	sst s8  }
0x11: {  	[smem:$0x3FB4] =	sst s9;
	s0 =	simm.s32 @!p0 $0x0  }
0x12: {  	s1 =	sld [smem:$0x3F9A];
	s0 =	simm.s32 @p0 $0x1  }
0x13: {  	[smem:$0x3FB5] =	sst s0;
	s0 =	simm.s32 @!p1 $0x0  }
0x14: {  	s2 =	sld [smem:$0x3F99];
	s0 =	simm.s32 @p1 $0x1  }
0x15: {  	[smem:$0x3FB6] =	sst s0;
	s0 =	simm.s32 @!p2 $0x0  }
0x16: {  	s3 =	sld [smem:$0x3FDB];
	s0 =	simm.s32 @p2 $0x1  }
0x17: {  	s4 =	simm.s32 $0x1BF5;
	[smem:$0x3FB8] =	sst s0  }
0x18: {  	s0 =	sld [smem:$0x3F9B];
	_ =	swait.ge [sflag:s4], $0x0  }
0x19: {  	s7 =	sld [smem:$0x3F9C]  }
0x1a: {  	s8 =	sadd.s32 $0xFFFFE003, lr  }
0x1b: {  	s9 =	sadd.s32 $0xFFFFFEF7, lr;
	s5 =	simm.s32 $0xFFFFFFFF;
	p2 =	slt.u32 s8, $0xFFFFF086  }
0x1c: {  	p1 =	slt.u32 s9, $0xF7A;
	s5 =	simm.s32 @!p2 $0x0  }
0x1d: {  	s5 =	simm.s32 @p1 $0x1;
	p0 =	seq.s32 s7, s2  }
0x1e: {  	s7 =	smul.u32 @!p0 $0xF7A, s2;
	p2 =	seq.s32 @!p0 s5, $0x0  }
0x1f: {  	s9 =	smul.u32 $0xF7A, s1;
	s8 =	simm.s32 @!p0 $0x1BF5;
	p2 =	por !p2, p0  }
0x20: {  	[sflag:s8] =	ssyncset.s32 @!p0 $0xFFFFF086;
	s6 =	sadd.s32 @!p0 s3, s7;
	s7 =	simm.s32 @!p0 $0x108  }
0x21: {  	s3 =	sadd.s32 s3, s9;
	s6 =	sadd.s32 @!p0 $0x88, s6;
	s7 =	simm.s32 @p2 $0x1082  }
0x22: {  	[simem:s7], [sflag:s8] =	dma.local @!p0 [hbm:s6], $0xF7A  }
0x23: {  	s9 =	sor.u32 $0xD0000000, s2;
	s6 =	simm.s32 $0x108;
	_ =	swait.ge @!p0 [sflag:s8], $0x0  }
0x24: {  	s3 =	sadd.s32 $0x88, s3;
	s6 =	simm.s32 @!p1 $0x1082;
	[sflag:s4] =	ssyncset.s32 $0xFFFFF086  }
0x25: {  	[simem:s6], [sflag:s4] =	dma.local [hbm:s3], $0xF7A  }
0x26: {  	[smem:$0x3F9C] =	sst s1;
	(tag) =	ssettag s2;
	_ =	strace s9  }
0x27: {  	s1 =	sld [smem:$0x3FAC]  }
0x28: {  	s2 =	sld [smem:$0x3FAD]  }
0x29: {  	s4 =	sld [smem:$0x3FAF]  }
0x2a: {  	p0 =	seq.s32 s5, $0x0;
	s5 =	sld [smem:$0x3FB0]  }
0x2b: {  	s6 =	sld [smem:$0x3FB1]  }
0x2c: {  	s7 =	sld [smem:$0x3FB2]  }
0x2d: {  	s3 =	simm.s32 $0x108;
	s8 =	sld [smem:$0x3FB3]  }
0x2e: {  	s3 =	simm.s32 @!p0 $0x1082;
	s9 =	sld [smem:$0x3FB4]  }
0x2f: {  	lr =	sadd.s32 s0, s3;
	s0 =	sld [smem:$0x3FAB]  }
0x30: {  	s3 =	sld [smem:$0x3FAE]  }
0x31: {  	[smem:$0x3FB7] =	sst s10  }
0x32: {  	s10 =	sld [smem:$0x3FB5];
	_ =	sdelay $0x3  }
0x33: {  	p0 =	seq.s32 s10, $0x1;
	s10 =	sld [smem:$0x3FB7];
	_ =	sdelay $0x3  }
0x34: {  	[smem:$0x3FB7] =	sst s10  }
0x35: {  	s10 =	sld [smem:$0x3FB6];
	_ =	sdelay $0x3  }
0x36: {  	p1 =	seq.s32 s10, $0x1;
	s10 =	sld [smem:$0x3FB7];
	_ =	sdelay $0x3  }
0x37: {  	[smem:$0x3FB7] =	sst s10  }
0x38: {  	s10 =	sld [smem:$0x3FB8]  }
0x39: {  	_ = 	snop;
	(pc) =	sbr.ind lr, $3  }
0x3a: {  	_ = 	snop  }
0x3b: {  	_ = 	snop  }
0x3c: {  	p2 =	seq.s32 s10, $0x1;
	s10 =	sld [smem:$0x3FB7]  }
0x3d: {  	_ =	shalt  }
0x3e: {  	_ =	shalt  }
0x3f: {  	_ =	shalt  }
0x40: {  	_ =	shalt  }
0x41: {  	_ =	shalt  }
0x42: {  	_ =	shalt  }
0x43: {  	_ =	shalt  }
0x44: {  	_ =	shalt  }
0x45: {  	_ =	shalt  }
0x46: {  	_ =	shalt  }
0x47: {  	_ =	shalt  }
0x48: {  	_ =	shalt  }
0x49: {  	_ =	shalt  }
0x4a: {  	_ =	shalt  }
0x4b: {  	_ =	shalt  }
0x4c: {  	_ =	shalt  }
0x4d: {  	_ =	shalt  }
0x4e: {  	_ =	shalt  }
0x4f: {  	_ =	shalt  }
0x50: {  	_ =	shalt  }
0x51: {  	_ =	shalt  }
0x52: {  	_ =	shalt  }
0x53: {  	_ =	shalt  }
0x54: {  	_ =	shalt  }
0x55: {  	_ =	shalt  }
0x56: {  	_ =	shalt  }
0x57: {  	_ =	shalt  }
0x58: {  	_ =	shalt  }
0x59: {  	_ =	shalt  }
0x5a: {  	_ =	shalt  }
0x5b: {  	_ =	shalt  }
0x5c: {  	_ =	shalt  }
0x5d: {  	_ =	shalt  }
0x5e: {  	_ =	shalt  }
0x5f: {  	_ =	shalt  }
0x60: {  	_ =	shalt  }
0x61: {  	_ =	shalt  }
0x62: {  	_ =	shalt  }
0x63: {  	_ =	shalt  }
0x64: {  	_ =	shalt  }
0x65: {  	_ =	shalt  }
0x66: {  	_ =	shalt  }
0x67: {  	_ =	shalt  }
0x68: {  	_ =	shalt  }
0x69: {  	_ =	shalt  }
0x6a: {  	_ =	shalt  }
0x6b: {  	_ =	shalt  }
0x6c: {  	_ =	shalt  }
0x6d: {  	_ =	shalt  }
0x6e: {  	_ =	shalt  }
0x6f: {  	_ =	shalt  }
0x70: {  	_ =	shalt  }
0x71: {  	_ =	shalt  }
0x72: {  	_ =	shalt  }
0x73: {  	_ =	shalt  }
0x74: {  	_ =	shalt  }
0x75: {  	_ =	shalt  }
0x76: {  	_ =	shalt  }
0x77: {  	_ =	shalt  }
0x78: {  	_ =	shalt  }
0x79: {  	_ =	shalt  }
0x7a: {  	_ =	shalt  }
0x7b: {  	_ =	shalt  }
0x7c: {  	_ =	shalt  }
0x7d: {  	_ =	shalt  }
0x7e: {  	_ =	shalt  }
0x7f: {  	_ =	shalt  }
0x80: {  	_ =	shalt  }
0x81: {  	_ =	shalt  }
0x82: {  	_ =	shalt  }
0x83: {  	_ =	shalt  }
0x84: {  	_ =	shalt  }
0x85: {  	_ =	shalt  }
0x86: {  	_ =	shalt  }
0x87: {  	_ =	shalt  }
.Lfunc_end0:
.L_simem_size_0:
called_computation_lowered:
.L_overlay_start_0:
0x88: {  	s2 =	sld [smem:$0x3FD9]  }
0x89: {  	s3 =	sld [smem:$0x3FFE];
	_ =	sdelay $0x1  }
0x8a: {  	s1 =	srdreg.scid  }
0x8b: {  	s0 =	sand.u32 $0x1, s1  }
0x8c: {  	s17 =	sshll.u32 s0, $0xA;
	s2 =	sadd.s32 s3, s2  }
0x8d: {  	s2 =	sadd.s32 s2, s17  }
0x8e: {  	[smem:$0x3FC3] =	sst s2  }
0x8f: {  	_ = 	snop  }
0x90: {  	s2 =	sld [smem:$0x3FC9]  }
0x91: {  	s18 =	sld [smem:$0x3FC6]  }
0x92: {  	s4 =	sld [smem:$0x3FC5]  }
0x93: {  	s5 =	sld [smem:$0x3FD0];
	(tm) =	ssettm $0x1  }
0x94: {  	s6 =	sld [smem:$0x3FFB];
	_ =	sdelay $0x3  }
0x95: {  	_ =	strace s6  }
0x96: {  	s6 =	sld [smem:$0x3FFC];
	_ =	sdelay $0x3  }
0x97: {  	_ =	strace s6  }
0x98: {  	s6 =	sld [smem:$0x3FFD];
	_ =	sdelay $0x3  }
0x99: {  	_ =	strace s6  }
0x9a: {  	_ =	strace $0x8FFFFFFF  }
0x9b: {  	s19 =	sld [smem:$0x3FDB];
	_ =	sdelay $0x1  }
0x9c: {  	s7 =	simm.s32 $_scs_section_size  }
0x9d: {  	s8 =	simm.s32 $_size__tile_overlayer_lowered;
	s9 =	simm.s32 $_tile_overlayer_lowered  }
0x9e: {  	s22 =	simm.s32 $0x1BFF;
	s21 =	sshll.u32 s9, $0x1;
	s6 =	sadd.s32 s7, s19  }
0x9f: {  	s10 =	simm.s32 $0x0;
	s20 =	sshll.u32 s8, $0x1;
	s8 =	sadd.s32 s21, s6  }
0xa0: {  	[timem:s10], [sflag:s22] =	dma.local [hbm:s8], s20  }
0xa1: {  	_ =	swait.ge [sflag:s22], s20  }
0xa2: {  	s7 =	ssub.s32 $0x0, s20;
	[sflag:s22] =	ssyncset.done $0x0  }
0xa3: {  	[sflag:s22] =	ssyncadd.s32 s7;
	_ =	sdelay $0x1  }
0xa4: {  	s23 =	simm.s32 $0x1B8B  }
0xa5: {  	_ =	swait.ge [sflag:s23], $0x1  }
0xa6: {  	[sflag:s23] =	ssyncset.done $0x0  }
0xa7: {  	s25 =	simm.s32 $0x1B8E;
	s24 =	sld [smem:$0x3FFE];
	[sflag:s23] =	ssyncadd.s32 $0xFFFFFFFF  }
0xa8: {  	s26 =	simm.s32 $execute0_lowered;
	[smem:$0x3FD2] =	sst s25  }
0xa9: {  	s8 =	sshll.u32 s26, $0x1;
	_ =	strace $0x80000046;
	[dreg:$0x1] =	wrdreg $0xFFFFFFFF  }
0xaa: {  	s28 =	simm.s32 $_size_execute0_lowered;
	s6 =	sadd.s32 s6, s8;
	[dreg:$0x0] =	wrdreg $0x0  }
0xab: {  	s8 =	sshll.u32 s28, $0x1;
	[dreg:$0x2] =	wrdreg s6  }
0xac: {  	[dreg:$0x3] =	wrdreg s8  }
0xad: {  	[dreg:$0x4] =	wrdreg $0xC0  }
0xae: {  	_ =	task [dreg:s10], $0x5FFFF  }
0xaf: {  	[dreg:$0x1] =	wrdreg $0xFFFFFFFF  }
0xb0: {  	[dreg:$0x0] =	wrdreg $0x60  }
0xb1: {  	[dreg:$0x2] =	wrdreg s2  }
0xb2: {  	[dreg:$0x3] =	wrdreg s24  }
0xb3: {  	[dreg:$0x4] =	wrdreg s18  }
0xb4: {  	[dreg:$0x5] =	wrdreg s4  }
0xb5: {  	[dreg:$0x6] =	wrdreg s5  }
0xb6: {  	[dreg:$0x7] =	wrdreg $0x14C800  }
0xb7: {  	[dreg:$0x8] =	wrdreg $0x9  }
0xb8: {  	_ =	task.clear_ibuf [dreg:s10], $0x9FFFF;
	_ =	strace $0x90000046  }
0xb9: {  	s29 =	simm.s32 $0x9;
	_ =	strace $0x80000048  }
0xba: {  	_ =	swait.ge [sflag:s29], $0x1  }
0xbb: {  	[sflag:s29] =	ssyncadd.s32 $0xFFFFFFFF  }
0xbc: {  	_ =	strace $0x90000048  }
0xbd: {  	_ =	sfence  }
0xbe: {  	s30 =	sld [smem:$0x0];
	_ =	sdelay $0x2  }
0xbf: {  	s31 =	sshll.u32 s1, $0xD;
	s1 =	sshrl.u32 s1, $0x2  }
0xc0: {  	s3 =	sand.u32 $0x4000, s31;
	s1 =	sadd.s32 s1, s30  }
0xc1: {  	s0 =	sor.u32 s3, s0;
	s1 =	sshll.u32 s1, $0x11  }
0xc2: {  	s0 =	sor.u32 s1, s0  }
0xc3: {  	s0 =	sadd.s32 $0x8F2B, s0  }
0xc4: {  	[sflag:s0] =	ssyncadd.remote.s32 $0x1  }
0xc5: {  	_ =	sfence.sel $0xFFFF  }
0xc6: {  	[dreg:$0x0] =	wrdreg $0xFFFFFFFF;
	(pc) =	sbr.abs _section_cstart, $3  }
0xc7: {  	[dreg:$0x1] =	wrdreg $0xFFFFFFFF  }
0xc8: {  	_ =	task.clear_ibuf [dreg:s10], $0x2FFFF;
	_ =	strace $0x9FFFFFFF  }
0xc9: {  	(tm) =	ssettm $0x7FFFFFFF  }
tec
execute0_lowered:
.L_overlay_start_1:
0x0: {  	(tag) =	ssettag $0x1  }
0x1: {  	s0 =	rddreg [dreg:$0x0]  }
0x2: {  	s1 =	rddreg [dreg:$0x1]  }
0x3: {  	s2 =	rddreg [dreg:$0x4]  }
0x4: {  	s4 =	rddreg [dreg:$0x5];
	s10 =	simm.s32 $0x0;
	s3 =	srdreg.scid  }
0x5: {  	s7 =	stileid.u32;
	[smem:$0x7FF] =	sst s10;
	s5 =	sadd.s32 $0x400, s1  }
0x6: {  	s3 =	sand.u32 $0x1, s3;
	s6 =	sshll.u32 s7, $0xE;
	s1 =	sadd.s32 $0x800, s1  }
0x7: {  	s26 =	sshll.u32 s7, $0x4;
	p2 =	seq.s32 s7, $0x2;
	p5 =	seq.s32 s7, $0x4  }
0x8: {  	p3 =	seq.s32 s7, $0x0;
	p0 =	sgt.s32 s7, $0x3;
	p1 =	sgt.s32 s7, $0x1  }
0x9: {  	p6 =	seq.s32 s7, $0x6;
	s22 =	sadd.s32 $0x380, s4;
	s23 =	sadd.s32 $0x300, s4  }
0xa: {  	_ =	strace $0x80000047;
	[dreg:$0x7] =	wrdreg s5;
	s24 =	ssub.s32 $0x2, s3  }
0xb: {  	s3 =	sshll.u32 s3, $0xD;
	[dreg:$0x8] =	wrdreg s1;
	s8 =	sand.u32 $0x70, s26  }
0xc: {  	s11 =	sor.u32 $0x80, s26;
	s13 =	sor.u32 $0x180, s26;
	s14 =	sor.u32 $0x280, s26  }
0xd: {  	s15 =	sor.u32 $0x380, s26;
	s16 =	sor.u32 $0x480, s26;
	s17 =	sor.u32 $0x580, s26  }
0xe: {  	s18 =	sor.u32 $0x680, s26;
	s19 =	sor.u32 $0x780, s26;
	[dreg:$0x11] =	wrdreg s22  }
0xf: {  	s5 =	sadd.s32 $0x280, s4;
	p4 =	seq.s32 @!p3 s7, $0x1;
	[dreg:$0x12] =	wrdreg s23  }
0x10: {  	s25 =	sshrl.u32 s24, $0x1;
	s3 =	sor.u32 s3, s6;
	s12 =	sor.u32 $0x100, s8  }
0x11: {  	p4 =	por p3, p4;
	s26 =	sor.u32 $0x200, s8;
	s28 =	sor.u32 $0x300, s8  }
0x12: {  	s29 =	sor.u32 $0x400, s8;
	s30 =	sor.u32 $0x500, s8;
	s9 =	sadd.s32 s0, s3  }
0x13: {  	s6 =	sor.u32 $0x1000, s3;
	s20 =	sadd.s32 s2, s3;
	[dreg:$0x9] =	wrdreg s9  }
0x14: {  	s31 =	sor.u32 $0x600, s8;
	s0 =	sadd.s32 s0, s6;
	[dreg:$0xd] =	wrdreg s20  }
0x15: {  	s1 =	ssub.s32 s24, s25;
	s6 =	sadd.s32 s2, s6;
	[dreg:$0xa] =	wrdreg s0  }
0x16: {  	s21 =	sor.u32 $0x1C00, s8;
	s1 =	smax.u32 s1, $0x1;
	[dreg:$0xe] =	wrdreg s6  }
0x17: {  	s9 =	sadd.s32 $0x180, s4;
	s24 =	sadd.s32 $0x800, s20;
	[dreg:$0x10] =	wrdreg s1  }
0x18: {  	s25 =	sadd.s32 $0x1800, s20;
	s2 =	simm.s32 $0x3;
	[dreg:$0x13] =	wrdreg s24  }
0x19: {  	s0 =	sadd.s32 $0x100, s4;
	s1 =	simm.s32 @!p4 $0x0;
	[dreg:$0x14] =	wrdreg s25  }
0x1a: {  	s6 =	simm.s32 $0xCC80;
	s9 =	smov.u32 @p2 s0;
	s0 =	sadd.s32 $0x200, s4  }
0x1b: {  	s1 =	simm.s32 @p4 $0x1;
	p4 =	seq.s32 @!p2 s7, $0x3;
	[dreg:$0xc] =	wrdreg s9  }
0x1c: {  	s5 =	smov.u32 @p5 s0;
	s0 =	sadd.s32 $0x80, s4;
	[smem:$0x7FC] =	sst s1  }
0x1d: {  	s0 =	smov.u32 @p3 s4;
	p3 =	por p2, p4;
	p2 =	seq.s32 @!p5 s7, $0x5  }
0x1e: {  	[dreg:$0xb] =	wrdreg s5;
	p5 =	por p5, p2;
	p2 =	seq.s32 s7, $0x7  }
0x1f: {  	s9 =	simm.s32 $0x0;
	[dreg:$0xf] =	wrdreg s0;
	s0 =	simm.s32 @!p2 $0x0  }
0x20: {  	p4 =	sgt.s32 s7, $0x5;
	s4 =	simm.s32 $0x4C80;
	s0 =	simm.s32 @p2 $0x1  }
0x21: {  	v63 =	vmov s21;
	s7 =	simm.s32 $0x4;
	[smem:$0x7FD] =	sst s0;
	s0 =	sor.u32 $0x700, s8  }
.LBB2_1:
0x22: {  	s1 =	rddreg [dreg:$0x9]  }
0x23: {  	[tilespmem:s4], [sflag:$0x1] =	stream.linear.gather [hbm4b:s1+s10], $0x8000, $0x38;
	[tilespmem:$0x14CC0] =	vst v63  }
0x24: {  	s5 =	rddreg [dreg:$0xa]  }
0x25: {  	[tilespmem:s6], [sflag:$0x2] =	stream.linear.gather [hbm4b:s5+s10], $0x8000, $0x38;
	[tilespmem:$0x14CC0] =	vst v63  }
0x26: {  	s6 =	rddreg [dreg:$0x7]  }
0x27: {  	[tilespmem:s10], [sflag:$0x3] =	stream.linear.gather [hbm4b:s6+s10], $0x1900, $0x38;
	[tilespmem:$0x14CC0] =	vst v63  }
0x28: {  	s20 =	rddreg [dreg:$0x8];
	s3 =	simm.s32 $0x1C00  }
0x29: {  	[tilespmem:s3], [sflag:$0x3] =	stream.linear.gather [hbm4b:s20+s10], $0x1900, $0x38;
	[tilespmem:$0x14CC0] =	vst v63  }
0x2a: {  	s21 =	rddreg [dreg:$0x2];
	s22 =	simm.s32 $0x3800  }
0x2b: {  	[tilespmem:s22], [sflag:$0x3] =	stream.linear.gather [hbm4b:s21+s10], $0x800, $0x38;
	[tilespmem:$0x14CC0] =	vst v63  }
0x2c: {  	s23 =	rddreg [dreg:$0x3];
	s24 =	simm.s32 $0x4000  }
0x2d: {  	[tilespmem:s24], [sflag:$0x3] =	stream.linear.gather [hbm4b:s23+s10], $0x800, $0x38;
	[tilespmem:$0x14CC0] =	vst v63  }
0x2e: {  	_ =	swait.ge [sflag:s2], $0x1900  }
0x2f: {  	[sflag:s2] =	ssyncset.done $0x0  }
0x30: {  	[sflag:s2] =	ssyncadd.s32 $0xFFFFE700  }
0x31: {  	_ =	swait.ge [sflag:s2], $0x1900  }
0x32: {  	[sflag:s2] =	ssyncset.done $0x0  }
0x33: {  	[sflag:s2] =	ssyncadd.s32 $0xFFFFE700  }
0x34: {  	_ =	swait.ge [sflag:s2], $0x800  }
0x35: {  	[sflag:s2] =	ssyncset.done $0x0  }
0x36: {  	[sflag:s2] =	ssyncadd.s32 $0xFFFFF800  }
0x37: {  	_ =	swait.ge [sflag:s2], $0x800  }
0x38: {  	[sflag:s2] =	ssyncset.done $0x0  }
0x39: {  	[sflag:s2] =	ssyncadd.s32 $0xFFFFF800  }
0x3a: {  	v1 =	vld [tilespmem:s8+$0x3800]  }
0x3b: {  	v2 =	vld [tilespmem:s8+$0x4000];
	_ =	sdelay $0x3  }
0x3c: {  	v3 =	vshrl.u32 v1, $0x10  }
0x3d: {  	v4 =	vshrl.u32 v2, $0x10;
	v3 =	vand.u32 $0x1, v3  }
0x3e: {  	v1 =	vadd.s32 v3, v1;
	v3 =	vand.u32 $0x1, v4  }
0x3f: {  	v1 =	vadd.s32 $0x7FFF, v1;
	v2 =	vadd.s32 v3, v2  }
0x40: {  	v1 =	vand.u32 $0xFFFF0000, v1;
	v2 =	vadd.s32 $0x7FFF, v2  }
0x41: {  	[tilespmem:s8+$0x3800] =	vst v1;
	v60 =	vand.u32 $0xFFFF0000, v2  }
0x42: {  	[tilespmem:s8+$0x4000] =	vst v60  }
0x43: {  	v1 =	vld [tilespmem:s11+$0x3800]  }
0x44: {  	v61 =	vld [tilespmem:s11+$0x4000];
	_ =	sdelay $0x3  }
0x45: {  	v3 =	vshrl.u32 v1, $0x10  }
0x46: {  	v4 =	vshrl.u32 v61, $0x10;
	v3 =	vand.u32 $0x1, v3  }
0x47: {  	v1 =	vadd.s32 v3, v1;
	v3 =	vand.u32 $0x1, v4  }
0x48: {  	v1 =	vadd.s32 $0x7FFF, v1;
	v2 =	vadd.s32 v3, v61  }
0x49: {  	v1 =	vand.u32 $0xFFFF0000, v1;
	v2 =	vadd.s32 $0x7FFF, v2  }
0x4a: {  	[tilespmem:s11+$0x3800] =	vst v1;
	v62 =	vand.u32 $0xFFFF0000, v2  }
0x4b: {  	[tilespmem:s11+$0x4000] =	vst v62  }
0x4c: {  	v1 =	vld [tilespmem:s12+$0x3800]  }
0x4d: {  	v32 =	vld [tilespmem:s12+$0x4000];
	_ =	sdelay $0x3  }
0x4e: {  	v3 =	vshrl.u32 v1, $0x10  }
0x4f: {  	v4 =	vshrl.u32 v32, $0x10;
	v3 =	vand.u32 $0x1, v3  }
0x50: {  	v1 =	vadd.s32 v3, v1;
	v3 =	vand.u32 $0x1, v4  }
0x51: {  	v1 =	vadd.s32 $0x7FFF, v1;
	v2 =	vadd.s32 v3, v32  }
0x52: {  	v1 =	vand.u32 $0xFFFF0000, v1;
	v2 =	vadd.s32 $0x7FFF, v2  }
0x53: {  	[tilespmem:s12+$0x3800] =	vst v1;
	v33 =	vand.u32 $0xFFFF0000, v2  }
0x54: {  	[tilespmem:s12+$0x4000] =	vst v33  }
0x55: {  	v1 =	vld [tilespmem:s13+$0x3800]  }
0x56: {  	v34 =	vld [tilespmem:s13+$0x4000];
	_ =	sdelay $0x3  }
0x57: {  	v3 =	vshrl.u32 v1, $0x10  }
0x58: {  	v4 =	vshrl.u32 v34, $0x10;
	v3 =	vand.u32 $0x1, v3  }
0x59: {  	v1 =	vadd.s32 v3, v1;
	v3 =	vand.u32 $0x1, v4  }
0x5a: {  	v1 =	vadd.s32 $0x7FFF, v1;
	v2 =	vadd.s32 v3, v34  }
0x5b: {  	v1 =	vand.u32 $0xFFFF0000, v1;
	v2 =	vadd.s32 $0x7FFF, v2  }
0x5c: {  	[tilespmem:s13+$0x3800] =	vst v1;
	v35 =	vand.u32 $0xFFFF0000, v2  }
0x5d: {  	[tilespmem:s13+$0x4000] =	vst v35  }
0x5e: {  	v1 =	vld [tilespmem:s26+$0x3800]  }
0x5f: {  	v36 =	vld [tilespmem:s26+$0x4000];
	_ =	sdelay $0x3  }
0x60: {  	v3 =	vshrl.u32 v1, $0x10  }
0x61: {  	v4 =	vshrl.u32 v36, $0x10;
	v3 =	vand.u32 $0x1, v3  }
0x62: {  	v1 =	vadd.s32 v3, v1;
	v3 =	vand.u32 $0x1, v4  }
0x63: {  	v1 =	vadd.s32 $0x7FFF, v1;
	v2 =	vadd.s32 v3, v36  }
0x64: {  	v1 =	vand.u32 $0xFFFF0000, v1;
	v2 =	vadd.s32 $0x7FFF, v2  }
0x65: {  	[tilespmem:s26+$0x3800] =	vst v1;
	v37 =	vand.u32 $0xFFFF0000, v2  }
0x66: {  	[tilespmem:s26+$0x4000] =	vst v37  }
0x67: {  	v1 =	vld [tilespmem:s14+$0x3800]  }
0x68: {  	v38 =	vld [tilespmem:s14+$0x4000];
	_ =	sdelay $0x3  }
0x69: {  	v3 =	vshrl.u32 v1, $0x10  }
0x6a: {  	v4 =	vshrl.u32 v38, $0x10;
	v3 =	vand.u32 $0x1, v3  }
0x6b: {  	v1 =	vadd.s32 v3, v1;
	v3 =	vand.u32 $0x1, v4  }
0x6c: {  	v1 =	vadd.s32 $0x7FFF, v1;
	v2 =	vadd.s32 v3, v38  }
0x6d: {  	v1 =	vand.u32 $0xFFFF0000, v1;
	v2 =	vadd.s32 $0x7FFF, v2  }
0x6e: {  	[tilespmem:s14+$0x3800] =	vst v1;
	v39 =	vand.u32 $0xFFFF0000, v2  }
0x6f: {  	[tilespmem:s14+$0x4000] =	vst v39  }
0x70: {  	v1 =	vld [tilespmem:s28+$0x3800]  }
0x71: {  	v40 =	vld [tilespmem:s28+$0x4000];
	_ =	sdelay $0x3  }
0x72: {  	v3 =	vshrl.u32 v1, $0x10  }
0x73: {  	v4 =	vshrl.u32 v40, $0x10;
	v3 =	vand.u32 $0x1, v3  }
0x74: {  	v1 =	vadd.s32 v3, v1;
	v3 =	vand.u32 $0x1, v4  }
0x75: {  	v1 =	vadd.s32 $0x7FFF, v1;
	v2 =	vadd.s32 v3, v40  }
0x76: {  	v1 =	vand.u32 $0xFFFF0000, v1;
	v2 =	vadd.s32 $0x7FFF, v2  }
0x77: {  	[tilespmem:s28+$0x3800] =	vst v1;
	v41 =	vand.u32 $0xFFFF0000, v2  }
0x78: {  	[tilespmem:s28+$0x4000] =	vst v41  }
0x79: {  	v1 =	vld [tilespmem:s15+$0x3800]  }
0x7a: {  	v42 =	vld [tilespmem:s15+$0x4000];
	_ =	sdelay $0x3  }
0x7b: {  	v3 =	vshrl.u32 v1, $0x10  }
0x7c: {  	v4 =	vshrl.u32 v42, $0x10;
	v3 =	vand.u32 $0x1, v3  }
0x7d: {  	v1 =	vadd.s32 v3, v1;
	v3 =	vand.u32 $0x1, v4  }
0x7e: {  	v1 =	vadd.s32 $0x7FFF, v1;
	v2 =	vadd.s32 v3, v42  }
0x7f: {  	v1 =	vand.u32 $0xFFFF0000, v1;
	v2 =	vadd.s32 $0x7FFF, v2  }
0x80: {  	[tilespmem:s15+$0x3800] =	vst v1;
	v43 =	vand.u32 $0xFFFF0000, v2  }
0x81: {  	[tilespmem:s15+$0x4000] =	vst v43  }
0x82: {  	v1 =	vld [tilespmem:s29+$0x3800]  }
0x83: {  	v44 =	vld [tilespmem:s29+$0x4000];
	_ =	sdelay $0x3  }
0x84: {  	v3 =	vshrl.u32 v1, $0x10  }
0x85: {  	v4 =	vshrl.u32 v44, $0x10;
	v3 =	vand.u32 $0x1, v3  }
0x86: {  	v1 =	vadd.s32 v3, v1;
	v3 =	vand.u32 $0x1, v4  }
0x87: {  	v1 =	vadd.s32 $0x7FFF, v1;
	v2 =	vadd.s32 v3, v44  }
0x88: {  	v1 =	vand.u32 $0xFFFF0000, v1;
	v2 =	vadd.s32 $0x7FFF, v2  }
0x89: {  	[tilespmem:s29+$0x3800] =	vst v1;
	v45 =	vand.u32 $0xFFFF0000, v2  }
0x8a: {  	[tilespmem:s29+$0x4000] =	vst v45  }
0x8b: {  	v1 =	vld [tilespmem:s16+$0x3800]  }
0x8c: {  	v46 =	vld [tilespmem:s16+$0x4000];
	_ =	sdelay $0x3  }
0x8d: {  	v3 =	vshrl.u32 v1, $0x10  }
0x8e: {  	v4 =	vshrl.u32 v46, $0x10;
	v3 =	vand.u32 $0x1, v3  }
0x8f: {  	v1 =	vadd.s32 v3, v1;
	v3 =	vand.u32 $0x1, v4  }
0x90: {  	v1 =	vadd.s32 $0x7FFF, v1;
	v2 =	vadd.s32 v3, v46  }
0x91: {  	v1 =	vand.u32 $0xFFFF0000, v1;
	v2 =	vadd.s32 $0x7FFF, v2  }
0x92: {  	[tilespmem:s16+$0x3800] =	vst v1;
	v47 =	vand.u32 $0xFFFF0000, v2  }
0x93: {  	[tilespmem:s16+$0x4000] =	vst v47  }
0x94: {  	v1 =	vld [tilespmem:s30+$0x3800]  }
0x95: {  	v48 =	vld [tilespmem:s30+$0x4000];
	_ =	sdelay $0x3  }
0x96: {  	v3 =	vshrl.u32 v1, $0x10  }
0x97: {  	v4 =	vshrl.u32 v48, $0x10;
	v3 =	vand.u32 $0x1, v3  }
0x98: {  	v1 =	vadd.s32 v3, v1;
	v3 =	vand.u32 $0x1, v4  }
0x99: {  	v1 =	vadd.s32 $0x7FFF, v1;
	v2 =	vadd.s32 v3, v48  }
0x9a: {  	v1 =	vand.u32 $0xFFFF0000, v1;
	v2 =	vadd.s32 $0x7FFF, v2  }
0x9b: {  	[tilespmem:s30+$0x3800] =	vst v1;
	v49 =	vand.u32 $0xFFFF0000, v2  }
0x9c: {  	[tilespmem:s30+$0x4000] =	vst v49  }
0x9d: {  	v1 =	vld [tilespmem:s17+$0x3800]  }
0x9e: {  	v50 =	vld [tilespmem:s17+$0x4000];
	_ =	sdelay $0x3  }
0x9f: {  	v3 =	vshrl.u32 v1, $0x10  }
0xa0: {  	v4 =	vshrl.u32 v50, $0x10;
	v3 =	vand.u32 $0x1, v3  }
0xa1: {  	v1 =	vadd.s32 v3, v1;
	v3 =	vand.u32 $0x1, v4  }
0xa2: {  	v1 =	vadd.s32 $0x7FFF, v1;
	v2 =	vadd.s32 v3, v50  }
0xa3: {  	v1 =	vand.u32 $0xFFFF0000, v1;
	v2 =	vadd.s32 $0x7FFF, v2  }
0xa4: {  	[tilespmem:s17+$0x3800] =	vst v1;
	v51 =	vand.u32 $0xFFFF0000, v2  }
0xa5: {  	[tilespmem:s17+$0x4000] =	vst v51  }
0xa6: {  	v1 =	vld [tilespmem:s31+$0x3800]  }
0xa7: {  	v52 =	vld [tilespmem:s31+$0x4000];
	_ =	sdelay $0x3  }
0xa8: {  	v3 =	vshrl.u32 v1, $0x10  }
0xa9: {  	v4 =	vshrl.u32 v52, $0x10;
	v3 =	vand.u32 $0x1, v3  }
0xaa: {  	v1 =	vadd.s32 v3, v1;
	v3 =	vand.u32 $0x1, v4  }
0xab: {  	v1 =	vadd.s32 $0x7FFF, v1;
	v2 =	vadd.s32 v3, v52  }
0xac: {  	v1 =	vand.u32 $0xFFFF0000, v1;
	v2 =	vadd.s32 $0x7FFF, v2  }
0xad: {  	[tilespmem:s31+$0x3800] =	vst v1;
	v53 =	vand.u32 $0xFFFF0000, v2  }
0xae: {  	[tilespmem:s31+$0x4000] =	vst v53  }
0xaf: {  	v1 =	vld [tilespmem:s18+$0x3800]  }
0xb0: {  	v54 =	vld [tilespmem:s18+$0x4000];
	_ =	sdelay $0x3  }
0xb1: {  	v3 =	vshrl.u32 v1, $0x10  }
0xb2: {  	v4 =	vshrl.u32 v54, $0x10;
	v3 =	vand.u32 $0x1, v3  }
0xb3: {  	v1 =	vadd.s32 v3, v1;
	v3 =	vand.u32 $0x1, v4  }
0xb4: {  	v1 =	vadd.s32 $0x7FFF, v1;
	v2 =	vadd.s32 v3, v54  }
0xb5: {  	v1 =	vand.u32 $0xFFFF0000, v1;
	v2 =	vadd.s32 $0x7FFF, v2  }
0xb6: {  	[tilespmem:s18+$0x3800] =	vst v1;
	v55 =	vand.u32 $0xFFFF0000, v2  }
0xb7: {  	[tilespmem:s18+$0x4000] =	vst v55  }
0xb8: {  	v1 =	vld [tilespmem:s0+$0x3800]  }
0xb9: {  	v56 =	vld [tilespmem:s0+$0x4000];
	_ =	sdelay $0x3  }
0xba: {  	v3 =	vshrl.u32 v1, $0x10  }
0xbb: {  	v4 =	vshrl.u32 v56, $0x10;
	v3 =	vand.u32 $0x1, v3  }
0xbc: {  	v1 =	vadd.s32 v3, v1;
	v3 =	vand.u32 $0x1, v4  }
0xbd: {  	v1 =	vadd.s32 $0x7FFF, v1;
	v2 =	vadd.s32 v3, v56  }
0xbe: {  	v1 =	vand.u32 $0xFFFF0000, v1;
	v2 =	vadd.s32 $0x7FFF, v2  }
0xbf: {  	[tilespmem:s0+$0x3800] =	vst v1;
	v57 =	vand.u32 $0xFFFF0000, v2  }
0xc0: {  	[tilespmem:s0+$0x4000] =	vst v57  }
0xc1: {  	v1 =	vld [tilespmem:s19+$0x3800]  }
0xc2: {  	v58 =	vld [tilespmem:s19+$0x4000];
	_ =	sdelay $0x3  }
0xc3: {  	v3 =	vshrl.u32 v1, $0x10  }
0xc4: {  	v4 =	vshrl.u32 v58, $0x10;
	v3 =	vand.u32 $0x1, v3  }
0xc5: {  	v1 =	vadd.s32 v3, v1;
	v3 =	vand.u32 $0x1, v4  }
0xc6: {  	v1 =	vadd.s32 $0x7FFF, v1;
	v2 =	vadd.s32 v3, v58  }
0xc7: {  	v1 =	vand.u32 $0xFFFF0000, v1;
	v2 =	vadd.s32 $0x7FFF, v2  }
0xc8: {  	[tilespmem:s19+$0x3800] =	vst v1;
	v0 =	vand.u32 $0xFFFF0000, v2  }
0xc9: {  	s24 =	simm.s32 $0x0;
	[tilespmem:s19+$0x4000] =	vst v0  }
0xca: {  	v59 =	vld [tilespmem:s24+$0x0];
	_ =	sdelay $0x4  }
0xcb: {  	v2 =	vmul.f32 $1.442695020e+00, v59;
	_ =	sdelay $0x1  }
0xcc: {  	(erf) = vpow2.f32 v2;
	_ =	sdelay $0x8  }
0xcd: {  	v3 =	vpop (erf)  }
0xce: {  	(v2sf) =	vpush v3, $0xF  }
0xcf: {  	(v2sf) =	vpush v3, $0xA  }
0xd0: {  	(v2sf) =	vpush v3, $0x1  }
0xd1: {  	(v2sf) =	vpush v3, $0x0;
	_ =	sdelay $0x1  }
0xd2: {  	(v2sf) =	vpush v3, $0x2;
	_ =	sdelay $0x1  }
0xd3: {  	(v2sf) =	vpush v3, $0x3  }
0xd4: {  	(v2sf) =	vpush v3, $0xE  }
0xd5: {  	(v2sf) =	vpush v3, $0x4;
	_ =	sdelay $0x1  }
0xd6: {  	(v2sf) =	vpush v3, $0x5;
	_ =	sdelay $0x1  }
0xd7: {  	(v2sf) =	vpush v3, $0x6;
	_ =	sdelay $0x1  }
0xd8: {  	(v2sf) =	vpush v3, $0x7;
	s3 =	spop (v2sf)  }
0xd9: {  	(v2sf) =	vpush v3, $0x9;
	s5 =	spop (v2sf)  }
0xda: {  	(v2sf) =	vpush v3, $0x8;
	s20 =	spop (v2sf)  }
0xdb: {  	s21 =	spop (v2sf)  }
0xdc: {  	s20 =	sadd.f32 s20, s21  }
0xdd: {  	s25 =	spop (v2sf)  }
0xde: {  	s20 =	sadd.f32 s20, s25  }
0xdf: {  	(v2sf) =	vpush v3, $0xC;
	s1 =	spop (v2sf)  }
0xe0: {  	(v2sf) =	vpush v3, $0xB;
	s22 =	spop (v2sf);
	s20 =	sadd.f32 s20, s1  }
0xe1: {  	s10 =	simm.s32 $0x80;
	s4 =	spop (v2sf)  }
0xe2: {  	v60 =	vld [tilespmem:s10+$0x0];
	s20 =	sadd.f32 s20, s4  }
0xe3: {  	s6 =	spop (v2sf)  }
0xe4: {  	(v2sf) =	vpush v3, $0xD;
	s20 =	sadd.f32 s20, s6  }
0xe5: {  	s23 =	spop (v2sf)  }
0xe6: {  	s20 =	sadd.f32 s20, s23  }
0xe7: {  	v2 =	vmul.f32 $1.442695020e+00, v60;
	s25 =	spop (v2sf)  }
0xe8: {  	s23 =	spop (v2sf);
	s20 =	sadd.f32 s20, s25  }
0xe9: {  	(erf) = vpow2.f32 v2;
	s1 =	spop (v2sf)  }
0xea: {  	s20 =	sadd.f32 s20, s1;
	_ =	sdelay $0x1  }
0xeb: {  	s20 =	sadd.f32 s20, s23;
	_ =	sdelay $0x1  }
0xec: {  	s4 =	spop (v2sf);
	s5 =	sadd.f32 s20, s5  }
0xed: {  	s6 =	spop (v2sf)  }
0xee: {  	s5 =	sadd.f32 s5, s6;
	_ =	sdelay $0x1  }
0xef: {  	v34 =	vpop (erf);
	s5 =	sadd.f32 s5, s4  }
0xf0: {  	(v2sf) =	vpush v34, $0xF;
	s23 =	spop (v2sf)  }
0xf1: {  	(v2sf) =	vpush v34, $0xA;
	s5 =	sadd.f32 s5, s23  }
0xf2: {  	(v2sf) =	vpush v34, $0x1  }
0xf3: {  	(v2sf) =	vpush v34, $0x0;
	s5 =	sadd.f32 s5, s22;
	_ =	sdelay $0x1  }
0xf4: {  	(v2sf) =	vpush v34, $0x2;
	s3 =	sadd.f32 s5, s3;
	_ =	sdelay $0x1  }
0xf5: {  	(v2sf) =	vpush v34, $0x3;
	v61 =	vmov s3  }
0xf6: {  	(v2sf) =	vpush v34, $0xE;
	(erf) = vrcp.f32 v61  }
0xf7: {  	(v2sf) =	vpush v34, $0x4;
	_ =	sdelay $0x1  }
0xf8: {  	(v2sf) =	vpush v34, $0x5;
	_ =	sdelay $0x1  }
0xf9: {  	s21 =	simm.s32 $0x100;
	(v2sf) =	vpush v34, $0x6  }
0xfa: {  	v4 =	vld [tilespmem:s21+$0x0]  }
0xfb: {  	(v2sf) =	vpush v34, $0x7;
	s5 =	spop (v2sf)  }
0xfc: {  	(v2sf) =	vpush v34, $0x9;
	s22 =	spop (v2sf)  }
0xfd: {  	(v2sf) =	vpush v34, $0x8;
	s25 =	spop (v2sf);
	v5 =	vpop (erf)  }
0xfe: {  	s1 =	spop (v2sf);
	v6 =	vmul.f32 v5, v3  }
0xff: {  	v4 =	vmul.f32 $1.442695020e+00, v4;
	s3 =	sadd.f32 s25, s1  }
0x100: {  	v10 =	vld [tilespmem:s13+$0x4000];
	s4 =	spop (v2sf);
	v5 =	vshrl.u32 v6, $0x10  }
0x101: {  	v11 =	vld [tilespmem:s26+$0x4000];
	s3 =	sadd.f32 s3, s4;
	(erf) = vpow2.f32 v4;
	v4 =	vand.u32 $0x1, v5  }
0x102: {  	v16 =	vld [tilespmem:s30+$0x4000];
	(v2sf) =	vpush v34, $0xC;
	s6 =	spop (v2sf);
	v4 =	vadd.s32 v4, v6  }
0x103: {  	v26 =	vld [tilespmem:s31+$0x4000];
	(v2sf) =	vpush v34, $0xB;
	s20 =	spop (v2sf);
	s3 =	sadd.f32 s3, s6;
	v4 =	vadd.s32 $0x7FFF, v4  }
0x104: {  	v30 =	vld [tilespmem:s17+$0x4000];
	s25 =	spop (v2sf);
	v25 =	vand.u32 $0xFFFF0000, v4  }
0x105: {  	v22 =	vld [tilespmem:s18+$0x4000];
	s3 =	sadd.f32 s3, s25;
	v41 =	vbroadcast v25, $0x0  }
0x106: {  	v23 =	vld [tilespmem:s29+$0x4000];
	s1 =	spop (v2sf);
	v40 =	vbroadcast v25, $0xF;
	v38 =	vbroadcast v25, $0x2  }
0x107: {  	v8 =	vld [tilespmem:s13+$0x3800];
	(v2sf) =	vpush v34, $0xD;
	s3 =	sadd.f32 s3, s1;
	v4 =	vbroadcast v25, $0x3;
	v17 =	vbroadcast v25, $0x4  }
0x108: {  	v9 =	vld [tilespmem:s26+$0x3800];
	s4 =	spop (v2sf);
	v7 =	vbroadcast v25, $0xA;
	v39 =	vbroadcast v25, $0xE  }
0x109: {  	v3 =	vld [tilespmem:s15+$0x3800];
	s3 =	sadd.f32 s3, s4;
	v57 =	vbroadcast v25, $0x7;
	v28 =	vbroadcast v25, $0x8  }
0x10a: {  	s6 =	spop (v2sf);
	v5 =	vld [tilespmem:s29+$0x3800];
	v55 =	vbroadcast v25, $0xD;
	v33 =	vbroadcast v25, $0x9  }
0x10b: {  	v12 =	vld [tilespmem:s17+$0x3800];
	s25 =	spop (v2sf);
	s3 =	sadd.f32 s3, s6;
	v59 =	vbroadcast v25, $0x1;
	v54 =	vbroadcast v25, $0x5;
	v36 =	vpop (erf)  }
0x10c: {  	v62 =	vld [tilespmem:s18+$0x3800];
	s1 =	spop (v2sf);
	v37 =	vmul.f32 v0, v40;
	v14 =	vmul.f32 v4, v8;
	(v2sf) =	vpush v36, $0xF  }
0x10d: {  	v46 =	vld [tilespmem:s16+$0x3800];
	s3 =	sadd.f32 s3, s1;
	v45 =	vmul.f32 v17, v9;
	v43 =	vmul.f32 v17, v11;
	(v2sf) =	vpush v36, $0xA  }
0x10e: {  	v24 =	vld [tilespmem:s31+$0x3800];
	v42 =	vmul.f32 v4, v10;
	v49 =	vmul.f32 v57, v3;
	(v2sf) =	vpush v36, $0x1  }
0x10f: {  	[tilespmem:$0x1FFF0] =	vst v10;
	v6 =	vld [tilespmem:s30+$0x3800];
	s3 =	sadd.f32 s3, s25;
	v10 =	vmovc v3;
	v51 =	vmul.f32 v28, v5;
	v3 =	vbroadcast v25, $0xB;
	(v2sf) =	vpush v36, $0x0  }
0x110: {  	v47 =	vld [tilespmem:s14+$0x4000];
	v13 =	vmov v5;
	v5 =	vbroadcast v25, $0xC;
	v32 =	vmul.f32 v7, v16  }
0x111: {  	[tilespmem:$0x1FFB0] =	vst v0;
	v31 =	vld [tilespmem:s15+$0x4000];
	s4 =	spop (v2sf);
	s3 =	sadd.f32 s3, s22;
	v50 =	vmul.f32 v55, v22;
	v55 =	vmul.f32 v55, v62  }
0x112: {  	[tilespmem:$0x1FFC0] =	vst v8;
	s6 =	spop (v2sf);
	v8 =	vld [tilespmem:s16+$0x4000];
	v0 =	vmul.f32 v28, v23;
	v60 =	vmul.f32 v33, v46  }
0x113: {  	v35 =	vimm.f32 $0.0e+00;
	v1 =	vld [tilespmem:s8+$0x3800];
	s3 =	sadd.f32 s3, s6;
	v44 =	vmul.f32 v3, v12;
	v15 =	vmul.f32 v5, v24  }
0x114: {  	[tilespmem:$0x1FFD0] =	vst v9;
	v4 =	vimm.f32 $1.000000000e+00;
	v9 =	vld [tilespmem:s12+$0x3800];
	v48 =	vmul.f32 v5, v26;
	v5 =	vmul.f32 v7, v6  }
0x115: {  	v19 =	vmovc v16;
	v27 =	vmovc v26;
	v52 =	vmul.f32 v3, v30;
	v3 =	vld [tilespmem:s28+$0x3800];
	v51 =	vadd.f32 v60, v51;
	s3 =	sadd.f32 s3, s4;
	(v2sf) =	vpush v36, $0x2  }
0x116: {  	v2 =	vld [tilespmem:s11+$0x3800];
	s25 =	spop (v2sf);
	v57 =	vmul.f32 v57, v31;
	v26 =	vmovc v46;
	v46 =	vadd.f32 v44, v5;
	v44 =	vadd.f32 v50, v48  }
0x117: {  	v29 =	vmovc v30;
	v52 =	vadd.f32 v52, v32;
	(v2sf) =	vpush v36, $0x3;
	v17 =	vmovc v8;
	v53 =	vmul.f32 v33, v8;
	v8 =	vld [tilespmem:s14+$0x3800];
	s3 =	sadd.f32 s3, s25  }
0x118: {  	[tilespmem:$0x1FFE0] =	vst v11;
	v18 =	vmovc v12;
	v12 =	vmovc v6;
	v6 =	vld [tilespmem:s11+$0x4000];
	v50 =	vbroadcast v25, $0x6;
	v48 =	vadd.f32 v55, v15;
	(v2sf) =	vpush v36, $0xE  }
0x119: {  	v20 =	vld [tilespmem:s28+$0x4000];
	v21 =	vmovc v24;
	v16 =	vmovc v62;
	v55 =	vmul.f32 v41, v1;
	v61 =	vmul.f32 v38, v9;
	(v2sf) =	vpush v36, $0x4;
	s3 =	sadd.f32 s3, s20  }
0x11a: {  	v11 =	vmovc v31;
	v7 =	vmovc v22;
	v22 =	vld [tilespmem:s0+$0x3800];
	v56 =	vadd.f32 v53, v0;
	v62 =	vmul.f32 v50, v3;
	(v2sf) =	vpush v36, $0x5  }
0x11b: {  	v24 =	vmovc v23;
	v30 =	vld [tilespmem:s19+$0x3800];
	v15 =	vmovc v47;
	v53 =	vmul.f32 v54, v47;
	v47 =	vadd.f32 v14, v61;
	(v2sf) =	vpush v36, $0x6;
	s3 =	sadd.f32 s3, s5;
	s23 =	spop (v2sf)  }
0x11c: {  	v32 =	vld [tilespmem:s12+$0x4000];
	v23 =	vmovc v9;
	v9 =	vmovc v2;
	v49 =	vadd.f32 v49, v62;
	(v2sf) =	vpush v36, $0x7;
	v58 =	vmul.f32 v54, v8;
	s5 =	spop (v2sf)  }
0x11d: {  	v33 =	vld [tilespmem:s8+$0x4000];
	v25 =	vmovc v3;
	v31 =	vmovc v6;
	v54 =	vmul.f32 v59, v2;
	(v2sf) =	vpush v36, $0x9;
	v5 =	vmov s3;
	s20 =	spop (v2sf)  }
0x11e: {  	s25 =	simm.s32 $0x600;
	v14 =	vld [tilespmem:s0+$0x4000];
	v28 =	vmovc v8;
	v8 =	vmovc v1;
	v59 =	vmul.f32 v59, v6;
	(erf) = vrcp.f32 v5;
	(v2sf) =	vpush v36, $0x8;
	s3 =	spop (v2sf)  }
.LBB2_2:
0x11f: {  	_ =	sdelay $0x5  }
0x120: {  	v41 =	vmul.f32 v41, v33;
	v40 =	vmul.f32 v40, v30  }
0x121: {  	s22 =	sshra.s32 s25, $0x2;
	v52 =	vadd.f32 v52, v56;
	v50 =	vmul.f32 v50, v20;
	v38 =	vmul.f32 v38, v32  }
0x122: {  	v45 =	vadd.f32 v58, v45;
	v0 =	vld [tilespmem:s22+$0x0];
	v2 =	vmul.f32 v39, v22;
	s1 =	spop (v2sf);
	(v2sf) =	vpush v36, $0xC;
	v1 =	vpop (erf)  }
0x123: {  	s3 =	sadd.f32 s20, s3;
	v43 =	vadd.f32 v53, v43;
	s6 =	spop (v2sf);
	(v2sf) =	vpush v36, $0xB;
	v60 =	vmul.f32 v1, v34  }
0x124: {  	v54 =	vadd.f32 v54, v55;
	v62 =	vmul.f32 v39, v14;
	(v2sf) =	vpush v36, $0xD  }
0x125: {  	v46 =	vadd.f32 v46, v51;
	v61 =	vadd.f32 v40, v2;
	s3 =	sadd.f32 s3, s1;
	v1 =	vshrl.u32 v60, $0x10  }
0x126: {  	v41 =	vadd.f32 v59, v41;
	v50 =	vadd.f32 v57, v50;
	v2 =	vand.u32 $0x1, v1  }
0x127: {  	v0 =	vmul.f32 $1.442695020e+00, v0;
	s20 =	spop (v2sf);
	s3 =	sadd.f32 s3, s6;
	v34 =	vmovc v36;
	v36 =	vadd.f32 v61, v48;
	v48 =	vadd.s32 v2, v60  }
0x128: {  	v38 =	vadd.f32 v42, v38;
	v39 =	vadd.f32 v37, v62;
	s1 =	spop (v2sf);
	v51 =	vadd.s32 $0x7FFF, v48  }
0x129: {  	v59 =	vld [tilespmem:$0x1FFC0];
	v45 =	vadd.f32 v49, v45;
	(erf) = vpow2.f32 v0;
	s1 =	sadd.f32 s3, s1;
	v48 =	vand.u32 $0xFFFF0000, v51  }
0x12a: {  	v54 =	vadd.f32 v47, v54;
	v62 =	vld [tilespmem:$0x1FFF0];
	v53 =	vadd.f32 v38, v41;
	s4 =	spop (v2sf);
	v41 =	vbroadcast v48, $0x0  }
0x12b: {  	v44 =	vadd.f32 v39, v44;
	v0 =	vld [tilespmem:$0x1FFB0];
	s1 =	sadd.f32 s1, s4;
	v40 =	vbroadcast v48, $0xF;
	v38 =	vbroadcast v48, $0x2  }
0x12c: {  	v43 =	vadd.f32 v50, v43;
	s3 =	spop (v2sf);
	v60 =	vld [tilespmem:$0x1FFD0];
	v47 =	vbroadcast v48, $0x3;
	v55 =	vbroadcast v48, $0x4  }
0x12d: {  	v44 =	vadd.f32 v44, v52;
	v61 =	vld [tilespmem:$0x1FFE0];
	s1 =	sadd.f32 s1, s3;
	v50 =	vbroadcast v48, $0xA;
	v39 =	vbroadcast v48, $0xE  }
0x12e: {  	v36 =	vadd.f32 v36, v46;
	s6 =	spop (v2sf);
	v57 =	vbroadcast v48, $0x7;
	v52 =	vbroadcast v48, $0x8  }
0x12f: {  	v49 =	vadd.f32 v43, v53;
	s4 =	spop (v2sf);
	v53 =	vbroadcast v48, $0xD;
	v2 =	vbroadcast v48, $0xC;
	s1 =	sadd.f32 s1, s6  }
0x130: {  	v58 =	vadd.f32 v45, v54;
	s3 =	spop (v2sf);
	v56 =	vbroadcast v48, $0x9;
	v37 =	vmul.f32 v0, v40  }
0x131: {  	v44 =	vadd.f32 v44, v49;
	v51 =	vmul.f32 v47, v59;
	v45 =	vmul.f32 v55, v60;
	s1 =	sadd.f32 s1, s3;
	s3 =	spop (v2sf)  }
0x132: {  	v46 =	vld.idx.msk [tilespmem:v63+s24+$0x0 ss:$0x1], $0xffff;
	s24 =	smov.u32 s10;
	v60 =	vadd.f32 v36, v58;
	v43 =	vmul.f32 v55, v61;
	v36 =	vpop (erf);
	v42 =	vmul.f32 v47, v62;
	s6 =	spop (v2sf)  }
0x133: {  	s10 =	smov.u32 s21;
	s21 =	smov.u32 s22;
	v59 =	vmul.f32 v57, v10;
	v49 =	vmul.f32 v52, v13;
	s22 =	spop (v2sf);
	(v2sf) =	vpush v36, $0xF  }
0x134: {  	v47 =	vbroadcast v48, $0xB;
	v55 =	vmul.f32 v50, v19;
	(v2sf) =	vpush v36, $0xA  }
0x135: {  	v61 =	vbroadcast v48, $0x1;
	v62 =	vmul.f32 v2, v21;
	(v2sf) =	vpush v36, $0x1  }
0x136: {  	v6 =	vmovc v63;
	v63 =	vmul.f32 v56, v17;
	v54 =	vmul.f32 v2, v27;
	s1 =	sadd.f32 s1, s4;
	(v2sf) =	vpush v36, $0x0  }
0x137: {  	v0 =	vbroadcast v48, $0x5;
	v50 =	vmul.f32 v50, v12  }
0x138: {  	v1 =	vmul.f32 v53, v7;
	v53 =	vmul.f32 v53, v16;
	s1 =	sadd.f32 s1, s5  }
0x139: {  	v3 =	vmul.f32 v52, v24;
	v5 =	vmul.f32 v56, v26  }
0x13a: {  	v46 =	vmul.f32 v60, v46;
	v58 =	vmul.f32 v47, v18;
	s1 =	sadd.f32 s1, s6  }
0x13b: {  	v57 =	vmul.f32 v57, v11;
	v47 =	vmul.f32 v47, v29;
	v56 =	vadd.f32 v63, v3  }
0x13c: {  	v35 =	vmul.f32 v60, v35;
	v2 =	vadd.f32 v46, v44;
	v46 =	vadd.f32 v58, v50;
	s1 =	sadd.f32 s1, s3  }
0x13d: {  	v4 =	vmul.f32 v60, v4;
	v44 =	vadd.f32 v1, v54;
	(v2sf) =	vpush v36, $0x2  }
0x13e: {  	v52 =	vadd.f32 v47, v55;
	v47 =	vmul.f32 v38, v23;
	(v2sf) =	vpush v36, $0x3;
	s1 =	sadd.f32 s1, s22  }
0x13f: {  	v50 =	vbroadcast v48, $0x6;
	v48 =	vadd.f32 v53, v62;
	(v2sf) =	vpush v36, $0xE  }
0x140: {  	p2 =	sne.s32 s25, $0x6200;
	v53 =	vmul.f32 v0, v15;
	v47 =	vadd.f32 v51, v47;
	(v2sf) =	vpush v36, $0x4;
	s1 =	sadd.f32 s1, s20  }
.Ltmp0:
0x141: {  	v3 =	vmul.f32 v50, v25;
	v51 =	vadd.f32 v5, v49;
	(v2sf) =	vpush v36, $0x5;
	(pc) =	sbr.rel @p2 .LBB2_2-.Ltmp0, $4  }
0x142: {  	v54 =	vmul.f32 v61, v9;
	v35 =	vadd.f32 v2, v35;
	(v2sf) =	vpush v36, $0x6;
	s1 =	sadd.f32 s1, s23;
	s23 =	spop (v2sf)  }
0x143: {  	v55 =	vmul.f32 v41, v8;
	v49 =	vadd.f32 v59, v3;
	(v2sf) =	vpush v36, $0x7;
	s5 =	spop (v2sf)  }
0x144: {  	v59 =	vmul.f32 v61, v31;
	(v2sf) =	vpush v36, $0x9;
	v58 =	vmov s1;
	s20 =	spop (v2sf)  }
0x145: {  	s25 =	sadd.s32 $0x200, s25;
	v63 =	vmovc v6;
	(v2sf) =	vpush v36, $0x8;
	(erf) = vrcp.f32 v58;
	v58 =	vmul.f32 v0, v28;
	s3 =	spop (v2sf)  }
0x146: {  	_ =	sdelay $0x4  }
0x147: {  	s1 =	sadd.f32 s20, s3  }
0x148: {  	s20 =	spop (v2sf)  }
0x149: {  	s1 =	sadd.f32 s1, s20  }
0x14a: {  	(v2sf) =	vpush v36, $0xC;
	s22 =	spop (v2sf)  }
0x14b: {  	(v2sf) =	vpush v36, $0xB;
	s20 =	spop (v2sf);
	s1 =	sadd.f32 s1, s22  }
0x14c: {  	s25 =	spop (v2sf)  }
0x14d: {  	s1 =	sadd.f32 s1, s25  }
0x14e: {  	s4 =	spop (v2sf)  }
0x14f: {  	v1 =	vmul.f32 v41, v33;
	v2 =	vmul.f32 v40, v30;
	(v2sf) =	vpush v36, $0xD;
	s1 =	sadd.f32 s1, s4  }
0x150: {  	[tilespmem:$0x1FFA0] =	vst v30;
	v3 =	vadd.f32 v52, v56;
	v30 =	vmov v20;
	v5 =	vmul.f32 v50, v20;
	v20 =	vpop (erf);
	s6 =	spop (v2sf)  }
0x151: {  	v56 =	vmovc v22;
	v22 =	vmul.f32 v39, v22;
	v50 =	vadd.f32 v54, v55;
	v34 =	vmul.f32 v20, v34;
	s1 =	sadd.f32 s1, s6  }
0x152: {  	v38 =	vmul.f32 v38, v32;
	v54 =	vadd.f32 v46, v51;
	v0 =	vadd.f32 v58, v45;
	s22 =	spop (v2sf)  }
0x153: {  	v45 =	vadd.f32 v53, v43;
	v53 =	vmul.f32 v39, v14;
	v52 =	vshrl.u32 v34, $0x10;
	s4 =	spop (v2sf);
	s1 =	sadd.f32 s1, s22  }
0x154: {  	v1 =	vadd.f32 v59, v1;
	v5 =	vadd.f32 v57, v5;
	v41 =	vand.u32 $0x1, v52;
	s25 =	spop (v2sf)  }
0x155: {  	v2 =	vadd.f32 v2, v22;
	v38 =	vadd.f32 v42, v38;
	v34 =	vadd.s32 v41, v34;
	s1 =	sadd.f32 s1, s25  }
0x156: {  	v55 =	vadd.f32 v47, v50;
	v37 =	vadd.f32 v37, v53;
	v34 =	vadd.s32 $0x7FFF, v34  }
0x157: {  	v0 =	vadd.f32 v49, v0;
	v1 =	vadd.f32 v38, v1;
	v38 =	vand.u32 $0xFFFF0000, v34;
	s1 =	sadd.f32 s1, s4  }
0x158: {  	v2 =	vadd.f32 v2, v48;
	v5 =	vadd.f32 v5, v45;
	v39 =	vbroadcast v38, $0x0  }
0x159: {  	v62 =	vld [tilespmem:$0x1FFC0];
	v0 =	vadd.f32 v0, v55;
	v40 =	vbroadcast v38, $0x3;
	v41 =	vbroadcast v38, $0xF;
	s6 =	spop (v2sf);
	s1 =	sadd.f32 s1, s5  }
0x15a: {  	v57 =	vld.idx.msk [tilespmem:v63+s24+$0x0 ss:$0x1], $0xffff;
	v2 =	vadd.f32 v2, v54;
	v42 =	vbroadcast v38, $0x2;
	v58 =	vbroadcast v38, $0x4;
	s22 =	spop (v2sf)  }
0x15b: {  	v60 =	vmovc v14;
	v14 =	vld [tilespmem:$0x1FFD0];
	v37 =	vadd.f32 v37, v44;
	v59 =	vbroadcast v38, $0xA;
	v44 =	vbroadcast v38, $0x7;
	s1 =	sadd.f32 s1, s22  }
0x15c: {  	v20 =	vld [tilespmem:$0x1FFE0];
	v34 =	vadd.f32 v2, v0;
	v0 =	vbroadcast v38, $0x8;
	v45 =	vbroadcast v38, $0xB  }
0x15d: {  	v49 =	vbroadcast v38, $0xD;
	v61 =	vbroadcast v38, $0xC;
	s1 =	sadd.f32 s1, s6  }
0x15e: {  	v51 =	vbroadcast v38, $0x9;
	v52 =	vbroadcast v38, $0x1;
	s25 =	spop (v2sf)  }
0x15f: {  	v50 =	vbroadcast v38, $0x6;
	v43 =	vmul.f32 v34, v57;
	s1 =	sadd.f32 s1, s25  }
0x160: {  	v35 =	vmul.f32 v34, v35;
	v46 =	vmul.f32 v40, v62  }
0x161: {  	v1 =	vadd.f32 v5, v1;
	v48 =	vmul.f32 v58, v14;
	v2 =	vmul.f32 v58, v20;
	s1 =	sadd.f32 s1, s20  }
0x162: {  	v3 =	vadd.f32 v37, v3;
	v5 =	vmul.f32 v44, v10;
	v37 =	vmul.f32 v0, v13  }
0x163: {  	v6 =	vmovc v13;
	v55 =	vmov v10;
	v10 =	vmul.f32 v59, v19;
	v13 =	vmul.f32 v45, v18;
	s1 =	sadd.f32 s1, s23  }
0x164: {  	v47 =	vmul.f32 v59, v12;
	v58 =	vmul.f32 v61, v27  }
0x165: {  	v59 =	vmul.f32 v49, v7;
	v45 =	vmul.f32 v45, v29;
	v57 =	vmov s1  }
0x166: {  	v1 =	vadd.f32 v3, v1;
	v3 =	vmul.f32 v61, v21;
	(erf) = vrcp.f32 v57  }
0x167: {  	v22 =	vmov v7;
	v49 =	vmul.f32 v49, v16;
	v7 =	vmul.f32 v51, v17  }
0x168: {  	v0 =	vmul.f32 v0, v24;
	v51 =	vmul.f32 v51, v26  }
0x169: {  	v44 =	vmul.f32 v44, v11;
	v1 =	vadd.f32 v43, v1;
	v47 =	vadd.f32 v13, v47  }
0x16a: {  	v43 =	vadd.f32 v59, v58;
	v45 =	vadd.f32 v45, v10;
	v13 =	vbroadcast v38, $0x5  }
0x16b: {  	v61 =	vmovc v16;
	v3 =	vadd.f32 v49, v3;
	v10 =	vmul.f32 v42, v23;
	v16 =	vmul.f32 v50, v25  }
0x16c: {  	v0 =	vadd.f32 v7, v0;
	v7 =	vmul.f32 v39, v33;
	v53 =	vmul.f32 v13, v15  }
0x16d: {  	v37 =	vadd.f32 v51, v37;
	v57 =	vmovc v23;
	v23 =	vmul.f32 v13, v28;
	v13 =	vmul.f32 v50, v30;
	v50 =	vld [tilespmem:$0x1FFA0]  }
0x16e: {  	v39 =	vmul.f32 v39, v8;
	v38 =	vbroadcast v38, $0xE;
	v1 =	vadd.f32 v1, v35  }
0x16f: {  	v42 =	vmul.f32 v42, v32;
	v49 =	vld [tilespmem:$0x1FFB0];
	v46 =	vadd.f32 v46, v10;
	v5 =	vadd.f32 v5, v16;
	v54 =	vpop (erf)  }
0x170: {  	v58 =	vmovc v25;
	v25 =	vmul.f32 v52, v31;
	v2 =	vadd.f32 v53, v2;
	v53 =	vld [tilespmem:$0x1FFF0];
	v35 =	vmul.f32 v54, v36  }
0x171: {  	v0 =	vadd.f32 v45, v0;
	v10 =	vmul.f32 v52, v9;
	v37 =	vadd.f32 v47, v37  }
0x172: {  	v59 =	vmovc v15;
	v48 =	vadd.f32 v23, v48;
	v23 =	vmul.f32 v41, v50;
	v15 =	vshrl.u32 v35, $0x10  }
0x173: {  	v36 =	vadd.f32 v25, v7;
	v25 =	vmul.f32 v38, v56;
	v16 =	vand.u32 $0x1, v15  }
0x174: {  	v41 =	vmul.f32 v49, v41;
	v38 =	vmul.f32 v38, v60;
	v35 =	vadd.s32 v16, v35  }
0x175: {  	v40 =	vmul.f32 v40, v53;
	v45 =	vadd.f32 v23, v25;
	v35 =	vadd.s32 $0x7FFF, v35  }
0x176: {  	v5 =	vadd.f32 v5, v48;
	v38 =	vadd.f32 v41, v38;
	v35 =	vand.u32 $0xFFFF0000, v35  }
0x177: {  	v3 =	vadd.f32 v45, v3;
	v23 =	vbroadcast v35, $0x4;
	v25 =	vbroadcast v35, $0x3  }
0x178: {  	v38 =	vadd.f32 v38, v43;
	v45 =	vbroadcast v35, $0xC;
	v47 =	vbroadcast v35, $0xB  }
0x179: {  	v3 =	vadd.f32 v3, v37;
	v48 =	vbroadcast v35, $0xA;
	v43 =	vbroadcast v35, $0x7  }
0x17a: {  	v0 =	vadd.f32 v38, v0;
	v37 =	vbroadcast v35, $0x1;
	v38 =	vbroadcast v35, $0x6  }
0x17b: {  	v54 =	vmov v9;
	v41 =	vbroadcast v35, $0x0;
	v9 =	vmul.f32 v23, v14  }
0x17c: {  	v51 =	vmov v8;
	v15 =	vmul.f32 v23, v20;
	v8 =	vmul.f32 v25, v62  }
0x17d: {  	v39 =	vadd.f32 v10, v39;
	v10 =	vmul.f32 v25, v53;
	v16 =	vmul.f32 v45, v21  }
0x17e: {  	v44 =	vadd.f32 v44, v13;
	v23 =	vmul.f32 v45, v27;
	v13 =	vmul.f32 v47, v18  }
0x17f: {  	v39 =	vadd.f32 v46, v39;
	v25 =	vmul.f32 v47, v29;
	v53 =	vbroadcast v35, $0xD  }
0x180: {  	v40 =	vadd.f32 v40, v42;
	v14 =	vmul.f32 v48, v19;
	v62 =	vmul.f32 v48, v12  }
0x181: {  	v52 =	vmovc v11;
	v2 =	vadd.f32 v44, v2;
	v27 =	vbroadcast v35, $0x8;
	v29 =	vbroadcast v35, $0x9  }
0x182: {  	v36 =	vadd.f32 v40, v36;
	v47 =	vbroadcast v35, $0x5;
	v40 =	vmul.f32 v43, v52  }
0x183: {  	v5 =	vadd.f32 v5, v39;
	v22 =	vmul.f32 v53, v22;
	v42 =	vmul.f32 v53, v61  }
0x184: {  	v2 =	vadd.f32 v2, v36;
	v44 =	vmul.f32 v27, v6;
	v45 =	vmul.f32 v29, v17  }
0x185: {  	v3 =	vadd.f32 v3, v5;
	v46 =	vmul.f32 v27, v24;
	v48 =	vmul.f32 v29, v26  }
0x186: {  	v0 =	vadd.f32 v0, v2;
	v53 =	vbroadcast v35, $0x2;
	v61 =	vmul.f32 v43, v55  }
0x187: {  	v7 =	vadd.f32 v13, v62;
	v62 =	vmul.f32 v47, v28;
	v12 =	vmul.f32 v47, v59  }
0x188: {  	v14 =	vadd.f32 v25, v14;
	v43 =	vmul.f32 v37, v54;
	v47 =	vmul.f32 v41, v51  }
0x189: {  	v21 =	vadd.f32 v22, v23;
	v11 =	vadd.f32 v42, v16;
	v39 =	vmul.f32 v53, v57  }
0x18a: {  	v42 =	vmul.f32 v38, v58;
	v5 =	vadd.f32 v48, v44;
	v44 =	vmul.f32 v37, v31  }
0x18b: {  	v2 =	vadd.f32 v45, v46;
	v45 =	vbroadcast v35, $0xF;
	v46 =	vbroadcast v35, $0xE  }
0x18c: {  	v9 =	vadd.f32 v62, v9;
	v48 =	vmul.f32 v41, v33;
	v12 =	vadd.f32 v12, v15  }
0x18d: {  	v16 =	vmul.f32 v38, v30;
	v20 =	vadd.f32 v43, v47;
	v8 =	vadd.f32 v8, v39  }
0x18e: {  	v13 =	vmul.f32 v53, v32;
	v18 =	vadd.f32 v61, v42;
	v2 =	vadd.f32 v14, v2  }
0x18f: {  	v50 =	vmul.f32 v45, v50;
	v51 =	vmul.f32 v46, v56;
	v19 =	vadd.f32 v44, v48  }
0x190: {  	v53 =	vld.idx.msk [tilespmem:v63+s10+$0x0 ss:$0x1], $0xffff;
	v52 =	vmul.f32 v49, v45;
	v6 =	vadd.f32 v40, v16;
	v54 =	vmul.f32 v46, v60  }
0x191: {  	v10 =	vadd.f32 v10, v13;
	v5 =	vadd.f32 v7, v5  }
0x192: {  	v14 =	vadd.f32 v50, v51;
	v56 =	vadd.f32 v52, v54  }
0x193: {  	v9 =	vadd.f32 v18, v9;
	v8 =	vadd.f32 v8, v20  }
0x194: {  	v10 =	vadd.f32 v10, v19;
	v55 =	vadd.f32 v14, v11  }
0x195: {  	v58 =	vld.idx.msk [tilespmem:v63+s21+$0x0 ss:$0x1], $0xffff;
	v6 =	vadd.f32 v6, v12;
	v57 =	vmul.f32 v3, v53;
	v8 =	vadd.f32 v9, v8  }
0x196: {  	v59 =	vadd.f32 v56, v21;
	v5 =	vadd.f32 v55, v5  }
0x197: {  	v6 =	vadd.f32 v6, v10;
	v0 =	vadd.f32 v57, v0  }
0x198: {  	v1 =	vmul.f32 v3, v1;
	v2 =	vadd.f32 v59, v2;
	v5 =	vadd.f32 v5, v8  }
0x199: {  	v4 =	vmul.f32 v34, v4  }
0x19a: {  	v0 =	vadd.f32 v0, v1;
	v60 =	vadd.f32 v2, v6;
	v61 =	vmul.f32 v5, v58  }
0x19b: {  	v3 =	vmul.f32 v3, v4  }
.Ltmp1:
0x19c: {  	v0 =	vmul.f32 v5, v0;
	v1 =	vadd.f32 v61, v60;
	(pc) =	sbr.rel @p0 .LBB2_7-.Ltmp1, $4  }
0x19d: {  	v62 =	vmul.f32 v5, v3  }
0x19e: {  	v0 =	vadd.f32 v1, v0  }
0x19f: {  	[tilespmem:$0x4800] =	vst v62  }
0x1a0: {  	[tilespmem:$0x4810] =	vst v0  }
.Ltmp2:
0x1a1: {  	(pc) =	sbr.rel @p1 .LBB2_6-.Ltmp2, $1  }
0x1a2: {  	_ =	sdelay $0x3  }
0x1a3: {  	s1 =	sld [smem:$0x7FC];
	_ =	sdelay $0x2  }
0x1a4: {  	p2 =	seq.s32 s1, $0x1  }
.Ltmp3:
0x1a5: {  	_ = 	snop;
	(pc) =	sbr.rel @p2 .LBB2_12-.Ltmp3, $4  }
.Ltmp4:
0x1a6: {  	_ = 	snop;
	(pc) =	sbr.rel @!p2 .LBB2_13-.Ltmp4, $4  }
0x1a7: {  	_ = 	snop  }
0x1a8: {  	_ = 	snop  }
0x1a9: {  	s5 =	rddreg [dreg:$0xf];
	s4 =	simm.s32 $0x4C80;
	s6 =	simm.s32 $0xCC80  }
0x1aa: {  	_ = 	snop  }
.LBB2_7:
.Ltmp5:
0x1ab: {  	(pc) =	sbr.rel @p4 .LBB2_9-.Ltmp5, $1  }
0x1ac: {  	_ =	sdelay $0x3  }
.Ltmp6:
0x1ad: {  	(pc) =	sbr.rel @p5 .LBB2_12-.Ltmp6, $4  }
.Ltmp7:
0x1ae: {  	(pc) =	sbr.rel @!p5 .LBB2_13-.Ltmp7, $4  }
0x1af: {  	_ = 	snop  }
0x1b0: {  	_ = 	snop  }
0x1b1: {  	s5 =	rddreg [dreg:$0xb];
	s4 =	simm.s32 $0x4C80;
	s6 =	simm.s32 $0xCC80  }
0x1b2: {  	_ = 	snop  }
.LBB2_6:
.Ltmp8:
0x1b3: {  	(pc) =	sbr.rel @p3 .LBB2_12-.Ltmp8, $4  }
.Ltmp9:
0x1b4: {  	(pc) =	sbr.rel @!p3 .LBB2_13-.Ltmp9, $4  }
0x1b5: {  	_ = 	snop  }
0x1b6: {  	_ = 	snop  }
0x1b7: {  	s5 =	rddreg [dreg:$0xc];
	s4 =	simm.s32 $0x4C80;
	s6 =	simm.s32 $0xCC80  }
0x1b8: {  	_ = 	snop  }
.LBB2_9:
.Ltmp10:
0x1b9: {  	(pc) =	sbr.rel @p6 .LBB2_12-.Ltmp10, $2  }
0x1ba: {  	_ =	sdelay $0x2  }
0x1bb: {  	s5 =	rddreg [dreg:$0x12];
	s4 =	simm.s32 $0x4C80;
	s6 =	simm.s32 $0xCC80  }
0x1bc: {  	s1 =	sld [smem:$0x7FD];
	_ =	sdelay $0x2  }
0x1bd: {  	p2 =	seq.s32 s1, $0x1  }
.Ltmp11:
0x1be: {  	_ = 	snop;
	(pc) =	sbr.rel @!p2 .LBB2_13-.Ltmp11, $1  }
0x1bf: {  	_ =	sdelay $0x3  }
0x1c0: {  	s5 =	rddreg [dreg:$0x11]  }
.LBB2_12:
0x1c1: {  	s1 =	simm.s32 $0x4800;
	s25 =	simm.s32 $0x5  }
0x1c2: {  	[spmem:s5] =	stream.linear.scatter [tilespmem:s1], [sflag:$0x5], $0x20, $0x38;
	[tilespmem:$0x14CC0] =	vst v63  }
0x1c3: {  	_ =	swait.ge [sflag:s25], $0x20  }
0x1c4: {  	[sflag:s25] =	ssyncset.done $0x0  }
0x1c5: {  	[sflag:s25] =	ssyncadd.s32 $0xFFFFFFE0  }
.LBB2_13:
0x1c6: {  	[bflag:$0x0] =	sbarrier.arrive $0xFFFF  }
0x1c7: {  	s3 =	simm.s32 $0x4880;
	s24 =	simm.s32 $0x5;
	s1 =	rddreg [dreg:$0x5]  }
0x1c8: {  	[tilespmem:s3], [sflag:$0x5] =	stream.linear.gather [spmem:s1], $0x400, $0x38;
	[tilespmem:$0x14CC0] =	vst v63  }
0x1c9: {  	_ =	swait.ge [sflag:s24], $0x400  }
0x1ca: {  	[sflag:s24] =	ssyncset.done $0x0  }
0x1cb: {  	[sflag:s24] =	ssyncadd.s32 $0xFFFFFC00  }
0x1cc: {  	v12 =	vld [tilespmem:$0x4880]  }
0x1cd: {  	v14 =	vld [tilespmem:$0x4900]  }
0x1ce: {  	v10 =	vld [tilespmem:$0x4980]  }
0x1cf: {  	v8 =	vld [tilespmem:$0x4A00]  }
0x1d0: {  	v6 =	vld [tilespmem:$0x4A80]  }
0x1d1: {  	v3 =	vld [tilespmem:$0x4B00]  }
0x1d2: {  	v2 =	vld [tilespmem:$0x4B80]  }
0x1d3: {  	v1 =	vld [tilespmem:$0x4C00]  }
0x1d4: {  	v16 =	vld [tilespmem:$0x4890]  }
0x1d5: {  	v15 =	vld [tilespmem:$0x4910]  }
0x1d6: {  	v13 =	vld [tilespmem:$0x4990]  }
0x1d7: {  	v11 =	vld [tilespmem:$0x4A10]  }
0x1d8: {  	v9 =	vld [tilespmem:$0x4A90]  }
0x1d9: {  	v7 =	vld [tilespmem:$0x4B10]  }
0x1da: {  	s25 =	simm.s32 $0x1;
	v5 =	vld [tilespmem:$0x4B90]  }
0x1db: {  	v4 =	vld [tilespmem:$0x4C10];
	_ =	swait.ge [sflag:s25], $0x8000  }
0x1dc: {  	[sflag:s25] =	ssyncset.done $0x0  }
0x1dd: {  	s10 =	simm.s32 $0x0;
	[sflag:s25] =	ssyncadd.s32 $0xFFFF8000  }
0x1de: {  	v0 =	vld [tilespmem:s10+$0x4C80]  }
0x1df: {  	v18 =	vld [tilespmem:s10+$0x4CA0]  }
0x1e0: {  	v17 =	vld [tilespmem:s10+$0x4C90]  }
0x1e1: {  	v19 =	vld [tilespmem:s10+$0x4CB0]  }
0x1e2: {  	v20 =	vld [tilespmem:s10+$0x4CC0]  }
0x1e3: {  	v21 =	vld [tilespmem:s10+$0x4CD0];
	v0 =	vmul.f32 v0, v12  }
0x1e4: {  	v22 =	vld [tilespmem:s10+$0x4CE0];
	v18 =	vmul.f32 v18, v10  }
0x1e5: {  	v23 =	vld [tilespmem:s10+$0x4CF0];
	v17 =	vmul.f32 v17, v14;
	v0 =	vadd.f32 v0, v16  }
0x1e6: {  	v24 =	vld [tilespmem:s10+$0x4D00];
	v19 =	vmul.f32 v19, v8;
	v18 =	vadd.f32 v18, v13  }
0x1e7: {  	v20 =	vmul.f32 v20, v6;
	v17 =	vadd.f32 v17, v15;
	[tilespmem:s10+$0x4C80] =	vst v0;
	v0 =	vld [tilespmem:s10+$0x4D10]  }
0x1e8: {  	v21 =	vmul.f32 v21, v3;
	v19 =	vadd.f32 v19, v11;
	[tilespmem:s10+$0x4CA0] =	vst v18;
	v18 =	vld [tilespmem:s10+$0x4D30]  }
0x1e9: {  	v22 =	vmul.f32 v22, v2;
	v20 =	vadd.f32 v20, v9;
	[tilespmem:s10+$0x4C90] =	vst v17;
	v17 =	vld [tilespmem:s10+$0x4D20]  }
0x1ea: {  	v23 =	vmul.f32 v23, v1;
	v21 =	vadd.f32 v21, v7;
	[tilespmem:s10+$0x4CB0] =	vst v19  }
0x1eb: {  	v24 =	vmul.f32 v24, v12;
	v22 =	vadd.f32 v22, v5;
	v19 =	vld [tilespmem:s10+$0x4D40];
	[tilespmem:s10+$0x4CC0] =	vst v20  }
0x1ec: {  	v23 =	vadd.f32 v23, v4;
	[tilespmem:s10+$0x4CD0] =	vst v21;
	v21 =	vld [tilespmem:s10+$0x4D60];
	v0 =	vmul.f32 v0, v14  }
0x1ed: {  	v24 =	vadd.f32 v24, v16;
	v20 =	vld [tilespmem:s10+$0x4D50];
	[tilespmem:s10+$0x4CE0] =	vst v22;
	v18 =	vmul.f32 v18, v8  }
0x1ee: {  	v22 =	vld [tilespmem:s10+$0x4D70];
	[tilespmem:s10+$0x4CF0] =	vst v23;
	v17 =	vmul.f32 v17, v10;
	v0 =	vadd.f32 v0, v15  }
0x1ef: {  	v23 =	vld [tilespmem:s10+$0x4D80];
	[tilespmem:s10+$0x4D00] =	vst v24;
	v18 =	vadd.f32 v18, v11  }
0x1f0: {  	v24 =	vld [tilespmem:s10+$0x4D90];
	v19 =	vmul.f32 v19, v6;
	v17 =	vadd.f32 v17, v13;
	[tilespmem:s10+$0x4D10] =	vst v0  }
0x1f1: {  	v0 =	vld [tilespmem:s10+$0x4DA0];
	[tilespmem:s10+$0x4D30] =	vst v18;
	v18 =	vmul.f32 v21, v2  }
0x1f2: {  	v20 =	vmul.f32 v20, v3;
	v19 =	vadd.f32 v19, v9;
	[tilespmem:s10+$0x4D20] =	vst v17;
	v17 =	vld [tilespmem:s10+$0x4DB0]  }
0x1f3: {  	v25 =	vld [tilespmem:s10+$0x4DC0];
	v21 =	vmul.f32 v22, v1;
	v18 =	vadd.f32 v18, v5  }
0x1f4: {  	v20 =	vadd.f32 v20, v7;
	[tilespmem:s10+$0x4D40] =	vst v19;
	v22 =	vmul.f32 v23, v12  }
0x1f5: {  	v19 =	vld [tilespmem:s10+$0x4DD0];
	v21 =	vadd.f32 v21, v4;
	[tilespmem:s10+$0x4D60] =	vst v18;
	v18 =	vmul.f32 v24, v14  }
0x1f6: {  	[tilespmem:s10+$0x4D50] =	vst v20;
	v20 =	vld [tilespmem:s10+$0x4DE0];
	v22 =	vadd.f32 v22, v16;
	v0 =	vmul.f32 v0, v10  }
0x1f7: {  	v23 =	vld [tilespmem:s10+$0x4DF0];
	[tilespmem:s10+$0x4D70] =	vst v21;
	v17 =	vmul.f32 v17, v8;
	v18 =	vadd.f32 v18, v15  }
0x1f8: {  	v21 =	vld [tilespmem:s10+$0x4E00];
	[tilespmem:s10+$0x4D80] =	vst v22;
	v22 =	vmul.f32 v25, v6;
	v0 =	vadd.f32 v0, v13  }
0x1f9: {  	v26 =	vld [tilespmem:s10+$0x4E10];
	v24 =	vadd.f32 v17, v11;
	[tilespmem:s10+$0x4D90] =	vst v18  }
0x1fa: {  	v22 =	vadd.f32 v22, v9;
	v18 =	vld [tilespmem:s10+$0x4E20];
	[tilespmem:s10+$0x4DA0] =	vst v0;
	v0 =	vmul.f32 v19, v3  }
0x1fb: {  	v17 =	vld [tilespmem:s10+$0x4E30];
	[tilespmem:s10+$0x4DB0] =	vst v24;
	v24 =	vmul.f32 v20, v2  }
0x1fc: {  	[tilespmem:s10+$0x4DC0] =	vst v22;
	v22 =	vmul.f32 v23, v1;
	v19 =	vld [tilespmem:s10+$0x4E40];
	v0 =	vadd.f32 v0, v7  }
0x1fd: {  	v20 =	vld [tilespmem:s10+$0x4E50];
	v25 =	vmul.f32 v21, v12;
	v24 =	vadd.f32 v24, v5  }
0x1fe: {  	s5 =	simm.s32 $0x800;
	v23 =	vmul.f32 v26, v14;
	v21 =	vld [tilespmem:s10+$0x4E60];
	v22 =	vadd.f32 v22, v4;
	[tilespmem:s10+$0x4DD0] =	vst v0  }
.LBB2_14:
0x1ff: {  	s1 =	sshra.s32 s5, $0x2;
	p2 =	sne.s32 s5, $0xF800;
	[tilespmem:s10+$0x4DE0] =	vst v24;
	v0 =	vadd.f32 v25, v16;
	v18 =	vmul.f32 v18, v10;
	v24 =	vld [tilespmem:s10+$0x4E70]  }
0x200: {  	v25 =	vld [tilespmem:s1+$0x4C80];
	[tilespmem:s10+$0x4DF0] =	vst v22;
	v22 =	vadd.f32 v23, v15;
	v17 =	vmul.f32 v17, v8  }
0x201: {  	v23 =	vld [tilespmem:s1+$0x4C90];
	[tilespmem:s10+$0x4E00] =	vst v0;
	v0 =	vadd.f32 v18, v13;
	v18 =	vmul.f32 v19, v6  }
0x202: {  	v19 =	vld [tilespmem:s1+$0x4CA0];
	[tilespmem:s10+$0x4E10] =	vst v22;
	v17 =	vadd.f32 v17, v11;
	v20 =	vmul.f32 v20, v3  }
0x203: {  	v22 =	vld [tilespmem:s1+$0x4CB0];
	[tilespmem:s10+$0x4E20] =	vst v0;
	v0 =	vadd.f32 v18, v9;
	v18 =	vmul.f32 v21, v2  }
0x204: {  	v21 =	vld [tilespmem:s1+$0x4CC0];
	[tilespmem:s10+$0x4E30] =	vst v17;
	v17 =	vadd.f32 v20, v7;
	v20 =	vmul.f32 v24, v1  }
0x205: {  	v24 =	vmul.f32 v25, v12;
	v25 =	vld [tilespmem:s1+$0x4CD0];
	[tilespmem:s10+$0x4E40] =	vst v0;
	v0 =	vadd.f32 v18, v5  }
0x206: {  	v18 =	vmul.f32 v23, v14;
	v23 =	vld [tilespmem:s1+$0x4CE0];
	[tilespmem:s10+$0x4E50] =	vst v17;
	v17 =	vadd.f32 v20, v4  }
0x207: {  	v20 =	vadd.f32 v24, v16;
	v19 =	vmul.f32 v19, v10;
	v24 =	vld [tilespmem:s1+$0x4CF0];
	[tilespmem:s10+$0x4E60] =	vst v0  }
0x208: {  	v0 =	vadd.f32 v18, v15;
	v18 =	vmul.f32 v22, v8;
	v22 =	vld [tilespmem:s1+$0x4D00];
	[tilespmem:s10+$0x4E70] =	vst v17;
	s10 =	smov.u32 s1  }
0x209: {  	[tilespmem:s10+$0x4C80] =	vst v20;
	v17 =	vadd.f32 v19, v13;
	v19 =	vmul.f32 v21, v6;
	v20 =	vld [tilespmem:s10+$0x4D10]  }
0x20a: {  	[tilespmem:s10+$0x4C90] =	vst v0;
	v0 =	vadd.f32 v18, v11;
	v18 =	vmul.f32 v25, v3;
	v21 =	vld [tilespmem:s10+$0x4D20]  }
0x20b: {  	[tilespmem:s10+$0x4CA0] =	vst v17;
	v17 =	vadd.f32 v19, v9;
	v19 =	vmul.f32 v23, v2;
	v23 =	vld [tilespmem:s10+$0x4D30]  }
0x20c: {  	[tilespmem:s10+$0x4CB0] =	vst v0;
	v0 =	vadd.f32 v18, v7;
	v18 =	vmul.f32 v24, v1;
	v24 =	vld [tilespmem:s10+$0x4D40]  }
0x20d: {  	[tilespmem:s10+$0x4CC0] =	vst v17;
	v17 =	vadd.f32 v19, v5;
	v19 =	vmul.f32 v22, v12;
	v22 =	vld [tilespmem:s10+$0x4D50]  }
0x20e: {  	[tilespmem:s10+$0x4CD0] =	vst v0;
	v0 =	vadd.f32 v18, v4;
	v18 =	vmul.f32 v20, v14;
	v20 =	vld [tilespmem:s10+$0x4D60]  }
0x20f: {  	[tilespmem:s10+$0x4CE0] =	vst v17;
	v17 =	vadd.f32 v19, v16;
	v19 =	vmul.f32 v21, v10;
	v21 =	vld [tilespmem:s10+$0x4D70]  }
0x210: {  	[tilespmem:s10+$0x4CF0] =	vst v0;
	v0 =	vadd.f32 v18, v15;
	v18 =	vmul.f32 v23, v8;
	v23 =	vld [tilespmem:s10+$0x4D80]  }
0x211: {  	[tilespmem:s10+$0x4D00] =	vst v17;
	v17 =	vadd.f32 v19, v13;
	v19 =	vmul.f32 v24, v6;
	v24 =	vld [tilespmem:s10+$0x4D90]  }
0x212: {  	[tilespmem:s10+$0x4D10] =	vst v0;
	v0 =	vadd.f32 v18, v11;
	v18 =	vmul.f32 v22, v3;
	v22 =	vld [tilespmem:s10+$0x4DA0]  }
0x213: {  	[tilespmem:s10+$0x4D20] =	vst v17;
	v17 =	vadd.f32 v19, v9;
	v19 =	vmul.f32 v20, v2;
	v20 =	vld [tilespmem:s10+$0x4DB0]  }
0x214: {  	[tilespmem:s10+$0x4D30] =	vst v0;
	v0 =	vadd.f32 v18, v7;
	v18 =	vmul.f32 v21, v1;
	v21 =	vld [tilespmem:s10+$0x4DC0]  }
0x215: {  	[tilespmem:s10+$0x4D40] =	vst v17;
	v17 =	vadd.f32 v19, v5;
	v19 =	vmul.f32 v23, v12;
	v23 =	vld [tilespmem:s10+$0x4DD0]  }
0x216: {  	[tilespmem:s10+$0x4D50] =	vst v0;
	v0 =	vadd.f32 v18, v4;
	v18 =	vmul.f32 v24, v14;
	v24 =	vld [tilespmem:s10+$0x4DE0]  }
0x217: {  	[tilespmem:s10+$0x4D60] =	vst v17;
	v17 =	vadd.f32 v19, v16;
	v19 =	vmul.f32 v22, v10;
	v22 =	vld [tilespmem:s10+$0x4DF0]  }
0x218: {  	[tilespmem:s10+$0x4D70] =	vst v0;
	v0 =	vadd.f32 v18, v15;
	v18 =	vmul.f32 v20, v8;
	v20 =	vld [tilespmem:s10+$0x4E00]  }
0x219: {  	[tilespmem:s10+$0x4D80] =	vst v17;
	v17 =	vadd.f32 v19, v13;
	v19 =	vmul.f32 v21, v6;
	v21 =	vld [tilespmem:s10+$0x4E10]  }
.Ltmp12:
0x21a: {  	[tilespmem:s10+$0x4D90] =	vst v0;
	v0 =	vadd.f32 v18, v11;
	v23 =	vmul.f32 v23, v3;
	v18 =	vld [tilespmem:s10+$0x4E20];
	(pc) =	sbr.rel @p2 .LBB2_14-.Ltmp12, $4  }
0x21b: {  	[tilespmem:s10+$0x4DA0] =	vst v17;
	v25 =	vadd.f32 v19, v9;
	v24 =	vmul.f32 v24, v2;
	v17 =	vld [tilespmem:s10+$0x4E30]  }
0x21c: {  	[tilespmem:s10+$0x4DB0] =	vst v0;
	v0 =	vadd.f32 v23, v7;
	v22 =	vmul.f32 v22, v1;
	v19 =	vld [tilespmem:s10+$0x4E40]  }
0x21d: {  	[tilespmem:s10+$0x4DC0] =	vst v25;
	v24 =	vadd.f32 v24, v5;
	v25 =	vmul.f32 v20, v12;
	v20 =	vld [tilespmem:s10+$0x4E50]  }
0x21e: {  	s5 =	sadd.s32 $0x800, s5;
	[tilespmem:s10+$0x4DD0] =	vst v0;
	v22 =	vadd.f32 v22, v4;
	v23 =	vmul.f32 v21, v14;
	v21 =	vld [tilespmem:s10+$0x4E60]  }
0x21f: {  	[tilespmem:s10+$0x4DE0] =	vst v24;
	v0 =	vadd.f32 v25, v16;
	v18 =	vmul.f32 v18, v10;
	v24 =	vld [tilespmem:s10+$0x4E70]  }
0x220: {  	[tilespmem:s10+$0x4DF0] =	vst v22;
	v22 =	vadd.f32 v23, v15;
	v17 =	vmul.f32 v17, v8  }
0x221: {  	[tilespmem:s10+$0x4E00] =	vst v0;
	v0 =	vadd.f32 v18, v13;
	v18 =	vmul.f32 v19, v6  }
0x222: {  	[tilespmem:s10+$0x4E10] =	vst v22;
	v17 =	vadd.f32 v17, v11;
	v19 =	vmul.f32 v20, v3  }
0x223: {  	[tilespmem:s10+$0x4E20] =	vst v0;
	v0 =	vadd.f32 v18, v9;
	v18 =	vmul.f32 v21, v2  }
0x224: {  	[tilespmem:s10+$0x4E30] =	vst v17;
	v17 =	vadd.f32 v19, v7;
	v19 =	vmul.f32 v24, v1  }
0x225: {  	[tilespmem:s10+$0x4E40] =	vst v0;
	v0 =	vadd.f32 v18, v5  }
0x226: {  	[tilespmem:s10+$0x4E50] =	vst v17;
	v17 =	vadd.f32 v19, v4  }
0x227: {  	[tilespmem:s10+$0x4E60] =	vst v0  }
0x228: {  	s1 =	simm.s32 $0x0;
	s3 =	rddreg [dreg:$0xd];
	[tilespmem:s10+$0x4E70] =	vst v17;
	s10 =	simm.s32 $0x0  }
0x229: {  	[hbm4b:s3+s1] =	stream.linear.scatter [tilespmem:s4], [sflag:$0x4], $0x4000, $0x38;
	[tilespmem:$0x14CC0] =	vst v63  }
0x22a: {  	v0 =	vld [tilespmem:s10+$0x8C80]  }
0x22b: {  	v18 =	vld [tilespmem:s10+$0x8CA0]  }
0x22c: {  	v17 =	vld [tilespmem:s10+$0x8C90]  }
0x22d: {  	v19 =	vld [tilespmem:s10+$0x8CB0]  }
0x22e: {  	v20 =	vld [tilespmem:s10+$0x8CC0]  }
0x22f: {  	v21 =	vld [tilespmem:s10+$0x8CD0];
	v0 =	vmul.f32 v0, v12  }
0x230: {  	v22 =	vld [tilespmem:s10+$0x8CE0];
	v18 =	vmul.f32 v18, v10  }
0x231: {  	v23 =	vld [tilespmem:s10+$0x8CF0];
	v17 =	vmul.f32 v17, v14;
	v0 =	vadd.f32 v0, v16  }
0x232: {  	v24 =	vld [tilespmem:s10+$0x8D00];
	v19 =	vmul.f32 v19, v8;
	v18 =	vadd.f32 v18, v13  }
0x233: {  	v20 =	vmul.f32 v20, v6;
	v17 =	vadd.f32 v17, v15;
	[tilespmem:s10+$0x8C80] =	vst v0;
	v0 =	vld [tilespmem:s10+$0x8D10]  }
0x234: {  	v21 =	vmul.f32 v21, v3;
	v19 =	vadd.f32 v19, v11;
	[tilespmem:s10+$0x8CA0] =	vst v18;
	v18 =	vld [tilespmem:s10+$0x8D30]  }
0x235: {  	v22 =	vmul.f32 v22, v2;
	v20 =	vadd.f32 v20, v9;
	[tilespmem:s10+$0x8C90] =	vst v17;
	v17 =	vld [tilespmem:s10+$0x8D20]  }
0x236: {  	v23 =	vmul.f32 v23, v1;
	v21 =	vadd.f32 v21, v7;
	[tilespmem:s10+$0x8CB0] =	vst v19  }
0x237: {  	v24 =	vmul.f32 v24, v12;
	v22 =	vadd.f32 v22, v5;
	v19 =	vld [tilespmem:s10+$0x8D40];
	[tilespmem:s10+$0x8CC0] =	vst v20  }
0x238: {  	v23 =	vadd.f32 v23, v4;
	[tilespmem:s10+$0x8CD0] =	vst v21;
	v21 =	vld [tilespmem:s10+$0x8D60];
	v0 =	vmul.f32 v0, v14  }
0x239: {  	v24 =	vadd.f32 v24, v16;
	v20 =	vld [tilespmem:s10+$0x8D50];
	[tilespmem:s10+$0x8CE0] =	vst v22;
	v18 =	vmul.f32 v18, v8  }
0x23a: {  	v22 =	vld [tilespmem:s10+$0x8D70];
	[tilespmem:s10+$0x8CF0] =	vst v23;
	v17 =	vmul.f32 v17, v10;
	v0 =	vadd.f32 v0, v15  }
0x23b: {  	v23 =	vld [tilespmem:s10+$0x8D80];
	[tilespmem:s10+$0x8D00] =	vst v24;
	v18 =	vadd.f32 v18, v11  }
0x23c: {  	v24 =	vld [tilespmem:s10+$0x8D90];
	v19 =	vmul.f32 v19, v6;
	v17 =	vadd.f32 v17, v13;
	[tilespmem:s10+$0x8D10] =	vst v0  }
0x23d: {  	v0 =	vld [tilespmem:s10+$0x8DA0];
	[tilespmem:s10+$0x8D30] =	vst v18;
	v18 =	vmul.f32 v21, v2  }
0x23e: {  	v20 =	vmul.f32 v20, v3;
	v19 =	vadd.f32 v19, v9;
	[tilespmem:s10+$0x8D20] =	vst v17;
	v17 =	vld [tilespmem:s10+$0x8DB0]  }
0x23f: {  	v25 =	vld [tilespmem:s10+$0x8DC0];
	v21 =	vmul.f32 v22, v1;
	v18 =	vadd.f32 v18, v5  }
0x240: {  	v20 =	vadd.f32 v20, v7;
	[tilespmem:s10+$0x8D40] =	vst v19;
	v22 =	vmul.f32 v23, v12  }
0x241: {  	v19 =	vld [tilespmem:s10+$0x8DD0];
	v21 =	vadd.f32 v21, v4;
	[tilespmem:s10+$0x8D60] =	vst v18;
	v18 =	vmul.f32 v24, v14  }
0x242: {  	[tilespmem:s10+$0x8D50] =	vst v20;
	v20 =	vld [tilespmem:s10+$0x8DE0];
	v22 =	vadd.f32 v22, v16;
	v0 =	vmul.f32 v0, v10  }
0x243: {  	v23 =	vld [tilespmem:s10+$0x8DF0];
	[tilespmem:s10+$0x8D70] =	vst v21;
	v17 =	vmul.f32 v17, v8;
	v18 =	vadd.f32 v18, v15  }
0x244: {  	v21 =	vld [tilespmem:s10+$0x8E00];
	[tilespmem:s10+$0x8D80] =	vst v22;
	v22 =	vmul.f32 v25, v6;
	v0 =	vadd.f32 v0, v13  }
0x245: {  	v26 =	vld [tilespmem:s10+$0x8E10];
	v24 =	vadd.f32 v17, v11;
	[tilespmem:s10+$0x8D90] =	vst v18  }
0x246: {  	v22 =	vadd.f32 v22, v9;
	v18 =	vld [tilespmem:s10+$0x8E20];
	[tilespmem:s10+$0x8DA0] =	vst v0;
	v0 =	vmul.f32 v19, v3  }
0x247: {  	v17 =	vld [tilespmem:s10+$0x8E30];
	[tilespmem:s10+$0x8DB0] =	vst v24;
	v24 =	vmul.f32 v20, v2  }
0x248: {  	[tilespmem:s10+$0x8DC0] =	vst v22;
	v22 =	vmul.f32 v23, v1;
	v19 =	vld [tilespmem:s10+$0x8E40];
	v0 =	vadd.f32 v0, v7  }
0x249: {  	v20 =	vld [tilespmem:s10+$0x8E50];
	v25 =	vmul.f32 v21, v12;
	v24 =	vadd.f32 v24, v5  }
0x24a: {  	s5 =	simm.s32 $0x800;
	v23 =	vmul.f32 v26, v14;
	v21 =	vld [tilespmem:s10+$0x8E60];
	v22 =	vadd.f32 v22, v4;
	[tilespmem:s10+$0x8DD0] =	vst v0  }
.LBB2_16:
0x24b: {  	s1 =	sshra.s32 s5, $0x2;
	p2 =	sne.s32 s5, $0xF800;
	[tilespmem:s10+$0x8DE0] =	vst v24;
	v0 =	vadd.f32 v25, v16;
	v18 =	vmul.f32 v18, v10;
	v24 =	vld [tilespmem:s10+$0x8E70]  }
0x24c: {  	v25 =	vld [tilespmem:s1+$0x8C80];
	[tilespmem:s10+$0x8DF0] =	vst v22;
	v22 =	vadd.f32 v23, v15;
	v17 =	vmul.f32 v17, v8  }
0x24d: {  	v23 =	vld [tilespmem:s1+$0x8C90];
	[tilespmem:s10+$0x8E00] =	vst v0;
	v0 =	vadd.f32 v18, v13;
	v18 =	vmul.f32 v19, v6  }
0x24e: {  	v19 =	vld [tilespmem:s1+$0x8CA0];
	[tilespmem:s10+$0x8E10] =	vst v22;
	v17 =	vadd.f32 v17, v11;
	v20 =	vmul.f32 v20, v3  }
0x24f: {  	v22 =	vld [tilespmem:s1+$0x8CB0];
	[tilespmem:s10+$0x8E20] =	vst v0;
	v0 =	vadd.f32 v18, v9;
	v18 =	vmul.f32 v21, v2  }
0x250: {  	v21 =	vld [tilespmem:s1+$0x8CC0];
	[tilespmem:s10+$0x8E30] =	vst v17;
	v17 =	vadd.f32 v20, v7;
	v20 =	vmul.f32 v24, v1  }
0x251: {  	v24 =	vmul.f32 v25, v12;
	v25 =	vld [tilespmem:s1+$0x8CD0];
	[tilespmem:s10+$0x8E40] =	vst v0;
	v0 =	vadd.f32 v18, v5  }
0x252: {  	v18 =	vmul.f32 v23, v14;
	v23 =	vld [tilespmem:s1+$0x8CE0];
	[tilespmem:s10+$0x8E50] =	vst v17;
	v17 =	vadd.f32 v20, v4  }
0x253: {  	v20 =	vadd.f32 v24, v16;
	v19 =	vmul.f32 v19, v10;
	v24 =	vld [tilespmem:s1+$0x8CF0];
	[tilespmem:s10+$0x8E60] =	vst v0  }
0x254: {  	v0 =	vadd.f32 v18, v15;
	v18 =	vmul.f32 v22, v8;
	v22 =	vld [tilespmem:s1+$0x8D00];
	[tilespmem:s10+$0x8E70] =	vst v17;
	s10 =	smov.u32 s1  }
0x255: {  	[tilespmem:s10+$0x8C80] =	vst v20;
	v17 =	vadd.f32 v19, v13;
	v19 =	vmul.f32 v21, v6;
	v20 =	vld [tilespmem:s10+$0x8D10]  }
0x256: {  	[tilespmem:s10+$0x8C90] =	vst v0;
	v0 =	vadd.f32 v18, v11;
	v18 =	vmul.f32 v25, v3;
	v21 =	vld [tilespmem:s10+$0x8D20]  }
0x257: {  	[tilespmem:s10+$0x8CA0] =	vst v17;
	v17 =	vadd.f32 v19, v9;
	v19 =	vmul.f32 v23, v2;
	v23 =	vld [tilespmem:s10+$0x8D30]  }
0x258: {  	[tilespmem:s10+$0x8CB0] =	vst v0;
	v0 =	vadd.f32 v18, v7;
	v18 =	vmul.f32 v24, v1;
	v24 =	vld [tilespmem:s10+$0x8D40]  }
0x259: {  	[tilespmem:s10+$0x8CC0] =	vst v17;
	v17 =	vadd.f32 v19, v5;
	v19 =	vmul.f32 v22, v12;
	v22 =	vld [tilespmem:s10+$0x8D50]  }
0x25a: {  	[tilespmem:s10+$0x8CD0] =	vst v0;
	v0 =	vadd.f32 v18, v4;
	v18 =	vmul.f32 v20, v14;
	v20 =	vld [tilespmem:s10+$0x8D60]  }
0x25b: {  	[tilespmem:s10+$0x8CE0] =	vst v17;
	v17 =	vadd.f32 v19, v16;
	v19 =	vmul.f32 v21, v10;
	v21 =	vld [tilespmem:s10+$0x8D70]  }
0x25c: {  	[tilespmem:s10+$0x8CF0] =	vst v0;
	v0 =	vadd.f32 v18, v15;
	v18 =	vmul.f32 v23, v8;
	v23 =	vld [tilespmem:s10+$0x8D80]  }
0x25d: {  	[tilespmem:s10+$0x8D00] =	vst v17;
	v17 =	vadd.f32 v19, v13;
	v19 =	vmul.f32 v24, v6;
	v24 =	vld [tilespmem:s10+$0x8D90]  }
0x25e: {  	[tilespmem:s10+$0x8D10] =	vst v0;
	v0 =	vadd.f32 v18, v11;
	v18 =	vmul.f32 v22, v3;
	v22 =	vld [tilespmem:s10+$0x8DA0]  }
0x25f: {  	[tilespmem:s10+$0x8D20] =	vst v17;
	v17 =	vadd.f32 v19, v9;
	v19 =	vmul.f32 v20, v2;
	v20 =	vld [tilespmem:s10+$0x8DB0]  }
0x260: {  	[tilespmem:s10+$0x8D30] =	vst v0;
	v0 =	vadd.f32 v18, v7;
	v18 =	vmul.f32 v21, v1;
	v21 =	vld [tilespmem:s10+$0x8DC0]  }
0x261: {  	[tilespmem:s10+$0x8D40] =	vst v17;
	v17 =	vadd.f32 v19, v5;
	v19 =	vmul.f32 v23, v12;
	v23 =	vld [tilespmem:s10+$0x8DD0]  }
0x262: {  	[tilespmem:s10+$0x8D50] =	vst v0;
	v0 =	vadd.f32 v18, v4;
	v18 =	vmul.f32 v24, v14;
	v24 =	vld [tilespmem:s10+$0x8DE0]  }
0x263: {  	[tilespmem:s10+$0x8D60] =	vst v17;
	v17 =	vadd.f32 v19, v16;
	v19 =	vmul.f32 v22, v10;
	v22 =	vld [tilespmem:s10+$0x8DF0]  }
0x264: {  	[tilespmem:s10+$0x8D70] =	vst v0;
	v0 =	vadd.f32 v18, v15;
	v18 =	vmul.f32 v20, v8;
	v20 =	vld [tilespmem:s10+$0x8E00]  }
0x265: {  	[tilespmem:s10+$0x8D80] =	vst v17;
	v17 =	vadd.f32 v19, v13;
	v19 =	vmul.f32 v21, v6;
	v21 =	vld [tilespmem:s10+$0x8E10]  }
.Ltmp13:
0x266: {  	[tilespmem:s10+$0x8D90] =	vst v0;
	v0 =	vadd.f32 v18, v11;
	v23 =	vmul.f32 v23, v3;
	v18 =	vld [tilespmem:s10+$0x8E20];
	(pc) =	sbr.rel @p2 .LBB2_16-.Ltmp13, $4  }
0x267: {  	[tilespmem:s10+$0x8DA0] =	vst v17;
	v25 =	vadd.f32 v19, v9;
	v24 =	vmul.f32 v24, v2;
	v17 =	vld [tilespmem:s10+$0x8E30]  }
0x268: {  	[tilespmem:s10+$0x8DB0] =	vst v0;
	v0 =	vadd.f32 v23, v7;
	v22 =	vmul.f32 v22, v1;
	v19 =	vld [tilespmem:s10+$0x8E40]  }
0x269: {  	[tilespmem:s10+$0x8DC0] =	vst v25;
	v24 =	vadd.f32 v24, v5;
	v25 =	vmul.f32 v20, v12;
	v20 =	vld [tilespmem:s10+$0x8E50]  }
0x26a: {  	s5 =	sadd.s32 $0x800, s5;
	[tilespmem:s10+$0x8DD0] =	vst v0;
	v22 =	vadd.f32 v22, v4;
	v23 =	vmul.f32 v21, v14;
	v21 =	vld [tilespmem:s10+$0x8E60]  }
0x26b: {  	[tilespmem:s10+$0x8DE0] =	vst v24;
	v0 =	vadd.f32 v25, v16;
	v18 =	vmul.f32 v18, v10;
	v24 =	vld [tilespmem:s10+$0x8E70]  }
0x26c: {  	[tilespmem:s10+$0x8DF0] =	vst v22;
	v22 =	vadd.f32 v23, v15;
	v17 =	vmul.f32 v17, v8  }
0x26d: {  	[tilespmem:s10+$0x8E00] =	vst v0;
	v0 =	vadd.f32 v18, v13;
	v18 =	vmul.f32 v19, v6  }
0x26e: {  	[tilespmem:s10+$0x8E10] =	vst v22;
	v17 =	vadd.f32 v17, v11;
	v19 =	vmul.f32 v20, v3  }
0x26f: {  	[tilespmem:s10+$0x8E20] =	vst v0;
	v0 =	vadd.f32 v18, v9;
	v18 =	vmul.f32 v21, v2  }
0x270: {  	[tilespmem:s10+$0x8E30] =	vst v17;
	v17 =	vadd.f32 v19, v7;
	v19 =	vmul.f32 v24, v1  }
0x271: {  	[tilespmem:s10+$0x8E40] =	vst v0;
	v0 =	vadd.f32 v18, v5  }
0x272: {  	[tilespmem:s10+$0x8E50] =	vst v17;
	v17 =	vadd.f32 v19, v4  }
0x273: {  	s1 =	simm.s32 $0x0;
	[tilespmem:s10+$0x8E60] =	vst v0  }
0x274: {  	s3 =	rddreg [dreg:$0x13];
	s5 =	simm.s32 $0x8C80;
	s25 =	simm.s32 $0x2;
	[tilespmem:s10+$0x8E70] =	vst v17  }
0x275: {  	[hbm4b:s3+s1] =	stream.linear.scatter [tilespmem:s5], [sflag:$0x4], $0x4000, $0x38;
	[tilespmem:$0x14CC0] =	vst v63  }
0x276: {  	_ =	swait.ge [sflag:s25], $0x8000  }
0x277: {  	[sflag:s25] =	ssyncset.done $0x0  }
0x278: {  	s10 =	simm.s32 $0x0;
	[sflag:s25] =	ssyncadd.s32 $0xFFFF8000  }
0x279: {  	v0 =	vld [tilespmem:s10+$0xCC80]  }
0x27a: {  	v18 =	vld [tilespmem:s10+$0xCCA0]  }
0x27b: {  	v17 =	vld [tilespmem:s10+$0xCC90]  }
0x27c: {  	v19 =	vld [tilespmem:s10+$0xCCB0]  }
0x27d: {  	v20 =	vld [tilespmem:s10+$0xCCC0]  }
0x27e: {  	v21 =	vld [tilespmem:s10+$0xCCD0];
	v0 =	vmul.f32 v0, v12  }
0x27f: {  	v22 =	vld [tilespmem:s10+$0xCCE0];
	v18 =	vmul.f32 v18, v10  }
0x280: {  	v23 =	vld [tilespmem:s10+$0xCCF0];
	v17 =	vmul.f32 v17, v14;
	v0 =	vadd.f32 v0, v16  }
0x281: {  	v24 =	vld [tilespmem:s10+$0xCD00];
	v19 =	vmul.f32 v19, v8;
	v18 =	vadd.f32 v18, v13  }
0x282: {  	v20 =	vmul.f32 v20, v6;
	v17 =	vadd.f32 v17, v15;
	[tilespmem:s10+$0xCC80] =	vst v0;
	v0 =	vld [tilespmem:s10+$0xCD10]  }
0x283: {  	v21 =	vmul.f32 v21, v3;
	v19 =	vadd.f32 v19, v11;
	[tilespmem:s10+$0xCCA0] =	vst v18;
	v18 =	vld [tilespmem:s10+$0xCD30]  }
0x284: {  	v22 =	vmul.f32 v22, v2;
	v20 =	vadd.f32 v20, v9;
	[tilespmem:s10+$0xCC90] =	vst v17;
	v17 =	vld [tilespmem:s10+$0xCD20]  }
0x285: {  	v23 =	vmul.f32 v23, v1;
	v21 =	vadd.f32 v21, v7;
	[tilespmem:s10+$0xCCB0] =	vst v19  }
0x286: {  	v24 =	vmul.f32 v24, v12;
	v22 =	vadd.f32 v22, v5;
	v19 =	vld [tilespmem:s10+$0xCD40];
	[tilespmem:s10+$0xCCC0] =	vst v20  }
0x287: {  	v23 =	vadd.f32 v23, v4;
	[tilespmem:s10+$0xCCD0] =	vst v21;
	v21 =	vld [tilespmem:s10+$0xCD60];
	v0 =	vmul.f32 v0, v14  }
0x288: {  	v24 =	vadd.f32 v24, v16;
	v20 =	vld [tilespmem:s10+$0xCD50];
	[tilespmem:s10+$0xCCE0] =	vst v22;
	v18 =	vmul.f32 v18, v8  }
0x289: {  	v22 =	vld [tilespmem:s10+$0xCD70];
	[tilespmem:s10+$0xCCF0] =	vst v23;
	v17 =	vmul.f32 v17, v10;
	v0 =	vadd.f32 v0, v15  }
0x28a: {  	v23 =	vld [tilespmem:s10+$0xCD80];
	[tilespmem:s10+$0xCD00] =	vst v24;
	v18 =	vadd.f32 v18, v11  }
0x28b: {  	v24 =	vld [tilespmem:s10+$0xCD90];
	v19 =	vmul.f32 v19, v6;
	v17 =	vadd.f32 v17, v13;
	[tilespmem:s10+$0xCD10] =	vst v0  }
0x28c: {  	v0 =	vld [tilespmem:s10+$0xCDA0];
	[tilespmem:s10+$0xCD30] =	vst v18;
	v18 =	vmul.f32 v21, v2  }
0x28d: {  	v20 =	vmul.f32 v20, v3;
	v19 =	vadd.f32 v19, v9;
	[tilespmem:s10+$0xCD20] =	vst v17;
	v17 =	vld [tilespmem:s10+$0xCDB0]  }
0x28e: {  	v25 =	vld [tilespmem:s10+$0xCDC0];
	v21 =	vmul.f32 v22, v1;
	v18 =	vadd.f32 v18, v5  }
0x28f: {  	v20 =	vadd.f32 v20, v7;
	[tilespmem:s10+$0xCD40] =	vst v19;
	v22 =	vmul.f32 v23, v12  }
0x290: {  	v19 =	vld [tilespmem:s10+$0xCDD0];
	v21 =	vadd.f32 v21, v4;
	[tilespmem:s10+$0xCD60] =	vst v18;
	v18 =	vmul.f32 v24, v14  }
0x291: {  	[tilespmem:s10+$0xCD50] =	vst v20;
	v20 =	vld [tilespmem:s10+$0xCDE0];
	v22 =	vadd.f32 v22, v16;
	v0 =	vmul.f32 v0, v10  }
0x292: {  	v23 =	vld [tilespmem:s10+$0xCDF0];
	[tilespmem:s10+$0xCD70] =	vst v21;
	v17 =	vmul.f32 v17, v8;
	v18 =	vadd.f32 v18, v15  }
0x293: {  	v21 =	vld [tilespmem:s10+$0xCE00];
	[tilespmem:s10+$0xCD80] =	vst v22;
	v22 =	vmul.f32 v25, v6;
	v0 =	vadd.f32 v0, v13  }
0x294: {  	v26 =	vld [tilespmem:s10+$0xCE10];
	v24 =	vadd.f32 v17, v11;
	[tilespmem:s10+$0xCD90] =	vst v18  }
0x295: {  	v22 =	vadd.f32 v22, v9;
	v18 =	vld [tilespmem:s10+$0xCE20];
	[tilespmem:s10+$0xCDA0] =	vst v0;
	v0 =	vmul.f32 v19, v3  }
0x296: {  	v17 =	vld [tilespmem:s10+$0xCE30];
	[tilespmem:s10+$0xCDB0] =	vst v24;
	v24 =	vmul.f32 v20, v2  }
0x297: {  	[tilespmem:s10+$0xCDC0] =	vst v22;
	v22 =	vmul.f32 v23, v1;
	v19 =	vld [tilespmem:s10+$0xCE40];
	v0 =	vadd.f32 v0, v7  }
0x298: {  	v20 =	vld [tilespmem:s10+$0xCE50];
	v25 =	vmul.f32 v21, v12;
	v24 =	vadd.f32 v24, v5  }
0x299: {  	s5 =	simm.s32 $0x800;
	v23 =	vmul.f32 v26, v14;
	v21 =	vld [tilespmem:s10+$0xCE60];
	v22 =	vadd.f32 v22, v4;
	[tilespmem:s10+$0xCDD0] =	vst v0  }
.LBB2_18:
0x29a: {  	s1 =	sshra.s32 s5, $0x2;
	p2 =	sne.s32 s5, $0xF800;
	[tilespmem:s10+$0xCDE0] =	vst v24;
	v0 =	vadd.f32 v25, v16;
	v18 =	vmul.f32 v18, v10;
	v24 =	vld [tilespmem:s10+$0xCE70]  }
0x29b: {  	v25 =	vld [tilespmem:s1+$0xCC80];
	[tilespmem:s10+$0xCDF0] =	vst v22;
	v22 =	vadd.f32 v23, v15;
	v17 =	vmul.f32 v17, v8  }
0x29c: {  	v23 =	vld [tilespmem:s1+$0xCC90];
	[tilespmem:s10+$0xCE00] =	vst v0;
	v0 =	vadd.f32 v18, v13;
	v18 =	vmul.f32 v19, v6  }
0x29d: {  	v19 =	vld [tilespmem:s1+$0xCCA0];
	[tilespmem:s10+$0xCE10] =	vst v22;
	v17 =	vadd.f32 v17, v11;
	v20 =	vmul.f32 v20, v3  }
0x29e: {  	v22 =	vld [tilespmem:s1+$0xCCB0];
	[tilespmem:s10+$0xCE20] =	vst v0;
	v0 =	vadd.f32 v18, v9;
	v18 =	vmul.f32 v21, v2  }
0x29f: {  	v21 =	vld [tilespmem:s1+$0xCCC0];
	[tilespmem:s10+$0xCE30] =	vst v17;
	v17 =	vadd.f32 v20, v7;
	v20 =	vmul.f32 v24, v1  }
0x2a0: {  	v24 =	vmul.f32 v25, v12;
	v25 =	vld [tilespmem:s1+$0xCCD0];
	[tilespmem:s10+$0xCE40] =	vst v0;
	v0 =	vadd.f32 v18, v5  }
0x2a1: {  	v18 =	vmul.f32 v23, v14;
	v23 =	vld [tilespmem:s1+$0xCCE0];
	[tilespmem:s10+$0xCE50] =	vst v17;
	v17 =	vadd.f32 v20, v4  }
0x2a2: {  	v20 =	vadd.f32 v24, v16;
	v19 =	vmul.f32 v19, v10;
	v24 =	vld [tilespmem:s1+$0xCCF0];
	[tilespmem:s10+$0xCE60] =	vst v0  }
0x2a3: {  	v0 =	vadd.f32 v18, v15;
	v18 =	vmul.f32 v22, v8;
	v22 =	vld [tilespmem:s1+$0xCD00];
	[tilespmem:s10+$0xCE70] =	vst v17;
	s10 =	smov.u32 s1  }
0x2a4: {  	[tilespmem:s10+$0xCC80] =	vst v20;
	v17 =	vadd.f32 v19, v13;
	v19 =	vmul.f32 v21, v6;
	v20 =	vld [tilespmem:s10+$0xCD10]  }
0x2a5: {  	[tilespmem:s10+$0xCC90] =	vst v0;
	v0 =	vadd.f32 v18, v11;
	v18 =	vmul.f32 v25, v3;
	v21 =	vld [tilespmem:s10+$0xCD20]  }
0x2a6: {  	[tilespmem:s10+$0xCCA0] =	vst v17;
	v17 =	vadd.f32 v19, v9;
	v19 =	vmul.f32 v23, v2;
	v23 =	vld [tilespmem:s10+$0xCD30]  }
0x2a7: {  	[tilespmem:s10+$0xCCB0] =	vst v0;
	v0 =	vadd.f32 v18, v7;
	v18 =	vmul.f32 v24, v1;
	v24 =	vld [tilespmem:s10+$0xCD40]  }
0x2a8: {  	[tilespmem:s10+$0xCCC0] =	vst v17;
	v17 =	vadd.f32 v19, v5;
	v19 =	vmul.f32 v22, v12;
	v22 =	vld [tilespmem:s10+$0xCD50]  }
0x2a9: {  	[tilespmem:s10+$0xCCD0] =	vst v0;
	v0 =	vadd.f32 v18, v4;
	v18 =	vmul.f32 v20, v14;
	v20 =	vld [tilespmem:s10+$0xCD60]  }
0x2aa: {  	[tilespmem:s10+$0xCCE0] =	vst v17;
	v17 =	vadd.f32 v19, v16;
	v19 =	vmul.f32 v21, v10;
	v21 =	vld [tilespmem:s10+$0xCD70]  }
0x2ab: {  	[tilespmem:s10+$0xCCF0] =	vst v0;
	v0 =	vadd.f32 v18, v15;
	v18 =	vmul.f32 v23, v8;
	v23 =	vld [tilespmem:s10+$0xCD80]  }
0x2ac: {  	[tilespmem:s10+$0xCD00] =	vst v17;
	v17 =	vadd.f32 v19, v13;
	v19 =	vmul.f32 v24, v6;
	v24 =	vld [tilespmem:s10+$0xCD90]  }
0x2ad: {  	[tilespmem:s10+$0xCD10] =	vst v0;
	v0 =	vadd.f32 v18, v11;
	v18 =	vmul.f32 v22, v3;
	v22 =	vld [tilespmem:s10+$0xCDA0]  }
0x2ae: {  	[tilespmem:s10+$0xCD20] =	vst v17;
	v17 =	vadd.f32 v19, v9;
	v19 =	vmul.f32 v20, v2;
	v20 =	vld [tilespmem:s10+$0xCDB0]  }
0x2af: {  	[tilespmem:s10+$0xCD30] =	vst v0;
	v0 =	vadd.f32 v18, v7;
	v18 =	vmul.f32 v21, v1;
	v21 =	vld [tilespmem:s10+$0xCDC0]  }
0x2b0: {  	[tilespmem:s10+$0xCD40] =	vst v17;
	v17 =	vadd.f32 v19, v5;
	v19 =	vmul.f32 v23, v12;
	v23 =	vld [tilespmem:s10+$0xCDD0]  }
0x2b1: {  	[tilespmem:s10+$0xCD50] =	vst v0;
	v0 =	vadd.f32 v18, v4;
	v18 =	vmul.f32 v24, v14;
	v24 =	vld [tilespmem:s10+$0xCDE0]  }
0x2b2: {  	[tilespmem:s10+$0xCD60] =	vst v17;
	v17 =	vadd.f32 v19, v16;
	v19 =	vmul.f32 v22, v10;
	v22 =	vld [tilespmem:s10+$0xCDF0]  }
0x2b3: {  	[tilespmem:s10+$0xCD70] =	vst v0;
	v0 =	vadd.f32 v18, v15;
	v18 =	vmul.f32 v20, v8;
	v20 =	vld [tilespmem:s10+$0xCE00]  }
0x2b4: {  	[tilespmem:s10+$0xCD80] =	vst v17;
	v17 =	vadd.f32 v19, v13;
	v19 =	vmul.f32 v21, v6;
	v21 =	vld [tilespmem:s10+$0xCE10]  }
.Ltmp14:
0x2b5: {  	[tilespmem:s10+$0xCD90] =	vst v0;
	v0 =	vadd.f32 v18, v11;
	v23 =	vmul.f32 v23, v3;
	v18 =	vld [tilespmem:s10+$0xCE20];
	(pc) =	sbr.rel @p2 .LBB2_18-.Ltmp14, $4  }
0x2b6: {  	[tilespmem:s10+$0xCDA0] =	vst v17;
	v25 =	vadd.f32 v19, v9;
	v24 =	vmul.f32 v24, v2;
	v17 =	vld [tilespmem:s10+$0xCE30]  }
0x2b7: {  	[tilespmem:s10+$0xCDB0] =	vst v0;
	v0 =	vadd.f32 v23, v7;
	v22 =	vmul.f32 v22, v1;
	v19 =	vld [tilespmem:s10+$0xCE40]  }
0x2b8: {  	[tilespmem:s10+$0xCDC0] =	vst v25;
	v24 =	vadd.f32 v24, v5;
	v25 =	vmul.f32 v20, v12;
	v20 =	vld [tilespmem:s10+$0xCE50]  }
0x2b9: {  	s5 =	sadd.s32 $0x800, s5;
	[tilespmem:s10+$0xCDD0] =	vst v0;
	v22 =	vadd.f32 v22, v4;
	v23 =	vmul.f32 v21, v14;
	v21 =	vld [tilespmem:s10+$0xCE60]  }
0x2ba: {  	[tilespmem:s10+$0xCDE0] =	vst v24;
	v0 =	vadd.f32 v25, v16;
	v18 =	vmul.f32 v18, v10;
	v24 =	vld [tilespmem:s10+$0xCE70]  }
0x2bb: {  	[tilespmem:s10+$0xCDF0] =	vst v22;
	v22 =	vadd.f32 v23, v15;
	v17 =	vmul.f32 v17, v8  }
0x2bc: {  	[tilespmem:s10+$0xCE00] =	vst v0;
	v0 =	vadd.f32 v18, v13;
	v18 =	vmul.f32 v19, v6  }
0x2bd: {  	[tilespmem:s10+$0xCE10] =	vst v22;
	v17 =	vadd.f32 v17, v11;
	v19 =	vmul.f32 v20, v3  }
0x2be: {  	[tilespmem:s10+$0xCE20] =	vst v0;
	v0 =	vadd.f32 v18, v9;
	v18 =	vmul.f32 v21, v2  }
0x2bf: {  	[tilespmem:s10+$0xCE30] =	vst v17;
	v17 =	vadd.f32 v19, v7;
	v19 =	vmul.f32 v24, v1  }
0x2c0: {  	[tilespmem:s10+$0xCE40] =	vst v0;
	v0 =	vadd.f32 v18, v5  }
0x2c1: {  	[tilespmem:s10+$0xCE50] =	vst v17;
	v17 =	vadd.f32 v19, v4  }
0x2c2: {  	[tilespmem:s10+$0xCE60] =	vst v0  }
0x2c3: {  	s1 =	simm.s32 $0x0;
	s3 =	rddreg [dreg:$0xe];
	[tilespmem:s10+$0xCE70] =	vst v17;
	s10 =	simm.s32 $0x0  }
0x2c4: {  	[hbm4b:s3+s1] =	stream.linear.scatter [tilespmem:s6], [sflag:$0x4], $0x4000, $0x38;
	[tilespmem:$0x14CC0] =	vst v63  }
0x2c5: {  	v0 =	vld [tilespmem:s10+$0x10C80]  }
0x2c6: {  	v18 =	vld [tilespmem:s10+$0x10CA0]  }
0x2c7: {  	v17 =	vld [tilespmem:s10+$0x10C90]  }
0x2c8: {  	v19 =	vld [tilespmem:s10+$0x10CB0]  }
0x2c9: {  	v20 =	vld [tilespmem:s10+$0x10CC0]  }
0x2ca: {  	v21 =	vld [tilespmem:s10+$0x10CD0];
	v0 =	vmul.f32 v0, v12  }
0x2cb: {  	v22 =	vld [tilespmem:s10+$0x10CE0];
	v18 =	vmul.f32 v18, v10  }
0x2cc: {  	v23 =	vld [tilespmem:s10+$0x10CF0];
	v17 =	vmul.f32 v17, v14;
	v0 =	vadd.f32 v0, v16  }
0x2cd: {  	v24 =	vld [tilespmem:s10+$0x10D00];
	v19 =	vmul.f32 v19, v8;
	v18 =	vadd.f32 v18, v13  }
0x2ce: {  	v20 =	vmul.f32 v20, v6;
	v17 =	vadd.f32 v17, v15;
	[tilespmem:s10+$0x10C80] =	vst v0;
	v0 =	vld [tilespmem:s10+$0x10D10]  }
0x2cf: {  	v21 =	vmul.f32 v21, v3;
	v19 =	vadd.f32 v19, v11;
	[tilespmem:s10+$0x10CA0] =	vst v18;
	v18 =	vld [tilespmem:s10+$0x10D30]  }
0x2d0: {  	v22 =	vmul.f32 v22, v2;
	v20 =	vadd.f32 v20, v9;
	[tilespmem:s10+$0x10C90] =	vst v17;
	v17 =	vld [tilespmem:s10+$0x10D20]  }
0x2d1: {  	v23 =	vmul.f32 v23, v1;
	v21 =	vadd.f32 v21, v7;
	[tilespmem:s10+$0x10CB0] =	vst v19  }
0x2d2: {  	v24 =	vmul.f32 v24, v12;
	v22 =	vadd.f32 v22, v5;
	v19 =	vld [tilespmem:s10+$0x10D40];
	[tilespmem:s10+$0x10CC0] =	vst v20  }
0x2d3: {  	v23 =	vadd.f32 v23, v4;
	[tilespmem:s10+$0x10CD0] =	vst v21;
	v21 =	vld [tilespmem:s10+$0x10D60];
	v0 =	vmul.f32 v0, v14  }
0x2d4: {  	v24 =	vadd.f32 v24, v16;
	v20 =	vld [tilespmem:s10+$0x10D50];
	[tilespmem:s10+$0x10CE0] =	vst v22;
	v18 =	vmul.f32 v18, v8  }
0x2d5: {  	v22 =	vld [tilespmem:s10+$0x10D70];
	[tilespmem:s10+$0x10CF0] =	vst v23;
	v17 =	vmul.f32 v17, v10;
	v0 =	vadd.f32 v0, v15  }
0x2d6: {  	v23 =	vld [tilespmem:s10+$0x10D80];
	[tilespmem:s10+$0x10D00] =	vst v24;
	v18 =	vadd.f32 v18, v11  }
0x2d7: {  	v24 =	vld [tilespmem:s10+$0x10D90];
	v19 =	vmul.f32 v19, v6;
	v17 =	vadd.f32 v17, v13;
	[tilespmem:s10+$0x10D10] =	vst v0  }
0x2d8: {  	v0 =	vld [tilespmem:s10+$0x10DA0];
	[tilespmem:s10+$0x10D30] =	vst v18;
	v18 =	vmul.f32 v21, v2  }
0x2d9: {  	v20 =	vmul.f32 v20, v3;
	v19 =	vadd.f32 v19, v9;
	[tilespmem:s10+$0x10D20] =	vst v17;
	v17 =	vld [tilespmem:s10+$0x10DB0]  }
0x2da: {  	v25 =	vld [tilespmem:s10+$0x10DC0];
	v21 =	vmul.f32 v22, v1;
	v18 =	vadd.f32 v18, v5  }
0x2db: {  	v20 =	vadd.f32 v20, v7;
	[tilespmem:s10+$0x10D40] =	vst v19;
	v22 =	vmul.f32 v23, v12  }
0x2dc: {  	v19 =	vld [tilespmem:s10+$0x10DD0];
	v21 =	vadd.f32 v21, v4;
	[tilespmem:s10+$0x10D60] =	vst v18;
	v18 =	vmul.f32 v24, v14  }
0x2dd: {  	[tilespmem:s10+$0x10D50] =	vst v20;
	v20 =	vld [tilespmem:s10+$0x10DE0];
	v22 =	vadd.f32 v22, v16;
	v0 =	vmul.f32 v0, v10  }
0x2de: {  	v23 =	vld [tilespmem:s10+$0x10DF0];
	[tilespmem:s10+$0x10D70] =	vst v21;
	v17 =	vmul.f32 v17, v8;
	v18 =	vadd.f32 v18, v15  }
0x2df: {  	v21 =	vld [tilespmem:s10+$0x10E00];
	[tilespmem:s10+$0x10D80] =	vst v22;
	v22 =	vmul.f32 v25, v6;
	v0 =	vadd.f32 v0, v13  }
0x2e0: {  	v26 =	vld [tilespmem:s10+$0x10E10];
	v24 =	vadd.f32 v17, v11;
	[tilespmem:s10+$0x10D90] =	vst v18  }
0x2e1: {  	v22 =	vadd.f32 v22, v9;
	v18 =	vld [tilespmem:s10+$0x10E20];
	[tilespmem:s10+$0x10DA0] =	vst v0;
	v0 =	vmul.f32 v19, v3  }
0x2e2: {  	v17 =	vld [tilespmem:s10+$0x10E30];
	[tilespmem:s10+$0x10DB0] =	vst v24;
	v24 =	vmul.f32 v20, v2  }
0x2e3: {  	[tilespmem:s10+$0x10DC0] =	vst v22;
	v22 =	vmul.f32 v23, v1;
	v19 =	vld [tilespmem:s10+$0x10E40];
	v0 =	vadd.f32 v0, v7  }
0x2e4: {  	v20 =	vld [tilespmem:s10+$0x10E50];
	v25 =	vmul.f32 v21, v12;
	v24 =	vadd.f32 v24, v5  }
0x2e5: {  	s5 =	simm.s32 $0x800;
	v23 =	vmul.f32 v26, v14;
	v21 =	vld [tilespmem:s10+$0x10E60];
	v22 =	vadd.f32 v22, v4;
	[tilespmem:s10+$0x10DD0] =	vst v0  }
.LBB2_20:
0x2e6: {  	s1 =	sshra.s32 s5, $0x2;
	p2 =	sne.s32 s5, $0xF800;
	[tilespmem:s10+$0x10DE0] =	vst v24;
	v0 =	vadd.f32 v25, v16;
	v18 =	vmul.f32 v18, v10;
	v24 =	vld [tilespmem:s10+$0x10E70]  }
0x2e7: {  	v25 =	vld [tilespmem:s1+$0x10C80];
	[tilespmem:s10+$0x10DF0] =	vst v22;
	v22 =	vadd.f32 v23, v15;
	v17 =	vmul.f32 v17, v8  }
0x2e8: {  	v23 =	vld [tilespmem:s1+$0x10C90];
	[tilespmem:s10+$0x10E00] =	vst v0;
	v0 =	vadd.f32 v18, v13;
	v18 =	vmul.f32 v19, v6  }
0x2e9: {  	v19 =	vld [tilespmem:s1+$0x10CA0];
	[tilespmem:s10+$0x10E10] =	vst v22;
	v17 =	vadd.f32 v17, v11;
	v20 =	vmul.f32 v20, v3  }
0x2ea: {  	v22 =	vld [tilespmem:s1+$0x10CB0];
	[tilespmem:s10+$0x10E20] =	vst v0;
	v0 =	vadd.f32 v18, v9;
	v18 =	vmul.f32 v21, v2  }
0x2eb: {  	v21 =	vld [tilespmem:s1+$0x10CC0];
	[tilespmem:s10+$0x10E30] =	vst v17;
	v17 =	vadd.f32 v20, v7;
	v20 =	vmul.f32 v24, v1  }
0x2ec: {  	v24 =	vmul.f32 v25, v12;
	v25 =	vld [tilespmem:s1+$0x10CD0];
	[tilespmem:s10+$0x10E40] =	vst v0;
	v0 =	vadd.f32 v18, v5  }
0x2ed: {  	v18 =	vmul.f32 v23, v14;
	v23 =	vld [tilespmem:s1+$0x10CE0];
	[tilespmem:s10+$0x10E50] =	vst v17;
	v17 =	vadd.f32 v20, v4  }
0x2ee: {  	v20 =	vadd.f32 v24, v16;
	v19 =	vmul.f32 v19, v10;
	v24 =	vld [tilespmem:s1+$0x10CF0];
	[tilespmem:s10+$0x10E60] =	vst v0  }
0x2ef: {  	v0 =	vadd.f32 v18, v15;
	v18 =	vmul.f32 v22, v8;
	v22 =	vld [tilespmem:s1+$0x10D00];
	[tilespmem:s10+$0x10E70] =	vst v17;
	s10 =	smov.u32 s1  }
0x2f0: {  	[tilespmem:s10+$0x10C80] =	vst v20;
	v17 =	vadd.f32 v19, v13;
	v19 =	vmul.f32 v21, v6;
	v20 =	vld [tilespmem:s10+$0x10D10]  }
0x2f1: {  	[tilespmem:s10+$0x10C90] =	vst v0;
	v0 =	vadd.f32 v18, v11;
	v18 =	vmul.f32 v25, v3;
	v21 =	vld [tilespmem:s10+$0x10D20]  }
0x2f2: {  	[tilespmem:s10+$0x10CA0] =	vst v17;
	v17 =	vadd.f32 v19, v9;
	v19 =	vmul.f32 v23, v2;
	v23 =	vld [tilespmem:s10+$0x10D30]  }
0x2f3: {  	[tilespmem:s10+$0x10CB0] =	vst v0;
	v0 =	vadd.f32 v18, v7;
	v18 =	vmul.f32 v24, v1;
	v24 =	vld [tilespmem:s10+$0x10D40]  }
0x2f4: {  	[tilespmem:s10+$0x10CC0] =	vst v17;
	v17 =	vadd.f32 v19, v5;
	v19 =	vmul.f32 v22, v12;
	v22 =	vld [tilespmem:s10+$0x10D50]  }
0x2f5: {  	[tilespmem:s10+$0x10CD0] =	vst v0;
	v0 =	vadd.f32 v18, v4;
	v18 =	vmul.f32 v20, v14;
	v20 =	vld [tilespmem:s10+$0x10D60]  }
0x2f6: {  	[tilespmem:s10+$0x10CE0] =	vst v17;
	v17 =	vadd.f32 v19, v16;
	v19 =	vmul.f32 v21, v10;
	v21 =	vld [tilespmem:s10+$0x10D70]  }
0x2f7: {  	[tilespmem:s10+$0x10CF0] =	vst v0;
	v0 =	vadd.f32 v18, v15;
	v18 =	vmul.f32 v23, v8;
	v23 =	vld [tilespmem:s10+$0x10D80]  }
0x2f8: {  	[tilespmem:s10+$0x10D00] =	vst v17;
	v17 =	vadd.f32 v19, v13;
	v19 =	vmul.f32 v24, v6;
	v24 =	vld [tilespmem:s10+$0x10D90]  }
0x2f9: {  	[tilespmem:s10+$0x10D10] =	vst v0;
	v0 =	vadd.f32 v18, v11;
	v18 =	vmul.f32 v22, v3;
	v22 =	vld [tilespmem:s10+$0x10DA0]  }
0x2fa: {  	[tilespmem:s10+$0x10D20] =	vst v17;
	v17 =	vadd.f32 v19, v9;
	v19 =	vmul.f32 v20, v2;
	v20 =	vld [tilespmem:s10+$0x10DB0]  }
0x2fb: {  	[tilespmem:s10+$0x10D30] =	vst v0;
	v0 =	vadd.f32 v18, v7;
	v18 =	vmul.f32 v21, v1;
	v21 =	vld [tilespmem:s10+$0x10DC0]  }
0x2fc: {  	[tilespmem:s10+$0x10D40] =	vst v17;
	v17 =	vadd.f32 v19, v5;
	v19 =	vmul.f32 v23, v12;
	v23 =	vld [tilespmem:s10+$0x10DD0]  }
0x2fd: {  	[tilespmem:s10+$0x10D50] =	vst v0;
	v0 =	vadd.f32 v18, v4;
	v18 =	vmul.f32 v24, v14;
	v24 =	vld [tilespmem:s10+$0x10DE0]  }
0x2fe: {  	[tilespmem:s10+$0x10D60] =	vst v17;
	v17 =	vadd.f32 v19, v16;
	v19 =	vmul.f32 v22, v10;
	v22 =	vld [tilespmem:s10+$0x10DF0]  }
0x2ff: {  	[tilespmem:s10+$0x10D70] =	vst v0;
	v0 =	vadd.f32 v18, v15;
	v18 =	vmul.f32 v20, v8;
	v20 =	vld [tilespmem:s10+$0x10E00]  }
0x300: {  	[tilespmem:s10+$0x10D80] =	vst v17;
	v17 =	vadd.f32 v19, v13;
	v19 =	vmul.f32 v21, v6;
	v21 =	vld [tilespmem:s10+$0x10E10]  }
.Ltmp15:
0x301: {  	[tilespmem:s10+$0x10D90] =	vst v0;
	v0 =	vadd.f32 v18, v11;
	v23 =	vmul.f32 v23, v3;
	v18 =	vld [tilespmem:s10+$0x10E20];
	(pc) =	sbr.rel @p2 .LBB2_20-.Ltmp15, $4  }
0x302: {  	[tilespmem:s10+$0x10DA0] =	vst v17;
	v25 =	vadd.f32 v19, v9;
	v24 =	vmul.f32 v24, v2;
	v17 =	vld [tilespmem:s10+$0x10E30]  }
0x303: {  	[tilespmem:s10+$0x10DB0] =	vst v0;
	v0 =	vadd.f32 v23, v7;
	v22 =	vmul.f32 v22, v1;
	v19 =	vld [tilespmem:s10+$0x10E40]  }
0x304: {  	[tilespmem:s10+$0x10DC0] =	vst v25;
	v24 =	vadd.f32 v24, v5;
	v25 =	vmul.f32 v20, v12;
	v20 =	vld [tilespmem:s10+$0x10E50]  }
0x305: {  	s5 =	sadd.s32 $0x800, s5;
	[tilespmem:s10+$0x10DD0] =	vst v0;
	v22 =	vadd.f32 v22, v4;
	v23 =	vmul.f32 v21, v14;
	v21 =	vld [tilespmem:s10+$0x10E60]  }
0x306: {  	[tilespmem:s10+$0x10DE0] =	vst v24;
	v0 =	vadd.f32 v25, v16;
	v10 =	vmul.f32 v18, v10;
	v12 =	vld [tilespmem:s10+$0x10E70]  }
0x307: {  	[tilespmem:s10+$0x10DF0] =	vst v22;
	v14 =	vadd.f32 v23, v15;
	v8 =	vmul.f32 v17, v8  }
0x308: {  	[tilespmem:s10+$0x10E00] =	vst v0;
	v60 =	vadd.f32 v10, v13;
	v6 =	vmul.f32 v19, v6  }
0x309: {  	[tilespmem:s10+$0x10E10] =	vst v14;
	v8 =	vadd.f32 v8, v11;
	v3 =	vmul.f32 v20, v3  }
0x30a: {  	[tilespmem:s10+$0x10E20] =	vst v60;
	v61 =	vadd.f32 v6, v9;
	v2 =	vmul.f32 v21, v2  }
0x30b: {  	[tilespmem:s10+$0x10E30] =	vst v8;
	v3 =	vadd.f32 v3, v7;
	v1 =	vmul.f32 v12, v1  }
0x30c: {  	[tilespmem:s10+$0x10E40] =	vst v61;
	v62 =	vadd.f32 v2, v5  }
0x30d: {  	[tilespmem:s10+$0x10E50] =	vst v3;
	v1 =	vadd.f32 v1, v4  }
0x30e: {  	[tilespmem:s10+$0x10E60] =	vst v62  }
0x30f: {  	s1 =	rddreg [dreg:$0x14];
	s3 =	simm.s32 $0x10C80;
	[tilespmem:s10+$0x10E70] =	vst v1;
	s10 =	simm.s32 $0x0  }
0x310: {  	[hbm4b:s1+s10] =	stream.linear.scatter [tilespmem:s3], [sflag:$0x4], $0x4000, $0x38;
	[tilespmem:$0x14CC0] =	vst v63  }
0x311: {  	_ =	swait.ge [sflag:s7], $0x4000  }
0x312: {  	[sflag:s7] =	ssyncset.done $0x0  }
0x313: {  	[sflag:s7] =	ssyncadd.s32 $0xFFFFC000  }
0x314: {  	_ =	swait.ge [sflag:s7], $0x4000  }
0x315: {  	[sflag:s7] =	ssyncset.done $0x0  }
0x316: {  	[sflag:s7] =	ssyncadd.s32 $0xFFFFC000  }
0x317: {  	_ =	swait.ge [sflag:s7], $0x4000  }
0x318: {  	[sflag:s7] =	ssyncset.done $0x0  }
0x319: {  	[sflag:s7] =	ssyncadd.s32 $0xFFFFC000  }
0x31a: {  	_ =	swait.ge [sflag:s7], $0x4000  }
0x31b: {  	s9 =	sadd.s32 $0x1, s9;
	s25 =	rddreg [dreg:$0x10]  }
0x31c: {  	p2 =	sne.s32 s9, s25  }
.Ltmp16:
0x31d: {  	_ = 	snop;
	(pc) =	sbr.rel @p2 .LBB2_1-.Ltmp16, $3  }
0x31e: {  	_ =	sdelay $0x1  }
0x31f: {  	[sflag:s7] =	ssyncset.done $0x0  }
0x320: {  	[sflag:s7] =	ssyncadd.s32 $0xFFFFC000  }
0x321: {  	_ =	sfence.sel $0x180000  }
0x322: {  	[bflag:$0x0] =	sbarrier.arrive $0xFFFF  }
0x323: {  	_ =	strace $0x90000047  }
0x324: {  	s0 =	stileid.u32;
	[bflag:$0x2] =	sbarrier.arrive $0xFFFF  }
0x325: {  	p0 =	sne.s32 s0, $0x0;
	s0 =	rddreg [dreg:$0x6]  }
0x326: {  	s0 =	sadd.s32 @!p0 $0x100000, s0  }
0x327: {  	[sflag:s0] =	ssyncadd.tile.s32 @!p0 $0x1;
	_ =	shalt  }
.Lfunc_end2:
_tile_overlayer_lowered:
.L_overlay_start_2:
0x328: {  	(tag) =	ssettag $0x2  }
0x329: {  	s0 =	rddreg [dreg:$0x0];
	s2 =	stileid.u32  }
0x32a: {  	s1 =	rddreg [dreg:$0x1];
	p0 =	sne.s32 s2, $0x0  }
0x32b: {  	s3 =	rddreg [dreg:$0x2];
	[bflag:$0x3] =	sbarrier.arrive $0xFFFF;
	s2 =	simm.s32 @!p0 $0x1C05  }
0x32c: {  	[timem:s3], [sflag:s2] =	dma.local @!p0 [hbm:s0], s1  }
0x32d: {  	s0 =	simm.s32 @!p0 $0x5  }
0x32e: {  	_ =	swait.ge @!p0 [sflag:s0], s1  }
0x32f: {  	s1 =	ssub.s32 @!p0 $0x0, s1;
	[sflag:s0] =	ssyncset.done @!p0 $0x0  }
0x330: {  	[sflag:s0] =	ssyncadd.s32 @!p0 s1  }
0x331: {  	[bflag:$0x3] =	sbarrier.arrive $0xFFFF  }
0x332: {  	_ =	shalt  }

</sc_bundles>
